<compile_context>
chip_gen: v7x
topology: tpu7x:2x2x1
jax: 0.10.2.dev20260603
libtpu: 0.0.44.dev20260713+nightly
codegen_flags: <defaults>
</compile_context>

<pallas_src>
import functools

import jax
import jax.numpy as jnp
from jax import lax
from jax.experimental import pallas as pl
from jax.experimental.pallas import tpu as pltpu
from jax.experimental.pallas import tpu_sc as plsc

N = 10000
E = 320000
D_IN = 128
D_HID = 16
D_OUT = 128

NC = 2
NS = 16
NW = NC * NS
B = 125
CHP = 80
N_PAD = 10240
RPS = N_PAD // NS
NR = N_PAD // 8
K = 8
G = CHP // K
G_DEG = G

_mesh = functools.partial(
    pl.kernel,
    mesh=plsc.VectorSubcoreMesh(core_axis_name="c", subcore_axis_name="s"),
    compiler_params=pltpu.CompilerParams(use_tc_tiling_on_sc=False),
)


def _worker_id():
    return lax.axis_index("s") * NC + lax.axis_index("c")


@_mesh(
    out_type=jax.ShapeDtypeStruct((NC, N_PAD), jnp.float32),
    scratch_types=[
        pltpu.VMEM((CHP, B), jnp.int32),
        pltpu.VMEM((B,), jnp.float32),
        pltpu.VMEM_SHARED((N_PAD,), jnp.float32),
        pltpu.SemaphoreType.DMA,
        pltpu.SemaphoreType.DMA,
    ],
)
def _sc_degree(ei2, zeros_hbm, ones_hbm, out, dst_v, ones_v, acc, semA, semB):
    c = lax.axis_index("c")
    sid = lax.axis_index("s")
    r0 = sid * RPS
    pltpu.sync_copy(zeros_hbm.at[pl.ds(r0, RPS)], acc.at[pl.ds(r0, RPS)])
    pltpu.sync_copy(ones_hbm, ones_v)
    pltpu.sync_copy(ei2.at[1, pl.ds(_worker_id() * CHP, CHP)], dst_v)
    plsc.subcore_barrier()

    def body(g, carry):
        for par, sem, oth in ((0, semA, semB), (1, semB, semA)):
            @pl.when(lax.rem(g, 2) == par)
            def _():
                for k in range(K):
                    pltpu.async_copy(
                        ones_v, acc.at[dst_v.at[g * K + k]], sem, add=True)

                @pl.when(g >= 1)
                def _():
                    for k in range(K):
                        pltpu.make_async_copy(
                            ones_v, acc.at[dst_v.at[(g - 1) * K + k]], oth,
                        ).wait()
        return carry

    lax.fori_loop(0, G_DEG, body, 0)
    lastsem = semB if (G_DEG - 1) % 2 else semA
    for k in range(K):
        pltpu.make_async_copy(
            ones_v, acc.at[dst_v.at[(G_DEG - 1) * K + k]], lastsem).wait()
    plsc.subcore_barrier()
    pltpu.sync_copy(acc.at[pl.ds(r0, RPS)], out.at[c, pl.ds(r0, RPS)])


@_mesh(
    out_type=jax.ShapeDtypeStruct((NC, N_PAD, D_HID), jnp.float32),
    scratch_types=[
        pltpu.VMEM((CHP, B), jnp.int32),
        pltpu.VMEM((CHP, B), jnp.int32),
        [pltpu.VMEM((B, D_HID), jnp.float32)] * (2 * K),
        pltpu.VMEM_SHARED((N_PAD, D_HID), jnp.float32),
        pltpu.SemaphoreType.DMA,
        pltpu.SemaphoreType.DMA,
        pltpu.SemaphoreType.DMA,
        pltpu.SemaphoreType.DMA,
    ],
)
def _sc_aggregate(ei2, g_hbm, zeros_hbm, out,
                  src_v, dst_v, rows, acc, gsemA, gsemB, ssemA, ssemB):
    c = lax.axis_index("c")
    sid = lax.axis_index("s")
    wid = _worker_id()
    r0 = sid * RPS
    pltpu.sync_copy(zeros_hbm.at[pl.ds(r0, RPS)], acc.at[pl.ds(r0, RPS)])
    pltpu.sync_copy(ei2.at[0, pl.ds(wid * CHP, CHP)], src_v)
    pltpu.sync_copy(ei2.at[1, pl.ds(wid * CHP, CHP)], dst_v)
    plsc.subcore_barrier()

    buf = (rows[:K], rows[K:])
    gsem = (gsemA, gsemB)
    ssem = (ssemA, ssemB)

    for k in range(K):
        pltpu.async_copy(g_hbm.at[src_v.at[k]], buf[0][k], gsem[0])

    def body(g, carry):
        for par in (0, 1):
            oth = 1 - par

            @pl.when(lax.rem(g, 2) == par)
            def _():
                @pl.when(g >= 1)
                def _():
                    for k in range(K):
                        pltpu.make_async_copy(
                            buf[oth][k],
                            acc.at[dst_v.at[(g - 1) * K + k]],
                            ssem[oth],
                        ).wait()

                @pl.when(g + 1 < G)
                def _():
                    for k in range(K):
                        pltpu.async_copy(
                            g_hbm.at[src_v.at[(g + 1) * K + k]],
                            buf[oth][k], gsem[oth])

                for k in range(K):
                    pltpu.make_async_copy(
                        g_hbm.at[src_v.at[g * K + k]],
                        buf[par][k], gsem[par],
                    ).wait()
                for k in range(K):
                    pltpu.async_copy(
                        buf[par][k], acc.at[dst_v.at[g * K + k]],
                        ssem[par], add=True)
        return carry

    lax.fori_loop(0, G, body, 0)
    lastpar = (G - 1) % 2
    for k in range(K):
        pltpu.make_async_copy(
            buf[lastpar][k], acc.at[dst_v.at[(G - 1) * K + k]],
            ssem[lastpar]).wait()
    plsc.subcore_barrier()
    pltpu.sync_copy(acc.at[pl.ds(r0, RPS)], out.at[c, pl.ds(r0, RPS)])


def _tc_h1_body(xp_ref, w1blk_ref, h1_ref):
    h1_ref[...] = jnp.dot(xp_ref[...], w1blk_ref[...],
                          preferred_element_type=jnp.float32)


def _tc_a_body(h1_ref, deg_ref, g1_ref, dinv_ref):
    f32 = jnp.float32
    deg1 = deg_ref[0] + deg_ref[1]
    rr = lax.broadcasted_iota(jnp.int32, (NR, 80), 0) >> 4
    rq = lax.broadcasted_iota(jnp.int32, (NR, 80), 1)
    rrep = (rr == rq).astype(f32)
    u = jnp.dot(rrep, deg1, preferred_element_type=f32)
    pl_ = lax.broadcasted_iota(jnp.int32, (128, 128), 0)
    pk = lax.broadcasted_iota(jnp.int32, (128, 128), 1) >> 4
    rowt = lax.rem(lax.broadcasted_iota(jnp.int32, (NR, 128), 0), 16)
    degp = jnp.zeros((NR, 128), f32)
    for t in range(16):
        pt = (pl_ == 8 * t + pk).astype(f32)
        yt = jnp.dot(u, pt, preferred_element_type=f32)
        degp = jnp.where(rowt == t, yt, degp)
    dinv = lax.rsqrt(1.0 + degp)
    dinv_ref[...] = dinv
    g1_ref[...] = dinv * h1_ref[...]


def _tc_b_body(s1_ref, g1_ref, dinv_ref, b1_ref, g2_ref):
    dinv = dinv_ref[...]
    s = s1_ref[0] + s1_ref[1] + g1_ref[...]
    g2_ref[...] = dinv * jnp.maximum(dinv * s + b1_ref[...], 0.0)


def _tc_c_body(s2_ref, g2_ref, dinv_ref, w2blk_ref, b2_ref, out_ref):
    a = dinv_ref[...] * (s2_ref[0] + s2_ref[1] + g2_ref[...])
    out_ref[...] = (
        jnp.dot(a, w2blk_ref[...], preferred_element_type=jnp.float32)
        + b2_ref[...]
    )


def kernel(x, edge_index, W1, b1, W2, b2):
    f32 = jnp.float32
    ei2 = edge_index.reshape(2, NW * CHP, B)
    zeros = jnp.zeros((N_PAD, D_HID), f32)
    zeros1 = jnp.zeros((N_PAD,), f32)
    ones1 = jnp.ones((B,), f32)
    eye8 = jnp.eye(8, dtype=f32)

    xp = jnp.concatenate(
        [x, jnp.zeros((N_PAD - N, D_IN), f32)]).reshape(NR, 8 * D_IN)
    w1blk = jnp.kron(eye8, W1)
    w2blk = jnp.kron(eye8, W2)
    b1t = jnp.tile(b1, 8).reshape(1, 8 * D_HID)
    b2t = jnp.tile(b2, 8).reshape(1, 8 * D_OUT)

    h1 = pl.pallas_call(
        _tc_h1_body,
        out_shape=jax.ShapeDtypeStruct((NR, 128), f32),
    )(xp, w1blk)

    degacc = _sc_degree(ei2, zeros1, ones1).reshape(NC, 80, 128)

    g1, dinv = pl.pallas_call(
        _tc_a_body,
        out_shape=(
            jax.ShapeDtypeStruct((NR, 128), f32),
            jax.ShapeDtypeStruct((NR, 128), f32),
        ),
    )(h1, degacc)

    s1 = _sc_aggregate(ei2, g1.reshape(N_PAD, D_HID), zeros)

    g2 = pl.pallas_call(
        _tc_b_body,
        out_shape=jax.ShapeDtypeStruct((NR, 128), f32),
    )(s1.reshape(NC, NR, 128), g1, dinv, b1t)

    s2 = _sc_aggregate(ei2, g2.reshape(N_PAD, D_HID), zeros)

    outp = pl.pallas_call(
        _tc_c_body,
        out_shape=jax.ShapeDtypeStruct((NR, 8 * D_OUT), f32),
    )(s2.reshape(NC, NR, 128), g2, dinv, w2blk, b2t)

    return outp.reshape(N_PAD, D_OUT)[:N]

# --- scband reference (transcript-rebuilt; emitter-appended) ---
"""Pipeline reference for scband-gat-75204877353217 (READ-ONLY COPY).

The authoritative reference and input builder live on the scoring server;
editing this copy changes nothing except your own understanding.
"""

import jax, jax.numpy as jnp
import numpy as np

N = 10000
E = 320000
D_IN = 128
D_HID = 16
D_OUT = 128


def gcn_conv(x, edge_index, W, b):
    # GCNConv with add_self_loops=True, normalize=True (symmetric normalization)
    n = x.shape[0]
    loop = jnp.arange(n, dtype=edge_index.dtype)
    src = jnp.concatenate([edge_index[0], loop])
    dst = jnp.concatenate([edge_index[1], loop])
    ones = jnp.ones(src.shape[0], dtype=x.dtype)
    deg = jax.ops.segment_sum(ones, dst, num_segments=n)
    dinv = jnp.where(deg > 0, 1.0 / jnp.sqrt(deg), 0.0)
    norm = dinv[src] * dinv[dst]
    h = x @ W
    msgs = h[src] * norm[:, None]
    out = jax.ops.segment_sum(msgs, dst, num_segments=n)
    return out + b


def setup_inputs(seed: int = 0):
    key = jax.random.key(seed)
    k1, k2, k3, k4, k5, k6 = jax.random.split(key, 6)
    x = jax.random.normal(k1, (N, D_IN), dtype=jnp.float32)
    edge_index = jax.random.randint(k2, (2, E), 0, N, dtype=jnp.int32)
    # glorot-style init for GCNConv linear layers
    W1 = jax.random.normal(k3, (D_IN, D_HID), dtype=jnp.float32) * (1.0 / np.sqrt(D_IN))
    b1 = jnp.zeros((D_HID,), dtype=jnp.float32)
    W2 = jax.random.normal(k4, (D_HID, D_OUT), dtype=jnp.float32) * (1.0 / np.sqrt(D_HID))
    b2 = jnp.zeros((D_OUT,), dtype=jnp.float32)
    return {"x": x, "edge_index": edge_index, "W1": W1, "b1": b1, "W2": W2, "b2": b2}


def reference(x, edge_index, W1, b1, W2, b2):
    # eval mode: F.dropout is identity when training=False
    h = jax.nn.relu(gcn_conv(x, edge_index, W1, b1))
    out = gcn_conv(h, edge_index, W2, b2)
    return out

if __name__ == "__main__":
    import jax
    _d = setup_inputs()
    print(jax.jit(kernel)(*tuple(_d.values())))

</pallas_src>

<mosaic_0001>
#map = affine_map<(d0, d1) -> (0, 0, 0)>
#map1 = affine_map<(d0, d1) -> (0, 0)>
module attributes {stable_mosaic.version = 14 : i64} {
  func.func @_sc_aggregate(%arg0: i32, %arg1: i32, %arg2: memref<2x2560x125xi32, #tpu.memory_space<hbm>>, %arg3: memref<10240x16xf32, #tpu.memory_space<hbm>>, %arg4: memref<10240x16xf32, #tpu.memory_space<hbm>>, %arg5: memref<2x10240x16xf32, #tpu.memory_space<hbm>>, %arg6: memref<80x125xi32, #tpu.memory_space<vmem>>, %arg7: memref<80x125xi32, #tpu.memory_space<vmem>>, %arg8: memref<125x16xf32, #tpu.memory_space<vmem>>, %arg9: memref<125x16xf32, #tpu.memory_space<vmem>>, %arg10: memref<125x16xf32, #tpu.memory_space<vmem>>, %arg11: memref<125x16xf32, #tpu.memory_space<vmem>>, %arg12: memref<125x16xf32, #tpu.memory_space<vmem>>, %arg13: memref<125x16xf32, #tpu.memory_space<vmem>>, %arg14: memref<125x16xf32, #tpu.memory_space<vmem>>, %arg15: memref<125x16xf32, #tpu.memory_space<vmem>>, %arg16: memref<125x16xf32, #tpu.memory_space<vmem>>, %arg17: memref<125x16xf32, #tpu.memory_space<vmem>>, %arg18: memref<125x16xf32, #tpu.memory_space<vmem>>, %arg19: memref<125x16xf32, #tpu.memory_space<vmem>>, %arg20: memref<125x16xf32, #tpu.memory_space<vmem>>, %arg21: memref<125x16xf32, #tpu.memory_space<vmem>>, %arg22: memref<125x16xf32, #tpu.memory_space<vmem>>, %arg23: memref<125x16xf32, #tpu.memory_space<vmem>>, %arg24: memref<10240x16xf32, #tpu.memory_space<vmem_shared>>, %arg25: memref<!tpu.dma_semaphore, #tpu.memory_space<semaphore_mem>>, %arg26: memref<!tpu.dma_semaphore, #tpu.memory_space<semaphore_mem>>, %arg27: memref<!tpu.dma_semaphore, #tpu.memory_space<semaphore_mem>>, %arg28: memref<!tpu.dma_semaphore, #tpu.memory_space<semaphore_mem>>) attributes {dimension_semantics = [#tpu.dimension_semantics<core_parallel>, #tpu.dimension_semantics<subcore_parallel>], iteration_bounds = array<i64: 2, 16>, scalar_prefetch = 0 : i64, scratch_operands = 23 : i64, tpu.core_type = #tpu.core_type<sc_vector_subcore>, window_params = [{transform_indices = #map}, {transform_indices = #map1}, {transform_indices = #map1}, {transform_indices = #map}]} {
    %mul3A = arith.constant 2 : i32
    %mul3A_0 = arith.muli %arg1, %mul3A : i32
    %add3A = arith.addi %mul3A_0, %arg0 : i32
    %mul3A_1 = arith.constant 640 : i32
    %mul3A_2 = arith.muli %arg1, %mul3A_1 : i32
    "tpu.region"() ({
      %run_scoped3A_124 = tpu.sem_alloc : memref<!tpu.dma_semaphore, #tpu.memory_space<semaphore_mem>>
      %dma_start3A_125 = arith.constant 0 : i32
      %dma_start3A_126 = tpu.memref_slice %arg24[%mul3A_2, %dma_start3A_125] : memref<10240x16xf32, #tpu.memory_space<vmem_shared>> -> memref<640x16xf32, #tpu.memory_space<vmem_shared>>
      %dma_start3A_127 = arith.constant 0 : i32
      %dma_start3A_128 = tpu.memref_slice %arg4[%mul3A_2, %dma_start3A_127] : memref<10240x16xf32, #tpu.memory_space<hbm>> -> memref<640x16xf32, #tpu.memory_space<hbm>>
      tpu.enqueue_dma source(%dma_start3A_128 : memref<640x16xf32, #tpu.memory_space<hbm>>) target(%dma_start3A_126 : memref<640x16xf32, #tpu.memory_space<vmem_shared>>) target_semaphore(%run_scoped3A_124 : memref<!tpu.dma_semaphore, #tpu.memory_space<semaphore_mem>>)
      %dma_wait3A_129 = arith.constant 0 : i32
      %dma_wait3A_130 = tpu.memref_slice %arg24[%mul3A_2, %dma_wait3A_129] : memref<10240x16xf32, #tpu.memory_space<vmem_shared>> -> memref<640x16xf32, #tpu.memory_space<vmem_shared>>
      %dma_wait3A_131 = arith.constant 0 : i32
      %dma_wait3A_132 = tpu.memref_slice %arg4[%mul3A_2, %dma_wait3A_131] : memref<10240x16xf32, #tpu.memory_space<hbm>> -> memref<640x16xf32, #tpu.memory_space<hbm>>
      tpu.wait_dma2 semaphore(%run_scoped3A_124 : memref<!tpu.dma_semaphore, #tpu.memory_space<semaphore_mem>>) src(%dma_wait3A_132 : memref<640x16xf32, #tpu.memory_space<hbm>>) dst(%dma_wait3A_130 : memref<640x16xf32, #tpu.memory_space<vmem_shared>>)
      tpu.yield
    }) : () -> ()
    %mul3A_3 = arith.constant 80 : i32
    %mul3A_4 = arith.muli %add3A, %mul3A_3 : i32
    %run_scoped3A = arith.constant 0 : i32
    "tpu.region"() ({
      %run_scoped3A_124 = tpu.sem_alloc : memref<!tpu.dma_semaphore, #tpu.memory_space<semaphore_mem>>
      %dma_start3A_125 = arith.constant 0 : i32
      %dma_start3A_126 = tpu.memref_slice %arg2[%run_scoped3A, %mul3A_4, %dma_start3A_125] : memref<2x2560x125xi32, #tpu.memory_space<hbm>> -> memref<1x80x125xi32, #tpu.memory_space<hbm>>
      %dma_start3A_127 = tpu.memref_squeeze %dma_start3A_126 : memref<1x80x125xi32, #tpu.memory_space<hbm>> -> memref<80x125xi32, #tpu.memory_space<hbm>>
      %dma_start3A_128 = arith.constant 0 : i32
      %dma_start3A_129 = tpu.memref_slice %arg2[%run_scoped3A, %mul3A_4, %dma_start3A_128] : memref<2x2560x125xi32, #tpu.memory_space<hbm>> -> memref<1x80x125xi32, #tpu.memory_space<hbm>>
      %dma_start3A_130 = tpu.memref_squeeze %dma_start3A_129 : memref<1x80x125xi32, #tpu.memory_space<hbm>> -> memref<80x125xi32, #tpu.memory_space<hbm>>
      tpu.enqueue_dma source(%dma_start3A_130 : memref<80x125xi32, #tpu.memory_space<hbm>>) target(%arg6 : memref<80x125xi32, #tpu.memory_space<vmem>>) target_semaphore(%run_scoped3A_124 : memref<!tpu.dma_semaphore, #tpu.memory_space<semaphore_mem>>)
      %dma_wait3A_131 = arith.constant 0 : i32
      %dma_wait3A_132 = tpu.memref_slice %arg2[%run_scoped3A, %mul3A_4, %dma_wait3A_131] : memref<2x2560x125xi32, #tpu.memory_space<hbm>> -> memref<1x80x125xi32, #tpu.memory_space<hbm>>
      %dma_wait3A_133 = tpu.memref_squeeze %dma_wait3A_132 : memref<1x80x125xi32, #tpu.memory_space<hbm>> -> memref<80x125xi32, #tpu.memory_space<hbm>>
      %dma_wait3A_134 = arith.constant 0 : i32
      %dma_wait3A_135 = tpu.memref_slice %arg2[%run_scoped3A, %mul3A_4, %dma_wait3A_134] : memref<2x2560x125xi32, #tpu.memory_space<hbm>> -> memref<1x80x125xi32, #tpu.memory_space<hbm>>
      %dma_wait3A_136 = tpu.memref_squeeze %dma_wait3A_135 : memref<1x80x125xi32, #tpu.memory_space<hbm>> -> memref<80x125xi32, #tpu.memory_space<hbm>>
      tpu.wait_dma2 semaphore(%run_scoped3A_124 : memref<!tpu.dma_semaphore, #tpu.memory_space<semaphore_mem>>) src(%dma_wait3A_136 : memref<80x125xi32, #tpu.memory_space<hbm>>) dst(%arg6 : memref<80x125xi32, #tpu.memory_space<vmem>>)
      tpu.yield
    }) : () -> ()
    %mul3A_5 = arith.constant 80 : i32
    %mul3A_6 = arith.muli %add3A, %mul3A_5 : i32
    %run_scoped3A_7 = arith.constant 1 : i32
    "tpu.region"() ({
      %run_scoped3A_124 = tpu.sem_alloc : memref<!tpu.dma_semaphore, #tpu.memory_space<semaphore_mem>>
      %dma_start3A_125 = arith.constant 0 : i32
      %dma_start3A_126 = tpu.memref_slice %arg2[%run_scoped3A_7, %mul3A_6, %dma_start3A_125] : memref<2x2560x125xi32, #tpu.memory_space<hbm>> -> memref<1x80x125xi32, #tpu.memory_space<hbm>>
      %dma_start3A_127 = tpu.memref_squeeze %dma_start3A_126 : memref<1x80x125xi32, #tpu.memory_space<hbm>> -> memref<80x125xi32, #tpu.memory_space<hbm>>
      %dma_start3A_128 = arith.constant 0 : i32
      %dma_start3A_129 = tpu.memref_slice %arg2[%run_scoped3A_7, %mul3A_6, %dma_start3A_128] : memref<2x2560x125xi32, #tpu.memory_space<hbm>> -> memref<1x80x125xi32, #tpu.memory_space<hbm>>
      %dma_start3A_130 = tpu.memref_squeeze %dma_start3A_129 : memref<1x80x125xi32, #tpu.memory_space<hbm>> -> memref<80x125xi32, #tpu.memory_space<hbm>>
      tpu.enqueue_dma source(%dma_start3A_130 : memref<80x125xi32, #tpu.memory_space<hbm>>) target(%arg7 : memref<80x125xi32, #tpu.memory_space<vmem>>) target_semaphore(%run_scoped3A_124 : memref<!tpu.dma_semaphore, #tpu.memory_space<semaphore_mem>>)
      %dma_wait3A_131 = arith.constant 0 : i32
      %dma_wait3A_132 = tpu.memref_slice %arg2[%run_scoped3A_7, %mul3A_6, %dma_wait3A_131] : memref<2x2560x125xi32, #tpu.memory_space<hbm>> -> memref<1x80x125xi32, #tpu.memory_space<hbm>>
      %dma_wait3A_133 = tpu.memref_squeeze %dma_wait3A_132 : memref<1x80x125xi32, #tpu.memory_space<hbm>> -> memref<80x125xi32, #tpu.memory_space<hbm>>
      %dma_wait3A_134 = arith.constant 0 : i32
      %dma_wait3A_135 = tpu.memref_slice %arg2[%run_scoped3A_7, %mul3A_6, %dma_wait3A_134] : memref<2x2560x125xi32, #tpu.memory_space<hbm>> -> memref<1x80x125xi32, #tpu.memory_space<hbm>>
      %dma_wait3A_136 = tpu.memref_squeeze %dma_wait3A_135 : memref<1x80x125xi32, #tpu.memory_space<hbm>> -> memref<80x125xi32, #tpu.memory_space<hbm>>
      tpu.wait_dma2 semaphore(%run_scoped3A_124 : memref<!tpu.dma_semaphore, #tpu.memory_space<semaphore_mem>>) src(%dma_wait3A_136 : memref<80x125xi32, #tpu.memory_space<hbm>>) dst(%arg7 : memref<80x125xi32, #tpu.memory_space<vmem>>)
      tpu.yield
    }) : () -> ()
    %barrier3A = arith.constant 0 : index
    tpu.barrier barrier_id(%barrier3A)
    %dma_start3A = arith.constant 0 : i32
    %dma_start3A_8 = arith.constant 0 : i32
    %dma_start3A_9 = tpu.memref_slice %arg6[%dma_start3A, %dma_start3A_8] : memref<80x125xi32, #tpu.memory_space<vmem>> -> memref<1x125xi32, #tpu.memory_space<vmem>>
    %dma_start3A_10 = tpu.memref_squeeze %dma_start3A_9 : memref<1x125xi32, #tpu.memory_space<vmem>> -> memref<125xi32, #tpu.memory_space<vmem>>
    %dma_start3A_11 = arith.constant 0 : i32
    %dma_start3A_12 = arith.constant 0 : i32
    %dma_start3A_13 = tpu.memref_slice %arg3[%dma_start3A_11, %dma_start3A_12] : memref<10240x16xf32, #tpu.memory_space<hbm>> -> memref<10240x16xf32, #tpu.memory_space<hbm>>
    tpu.enqueue_indirect_dma source(%dma_start3A_13 : memref<10240x16xf32, #tpu.memory_space<hbm>>) target(%arg8 : memref<125x16xf32, #tpu.memory_space<vmem>>) offsets(%dma_start3A_10 : memref<125xi32, #tpu.memory_space<vmem>>) semaphore(%arg25 : memref<!tpu.dma_semaphore, #tpu.memory_space<semaphore_mem>>)
    %dma_start3A_14 = arith.constant 1 : i32
    %dma_start3A_15 = arith.constant 0 : i32
    %dma_start3A_16 = tpu.memref_slice %arg6[%dma_start3A_14, %dma_start3A_15] : memref<80x125xi32, #tpu.memory_space<vmem>> -> memref<1x125xi32, #tpu.memory_space<vmem>>
    %dma_start3A_17 = tpu.memref_squeeze %dma_start3A_16 : memref<1x125xi32, #tpu.memory_space<vmem>> -> memref<125xi32, #tpu.memory_space<vmem>>
    %dma_start3A_18 = arith.constant 0 : i32
    %dma_start3A_19 = arith.constant 0 : i32
    %dma_start3A_20 = tpu.memref_slice %arg3[%dma_start3A_18, %dma_start3A_19] : memref<10240x16xf32, #tpu.memory_space<hbm>> -> memref<10240x16xf32, #tpu.memory_space<hbm>>
    tpu.enqueue_indirect_dma source(%dma_start3A_20 : memref<10240x16xf32, #tpu.memory_space<hbm>>) target(%arg9 : memref<125x16xf32, #tpu.memory_space<vmem>>) offsets(%dma_start3A_17 : memref<125xi32, #tpu.memory_space<vmem>>) semaphore(%arg25 : memref<!tpu.dma_semaphore, #tpu.memory_space<semaphore_mem>>)
    %dma_start3A_21 = arith.constant 2 : i32
    %dma_start3A_22 = arith.constant 0 : i32
    %dma_start3A_23 = tpu.memref_slice %arg6[%dma_start3A_21, %dma_start3A_22] : memref<80x125xi32, #tpu.memory_space<vmem>> -> memref<1x125xi32, #tpu.memory_space<vmem>>
    %dma_start3A_24 = tpu.memref_squeeze %dma_start3A_23 : memref<1x125xi32, #tpu.memory_space<vmem>> -> memref<125xi32, #tpu.memory_space<vmem>>
    %dma_start3A_25 = arith.constant 0 : i32
    %dma_start3A_26 = arith.constant 0 : i32
    %dma_start3A_27 = tpu.memref_slice %arg3[%dma_start3A_25, %dma_start3A_26] : memref<10240x16xf32, #tpu.memory_space<hbm>> -> memref<10240x16xf32, #tpu.memory_space<hbm>>
    tpu.enqueue_indirect_dma source(%dma_start3A_27 : memref<10240x16xf32, #tpu.memory_space<hbm>>) target(%arg10 : memref<125x16xf32, #tpu.memory_space<vmem>>) offsets(%dma_start3A_24 : memref<125xi32, #tpu.memory_space<vmem>>) semaphore(%arg25 : memref<!tpu.dma_semaphore, #tpu.memory_space<semaphore_mem>>)
    %dma_start3A_28 = arith.constant 3 : i32
    %dma_start3A_29 = arith.constant 0 : i32
    %dma_start3A_30 = tpu.memref_slice %arg6[%dma_start3A_28, %dma_start3A_29] : memref<80x125xi32, #tpu.memory_space<vmem>> -> memref<1x125xi32, #tpu.memory_space<vmem>>
    %dma_start3A_31 = tpu.memref_squeeze %dma_start3A_30 : memref<1x125xi32, #tpu.memory_space<vmem>> -> memref<125xi32, #tpu.memory_space<vmem>>
    %dma_start3A_32 = arith.constant 0 : i32
    %dma_start3A_33 = arith.constant 0 : i32
    %dma_start3A_34 = tpu.memref_slice %arg3[%dma_start3A_32, %dma_start3A_33] : memref<10240x16xf32, #tpu.memory_space<hbm>> -> memref<10240x16xf32, #tpu.memory_space<hbm>>
    tpu.enqueue_indirect_dma source(%dma_start3A_34 : memref<10240x16xf32, #tpu.memory_space<hbm>>) target(%arg11 : memref<125x16xf32, #tpu.memory_space<vmem>>) offsets(%dma_start3A_31 : memref<125xi32, #tpu.memory_space<vmem>>) semaphore(%arg25 : memref<!tpu.dma_semaphore, #tpu.memory_space<semaphore_mem>>)
    %dma_start3A_35 = arith.constant 4 : i32
    %dma_start3A_36 = arith.constant 0 : i32
    %dma_start3A_37 = tpu.memref_slice %arg6[%dma_start3A_35, %dma_start3A_36] : memref<80x125xi32, #tpu.memory_space<vmem>> -> memref<1x125xi32, #tpu.memory_space<vmem>>
    %dma_start3A_38 = tpu.memref_squeeze %dma_start3A_37 : memref<1x125xi32, #tpu.memory_space<vmem>> -> memref<125xi32, #tpu.memory_space<vmem>>
    %dma_start3A_39 = arith.constant 0 : i32
    %dma_start3A_40 = arith.constant 0 : i32
    %dma_start3A_41 = tpu.memref_slice %arg3[%dma_start3A_39, %dma_start3A_40] : memref<10240x16xf32, #tpu.memory_space<hbm>> -> memref<10240x16xf32, #tpu.memory_space<hbm>>
    tpu.enqueue_indirect_dma source(%dma_start3A_41 : memref<10240x16xf32, #tpu.memory_space<hbm>>) target(%arg12 : memref<125x16xf32, #tpu.memory_space<vmem>>) offsets(%dma_start3A_38 : memref<125xi32, #tpu.memory_space<vmem>>) semaphore(%arg25 : memref<!tpu.dma_semaphore, #tpu.memory_space<semaphore_mem>>)
    %dma_start3A_42 = arith.constant 5 : i32
    %dma_start3A_43 = arith.constant 0 : i32
    %dma_start3A_44 = tpu.memref_slice %arg6[%dma_start3A_42, %dma_start3A_43] : memref<80x125xi32, #tpu.memory_space<vmem>> -> memref<1x125xi32, #tpu.memory_space<vmem>>
    %dma_start3A_45 = tpu.memref_squeeze %dma_start3A_44 : memref<1x125xi32, #tpu.memory_space<vmem>> -> memref<125xi32, #tpu.memory_space<vmem>>
    %dma_start3A_46 = arith.constant 0 : i32
    %dma_start3A_47 = arith.constant 0 : i32
    %dma_start3A_48 = tpu.memref_slice %arg3[%dma_start3A_46, %dma_start3A_47] : memref<10240x16xf32, #tpu.memory_space<hbm>> -> memref<10240x16xf32, #tpu.memory_space<hbm>>
    tpu.enqueue_indirect_dma source(%dma_start3A_48 : memref<10240x16xf32, #tpu.memory_space<hbm>>) target(%arg13 : memref<125x16xf32, #tpu.memory_space<vmem>>) offsets(%dma_start3A_45 : memref<125xi32, #tpu.memory_space<vmem>>) semaphore(%arg25 : memref<!tpu.dma_semaphore, #tpu.memory_space<semaphore_mem>>)
    %dma_start3A_49 = arith.constant 6 : i32
    %dma_start3A_50 = arith.constant 0 : i32
    %dma_start3A_51 = tpu.memref_slice %arg6[%dma_start3A_49, %dma_start3A_50] : memref<80x125xi32, #tpu.memory_space<vmem>> -> memref<1x125xi32, #tpu.memory_space<vmem>>
    %dma_start3A_52 = tpu.memref_squeeze %dma_start3A_51 : memref<1x125xi32, #tpu.memory_space<vmem>> -> memref<125xi32, #tpu.memory_space<vmem>>
    %dma_start3A_53 = arith.constant 0 : i32
    %dma_start3A_54 = arith.constant 0 : i32
    %dma_start3A_55 = tpu.memref_slice %arg3[%dma_start3A_53, %dma_start3A_54] : memref<10240x16xf32, #tpu.memory_space<hbm>> -> memref<10240x16xf32, #tpu.memory_space<hbm>>
    tpu.enqueue_indirect_dma source(%dma_start3A_55 : memref<10240x16xf32, #tpu.memory_space<hbm>>) target(%arg14 : memref<125x16xf32, #tpu.memory_space<vmem>>) offsets(%dma_start3A_52 : memref<125xi32, #tpu.memory_space<vmem>>) semaphore(%arg25 : memref<!tpu.dma_semaphore, #tpu.memory_space<semaphore_mem>>)
    %dma_start3A_56 = arith.constant 7 : i32
    %dma_start3A_57 = arith.constant 0 : i32
    %dma_start3A_58 = tpu.memref_slice %arg6[%dma_start3A_56, %dma_start3A_57] : memref<80x125xi32, #tpu.memory_space<vmem>> -> memref<1x125xi32, #tpu.memory_space<vmem>>
    %dma_start3A_59 = tpu.memref_squeeze %dma_start3A_58 : memref<1x125xi32, #tpu.memory_space<vmem>> -> memref<125xi32, #tpu.memory_space<vmem>>
    %dma_start3A_60 = arith.constant 0 : i32
    %dma_start3A_61 = arith.constant 0 : i32
    %dma_start3A_62 = tpu.memref_slice %arg3[%dma_start3A_60, %dma_start3A_61] : memref<10240x16xf32, #tpu.memory_space<hbm>> -> memref<10240x16xf32, #tpu.memory_space<hbm>>
    tpu.enqueue_indirect_dma source(%dma_start3A_62 : memref<10240x16xf32, #tpu.memory_space<hbm>>) target(%arg15 : memref<125x16xf32, #tpu.memory_space<vmem>>) offsets(%dma_start3A_59 : memref<125xi32, #tpu.memory_space<vmem>>) semaphore(%arg25 : memref<!tpu.dma_semaphore, #tpu.memory_space<semaphore_mem>>)
    %scan3A = arith.constant 0 : i32
    %scan3A_63 = arith.constant 0 : i32
    %scan3A_64 = arith.constant 10 : i32
    %scan3A_65 = arith.addi %scan3A_63, %scan3A_64 : i32
    %scan3A_66 = arith.constant 1 : i32
    scf.for %scan3A_124 = %scan3A_63 to %scan3A_65 step %scan3A_66  : i32 {
      %rem3A = arith.constant 2 : i32
      %rem3A_125 = arith.remsi %scan3A_124, %rem3A : i32
      %eq3A = arith.constant 0 : i32
      %eq3A_126 = arith.cmpi eq, %rem3A_125, %eq3A : i32
      %convert_element_type3A = arith.extui %eq3A_126 : i1 to i32
      %cond3A = arith.constant 0 : i32
      %cond3A_127 = arith.cmpi ne, %convert_element_type3A, %cond3A : i32
      scf.if %cond3A_127 {
        %ge3A = arith.constant 1 : i32
        %ge3A_135 = arith.cmpi sge, %scan3A_124, %ge3A : i32
        %convert_element_type3A_136 = arith.extui %ge3A_135 : i1 to i32
        %cond3A_137 = arith.constant 0 : i32
        %cond3A_138 = arith.cmpi ne, %convert_element_type3A_136, %cond3A_137 : i32
        scf.if %cond3A_138 {
          %sub3A = arith.constant 1 : i32
          %sub3A_305 = arith.subi %scan3A_124, %sub3A : i32
          %mul3A_306 = arith.constant 8 : i32
          %mul3A_307 = arith.muli %sub3A_305, %mul3A_306 : i32
          %add3A_308 = arith.constant 0 : i32
          %add3A_309 = arith.addi %mul3A_307, %add3A_308 : i32
          %dma_wait3A_310 = arith.constant 0 : i32
          %dma_wait3A_311 = tpu.memref_slice %arg7[%add3A_309, %dma_wait3A_310] : memref<80x125xi32, #tpu.memory_space<vmem>> -> memref<1x125xi32, #tpu.memory_space<vmem>>
          %dma_wait3A_312 = tpu.memref_squeeze %dma_wait3A_311 : memref<1x125xi32, #tpu.memory_space<vmem>> -> memref<125xi32, #tpu.memory_space<vmem>>
          %dma_wait3A_313 = arith.constant 0 : i32
          %dma_wait3A_314 = arith.constant 0 : i32
          %dma_wait3A_315 = tpu.memref_slice %arg24[%dma_wait3A_313, %dma_wait3A_314] : memref<10240x16xf32, #tpu.memory_space<vmem_shared>> -> memref<10240x16xf32, #tpu.memory_space<vmem_shared>>
          tpu.wait_indirect_dma semaphore(%arg28 : memref<!tpu.dma_semaphore, #tpu.memory_space<semaphore_mem>>) src(%arg16 : memref<125x16xf32, #tpu.memory_space<vmem>>) dst(%dma_wait3A_315 : memref<10240x16xf32, #tpu.memory_space<vmem_shared>>)
          %sub3A_316 = arith.constant 1 : i32
          %sub3A_317 = arith.subi %scan3A_124, %sub3A_316 : i32
          %mul3A_318 = arith.constant 8 : i32
          %mul3A_319 = arith.muli %sub3A_317, %mul3A_318 : i32
          %add3A_320 = arith.constant 1 : i32
          %add3A_321 = arith.addi %mul3A_319, %add3A_320 : i32
          %dma_wait3A_322 = arith.constant 0 : i32
          %dma_wait3A_323 = tpu.memref_slice %arg7[%add3A_321, %dma_wait3A_322] : memref<80x125xi32, #tpu.memory_space<vmem>> -> memref<1x125xi32, #tpu.memory_space<vmem>>
          %dma_wait3A_324 = tpu.memref_squeeze %dma_wait3A_323 : memref<1x125xi32, #tpu.memory_space<vmem>> -> memref<125xi32, #tpu.memory_space<vmem>>
          %dma_wait3A_325 = arith.constant 0 : i32
          %dma_wait3A_326 = arith.constant 0 : i32
          %dma_wait3A_327 = tpu.memref_slice %arg24[%dma_wait3A_325, %dma_wait3A_326] : memref<10240x16xf32, #tpu.memory_space<vmem_shared>> -> memref<10240x16xf32, #tpu.memory_space<vmem_shared>>
          tpu.wait_indirect_dma semaphore(%arg28 : memref<!tpu.dma_semaphore, #tpu.memory_space<semaphore_mem>>) src(%arg17 : memref<125x16xf32, #tpu.memory_space<vmem>>) dst(%dma_wait3A_327 : memref<10240x16xf32, #tpu.memory_space<vmem_shared>>)
          %sub3A_328 = arith.constant 1 : i32
          %sub3A_329 = arith.subi %scan3A_124, %sub3A_328 : i32
          %mul3A_330 = arith.constant 8 : i32
          %mul3A_331 = arith.muli %sub3A_329, %mul3A_330 : i32
          %add3A_332 = arith.constant 2 : i32
          %add3A_333 = arith.addi %mul3A_331, %add3A_332 : i32
          %dma_wait3A_334 = arith.constant 0 : i32
          %dma_wait3A_335 = tpu.memref_slice %arg7[%add3A_333, %dma_wait3A_334] : memref<80x125xi32, #tpu.memory_space<vmem>> -> memref<1x125xi32, #tpu.memory_space<vmem>>
          %dma_wait3A_336 = tpu.memref_squeeze %dma_wait3A_335 : memref<1x125xi32, #tpu.memory_space<vmem>> -> memref<125xi32, #tpu.memory_space<vmem>>
          %dma_wait3A_337 = arith.constant 0 : i32
          %dma_wait3A_338 = arith.constant 0 : i32
          %dma_wait3A_339 = tpu.memref_slice %arg24[%dma_wait3A_337, %dma_wait3A_338] : memref<10240x16xf32, #tpu.memory_space<vmem_shared>> -> memref<10240x16xf32, #tpu.memory_space<vmem_shared>>
          tpu.wait_indirect_dma semaphore(%arg28 : memref<!tpu.dma_semaphore, #tpu.memory_space<semaphore_mem>>) src(%arg18 : memref<125x16xf32, #tpu.memory_space<vmem>>) dst(%dma_wait3A_339 : memref<10240x16xf32, #tpu.memory_space<vmem_shared>>)
          %sub3A_340 = arith.constant 1 : i32
          %sub3A_341 = arith.subi %scan3A_124, %sub3A_340 : i32
          %mul3A_342 = arith.constant 8 : i32
          %mul3A_343 = arith.muli %sub3A_341, %mul3A_342 : i32
          %add3A_344 = arith.constant 3 : i32
          %add3A_345 = arith.addi %mul3A_343, %add3A_344 : i32
          %dma_wait3A_346 = arith.constant 0 : i32
          %dma_wait3A_347 = tpu.memref_slice %arg7[%add3A_345, %dma_wait3A_346] : memref<80x125xi32, #tpu.memory_space<vmem>> -> memref<1x125xi32, #tpu.memory_space<vmem>>
          %dma_wait3A_348 = tpu.memref_squeeze %dma_wait3A_347 : memref<1x125xi32, #tpu.memory_space<vmem>> -> memref<125xi32, #tpu.memory_space<vmem>>
          %dma_wait3A_349 = arith.constant 0 : i32
          %dma_wait3A_350 = arith.constant 0 : i32
          %dma_wait3A_351 = tpu.memref_slice %arg24[%dma_wait3A_349, %dma_wait3A_350] : memref<10240x16xf32, #tpu.memory_space<vmem_shared>> -> memref<10240x16xf32, #tpu.memory_space<vmem_shared>>
          tpu.wait_indirect_dma semaphore(%arg28 : memref<!tpu.dma_semaphore, #tpu.memory_space<semaphore_mem>>) src(%arg19 : memref<125x16xf32, #tpu.memory_space<vmem>>) dst(%dma_wait3A_351 : memref<10240x16xf32, #tpu.memory_space<vmem_shared>>)
          %sub3A_352 = arith.constant 1 : i32
          %sub3A_353 = arith.subi %scan3A_124, %sub3A_352 : i32
          %mul3A_354 = arith.constant 8 : i32
          %mul3A_355 = arith.muli %sub3A_353, %mul3A_354 : i32
          %add3A_356 = arith.constant 4 : i32
          %add3A_357 = arith.addi %mul3A_355, %add3A_356 : i32
          %dma_wait3A_358 = arith.constant 0 : i32
          %dma_wait3A_359 = tpu.memref_slice %arg7[%add3A_357, %dma_wait3A_358] : memref<80x125xi32, #tpu.memory_space<vmem>> -> memref<1x125xi32, #tpu.memory_space<vmem>>
          %dma_wait3A_360 = tpu.memref_squeeze %dma_wait3A_359 : memref<1x125xi32, #tpu.memory_space<vmem>> -> memref<125xi32, #tpu.memory_space<vmem>>
          %dma_wait3A_361 = arith.constant 0 : i32
          %dma_wait3A_362 = arith.constant 0 : i32
          %dma_wait3A_363 = tpu.memref_slice %arg24[%dma_wait3A_361, %dma_wait3A_362] : memref<10240x16xf32, #tpu.memory_space<vmem_shared>> -> memref<10240x16xf32, #tpu.memory_space<vmem_shared>>
          tpu.wait_indirect_dma semaphore(%arg28 : memref<!tpu.dma_semaphore, #tpu.memory_space<semaphore_mem>>) src(%arg20 : memref<125x16xf32, #tpu.memory_space<vmem>>) dst(%dma_wait3A_363 : memref<10240x16xf32, #tpu.memory_space<vmem_shared>>)
          %sub3A_364 = arith.constant 1 : i32
          %sub3A_365 = arith.subi %scan3A_124, %sub3A_364 : i32
          %mul3A_366 = arith.constant 8 : i32
          %mul3A_367 = arith.muli %sub3A_365, %mul3A_366 : i32
          %add3A_368 = arith.constant 5 : i32
          %add3A_369 = arith.addi %mul3A_367, %add3A_368 : i32
          %dma_wait3A_370 = arith.constant 0 : i32
          %dma_wait3A_371 = tpu.memref_slice %arg7[%add3A_369, %dma_wait3A_370] : memref<80x125xi32, #tpu.memory_space<vmem>> -> memref<1x125xi32, #tpu.memory_space<vmem>>
          %dma_wait3A_372 = tpu.memref_squeeze %dma_wait3A_371 : memref<1x125xi32, #tpu.memory_space<vmem>> -> memref<125xi32, #tpu.memory_space<vmem>>
          %dma_wait3A_373 = arith.constant 0 : i32
          %dma_wait3A_374 = arith.constant 0 : i32
          %dma_wait3A_375 = tpu.memref_slice %arg24[%dma_wait3A_373, %dma_wait3A_374] : memref<10240x16xf32, #tpu.memory_space<vmem_shared>> -> memref<10240x16xf32, #tpu.memory_space<vmem_shared>>
          tpu.wait_indirect_dma semaphore(%arg28 : memref<!tpu.dma_semaphore, #tpu.memory_space<semaphore_mem>>) src(%arg21 : memref<125x16xf32, #tpu.memory_space<vmem>>) dst(%dma_wait3A_375 : memref<10240x16xf32, #tpu.memory_space<vmem_shared>>)
          %sub3A_376 = arith.constant 1 : i32
          %sub3A_377 = arith.subi %scan3A_124, %sub3A_376 : i32
          %mul3A_378 = arith.constant 8 : i32
          %mul3A_379 = arith.muli %sub3A_377, %mul3A_378 : i32
          %add3A_380 = arith.constant 6 : i32
          %add3A_381 = arith.addi %mul3A_379, %add3A_380 : i32
          %dma_wait3A_382 = arith.constant 0 : i32
          %dma_wait3A_383 = tpu.memref_slice %arg7[%add3A_381, %dma_wait3A_382] : memref<80x125xi32, #tpu.memory_space<vmem>> -> memref<1x125xi32, #tpu.memory_space<vmem>>
          %dma_wait3A_384 = tpu.memref_squeeze %dma_wait3A_383 : memref<1x125xi32, #tpu.memory_space<vmem>> -> memref<125xi32, #tpu.memory_space<vmem>>
          %dma_wait3A_385 = arith.constant 0 : i32
          %dma_wait3A_386 = arith.constant 0 : i32
          %dma_wait3A_387 = tpu.memref_slice %arg24[%dma_wait3A_385, %dma_wait3A_386] : memref<10240x16xf32, #tpu.memory_space<vmem_shared>> -> memref<10240x16xf32, #tpu.memory_space<vmem_shared>>
          tpu.wait_indirect_dma semaphore(%arg28 : memref<!tpu.dma_semaphore, #tpu.memory_space<semaphore_mem>>) src(%arg22 : memref<125x16xf32, #tpu.memory_space<vmem>>) dst(%dma_wait3A_387 : memref<10240x16xf32, #tpu.memory_space<vmem_shared>>)
          %sub3A_388 = arith.constant 1 : i32
          %sub3A_389 = arith.subi %scan3A_124, %sub3A_388 : i32
          %mul3A_390 = arith.constant 8 : i32
          %mul3A_391 = arith.muli %sub3A_389, %mul3A_390 : i32
          %add3A_392 = arith.constant 7 : i32
          %add3A_393 = arith.addi %mul3A_391, %add3A_392 : i32
          %dma_wait3A_394 = arith.constant 0 : i32
          %dma_wait3A_395 = tpu.memref_slice %arg7[%add3A_393, %dma_wait3A_394] : memref<80x125xi32, #tpu.memory_space<vmem>> -> memref<1x125xi32, #tpu.memory_space<vmem>>
          %dma_wait3A_396 = tpu.memref_squeeze %dma_wait3A_395 : memref<1x125xi32, #tpu.memory_space<vmem>> -> memref<125xi32, #tpu.memory_space<vmem>>
          %dma_wait3A_397 = arith.constant 0 : i32
          %dma_wait3A_398 = arith.constant 0 : i32
          %dma_wait3A_399 = tpu.memref_slice %arg24[%dma_wait3A_397, %dma_wait3A_398] : memref<10240x16xf32, #tpu.memory_space<vmem_shared>> -> memref<10240x16xf32, #tpu.memory_space<vmem_shared>>
          tpu.wait_indirect_dma semaphore(%arg28 : memref<!tpu.dma_semaphore, #tpu.memory_space<semaphore_mem>>) src(%arg23 : memref<125x16xf32, #tpu.memory_space<vmem>>) dst(%dma_wait3A_399 : memref<10240x16xf32, #tpu.memory_space<vmem_shared>>)
        } else {
        }
        %add3A_139 = arith.constant 1 : i32
        %add3A_140 = arith.addi %scan3A_124, %add3A_139 : i32
        %lt3A = arith.constant 10 : i32
        %lt3A_141 = arith.cmpi slt, %add3A_140, %lt3A : i32
        %convert_element_type3A_142 = arith.extui %lt3A_141 : i1 to i32
        %cond3A_143 = arith.constant 0 : i32
        %cond3A_144 = arith.cmpi ne, %convert_element_type3A_142, %cond3A_143 : i32
        scf.if %cond3A_144 {
          %add3A_305 = arith.constant 1 : i32
          %add3A_306 = arith.addi %scan3A_124, %add3A_305 : i32
          %mul3A_307 = arith.constant 8 : i32
          %mul3A_308 = arith.muli %add3A_306, %mul3A_307 : i32
          %add3A_309 = arith.constant 0 : i32
          %add3A_310 = arith.addi %mul3A_308, %add3A_309 : i32
          %dma_start3A_311 = arith.constant 0 : i32
          %dma_start3A_312 = tpu.memref_slice %arg6[%add3A_310, %dma_start3A_311] : memref<80x125xi32, #tpu.memory_space<vmem>> -> memref<1x125xi32, #tpu.memory_space<vmem>>
          %dma_start3A_313 = tpu.memref_squeeze %dma_start3A_312 : memref<1x125xi32, #tpu.memory_space<vmem>> -> memref<125xi32, #tpu.memory_space<vmem>>
          %dma_start3A_314 = arith.constant 0 : i32
          %dma_start3A_315 = arith.constant 0 : i32
          %dma_start3A_316 = tpu.memref_slice %arg3[%dma_start3A_314, %dma_start3A_315] : memref<10240x16xf32, #tpu.memory_space<hbm>> -> memref<10240x16xf32, #tpu.memory_space<hbm>>
          tpu.enqueue_indirect_dma source(%dma_start3A_316 : memref<10240x16xf32, #tpu.memory_space<hbm>>) target(%arg16 : memref<125x16xf32, #tpu.memory_space<vmem>>) offsets(%dma_start3A_313 : memref<125xi32, #tpu.memory_space<vmem>>) semaphore(%arg26 : memref<!tpu.dma_semaphore, #tpu.memory_space<semaphore_mem>>)
          %add3A_317 = arith.constant 1 : i32
          %add3A_318 = arith.addi %scan3A_124, %add3A_317 : i32
          %mul3A_319 = arith.constant 8 : i32
          %mul3A_320 = arith.muli %add3A_318, %mul3A_319 : i32
          %add3A_321 = arith.constant 1 : i32
          %add3A_322 = arith.addi %mul3A_320, %add3A_321 : i32
          %dma_start3A_323 = arith.constant 0 : i32
          %dma_start3A_324 = tpu.memref_slice %arg6[%add3A_322, %dma_start3A_323] : memref<80x125xi32, #tpu.memory_space<vmem>> -> memref<1x125xi32, #tpu.memory_space<vmem>>
          %dma_start3A_325 = tpu.memref_squeeze %dma_start3A_324 : memref<1x125xi32, #tpu.memory_space<vmem>> -> memref<125xi32, #tpu.memory_space<vmem>>
          %dma_start3A_326 = arith.constant 0 : i32
          %dma_start3A_327 = arith.constant 0 : i32
          %dma_start3A_328 = tpu.memref_slice %arg3[%dma_start3A_326, %dma_start3A_327] : memref<10240x16xf32, #tpu.memory_space<hbm>> -> memref<10240x16xf32, #tpu.memory_space<hbm>>
          tpu.enqueue_indirect_dma source(%dma_start3A_328 : memref<10240x16xf32, #tpu.memory_space<hbm>>) target(%arg17 : memref<125x16xf32, #tpu.memory_space<vmem>>) offsets(%dma_start3A_325 : memref<125xi32, #tpu.memory_space<vmem>>) semaphore(%arg26 : memref<!tpu.dma_semaphore, #tpu.memory_space<semaphore_mem>>)
          %add3A_329 = arith.constant 1 : i32
          %add3A_330 = arith.addi %scan3A_124, %add3A_329 : i32
          %mul3A_331 = arith.constant 8 : i32
          %mul3A_332 = arith.muli %add3A_330, %mul3A_331 : i32
          %add3A_333 = arith.constant 2 : i32
          %add3A_334 = arith.addi %mul3A_332, %add3A_333 : i32
          %dma_start3A_335 = arith.constant 0 : i32
          %dma_start3A_336 = tpu.memref_slice %arg6[%add3A_334, %dma_start3A_335] : memref<80x125xi32, #tpu.memory_space<vmem>> -> memref<1x125xi32, #tpu.memory_space<vmem>>
          %dma_start3A_337 = tpu.memref_squeeze %dma_start3A_336 : memref<1x125xi32, #tpu.memory_space<vmem>> -> memref<125xi32, #tpu.memory_space<vmem>>
          %dma_start3A_338 = arith.constant 0 : i32
          %dma_start3A_339 = arith.constant 0 : i32
          %dma_start3A_340 = tpu.memref_slice %arg3[%dma_start3A_338, %dma_start3A_339] : memref<10240x16xf32, #tpu.memory_space<hbm>> -> memref<10240x16xf32, #tpu.memory_space<hbm>>
          tpu.enqueue_indirect_dma source(%dma_start3A_340 : memref<10240x16xf32, #tpu.memory_space<hbm>>) target(%arg18 : memref<125x16xf32, #tpu.memory_space<vmem>>) offsets(%dma_start3A_337 : memref<125xi32, #tpu.memory_space<vmem>>) semaphore(%arg26 : memref<!tpu.dma_semaphore, #tpu.memory_space<semaphore_mem>>)
          %add3A_341 = arith.constant 1 : i32
          %add3A_342 = arith.addi %scan3A_124, %add3A_341 : i32
          %mul3A_343 = arith.constant 8 : i32
          %mul3A_344 = arith.muli %add3A_342, %mul3A_343 : i32
          %add3A_345 = arith.constant 3 : i32
          %add3A_346 = arith.addi %mul3A_344, %add3A_345 : i32
          %dma_start3A_347 = arith.constant 0 : i32
          %dma_start3A_348 = tpu.memref_slice %arg6[%add3A_346, %dma_start3A_347] : memref<80x125xi32, #tpu.memory_space<vmem>> -> memref<1x125xi32, #tpu.memory_space<vmem>>
          %dma_start3A_349 = tpu.memref_squeeze %dma_start3A_348 : memref<1x125xi32, #tpu.memory_space<vmem>> -> memref<125xi32, #tpu.memory_space<vmem>>
          %dma_start3A_350 = arith.constant 0 : i32
          %dma_start3A_351 = arith.constant 0 : i32
          %dma_start3A_352 = tpu.memref_slice %arg3[%dma_start3A_350, %dma_start3A_351] : memref<10240x16xf32, #tpu.memory_space<hbm>> -> memref<10240x16xf32, #tpu.memory_space<hbm>>
          tpu.enqueue_indirect_dma source(%dma_start3A_352 : memref<10240x16xf32, #tpu.memory_space<hbm>>) target(%arg19 : memref<125x16xf32, #tpu.memory_space<vmem>>) offsets(%dma_start3A_349 : memref<125xi32, #tpu.memory_space<vmem>>) semaphore(%arg26 : memref<!tpu.dma_semaphore, #tpu.memory_space<semaphore_mem>>)
          %add3A_353 = arith.constant 1 : i32
          %add3A_354 = arith.addi %scan3A_124, %add3A_353 : i32
          %mul3A_355 = arith.constant 8 : i32
          %mul3A_356 = arith.muli %add3A_354, %mul3A_355 : i32
          %add3A_357 = arith.constant 4 : i32
          %add3A_358 = arith.addi %mul3A_356, %add3A_357 : i32
          %dma_start3A_359 = arith.constant 0 : i32
          %dma_start3A_360 = tpu.memref_slice %arg6[%add3A_358, %dma_start3A_359] : memref<80x125xi32, #tpu.memory_space<vmem>> -> memref<1x125xi32, #tpu.memory_space<vmem>>
          %dma_start3A_361 = tpu.memref_squeeze %dma_start3A_360 : memref<1x125xi32, #tpu.memory_space<vmem>> -> memref<125xi32, #tpu.memory_space<vmem>>
          %dma_start3A_362 = arith.constant 0 : i32
          %dma_start3A_363 = arith.constant 0 : i32
          %dma_start3A_364 = tpu.memref_slice %arg3[%dma_start3A_362, %dma_start3A_363] : memref<10240x16xf32, #tpu.memory_space<hbm>> -> memref<10240x16xf32, #tpu.memory_space<hbm>>
          tpu.enqueue_indirect_dma source(%dma_start3A_364 : memref<10240x16xf32, #tpu.memory_space<hbm>>) target(%arg20 : memref<125x16xf32, #tpu.memory_space<vmem>>) offsets(%dma_start3A_361 : memref<125xi32, #tpu.memory_space<vmem>>) semaphore(%arg26 : memref<!tpu.dma_semaphore, #tpu.memory_space<semaphore_mem>>)
          %add3A_365 = arith.constant 1 : i32
          %add3A_366 = arith.addi %scan3A_124, %add3A_365 : i32
          %mul3A_367 = arith.constant 8 : i32
          %mul3A_368 = arith.muli %add3A_366, %mul3A_367 : i32
          %add3A_369 = arith.constant 5 : i32
          %add3A_370 = arith.addi %mul3A_368, %add3A_369 : i32
          %dma_start3A_371 = arith.constant 0 : i32
          %dma_start3A_372 = tpu.memref_slice %arg6[%add3A_370, %dma_start3A_371] : memref<80x125xi32, #tpu.memory_space<vmem>> -> memref<1x125xi32, #tpu.memory_space<vmem>>
          %dma_start3A_373 = tpu.memref_squeeze %dma_start3A_372 : memref<1x125xi32, #tpu.memory_space<vmem>> -> memref<125xi32, #tpu.memory_space<vmem>>
          %dma_start3A_374 = arith.constant 0 : i32
          %dma_start3A_375 = arith.constant 0 : i32
          %dma_start3A_376 = tpu.memref_slice %arg3[%dma_start3A_374, %dma_start3A_375] : memref<10240x16xf32, #tpu.memory_space<hbm>> -> memref<10240x16xf32, #tpu.memory_space<hbm>>
          tpu.enqueue_indirect_dma source(%dma_start3A_376 : memref<10240x16xf32, #tpu.memory_space<hbm>>) target(%arg21 : memref<125x16xf32, #tpu.memory_space<vmem>>) offsets(%dma_start3A_373 : memref<125xi32, #tpu.memory_space<vmem>>) semaphore(%arg26 : memref<!tpu.dma_semaphore, #tpu.memory_space<semaphore_mem>>)
          %add3A_377 = arith.constant 1 : i32
          %add3A_378 = arith.addi %scan3A_124, %add3A_377 : i32
          %mul3A_379 = arith.constant 8 : i32
          %mul3A_380 = arith.muli %add3A_378, %mul3A_379 : i32
          %add3A_381 = arith.constant 6 : i32
          %add3A_382 = arith.addi %mul3A_380, %add3A_381 : i32
          %dma_start3A_383 = arith.constant 0 : i32
          %dma_start3A_384 = tpu.memref_slice %arg6[%add3A_382, %dma_start3A_383] : memref<80x125xi32, #tpu.memory_space<vmem>> -> memref<1x125xi32, #tpu.memory_space<vmem>>
          %dma_start3A_385 = tpu.memref_squeeze %dma_start3A_384 : memref<1x125xi32, #tpu.memory_space<vmem>> -> memref<125xi32, #tpu.memory_space<vmem>>
          %dma_start3A_386 = arith.constant 0 : i32
          %dma_start3A_387 = arith.constant 0 : i32
          %dma_start3A_388 = tpu.memref_slice %arg3[%dma_start3A_386, %dma_start3A_387] : memref<10240x16xf32, #tpu.memory_space<hbm>> -> memref<10240x16xf32, #tpu.memory_space<hbm>>
          tpu.enqueue_indirect_dma source(%dma_start3A_388 : memref<10240x16xf32, #tpu.memory_space<hbm>>) target(%arg22 : memref<125x16xf32, #tpu.memory_space<vmem>>) offsets(%dma_start3A_385 : memref<125xi32, #tpu.memory_space<vmem>>) semaphore(%arg26 : memref<!tpu.dma_semaphore, #tpu.memory_space<semaphore_mem>>)
          %add3A_389 = arith.constant 1 : i32
          %add3A_390 = arith.addi %scan3A_124, %add3A_389 : i32
          %mul3A_391 = arith.constant 8 : i32
          %mul3A_392 = arith.muli %add3A_390, %mul3A_391 : i32
          %add3A_393 = arith.constant 7 : i32
          %add3A_394 = arith.addi %mul3A_392, %add3A_393 : i32
          %dma_start3A_395 = arith.constant 0 : i32
          %dma_start3A_396 = tpu.memref_slice %arg6[%add3A_394, %dma_start3A_395] : memref<80x125xi32, #tpu.memory_space<vmem>> -> memref<1x125xi32, #tpu.memory_space<vmem>>
          %dma_start3A_397 = tpu.memref_squeeze %dma_start3A_396 : memref<1x125xi32, #tpu.memory_space<vmem>> -> memref<125xi32, #tpu.memory_space<vmem>>
          %dma_start3A_398 = arith.constant 0 : i32
          %dma_start3A_399 = arith.constant 0 : i32
          %dma_start3A_400 = tpu.memref_slice %arg3[%dma_start3A_398, %dma_start3A_399] : memref<10240x16xf32, #tpu.memory_space<hbm>> -> memref<10240x16xf32, #tpu.memory_space<hbm>>
          tpu.enqueue_indirect_dma source(%dma_start3A_400 : memref<10240x16xf32, #tpu.memory_space<hbm>>) target(%arg23 : memref<125x16xf32, #tpu.memory_space<vmem>>) offsets(%dma_start3A_397 : memref<125xi32, #tpu.memory_space<vmem>>) semaphore(%arg26 : memref<!tpu.dma_semaphore, #tpu.memory_space<semaphore_mem>>)
        } else {
        }
        %mul3A_145 = arith.constant 8 : i32
        %mul3A_146 = arith.muli %scan3A_124, %mul3A_145 : i32
        %add3A_147 = arith.constant 0 : i32
        %add3A_148 = arith.addi %mul3A_146, %add3A_147 : i32
        %dma_wait3A_149 = arith.constant 0 : i32
        %dma_wait3A_150 = tpu.memref_slice %arg6[%add3A_148, %dma_wait3A_149] : memref<80x125xi32, #tpu.memory_space<vmem>> -> memref<1x125xi32, #tpu.memory_space<vmem>>
        %dma_wait3A_151 = tpu.memref_squeeze %dma_wait3A_150 : memref<1x125xi32, #tpu.memory_space<vmem>> -> memref<125xi32, #tpu.memory_space<vmem>>
        %dma_wait3A_152 = arith.constant 0 : i32
        %dma_wait3A_153 = arith.constant 0 : i32
        %dma_wait3A_154 = tpu.memref_slice %arg3[%dma_wait3A_152, %dma_wait3A_153] : memref<10240x16xf32, #tpu.memory_space<hbm>> -> memref<10240x16xf32, #tpu.memory_space<hbm>>
        tpu.wait_indirect_dma semaphore(%arg25 : memref<!tpu.dma_semaphore, #tpu.memory_space<semaphore_mem>>) src(%dma_wait3A_154 : memref<10240x16xf32, #tpu.memory_space<hbm>>) dst(%arg8 : memref<125x16xf32, #tpu.memory_space<vmem>>)
        %mul3A_155 = arith.constant 8 : i32
        %mul3A_156 = arith.muli %scan3A_124, %mul3A_155 : i32
        %add3A_157 = arith.constant 1 : i32
        %add3A_158 = arith.addi %mul3A_156, %add3A_157 : i32
        %dma_wait3A_159 = arith.constant 0 : i32
        %dma_wait3A_160 = tpu.memref_slice %arg6[%add3A_158, %dma_wait3A_159] : memref<80x125xi32, #tpu.memory_space<vmem>> -> memref<1x125xi32, #tpu.memory_space<vmem>>
        %dma_wait3A_161 = tpu.memref_squeeze %dma_wait3A_160 : memref<1x125xi32, #tpu.memory_space<vmem>> -> memref<125xi32, #tpu.memory_space<vmem>>
        %dma_wait3A_162 = arith.constant 0 : i32
        %dma_wait3A_163 = arith.constant 0 : i32
        %dma_wait3A_164 = tpu.memref_slice %arg3[%dma_wait3A_162, %dma_wait3A_163] : memref<10240x16xf32, #tpu.memory_space<hbm>> -> memref<10240x16xf32, #tpu.memory_space<hbm>>
        tpu.wait_indirect_dma semaphore(%arg25 : memref<!tpu.dma_semaphore, #tpu.memory_space<semaphore_mem>>) src(%dma_wait3A_164 : memref<10240x16xf32, #tpu.memory_space<hbm>>) dst(%arg9 : memref<125x16xf32, #tpu.memory_space<vmem>>)
        %mul3A_165 = arith.constant 8 : i32
        %mul3A_166 = arith.muli %scan3A_124, %mul3A_165 : i32
        %add3A_167 = arith.constant 2 : i32
        %add3A_168 = arith.addi %mul3A_166, %add3A_167 : i32
        %dma_wait3A_169 = arith.constant 0 : i32
        %dma_wait3A_170 = tpu.memref_slice %arg6[%add3A_168, %dma_wait3A_169] : memref<80x125xi32, #tpu.memory_space<vmem>> -> memref<1x125xi32, #tpu.memory_space<vmem>>
        %dma_wait3A_171 = tpu.memref_squeeze %dma_wait3A_170 : memref<1x125xi32, #tpu.memory_space<vmem>> -> memref<125xi32, #tpu.memory_space<vmem>>
        %dma_wait3A_172 = arith.constant 0 : i32
        %dma_wait3A_173 = arith.constant 0 : i32
        %dma_wait3A_174 = tpu.memref_slice %arg3[%dma_wait3A_172, %dma_wait3A_173] : memref<10240x16xf32, #tpu.memory_space<hbm>> -> memref<10240x16xf32, #tpu.memory_space<hbm>>
        tpu.wait_indirect_dma semaphore(%arg25 : memref<!tpu.dma_semaphore, #tpu.memory_space<semaphore_mem>>) src(%dma_wait3A_174 : memref<10240x16xf32, #tpu.memory_space<hbm>>) dst(%arg10 : memref<125x16xf32, #tpu.memory_space<vmem>>)
        %mul3A_175 = arith.constant 8 : i32
        %mul3A_176 = arith.muli %scan3A_124, %mul3A_175 : i32
        %add3A_177 = arith.constant 3 : i32
        %add3A_178 = arith.addi %mul3A_176, %add3A_177 : i32
        %dma_wait3A_179 = arith.constant 0 : i32
        %dma_wait3A_180 = tpu.memref_slice %arg6[%add3A_178, %dma_wait3A_179] : memref<80x125xi32, #tpu.memory_space<vmem>> -> memref<1x125xi32, #tpu.memory_space<vmem>>
        %dma_wait3A_181 = tpu.memref_squeeze %dma_wait3A_180 : memref<1x125xi32, #tpu.memory_space<vmem>> -> memref<125xi32, #tpu.memory_space<vmem>>
        %dma_wait3A_182 = arith.constant 0 : i32
        %dma_wait3A_183 = arith.constant 0 : i32
        %dma_wait3A_184 = tpu.memref_slice %arg3[%dma_wait3A_182, %dma_wait3A_183] : memref<10240x16xf32, #tpu.memory_space<hbm>> -> memref<10240x16xf32, #tpu.memory_space<hbm>>
        tpu.wait_indirect_dma semaphore(%arg25 : memref<!tpu.dma_semaphore, #tpu.memory_space<semaphore_mem>>) src(%dma_wait3A_184 : memref<10240x16xf32, #tpu.memory_space<hbm>>) dst(%arg11 : memref<125x16xf32, #tpu.memory_space<vmem>>)
        %mul3A_185 = arith.constant 8 : i32
        %mul3A_186 = arith.muli %scan3A_124, %mul3A_185 : i32
        %add3A_187 = arith.constant 4 : i32
        %add3A_188 = arith.addi %mul3A_186, %add3A_187 : i32
        %dma_wait3A_189 = arith.constant 0 : i32
        %dma_wait3A_190 = tpu.memref_slice %arg6[%add3A_188, %dma_wait3A_189] : memref<80x125xi32, #tpu.memory_space<vmem>> -> memref<1x125xi32, #tpu.memory_space<vmem>>
        %dma_wait3A_191 = tpu.memref_squeeze %dma_wait3A_190 : memref<1x125xi32, #tpu.memory_space<vmem>> -> memref<125xi32, #tpu.memory_space<vmem>>
        %dma_wait3A_192 = arith.constant 0 : i32
        %dma_wait3A_193 = arith.constant 0 : i32
        %dma_wait3A_194 = tpu.memref_slice %arg3[%dma_wait3A_192, %dma_wait3A_193] : memref<10240x16xf32, #tpu.memory_space<hbm>> -> memref<10240x16xf32, #tpu.memory_space<hbm>>
        tpu.wait_indirect_dma semaphore(%arg25 : memref<!tpu.dma_semaphore, #tpu.memory_space<semaphore_mem>>) src(%dma_wait3A_194 : memref<10240x16xf32, #tpu.memory_space<hbm>>) dst(%arg12 : memref<125x16xf32, #tpu.memory_space<vmem>>)
        %mul3A_195 = arith.constant 8 : i32
        %mul3A_196 = arith.muli %scan3A_124, %mul3A_195 : i32
        %add3A_197 = arith.constant 5 : i32
        %add3A_198 = arith.addi %mul3A_196, %add3A_197 : i32
        %dma_wait3A_199 = arith.constant 0 : i32
        %dma_wait3A_200 = tpu.memref_slice %arg6[%add3A_198, %dma_wait3A_199] : memref<80x125xi32, #tpu.memory_space<vmem>> -> memref<1x125xi32, #tpu.memory_space<vmem>>
        %dma_wait3A_201 = tpu.memref_squeeze %dma_wait3A_200 : memref<1x125xi32, #tpu.memory_space<vmem>> -> memref<125xi32, #tpu.memory_space<vmem>>
        %dma_wait3A_202 = arith.constant 0 : i32
        %dma_wait3A_203 = arith.constant 0 : i32
        %dma_wait3A_204 = tpu.memref_slice %arg3[%dma_wait3A_202, %dma_wait3A_203] : memref<10240x16xf32, #tpu.memory_space<hbm>> -> memref<10240x16xf32, #tpu.memory_space<hbm>>
        tpu.wait_indirect_dma semaphore(%arg25 : memref<!tpu.dma_semaphore, #tpu.memory_space<semaphore_mem>>) src(%dma_wait3A_204 : memref<10240x16xf32, #tpu.memory_space<hbm>>) dst(%arg13 : memref<125x16xf32, #tpu.memory_space<vmem>>)
        %mul3A_205 = arith.constant 8 : i32
        %mul3A_206 = arith.muli %scan3A_124, %mul3A_205 : i32
        %add3A_207 = arith.constant 6 : i32
        %add3A_208 = arith.addi %mul3A_206, %add3A_207 : i32
        %dma_wait3A_209 = arith.constant 0 : i32
        %dma_wait3A_210 = tpu.memref_slice %arg6[%add3A_208, %dma_wait3A_209] : memref<80x125xi32, #tpu.memory_space<vmem>> -> memref<1x125xi32, #tpu.memory_space<vmem>>
        %dma_wait3A_211 = tpu.memref_squeeze %dma_wait3A_210 : memref<1x125xi32, #tpu.memory_space<vmem>> -> memref<125xi32, #tpu.memory_space<vmem>>
        %dma_wait3A_212 = arith.constant 0 : i32
        %dma_wait3A_213 = arith.constant 0 : i32
        %dma_wait3A_214 = tpu.memref_slice %arg3[%dma_wait3A_212, %dma_wait3A_213] : memref<10240x16xf32, #tpu.memory_space<hbm>> -> memref<10240x16xf32, #tpu.memory_space<hbm>>
        tpu.wait_indirect_dma semaphore(%arg25 : memref<!tpu.dma_semaphore, #tpu.memory_space<semaphore_mem>>) src(%dma_wait3A_214 : memref<10240x16xf32, #tpu.memory_space<hbm>>) dst(%arg14 : memref<125x16xf32, #tpu.memory_space<vmem>>)
        %mul3A_215 = arith.constant 8 : i32
        %mul3A_216 = arith.muli %scan3A_124, %mul3A_215 : i32
        %add3A_217 = arith.constant 7 : i32
        %add3A_218 = arith.addi %mul3A_216, %add3A_217 : i32
        %dma_wait3A_219 = arith.constant 0 : i32
        %dma_wait3A_220 = tpu.memref_slice %arg6[%add3A_218, %dma_wait3A_219] : memref<80x125xi32, #tpu.memory_space<vmem>> -> memref<1x125xi32, #tpu.memory_space<vmem>>
        %dma_wait3A_221 = tpu.memref_squeeze %dma_wait3A_220 : memref<1x125xi32, #tpu.memory_space<vmem>> -> memref<125xi32, #tpu.memory_space<vmem>>
        %dma_wait3A_222 = arith.constant 0 : i32
        %dma_wait3A_223 = arith.constant 0 : i32
        %dma_wait3A_224 = tpu.memref_slice %arg3[%dma_wait3A_222, %dma_wait3A_223] : memref<10240x16xf32, #tpu.memory_space<hbm>> -> memref<10240x16xf32, #tpu.memory_space<hbm>>
        tpu.wait_indirect_dma semaphore(%arg25 : memref<!tpu.dma_semaphore, #tpu.memory_space<semaphore_mem>>) src(%dma_wait3A_224 : memref<10240x16xf32, #tpu.memory_space<hbm>>) dst(%arg15 : memref<125x16xf32, #tpu.memory_space<vmem>>)
        %mul3A_225 = arith.constant 8 : i32
        %mul3A_226 = arith.muli %scan3A_124, %mul3A_225 : i32
        %add3A_227 = arith.constant 0 : i32
        %add3A_228 = arith.addi %mul3A_226, %add3A_227 : i32
        %dma_start3A_229 = arith.constant 0 : i32
        %dma_start3A_230 = tpu.memref_slice %arg7[%add3A_228, %dma_start3A_229] : memref<80x125xi32, #tpu.memory_space<vmem>> -> memref<1x125xi32, #tpu.memory_space<vmem>>
        %dma_start3A_231 = tpu.memref_squeeze %dma_start3A_230 : memref<1x125xi32, #tpu.memory_space<vmem>> -> memref<125xi32, #tpu.memory_space<vmem>>
        %dma_start3A_232 = arith.constant 0 : i32
        %dma_start3A_233 = arith.constant 0 : i32
        %dma_start3A_234 = tpu.memref_slice %arg24[%dma_start3A_232, %dma_start3A_233] : memref<10240x16xf32, #tpu.memory_space<vmem_shared>> -> memref<10240x16xf32, #tpu.memory_space<vmem_shared>>
        tpu.enqueue_indirect_dma source(%arg8 : memref<125x16xf32, #tpu.memory_space<vmem>>) target(%dma_start3A_234 : memref<10240x16xf32, #tpu.memory_space<vmem_shared>>) offsets(%dma_start3A_231 : memref<125xi32, #tpu.memory_space<vmem>>) semaphore(%arg27 : memref<!tpu.dma_semaphore, #tpu.memory_space<semaphore_mem>>) {add = true}
        %mul3A_235 = arith.constant 8 : i32
        %mul3A_236 = arith.muli %scan3A_124, %mul3A_235 : i32
        %add3A_237 = arith.constant 1 : i32
        %add3A_238 = arith.addi %mul3A_236, %add3A_237 : i32
        %dma_start3A_239 = arith.constant 0 : i32
        %dma_start3A_240 = tpu.memref_slice %arg7[%add3A_238, %dma_start3A_239] : memref<80x125xi32, #tpu.memory_space<vmem>> -> memref<1x125xi32, #tpu.memory_space<vmem>>
        %dma_start3A_241 = tpu.memref_squeeze %dma_start3A_240 : memref<1x125xi32, #tpu.memory_space<vmem>> -> memref<125xi32, #tpu.memory_space<vmem>>
        %dma_start3A_242 = arith.constant 0 : i32
        %dma_start3A_243 = arith.constant 0 : i32
        %dma_start3A_244 = tpu.memref_slice %arg24[%dma_start3A_242, %dma_start3A_243] : memref<10240x16xf32, #tpu.memory_space<vmem_shared>> -> memref<10240x16xf32, #tpu.memory_space<vmem_shared>>
        tpu.enqueue_indirect_dma source(%arg9 : memref<125x16xf32, #tpu.memory_space<vmem>>) target(%dma_start3A_244 : memref<10240x16xf32, #tpu.memory_space<vmem_shared>>) offsets(%dma_start3A_241 : memref<125xi32, #tpu.memory_space<vmem>>) semaphore(%arg27 : memref<!tpu.dma_semaphore, #tpu.memory_space<semaphore_mem>>) {add = true}
        %mul3A_245 = arith.constant 8 : i32
        %mul3A_246 = arith.muli %scan3A_124, %mul3A_245 : i32
        %add3A_247 = arith.constant 2 : i32
        %add3A_248 = arith.addi %mul3A_246, %add3A_247 : i32
        %dma_start3A_249 = arith.constant 0 : i32
        %dma_start3A_250 = tpu.memref_slice %arg7[%add3A_248, %dma_start3A_249] : memref<80x125xi32, #tpu.memory_space<vmem>> -> memref<1x125xi32, #tpu.memory_space<vmem>>
        %dma_start3A_251 = tpu.memref_squeeze %dma_start3A_250 : memref<1x125xi32, #tpu.memory_space<vmem>> -> memref<125xi32, #tpu.memory_space<vmem>>
        %dma_start3A_252 = arith.constant 0 : i32
        %dma_start3A_253 = arith.constant 0 : i32
        %dma_start3A_254 = tpu.memref_slice %arg24[%dma_start3A_252, %dma_start3A_253] : memref<10240x16xf32, #tpu.memory_space<vmem_shared>> -> memref<10240x16xf32, #tpu.memory_space<vmem_shared>>
        tpu.enqueue_indirect_dma source(%arg10 : memref<125x16xf32, #tpu.memory_space<vmem>>) target(%dma_start3A_254 : memref<10240x16xf32, #tpu.memory_space<vmem_shared>>) offsets(%dma_start3A_251 : memref<125xi32, #tpu.memory_space<vmem>>) semaphore(%arg27 : memref<!tpu.dma_semaphore, #tpu.memory_space<semaphore_mem>>) {add = true}
        %mul3A_255 = arith.constant 8 : i32
        %mul3A_256 = arith.muli %scan3A_124, %mul3A_255 : i32
        %add3A_257 = arith.constant 3 : i32
        %add3A_258 = arith.addi %mul3A_256, %add3A_257 : i32
        %dma_start3A_259 = arith.constant 0 : i32
        %dma_start3A_260 = tpu.memref_slice %arg7[%add3A_258, %dma_start3A_259] : memref<80x125xi32, #tpu.memory_space<vmem>> -> memref<1x125xi32, #tpu.memory_space<vmem>>
        %dma_start3A_261 = tpu.memref_squeeze %dma_start3A_260 : memref<1x125xi32, #tpu.memory_space<vmem>> -> memref<125xi32, #tpu.memory_space<vmem>>
        %dma_start3A_262 = arith.constant 0 : i32
        %dma_start3A_263 = arith.constant 0 : i32
        %dma_start3A_264 = tpu.memref_slice %arg24[%dma_start3A_262, %dma_start3A_263] : memref<10240x16xf32, #tpu.memory_space<vmem_shared>> -> memref<10240x16xf32, #tpu.memory_space<vmem_shared>>
        tpu.enqueue_indirect_dma source(%arg11 : memref<125x16xf32, #tpu.memory_space<vmem>>) target(%dma_start3A_264 : memref<10240x16xf32, #tpu.memory_space<vmem_shared>>) offsets(%dma_start3A_261 : memref<125xi32, #tpu.memory_space<vmem>>) semaphore(%arg27 : memref<!tpu.dma_semaphore, #tpu.memory_space<semaphore_mem>>) {add = true}
        %mul3A_265 = arith.constant 8 : i32
        %mul3A_266 = arith.muli %scan3A_124, %mul3A_265 : i32
        %add3A_267 = arith.constant 4 : i32
        %add3A_268 = arith.addi %mul3A_266, %add3A_267 : i32
        %dma_start3A_269 = arith.constant 0 : i32
        %dma_start3A_270 = tpu.memref_slice %arg7[%add3A_268, %dma_start3A_269] : memref<80x125xi32, #tpu.memory_space<vmem>> -> memref<1x125xi32, #tpu.memory_space<vmem>>
        %dma_start3A_271 = tpu.memref_squeeze %dma_start3A_270 : memref<1x125xi32, #tpu.memory_space<vmem>> -> memref<125xi32, #tpu.memory_space<vmem>>
        %dma_start3A_272 = arith.constant 0 : i32
        %dma_start3A_273 = arith.constant 0 : i32
        %dma_start3A_274 = tpu.memref_slice %arg24[%dma_start3A_272, %dma_start3A_273] : memref<10240x16xf32, #tpu.memory_space<vmem_shared>> -> memref<10240x16xf32, #tpu.memory_space<vmem_shared>>
        tpu.enqueue_indirect_dma source(%arg12 : memref<125x16xf32, #tpu.memory_space<vmem>>) target(%dma_start3A_274 : memref<10240x16xf32, #tpu.memory_space<vmem_shared>>) offsets(%dma_start3A_271 : memref<125xi32, #tpu.memory_space<vmem>>) semaphore(%arg27 : memref<!tpu.dma_semaphore, #tpu.memory_space<semaphore_mem>>) {add = true}
        %mul3A_275 = arith.constant 8 : i32
        %mul3A_276 = arith.muli %scan3A_124, %mul3A_275 : i32
        %add3A_277 = arith.constant 5 : i32
        %add3A_278 = arith.addi %mul3A_276, %add3A_277 : i32
        %dma_start3A_279 = arith.constant 0 : i32
        %dma_start3A_280 = tpu.memref_slice %arg7[%add3A_278, %dma_start3A_279] : memref<80x125xi32, #tpu.memory_space<vmem>> -> memref<1x125xi32, #tpu.memory_space<vmem>>
        %dma_start3A_281 = tpu.memref_squeeze %dma_start3A_280 : memref<1x125xi32, #tpu.memory_space<vmem>> -> memref<125xi32, #tpu.memory_space<vmem>>
        %dma_start3A_282 = arith.constant 0 : i32
        %dma_start3A_283 = arith.constant 0 : i32
        %dma_start3A_284 = tpu.memref_slice %arg24[%dma_start3A_282, %dma_start3A_283] : memref<10240x16xf32, #tpu.memory_space<vmem_shared>> -> memref<10240x16xf32, #tpu.memory_space<vmem_shared>>
        tpu.enqueue_indirect_dma source(%arg13 : memref<125x16xf32, #tpu.memory_space<vmem>>) target(%dma_start3A_284 : memref<10240x16xf32, #tpu.memory_space<vmem_shared>>) offsets(%dma_start3A_281 : memref<125xi32, #tpu.memory_space<vmem>>) semaphore(%arg27 : memref<!tpu.dma_semaphore, #tpu.memory_space<semaphore_mem>>) {add = true}
        %mul3A_285 = arith.constant 8 : i32
        %mul3A_286 = arith.muli %scan3A_124, %mul3A_285 : i32
        %add3A_287 = arith.constant 6 : i32
        %add3A_288 = arith.addi %mul3A_286, %add3A_287 : i32
        %dma_start3A_289 = arith.constant 0 : i32
        %dma_start3A_290 = tpu.memref_slice %arg7[%add3A_288, %dma_start3A_289] : memref<80x125xi32, #tpu.memory_space<vmem>> -> memref<1x125xi32, #tpu.memory_space<vmem>>
        %dma_start3A_291 = tpu.memref_squeeze %dma_start3A_290 : memref<1x125xi32, #tpu.memory_space<vmem>> -> memref<125xi32, #tpu.memory_space<vmem>>
        %dma_start3A_292 = arith.constant 0 : i32
        %dma_start3A_293 = arith.constant 0 : i32
        %dma_start3A_294 = tpu.memref_slice %arg24[%dma_start3A_292, %dma_start3A_293] : memref<10240x16xf32, #tpu.memory_space<vmem_shared>> -> memref<10240x16xf32, #tpu.memory_space<vmem_shared>>
        tpu.enqueue_indirect_dma source(%arg14 : memref<125x16xf32, #tpu.memory_space<vmem>>) target(%dma_start3A_294 : memref<10240x16xf32, #tpu.memory_space<vmem_shared>>) offsets(%dma_start3A_291 : memref<125xi32, #tpu.memory_space<vmem>>) semaphore(%arg27 : memref<!tpu.dma_semaphore, #tpu.memory_space<semaphore_mem>>) {add = true}
        %mul3A_295 = arith.constant 8 : i32
        %mul3A_296 = arith.muli %scan3A_124, %mul3A_295 : i32
        %add3A_297 = arith.constant 7 : i32
        %add3A_298 = arith.addi %mul3A_296, %add3A_297 : i32
        %dma_start3A_299 = arith.constant 0 : i32
        %dma_start3A_300 = tpu.memref_slice %arg7[%add3A_298, %dma_start3A_299] : memref<80x125xi32, #tpu.memory_space<vmem>> -> memref<1x125xi32, #tpu.memory_space<vmem>>
        %dma_start3A_301 = tpu.memref_squeeze %dma_start3A_300 : memref<1x125xi32, #tpu.memory_space<vmem>> -> memref<125xi32, #tpu.memory_space<vmem>>
        %dma_start3A_302 = arith.constant 0 : i32
        %dma_start3A_303 = arith.constant 0 : i32
        %dma_start3A_304 = tpu.memref_slice %arg24[%dma_start3A_302, %dma_start3A_303] : memref<10240x16xf32, #tpu.memory_space<vmem_shared>> -> memref<10240x16xf32, #tpu.memory_space<vmem_shared>>
        tpu.enqueue_indirect_dma source(%arg15 : memref<125x16xf32, #tpu.memory_space<vmem>>) target(%dma_start3A_304 : memref<10240x16xf32, #tpu.memory_space<vmem_shared>>) offsets(%dma_start3A_301 : memref<125xi32, #tpu.memory_space<vmem>>) semaphore(%arg27 : memref<!tpu.dma_semaphore, #tpu.memory_space<semaphore_mem>>) {add = true}
      } else {
      }
      %rem3A_128 = arith.constant 2 : i32
      %rem3A_129 = arith.remsi %scan3A_124, %rem3A_128 : i32
      %eq3A_130 = arith.constant 1 : i32
      %eq3A_131 = arith.cmpi eq, %rem3A_129, %eq3A_130 : i32
      %convert_element_type3A_132 = arith.extui %eq3A_131 : i1 to i32
      %cond3A_133 = arith.constant 0 : i32
      %cond3A_134 = arith.cmpi ne, %convert_element_type3A_132, %cond3A_133 : i32
      scf.if %cond3A_134 {
        %ge3A = arith.constant 1 : i32
        %ge3A_135 = arith.cmpi sge, %scan3A_124, %ge3A : i32
        %convert_element_type3A_136 = arith.extui %ge3A_135 : i1 to i32
        %cond3A_137 = arith.constant 0 : i32
        %cond3A_138 = arith.cmpi ne, %convert_element_type3A_136, %cond3A_137 : i32
        scf.if %cond3A_138 {
          %sub3A = arith.constant 1 : i32
          %sub3A_305 = arith.subi %scan3A_124, %sub3A : i32
          %mul3A_306 = arith.constant 8 : i32
          %mul3A_307 = arith.muli %sub3A_305, %mul3A_306 : i32
          %add3A_308 = arith.constant 0 : i32
          %add3A_309 = arith.addi %mul3A_307, %add3A_308 : i32
          %dma_wait3A_310 = arith.constant 0 : i32
          %dma_wait3A_311 = tpu.memref_slice %arg7[%add3A_309, %dma_wait3A_310] : memref<80x125xi32, #tpu.memory_space<vmem>> -> memref<1x125xi32, #tpu.memory_space<vmem>>
          %dma_wait3A_312 = tpu.memref_squeeze %dma_wait3A_311 : memref<1x125xi32, #tpu.memory_space<vmem>> -> memref<125xi32, #tpu.memory_space<vmem>>
          %dma_wait3A_313 = arith.constant 0 : i32
          %dma_wait3A_314 = arith.constant 0 : i32
          %dma_wait3A_315 = tpu.memref_slice %arg24[%dma_wait3A_313, %dma_wait3A_314] : memref<10240x16xf32, #tpu.memory_space<vmem_shared>> -> memref<10240x16xf32, #tpu.memory_space<vmem_shared>>
          tpu.wait_indirect_dma semaphore(%arg27 : memref<!tpu.dma_semaphore, #tpu.memory_space<semaphore_mem>>) src(%arg8 : memref<125x16xf32, #tpu.memory_space<vmem>>) dst(%dma_wait3A_315 : memref<10240x16xf32, #tpu.memory_space<vmem_shared>>)
          %sub3A_316 = arith.constant 1 : i32
          %sub3A_317 = arith.subi %scan3A_124, %sub3A_316 : i32
          %mul3A_318 = arith.constant 8 : i32
          %mul3A_319 = arith.muli %sub3A_317, %mul3A_318 : i32
          %add3A_320 = arith.constant 1 : i32
          %add3A_321 = arith.addi %mul3A_319, %add3A_320 : i32
          %dma_wait3A_322 = arith.constant 0 : i32
          %dma_wait3A_323 = tpu.memref_slice %arg7[%add3A_321, %dma_wait3A_322] : memref<80x125xi32, #tpu.memory_space<vmem>> -> memref<1x125xi32, #tpu.memory_space<vmem>>
          %dma_wait3A_324 = tpu.memref_squeeze %dma_wait3A_323 : memref<1x125xi32, #tpu.memory_space<vmem>> -> memref<125xi32, #tpu.memory_space<vmem>>
          %dma_wait3A_325 = arith.constant 0 : i32
          %dma_wait3A_326 = arith.constant 0 : i32
          %dma_wait3A_327 = tpu.memref_slice %arg24[%dma_wait3A_325, %dma_wait3A_326] : memref<10240x16xf32, #tpu.memory_space<vmem_shared>> -> memref<10240x16xf32, #tpu.memory_space<vmem_shared>>
          tpu.wait_indirect_dma semaphore(%arg27 : memref<!tpu.dma_semaphore, #tpu.memory_space<semaphore_mem>>) src(%arg9 : memref<125x16xf32, #tpu.memory_space<vmem>>) dst(%dma_wait3A_327 : memref<10240x16xf32, #tpu.memory_space<vmem_shared>>)
          %sub3A_328 = arith.constant 1 : i32
          %sub3A_329 = arith.subi %scan3A_124, %sub3A_328 : i32
          %mul3A_330 = arith.constant 8 : i32
          %mul3A_331 = arith.muli %sub3A_329, %mul3A_330 : i32
          %add3A_332 = arith.constant 2 : i32
          %add3A_333 = arith.addi %mul3A_331, %add3A_332 : i32
          %dma_wait3A_334 = arith.constant 0 : i32
          %dma_wait3A_335 = tpu.memref_slice %arg7[%add3A_333, %dma_wait3A_334] : memref<80x125xi32, #tpu.memory_space<vmem>> -> memref<1x125xi32, #tpu.memory_space<vmem>>
          %dma_wait3A_336 = tpu.memref_squeeze %dma_wait3A_335 : memref<1x125xi32, #tpu.memory_space<vmem>> -> memref<125xi32, #tpu.memory_space<vmem>>
          %dma_wait3A_337 = arith.constant 0 : i32
          %dma_wait3A_338 = arith.constant 0 : i32
          %dma_wait3A_339 = tpu.memref_slice %arg24[%dma_wait3A_337, %dma_wait3A_338] : memref<10240x16xf32, #tpu.memory_space<vmem_shared>> -> memref<10240x16xf32, #tpu.memory_space<vmem_shared>>
          tpu.wait_indirect_dma semaphore(%arg27 : memref<!tpu.dma_semaphore, #tpu.memory_space<semaphore_mem>>) src(%arg10 : memref<125x16xf32, #tpu.memory_space<vmem>>) dst(%dma_wait3A_339 : memref<10240x16xf32, #tpu.memory_space<vmem_shared>>)
          %sub3A_340 = arith.constant 1 : i32
          %sub3A_341 = arith.subi %scan3A_124, %sub3A_340 : i32
          %mul3A_342 = arith.constant 8 : i32
          %mul3A_343 = arith.muli %sub3A_341, %mul3A_342 : i32
          %add3A_344 = arith.constant 3 : i32
          %add3A_345 = arith.addi %mul3A_343, %add3A_344 : i32
          %dma_wait3A_346 = arith.constant 0 : i32
          %dma_wait3A_347 = tpu.memref_slice %arg7[%add3A_345, %dma_wait3A_346] : memref<80x125xi32, #tpu.memory_space<vmem>> -> memref<1x125xi32, #tpu.memory_space<vmem>>
          %dma_wait3A_348 = tpu.memref_squeeze %dma_wait3A_347 : memref<1x125xi32, #tpu.memory_space<vmem>> -> memref<125xi32, #tpu.memory_space<vmem>>
          %dma_wait3A_349 = arith.constant 0 : i32
          %dma_wait3A_350 = arith.constant 0 : i32
          %dma_wait3A_351 = tpu.memref_slice %arg24[%dma_wait3A_349, %dma_wait3A_350] : memref<10240x16xf32, #tpu.memory_space<vmem_shared>> -> memref<10240x16xf32, #tpu.memory_space<vmem_shared>>
          tpu.wait_indirect_dma semaphore(%arg27 : memref<!tpu.dma_semaphore, #tpu.memory_space<semaphore_mem>>) src(%arg11 : memref<125x16xf32, #tpu.memory_space<vmem>>) dst(%dma_wait3A_351 : memref<10240x16xf32, #tpu.memory_space<vmem_shared>>)
          %sub3A_352 = arith.constant 1 : i32
          %sub3A_353 = arith.subi %scan3A_124, %sub3A_352 : i32
          %mul3A_354 = arith.constant 8 : i32
          %mul3A_355 = arith.muli %sub3A_353, %mul3A_354 : i32
          %add3A_356 = arith.constant 4 : i32
          %add3A_357 = arith.addi %mul3A_355, %add3A_356 : i32
          %dma_wait3A_358 = arith.constant 0 : i32
          %dma_wait3A_359 = tpu.memref_slice %arg7[%add3A_357, %dma_wait3A_358] : memref<80x125xi32, #tpu.memory_space<vmem>> -> memref<1x125xi32, #tpu.memory_space<vmem>>
          %dma_wait3A_360 = tpu.memref_squeeze %dma_wait3A_359 : memref<1x125xi32, #tpu.memory_space<vmem>> -> memref<125xi32, #tpu.memory_space<vmem>>
          %dma_wait3A_361 = arith.constant 0 : i32
          %dma_wait3A_362 = arith.constant 0 : i32
          %dma_wait3A_363 = tpu.memref_slice %arg24[%dma_wait3A_361, %dma_wait3A_362] : memref<10240x16xf32, #tpu.memory_space<vmem_shared>> -> memref<10240x16xf32, #tpu.memory_space<vmem_shared>>
          tpu.wait_indirect_dma semaphore(%arg27 : memref<!tpu.dma_semaphore, #tpu.memory_space<semaphore_mem>>) src(%arg12 : memref<125x16xf32, #tpu.memory_space<vmem>>) dst(%dma_wait3A_363 : memref<10240x16xf32, #tpu.memory_space<vmem_shared>>)
          %sub3A_364 = arith.constant 1 : i32
          %sub3A_365 = arith.subi %scan3A_124, %sub3A_364 : i32
          %mul3A_366 = arith.constant 8 : i32
          %mul3A_367 = arith.muli %sub3A_365, %mul3A_366 : i32
          %add3A_368 = arith.constant 5 : i32
          %add3A_369 = arith.addi %mul3A_367, %add3A_368 : i32
          %dma_wait3A_370 = arith.constant 0 : i32
          %dma_wait3A_371 = tpu.memref_slice %arg7[%add3A_369, %dma_wait3A_370] : memref<80x125xi32, #tpu.memory_space<vmem>> -> memref<1x125xi32, #tpu.memory_space<vmem>>
          %dma_wait3A_372 = tpu.memref_squeeze %dma_wait3A_371 : memref<1x125xi32, #tpu.memory_space<vmem>> -> memref<125xi32, #tpu.memory_space<vmem>>
          %dma_wait3A_373 = arith.constant 0 : i32
          %dma_wait3A_374 = arith.constant 0 : i32
          %dma_wait3A_375 = tpu.memref_slice %arg24[%dma_wait3A_373, %dma_wait3A_374] : memref<10240x16xf32, #tpu.memory_space<vmem_shared>> -> memref<10240x16xf32, #tpu.memory_space<vmem_shared>>
          tpu.wait_indirect_dma semaphore(%arg27 : memref<!tpu.dma_semaphore, #tpu.memory_space<semaphore_mem>>) src(%arg13 : memref<125x16xf32, #tpu.memory_space<vmem>>) dst(%dma_wait3A_375 : memref<10240x16xf32, #tpu.memory_space<vmem_shared>>)
          %sub3A_376 = arith.constant 1 : i32
          %sub3A_377 = arith.subi %scan3A_124, %sub3A_376 : i32
          %mul3A_378 = arith.constant 8 : i32
          %mul3A_379 = arith.muli %sub3A_377, %mul3A_378 : i32
          %add3A_380 = arith.constant 6 : i32
          %add3A_381 = arith.addi %mul3A_379, %add3A_380 : i32
          %dma_wait3A_382 = arith.constant 0 : i32
          %dma_wait3A_383 = tpu.memref_slice %arg7[%add3A_381, %dma_wait3A_382] : memref<80x125xi32, #tpu.memory_space<vmem>> -> memref<1x125xi32, #tpu.memory_space<vmem>>
          %dma_wait3A_384 = tpu.memref_squeeze %dma_wait3A_383 : memref<1x125xi32, #tpu.memory_space<vmem>> -> memref<125xi32, #tpu.memory_space<vmem>>
          %dma_wait3A_385 = arith.constant 0 : i32
          %dma_wait3A_386 = arith.constant 0 : i32
          %dma_wait3A_387 = tpu.memref_slice %arg24[%dma_wait3A_385, %dma_wait3A_386] : memref<10240x16xf32, #tpu.memory_space<vmem_shared>> -> memref<10240x16xf32, #tpu.memory_space<vmem_shared>>
          tpu.wait_indirect_dma semaphore(%arg27 : memref<!tpu.dma_semaphore, #tpu.memory_space<semaphore_mem>>) src(%arg14 : memref<125x16xf32, #tpu.memory_space<vmem>>) dst(%dma_wait3A_387 : memref<10240x16xf32, #tpu.memory_space<vmem_shared>>)
          %sub3A_388 = arith.constant 1 : i32
          %sub3A_389 = arith.subi %scan3A_124, %sub3A_388 : i32
          %mul3A_390 = arith.constant 8 : i32
          %mul3A_391 = arith.muli %sub3A_389, %mul3A_390 : i32
          %add3A_392 = arith.constant 7 : i32
          %add3A_393 = arith.addi %mul3A_391, %add3A_392 : i32
          %dma_wait3A_394 = arith.constant 0 : i32
          %dma_wait3A_395 = tpu.memref_slice %arg7[%add3A_393, %dma_wait3A_394] : memref<80x125xi32, #tpu.memory_space<vmem>> -> memref<1x125xi32, #tpu.memory_space<vmem>>
          %dma_wait3A_396 = tpu.memref_squeeze %dma_wait3A_395 : memref<1x125xi32, #tpu.memory_space<vmem>> -> memref<125xi32, #tpu.memory_space<vmem>>
          %dma_wait3A_397 = arith.constant 0 : i32
          %dma_wait3A_398 = arith.constant 0 : i32
          %dma_wait3A_399 = tpu.memref_slice %arg24[%dma_wait3A_397, %dma_wait3A_398] : memref<10240x16xf32, #tpu.memory_space<vmem_shared>> -> memref<10240x16xf32, #tpu.memory_space<vmem_shared>>
          tpu.wait_indirect_dma semaphore(%arg27 : memref<!tpu.dma_semaphore, #tpu.memory_space<semaphore_mem>>) src(%arg15 : memref<125x16xf32, #tpu.memory_space<vmem>>) dst(%dma_wait3A_399 : memref<10240x16xf32, #tpu.memory_space<vmem_shared>>)
        } else {
        }
        %add3A_139 = arith.constant 1 : i32
        %add3A_140 = arith.addi %scan3A_124, %add3A_139 : i32
        %lt3A = arith.constant 10 : i32
        %lt3A_141 = arith.cmpi slt, %add3A_140, %lt3A : i32
        %convert_element_type3A_142 = arith.extui %lt3A_141 : i1 to i32
        %cond3A_143 = arith.constant 0 : i32
        %cond3A_144 = arith.cmpi ne, %convert_element_type3A_142, %cond3A_143 : i32
        scf.if %cond3A_144 {
          %add3A_305 = arith.constant 1 : i32
          %add3A_306 = arith.addi %scan3A_124, %add3A_305 : i32
          %mul3A_307 = arith.constant 8 : i32
          %mul3A_308 = arith.muli %add3A_306, %mul3A_307 : i32
          %add3A_309 = arith.constant 0 : i32
          %add3A_310 = arith.addi %mul3A_308, %add3A_309 : i32
          %dma_start3A_311 = arith.constant 0 : i32
          %dma_start3A_312 = tpu.memref_slice %arg6[%add3A_310, %dma_start3A_311] : memref<80x125xi32, #tpu.memory_space<vmem>> -> memref<1x125xi32, #tpu.memory_space<vmem>>
          %dma_start3A_313 = tpu.memref_squeeze %dma_start3A_312 : memref<1x125xi32, #tpu.memory_space<vmem>> -> memref<125xi32, #tpu.memory_space<vmem>>
          %dma_start3A_314 = arith.constant 0 : i32
          %dma_start3A_315 = arith.constant 0 : i32
          %dma_start3A_316 = tpu.memref_slice %arg3[%dma_start3A_314, %dma_start3A_315] : memref<10240x16xf32, #tpu.memory_space<hbm>> -> memref<10240x16xf32, #tpu.memory_space<hbm>>
          tpu.enqueue_indirect_dma source(%dma_start3A_316 : memref<10240x16xf32, #tpu.memory_space<hbm>>) target(%arg8 : memref<125x16xf32, #tpu.memory_space<vmem>>) offsets(%dma_start3A_313 : memref<125xi32, #tpu.memory_space<vmem>>) semaphore(%arg25 : memref<!tpu.dma_semaphore, #tpu.memory_space<semaphore_mem>>)
          %add3A_317 = arith.constant 1 : i32
          %add3A_318 = arith.addi %scan3A_124, %add3A_317 : i32
          %mul3A_319 = arith.constant 8 : i32
          %mul3A_320 = arith.muli %add3A_318, %mul3A_319 : i32
          %add3A_321 = arith.constant 1 : i32
          %add3A_322 = arith.addi %mul3A_320, %add3A_321 : i32
          %dma_start3A_323 = arith.constant 0 : i32
          %dma_start3A_324 = tpu.memref_slice %arg6[%add3A_322, %dma_start3A_323] : memref<80x125xi32, #tpu.memory_space<vmem>> -> memref<1x125xi32, #tpu.memory_space<vmem>>
          %dma_start3A_325 = tpu.memref_squeeze %dma_start3A_324 : memref<1x125xi32, #tpu.memory_space<vmem>> -> memref<125xi32, #tpu.memory_space<vmem>>
          %dma_start3A_326 = arith.constant 0 : i32
          %dma_start3A_327 = arith.constant 0 : i32
          %dma_start3A_328 = tpu.memref_slice %arg3[%dma_start3A_326, %dma_start3A_327] : memref<10240x16xf32, #tpu.memory_space<hbm>> -> memref<10240x16xf32, #tpu.memory_space<hbm>>
          tpu.enqueue_indirect_dma source(%dma_start3A_328 : memref<10240x16xf32, #tpu.memory_space<hbm>>) target(%arg9 : memref<125x16xf32, #tpu.memory_space<vmem>>) offsets(%dma_start3A_325 : memref<125xi32, #tpu.memory_space<vmem>>) semaphore(%arg25 : memref<!tpu.dma_semaphore, #tpu.memory_space<semaphore_mem>>)
          %add3A_329 = arith.constant 1 : i32
          %add3A_330 = arith.addi %scan3A_124, %add3A_329 : i32
          %mul3A_331 = arith.constant 8 : i32
          %mul3A_332 = arith.muli %add3A_330, %mul3A_331 : i32
          %add3A_333 = arith.constant 2 : i32
          %add3A_334 = arith.addi %mul3A_332, %add3A_333 : i32
          %dma_start3A_335 = arith.constant 0 : i32
          %dma_start3A_336 = tpu.memref_slice %arg6[%add3A_334, %dma_start3A_335] : memref<80x125xi32, #tpu.memory_space<vmem>> -> memref<1x125xi32, #tpu.memory_space<vmem>>
          %dma_start3A_337 = tpu.memref_squeeze %dma_start3A_336 : memref<1x125xi32, #tpu.memory_space<vmem>> -> memref<125xi32, #tpu.memory_space<vmem>>
          %dma_start3A_338 = arith.constant 0 : i32
          %dma_start3A_339 = arith.constant 0 : i32
          %dma_start3A_340 = tpu.memref_slice %arg3[%dma_start3A_338, %dma_start3A_339] : memref<10240x16xf32, #tpu.memory_space<hbm>> -> memref<10240x16xf32, #tpu.memory_space<hbm>>
          tpu.enqueue_indirect_dma source(%dma_start3A_340 : memref<10240x16xf32, #tpu.memory_space<hbm>>) target(%arg10 : memref<125x16xf32, #tpu.memory_space<vmem>>) offsets(%dma_start3A_337 : memref<125xi32, #tpu.memory_space<vmem>>) semaphore(%arg25 : memref<!tpu.dma_semaphore, #tpu.memory_space<semaphore_mem>>)
          %add3A_341 = arith.constant 1 : i32
          %add3A_342 = arith.addi %scan3A_124, %add3A_341 : i32
          %mul3A_343 = arith.constant 8 : i32
          %mul3A_344 = arith.muli %add3A_342, %mul3A_343 : i32
          %add3A_345 = arith.constant 3 : i32
          %add3A_346 = arith.addi %mul3A_344, %add3A_345 : i32
          %dma_start3A_347 = arith.constant 0 : i32
          %dma_start3A_348 = tpu.memref_slice %arg6[%add3A_346, %dma_start3A_347] : memref<80x125xi32, #tpu.memory_space<vmem>> -> memref<1x125xi32, #tpu.memory_space<vmem>>
          %dma_start3A_349 = tpu.memref_squeeze %dma_start3A_348 : memref<1x125xi32, #tpu.memory_space<vmem>> -> memref<125xi32, #tpu.memory_space<vmem>>
          %dma_start3A_350 = arith.constant 0 : i32
          %dma_start3A_351 = arith.constant 0 : i32
          %dma_start3A_352 = tpu.memref_slice %arg3[%dma_start3A_350, %dma_start3A_351] : memref<10240x16xf32, #tpu.memory_space<hbm>> -> memref<10240x16xf32, #tpu.memory_space<hbm>>
          tpu.enqueue_indirect_dma source(%dma_start3A_352 : memref<10240x16xf32, #tpu.memory_space<hbm>>) target(%arg11 : memref<125x16xf32, #tpu.memory_space<vmem>>) offsets(%dma_start3A_349 : memref<125xi32, #tpu.memory_space<vmem>>) semaphore(%arg25 : memref<!tpu.dma_semaphore, #tpu.memory_space<semaphore_mem>>)
          %add3A_353 = arith.constant 1 : i32
          %add3A_354 = arith.addi %scan3A_124, %add3A_353 : i32
          %mul3A_355 = arith.constant 8 : i32
          %mul3A_356 = arith.muli %add3A_354, %mul3A_355 : i32
          %add3A_357 = arith.constant 4 : i32
          %add3A_358 = arith.addi %mul3A_356, %add3A_357 : i32
          %dma_start3A_359 = arith.constant 0 : i32
          %dma_start3A_360 = tpu.memref_slice %arg6[%add3A_358, %dma_start3A_359] : memref<80x125xi32, #tpu.memory_space<vmem>> -> memref<1x125xi32, #tpu.memory_space<vmem>>
          %dma_start3A_361 = tpu.memref_squeeze %dma_start3A_360 : memref<1x125xi32, #tpu.memory_space<vmem>> -> memref<125xi32, #tpu.memory_space<vmem>>
          %dma_start3A_362 = arith.constant 0 : i32
          %dma_start3A_363 = arith.constant 0 : i32
          %dma_start3A_364 = tpu.memref_slice %arg3[%dma_start3A_362, %dma_start3A_363] : memref<10240x16xf32, #tpu.memory_space<hbm>> -> memref<10240x16xf32, #tpu.memory_space<hbm>>
          tpu.enqueue_indirect_dma source(%dma_start3A_364 : memref<10240x16xf32, #tpu.memory_space<hbm>>) target(%arg12 : memref<125x16xf32, #tpu.memory_space<vmem>>) offsets(%dma_start3A_361 : memref<125xi32, #tpu.memory_space<vmem>>) semaphore(%arg25 : memref<!tpu.dma_semaphore, #tpu.memory_space<semaphore_mem>>)
          %add3A_365 = arith.constant 1 : i32
          %add3A_366 = arith.addi %scan3A_124, %add3A_365 : i32
          %mul3A_367 = arith.constant 8 : i32
          %mul3A_368 = arith.muli %add3A_366, %mul3A_367 : i32
          %add3A_369 = arith.constant 5 : i32
          %add3A_370 = arith.addi %mul3A_368, %add3A_369 : i32
          %dma_start3A_371 = arith.constant 0 : i32
          %dma_start3A_372 = tpu.memref_slice %arg6[%add3A_370, %dma_start3A_371] : memref<80x125xi32, #tpu.memory_space<vmem>> -> memref<1x125xi32, #tpu.memory_space<vmem>>
          %dma_start3A_373 = tpu.memref_squeeze %dma_start3A_372 : memref<1x125xi32, #tpu.memory_space<vmem>> -> memref<125xi32, #tpu.memory_space<vmem>>
          %dma_start3A_374 = arith.constant 0 : i32
          %dma_start3A_375 = arith.constant 0 : i32
          %dma_start3A_376 = tpu.memref_slice %arg3[%dma_start3A_374, %dma_start3A_375] : memref<10240x16xf32, #tpu.memory_space<hbm>> -> memref<10240x16xf32, #tpu.memory_space<hbm>>
          tpu.enqueue_indirect_dma source(%dma_start3A_376 : memref<10240x16xf32, #tpu.memory_space<hbm>>) target(%arg13 : memref<125x16xf32, #tpu.memory_space<vmem>>) offsets(%dma_start3A_373 : memref<125xi32, #tpu.memory_space<vmem>>) semaphore(%arg25 : memref<!tpu.dma_semaphore, #tpu.memory_space<semaphore_mem>>)
          %add3A_377 = arith.constant 1 : i32
          %add3A_378 = arith.addi %scan3A_124, %add3A_377 : i32
          %mul3A_379 = arith.constant 8 : i32
          %mul3A_380 = arith.muli %add3A_378, %mul3A_379 : i32
          %add3A_381 = arith.constant 6 : i32
          %add3A_382 = arith.addi %mul3A_380, %add3A_381 : i32
          %dma_start3A_383 = arith.constant 0 : i32
          %dma_start3A_384 = tpu.memref_slice %arg6[%add3A_382, %dma_start3A_383] : memref<80x125xi32, #tpu.memory_space<vmem>> -> memref<1x125xi32, #tpu.memory_space<vmem>>
          %dma_start3A_385 = tpu.memref_squeeze %dma_start3A_384 : memref<1x125xi32, #tpu.memory_space<vmem>> -> memref<125xi32, #tpu.memory_space<vmem>>
          %dma_start3A_386 = arith.constant 0 : i32
          %dma_start3A_387 = arith.constant 0 : i32
          %dma_start3A_388 = tpu.memref_slice %arg3[%dma_start3A_386, %dma_start3A_387] : memref<10240x16xf32, #tpu.memory_space<hbm>> -> memref<10240x16xf32, #tpu.memory_space<hbm>>
          tpu.enqueue_indirect_dma source(%dma_start3A_388 : memref<10240x16xf32, #tpu.memory_space<hbm>>) target(%arg14 : memref<125x16xf32, #tpu.memory_space<vmem>>) offsets(%dma_start3A_385 : memref<125xi32, #tpu.memory_space<vmem>>) semaphore(%arg25 : memref<!tpu.dma_semaphore, #tpu.memory_space<semaphore_mem>>)
          %add3A_389 = arith.constant 1 : i32
          %add3A_390 = arith.addi %scan3A_124, %add3A_389 : i32
          %mul3A_391 = arith.constant 8 : i32
          %mul3A_392 = arith.muli %add3A_390, %mul3A_391 : i32
          %add3A_393 = arith.constant 7 : i32
          %add3A_394 = arith.addi %mul3A_392, %add3A_393 : i32
          %dma_start3A_395 = arith.constant 0 : i32
          %dma_start3A_396 = tpu.memref_slice %arg6[%add3A_394, %dma_start3A_395] : memref<80x125xi32, #tpu.memory_space<vmem>> -> memref<1x125xi32, #tpu.memory_space<vmem>>
          %dma_start3A_397 = tpu.memref_squeeze %dma_start3A_396 : memref<1x125xi32, #tpu.memory_space<vmem>> -> memref<125xi32, #tpu.memory_space<vmem>>
          %dma_start3A_398 = arith.constant 0 : i32
          %dma_start3A_399 = arith.constant 0 : i32
          %dma_start3A_400 = tpu.memref_slice %arg3[%dma_start3A_398, %dma_start3A_399] : memref<10240x16xf32, #tpu.memory_space<hbm>> -> memref<10240x16xf32, #tpu.memory_space<hbm>>
          tpu.enqueue_indirect_dma source(%dma_start3A_400 : memref<10240x16xf32, #tpu.memory_space<hbm>>) target(%arg15 : memref<125x16xf32, #tpu.memory_space<vmem>>) offsets(%dma_start3A_397 : memref<125xi32, #tpu.memory_space<vmem>>) semaphore(%arg25 : memref<!tpu.dma_semaphore, #tpu.memory_space<semaphore_mem>>)
        } else {
        }
        %mul3A_145 = arith.constant 8 : i32
        %mul3A_146 = arith.muli %scan3A_124, %mul3A_145 : i32
        %add3A_147 = arith.constant 0 : i32
        %add3A_148 = arith.addi %mul3A_146, %add3A_147 : i32
        %dma_wait3A_149 = arith.constant 0 : i32
        %dma_wait3A_150 = tpu.memref_slice %arg6[%add3A_148, %dma_wait3A_149] : memref<80x125xi32, #tpu.memory_space<vmem>> -> memref<1x125xi32, #tpu.memory_space<vmem>>
        %dma_wait3A_151 = tpu.memref_squeeze %dma_wait3A_150 : memref<1x125xi32, #tpu.memory_space<vmem>> -> memref<125xi32, #tpu.memory_space<vmem>>
        %dma_wait3A_152 = arith.constant 0 : i32
        %dma_wait3A_153 = arith.constant 0 : i32
        %dma_wait3A_154 = tpu.memref_slice %arg3[%dma_wait3A_152, %dma_wait3A_153] : memref<10240x16xf32, #tpu.memory_space<hbm>> -> memref<10240x16xf32, #tpu.memory_space<hbm>>
        tpu.wait_indirect_dma semaphore(%arg26 : memref<!tpu.dma_semaphore, #tpu.memory_space<semaphore_mem>>) src(%dma_wait3A_154 : memref<10240x16xf32, #tpu.memory_space<hbm>>) dst(%arg16 : memref<125x16xf32, #tpu.memory_space<vmem>>)
        %mul3A_155 = arith.constant 8 : i32
        %mul3A_156 = arith.muli %scan3A_124, %mul3A_155 : i32
        %add3A_157 = arith.constant 1 : i32
        %add3A_158 = arith.addi %mul3A_156, %add3A_157 : i32
        %dma_wait3A_159 = arith.constant 0 : i32
        %dma_wait3A_160 = tpu.memref_slice %arg6[%add3A_158, %dma_wait3A_159] : memref<80x125xi32, #tpu.memory_space<vmem>> -> memref<1x125xi32, #tpu.memory_space<vmem>>
        %dma_wait3A_161 = tpu.memref_squeeze %dma_wait3A_160 : memref<1x125xi32, #tpu.memory_space<vmem>> -> memref<125xi32, #tpu.memory_space<vmem>>
        %dma_wait3A_162 = arith.constant 0 : i32
        %dma_wait3A_163 = arith.constant 0 : i32
        %dma_wait3A_164 = tpu.memref_slice %arg3[%dma_wait3A_162, %dma_wait3A_163] : memref<10240x16xf32, #tpu.memory_space<hbm>> -> memref<10240x16xf32, #tpu.memory_space<hbm>>
        tpu.wait_indirect_dma semaphore(%arg26 : memref<!tpu.dma_semaphore, #tpu.memory_space<semaphore_mem>>) src(%dma_wait3A_164 : memref<10240x16xf32, #tpu.memory_space<hbm>>) dst(%arg17 : memref<125x16xf32, #tpu.memory_space<vmem>>)
        %mul3A_165 = arith.constant 8 : i32
        %mul3A_166 = arith.muli %scan3A_124, %mul3A_165 : i32
        %add3A_167 = arith.constant 2 : i32
        %add3A_168 = arith.addi %mul3A_166, %add3A_167 : i32
        %dma_wait3A_169 = arith.constant 0 : i32
        %dma_wait3A_170 = tpu.memref_slice %arg6[%add3A_168, %dma_wait3A_169] : memref<80x125xi32, #tpu.memory_space<vmem>> -> memref<1x125xi32, #tpu.memory_space<vmem>>
        %dma_wait3A_171 = tpu.memref_squeeze %dma_wait3A_170 : memref<1x125xi32, #tpu.memory_space<vmem>> -> memref<125xi32, #tpu.memory_space<vmem>>
        %dma_wait3A_172 = arith.constant 0 : i32
        %dma_wait3A_173 = arith.constant 0 : i32
        %dma_wait3A_174 = tpu.memref_slice %arg3[%dma_wait3A_172, %dma_wait3A_173] : memref<10240x16xf32, #tpu.memory_space<hbm>> -> memref<10240x16xf32, #tpu.memory_space<hbm>>
        tpu.wait_indirect_dma semaphore(%arg26 : memref<!tpu.dma_semaphore, #tpu.memory_space<semaphore_mem>>) src(%dma_wait3A_174 : memref<10240x16xf32, #tpu.memory_space<hbm>>) dst(%arg18 : memref<125x16xf32, #tpu.memory_space<vmem>>)
        %mul3A_175 = arith.constant 8 : i32
        %mul3A_176 = arith.muli %scan3A_124, %mul3A_175 : i32
        %add3A_177 = arith.constant 3 : i32
        %add3A_178 = arith.addi %mul3A_176, %add3A_177 : i32
        %dma_wait3A_179 = arith.constant 0 : i32
        %dma_wait3A_180 = tpu.memref_slice %arg6[%add3A_178, %dma_wait3A_179] : memref<80x125xi32, #tpu.memory_space<vmem>> -> memref<1x125xi32, #tpu.memory_space<vmem>>
        %dma_wait3A_181 = tpu.memref_squeeze %dma_wait3A_180 : memref<1x125xi32, #tpu.memory_space<vmem>> -> memref<125xi32, #tpu.memory_space<vmem>>
        %dma_wait3A_182 = arith.constant 0 : i32
        %dma_wait3A_183 = arith.constant 0 : i32
        %dma_wait3A_184 = tpu.memref_slice %arg3[%dma_wait3A_182, %dma_wait3A_183] : memref<10240x16xf32, #tpu.memory_space<hbm>> -> memref<10240x16xf32, #tpu.memory_space<hbm>>
        tpu.wait_indirect_dma semaphore(%arg26 : memref<!tpu.dma_semaphore, #tpu.memory_space<semaphore_mem>>) src(%dma_wait3A_184 : memref<10240x16xf32, #tpu.memory_space<hbm>>) dst(%arg19 : memref<125x16xf32, #tpu.memory_space<vmem>>)
        %mul3A_185 = arith.constant 8 : i32
        %mul3A_186 = arith.muli %scan3A_124, %mul3A_185 : i32
        %add3A_187 = arith.constant 4 : i32
        %add3A_188 = arith.addi %mul3A_186, %add3A_187 : i32
        %dma_wait3A_189 = arith.constant 0 : i32
        %dma_wait3A_190 = tpu.memref_slice %arg6[%add3A_188, %dma_wait3A_189] : memref<80x125xi32, #tpu.memory_space<vmem>> -> memref<1x125xi32, #tpu.memory_space<vmem>>
        %dma_wait3A_191 = tpu.memref_squeeze %dma_wait3A_190 : memref<1x125xi32, #tpu.memory_space<vmem>> -> memref<125xi32, #tpu.memory_space<vmem>>
        %dma_wait3A_192 = arith.constant 0 : i32
        %dma_wait3A_193 = arith.constant 0 : i32
        %dma_wait3A_194 = tpu.memref_slice %arg3[%dma_wait3A_192, %dma_wait3A_193] : memref<10240x16xf32, #tpu.memory_space<hbm>> -> memref<10240x16xf32, #tpu.memory_space<hbm>>
        tpu.wait_indirect_dma semaphore(%arg26 : memref<!tpu.dma_semaphore, #tpu.memory_space<semaphore_mem>>) src(%dma_wait3A_194 : memref<10240x16xf32, #tpu.memory_space<hbm>>) dst(%arg20 : memref<125x16xf32, #tpu.memory_space<vmem>>)
        %mul3A_195 = arith.constant 8 : i32
        %mul3A_196 = arith.muli %scan3A_124, %mul3A_195 : i32
        %add3A_197 = arith.constant 5 : i32
        %add3A_198 = arith.addi %mul3A_196, %add3A_197 : i32
        %dma_wait3A_199 = arith.constant 0 : i32
        %dma_wait3A_200 = tpu.memref_slice %arg6[%add3A_198, %dma_wait3A_199] : memref<80x125xi32, #tpu.memory_space<vmem>> -> memref<1x125xi32, #tpu.memory_space<vmem>>
        %dma_wait3A_201 = tpu.memref_squeeze %dma_wait3A_200 : memref<1x125xi32, #tpu.memory_space<vmem>> -> memref<125xi32, #tpu.memory_space<vmem>>
        %dma_wait3A_202 = arith.constant 0 : i32
        %dma_wait3A_203 = arith.constant 0 : i32
        %dma_wait3A_204 = tpu.memref_slice %arg3[%dma_wait3A_202, %dma_wait3A_203] : memref<10240x16xf32, #tpu.memory_space<hbm>> -> memref<10240x16xf32, #tpu.memory_space<hbm>>
        tpu.wait_indirect_dma semaphore(%arg26 : memref<!tpu.dma_semaphore, #tpu.memory_space<semaphore_mem>>) src(%dma_wait3A_204 : memref<10240x16xf32, #tpu.memory_space<hbm>>) dst(%arg21 : memref<125x16xf32, #tpu.memory_space<vmem>>)
        %mul3A_205 = arith.constant 8 : i32
        %mul3A_206 = arith.muli %scan3A_124, %mul3A_205 : i32
        %add3A_207 = arith.constant 6 : i32
        %add3A_208 = arith.addi %mul3A_206, %add3A_207 : i32
        %dma_wait3A_209 = arith.constant 0 : i32
        %dma_wait3A_210 = tpu.memref_slice %arg6[%add3A_208, %dma_wait3A_209] : memref<80x125xi32, #tpu.memory_space<vmem>> -> memref<1x125xi32, #tpu.memory_space<vmem>>
        %dma_wait3A_211 = tpu.memref_squeeze %dma_wait3A_210 : memref<1x125xi32, #tpu.memory_space<vmem>> -> memref<125xi32, #tpu.memory_space<vmem>>
        %dma_wait3A_212 = arith.constant 0 : i32
        %dma_wait3A_213 = arith.constant 0 : i32
        %dma_wait3A_214 = tpu.memref_slice %arg3[%dma_wait3A_212, %dma_wait3A_213] : memref<10240x16xf32, #tpu.memory_space<hbm>> -> memref<10240x16xf32, #tpu.memory_space<hbm>>
        tpu.wait_indirect_dma semaphore(%arg26 : memref<!tpu.dma_semaphore, #tpu.memory_space<semaphore_mem>>) src(%dma_wait3A_214 : memref<10240x16xf32, #tpu.memory_space<hbm>>) dst(%arg22 : memref<125x16xf32, #tpu.memory_space<vmem>>)
        %mul3A_215 = arith.constant 8 : i32
        %mul3A_216 = arith.muli %scan3A_124, %mul3A_215 : i32
        %add3A_217 = arith.constant 7 : i32
        %add3A_218 = arith.addi %mul3A_216, %add3A_217 : i32
        %dma_wait3A_219 = arith.constant 0 : i32
        %dma_wait3A_220 = tpu.memref_slice %arg6[%add3A_218, %dma_wait3A_219] : memref<80x125xi32, #tpu.memory_space<vmem>> -> memref<1x125xi32, #tpu.memory_space<vmem>>
        %dma_wait3A_221 = tpu.memref_squeeze %dma_wait3A_220 : memref<1x125xi32, #tpu.memory_space<vmem>> -> memref<125xi32, #tpu.memory_space<vmem>>
        %dma_wait3A_222 = arith.constant 0 : i32
        %dma_wait3A_223 = arith.constant 0 : i32
        %dma_wait3A_224 = tpu.memref_slice %arg3[%dma_wait3A_222, %dma_wait3A_223] : memref<10240x16xf32, #tpu.memory_space<hbm>> -> memref<10240x16xf32, #tpu.memory_space<hbm>>
        tpu.wait_indirect_dma semaphore(%arg26 : memref<!tpu.dma_semaphore, #tpu.memory_space<semaphore_mem>>) src(%dma_wait3A_224 : memref<10240x16xf32, #tpu.memory_space<hbm>>) dst(%arg23 : memref<125x16xf32, #tpu.memory_space<vmem>>)
        %mul3A_225 = arith.constant 8 : i32
        %mul3A_226 = arith.muli %scan3A_124, %mul3A_225 : i32
        %add3A_227 = arith.constant 0 : i32
        %add3A_228 = arith.addi %mul3A_226, %add3A_227 : i32
        %dma_start3A_229 = arith.constant 0 : i32
        %dma_start3A_230 = tpu.memref_slice %arg7[%add3A_228, %dma_start3A_229] : memref<80x125xi32, #tpu.memory_space<vmem>> -> memref<1x125xi32, #tpu.memory_space<vmem>>
        %dma_start3A_231 = tpu.memref_squeeze %dma_start3A_230 : memref<1x125xi32, #tpu.memory_space<vmem>> -> memref<125xi32, #tpu.memory_space<vmem>>
        %dma_start3A_232 = arith.constant 0 : i32
        %dma_start3A_233 = arith.constant 0 : i32
        %dma_start3A_234 = tpu.memref_slice %arg24[%dma_start3A_232, %dma_start3A_233] : memref<10240x16xf32, #tpu.memory_space<vmem_shared>> -> memref<10240x16xf32, #tpu.memory_space<vmem_shared>>
        tpu.enqueue_indirect_dma source(%arg16 : memref<125x16xf32, #tpu.memory_space<vmem>>) target(%dma_start3A_234 : memref<10240x16xf32, #tpu.memory_space<vmem_shared>>) offsets(%dma_start3A_231 : memref<125xi32, #tpu.memory_space<vmem>>) semaphore(%arg28 : memref<!tpu.dma_semaphore, #tpu.memory_space<semaphore_mem>>) {add = true}
        %mul3A_235 = arith.constant 8 : i32
        %mul3A_236 = arith.muli %scan3A_124, %mul3A_235 : i32
        %add3A_237 = arith.constant 1 : i32
        %add3A_238 = arith.addi %mul3A_236, %add3A_237 : i32
        %dma_start3A_239 = arith.constant 0 : i32
        %dma_start3A_240 = tpu.memref_slice %arg7[%add3A_238, %dma_start3A_239] : memref<80x125xi32, #tpu.memory_space<vmem>> -> memref<1x125xi32, #tpu.memory_space<vmem>>
        %dma_start3A_241 = tpu.memref_squeeze %dma_start3A_240 : memref<1x125xi32, #tpu.memory_space<vmem>> -> memref<125xi32, #tpu.memory_space<vmem>>
        %dma_start3A_242 = arith.constant 0 : i32
        %dma_start3A_243 = arith.constant 0 : i32
        %dma_start3A_244 = tpu.memref_slice %arg24[%dma_start3A_242, %dma_start3A_243] : memref<10240x16xf32, #tpu.memory_space<vmem_shared>> -> memref<10240x16xf32, #tpu.memory_space<vmem_shared>>
        tpu.enqueue_indirect_dma source(%arg17 : memref<125x16xf32, #tpu.memory_space<vmem>>) target(%dma_start3A_244 : memref<10240x16xf32, #tpu.memory_space<vmem_shared>>) offsets(%dma_start3A_241 : memref<125xi32, #tpu.memory_space<vmem>>) semaphore(%arg28 : memref<!tpu.dma_semaphore, #tpu.memory_space<semaphore_mem>>) {add = true}
        %mul3A_245 = arith.constant 8 : i32
        %mul3A_246 = arith.muli %scan3A_124, %mul3A_245 : i32
        %add3A_247 = arith.constant 2 : i32
        %add3A_248 = arith.addi %mul3A_246, %add3A_247 : i32
        %dma_start3A_249 = arith.constant 0 : i32
        %dma_start3A_250 = tpu.memref_slice %arg7[%add3A_248, %dma_start3A_249] : memref<80x125xi32, #tpu.memory_space<vmem>> -> memref<1x125xi32, #tpu.memory_space<vmem>>
        %dma_start3A_251 = tpu.memref_squeeze %dma_start3A_250 : memref<1x125xi32, #tpu.memory_space<vmem>> -> memref<125xi32, #tpu.memory_space<vmem>>
        %dma_start3A_252 = arith.constant 0 : i32
        %dma_start3A_253 = arith.constant 0 : i32
        %dma_start3A_254 = tpu.memref_slice %arg24[%dma_start3A_252, %dma_start3A_253] : memref<10240x16xf32, #tpu.memory_space<vmem_shared>> -> memref<10240x16xf32, #tpu.memory_space<vmem_shared>>
        tpu.enqueue_indirect_dma source(%arg18 : memref<125x16xf32, #tpu.memory_space<vmem>>) target(%dma_start3A_254 : memref<10240x16xf32, #tpu.memory_space<vmem_shared>>) offsets(%dma_start3A_251 : memref<125xi32, #tpu.memory_space<vmem>>) semaphore(%arg28 : memref<!tpu.dma_semaphore, #tpu.memory_space<semaphore_mem>>) {add = true}
        %mul3A_255 = arith.constant 8 : i32
        %mul3A_256 = arith.muli %scan3A_124, %mul3A_255 : i32
        %add3A_257 = arith.constant 3 : i32
        %add3A_258 = arith.addi %mul3A_256, %add3A_257 : i32
        %dma_start3A_259 = arith.constant 0 : i32
        %dma_start3A_260 = tpu.memref_slice %arg7[%add3A_258, %dma_start3A_259] : memref<80x125xi32, #tpu.memory_space<vmem>> -> memref<1x125xi32, #tpu.memory_space<vmem>>
        %dma_start3A_261 = tpu.memref_squeeze %dma_start3A_260 : memref<1x125xi32, #tpu.memory_space<vmem>> -> memref<125xi32, #tpu.memory_space<vmem>>
        %dma_start3A_262 = arith.constant 0 : i32
        %dma_start3A_263 = arith.constant 0 : i32
        %dma_start3A_264 = tpu.memref_slice %arg24[%dma_start3A_262, %dma_start3A_263] : memref<10240x16xf32, #tpu.memory_space<vmem_shared>> -> memref<10240x16xf32, #tpu.memory_space<vmem_shared>>
        tpu.enqueue_indirect_dma source(%arg19 : memref<125x16xf32, #tpu.memory_space<vmem>>) target(%dma_start3A_264 : memref<10240x16xf32, #tpu.memory_space<vmem_shared>>) offsets(%dma_start3A_261 : memref<125xi32, #tpu.memory_space<vmem>>) semaphore(%arg28 : memref<!tpu.dma_semaphore, #tpu.memory_space<semaphore_mem>>) {add = true}
        %mul3A_265 = arith.constant 8 : i32
        %mul3A_266 = arith.muli %scan3A_124, %mul3A_265 : i32
        %add3A_267 = arith.constant 4 : i32
        %add3A_268 = arith.addi %mul3A_266, %add3A_267 : i32
        %dma_start3A_269 = arith.constant 0 : i32
        %dma_start3A_270 = tpu.memref_slice %arg7[%add3A_268, %dma_start3A_269] : memref<80x125xi32, #tpu.memory_space<vmem>> -> memref<1x125xi32, #tpu.memory_space<vmem>>
        %dma_start3A_271 = tpu.memref_squeeze %dma_start3A_270 : memref<1x125xi32, #tpu.memory_space<vmem>> -> memref<125xi32, #tpu.memory_space<vmem>>
        %dma_start3A_272 = arith.constant 0 : i32
        %dma_start3A_273 = arith.constant 0 : i32
        %dma_start3A_274 = tpu.memref_slice %arg24[%dma_start3A_272, %dma_start3A_273] : memref<10240x16xf32, #tpu.memory_space<vmem_shared>> -> memref<10240x16xf32, #tpu.memory_space<vmem_shared>>
        tpu.enqueue_indirect_dma source(%arg20 : memref<125x16xf32, #tpu.memory_space<vmem>>) target(%dma_start3A_274 : memref<10240x16xf32, #tpu.memory_space<vmem_shared>>) offsets(%dma_start3A_271 : memref<125xi32, #tpu.memory_space<vmem>>) semaphore(%arg28 : memref<!tpu.dma_semaphore, #tpu.memory_space<semaphore_mem>>) {add = true}
        %mul3A_275 = arith.constant 8 : i32
        %mul3A_276 = arith.muli %scan3A_124, %mul3A_275 : i32
        %add3A_277 = arith.constant 5 : i32
        %add3A_278 = arith.addi %mul3A_276, %add3A_277 : i32
        %dma_start3A_279 = arith.constant 0 : i32
        %dma_start3A_280 = tpu.memref_slice %arg7[%add3A_278, %dma_start3A_279] : memref<80x125xi32, #tpu.memory_space<vmem>> -> memref<1x125xi32, #tpu.memory_space<vmem>>
        %dma_start3A_281 = tpu.memref_squeeze %dma_start3A_280 : memref<1x125xi32, #tpu.memory_space<vmem>> -> memref<125xi32, #tpu.memory_space<vmem>>
        %dma_start3A_282 = arith.constant 0 : i32
        %dma_start3A_283 = arith.constant 0 : i32
        %dma_start3A_284 = tpu.memref_slice %arg24[%dma_start3A_282, %dma_start3A_283] : memref<10240x16xf32, #tpu.memory_space<vmem_shared>> -> memref<10240x16xf32, #tpu.memory_space<vmem_shared>>
        tpu.enqueue_indirect_dma source(%arg21 : memref<125x16xf32, #tpu.memory_space<vmem>>) target(%dma_start3A_284 : memref<10240x16xf32, #tpu.memory_space<vmem_shared>>) offsets(%dma_start3A_281 : memref<125xi32, #tpu.memory_space<vmem>>) semaphore(%arg28 : memref<!tpu.dma_semaphore, #tpu.memory_space<semaphore_mem>>) {add = true}
        %mul3A_285 = arith.constant 8 : i32
        %mul3A_286 = arith.muli %scan3A_124, %mul3A_285 : i32
        %add3A_287 = arith.constant 6 : i32
        %add3A_288 = arith.addi %mul3A_286, %add3A_287 : i32
        %dma_start3A_289 = arith.constant 0 : i32
        %dma_start3A_290 = tpu.memref_slice %arg7[%add3A_288, %dma_start3A_289] : memref<80x125xi32, #tpu.memory_space<vmem>> -> memref<1x125xi32, #tpu.memory_space<vmem>>
        %dma_start3A_291 = tpu.memref_squeeze %dma_start3A_290 : memref<1x125xi32, #tpu.memory_space<vmem>> -> memref<125xi32, #tpu.memory_space<vmem>>
        %dma_start3A_292 = arith.constant 0 : i32
        %dma_start3A_293 = arith.constant 0 : i32
        %dma_start3A_294 = tpu.memref_slice %arg24[%dma_start3A_292, %dma_start3A_293] : memref<10240x16xf32, #tpu.memory_space<vmem_shared>> -> memref<10240x16xf32, #tpu.memory_space<vmem_shared>>
        tpu.enqueue_indirect_dma source(%arg22 : memref<125x16xf32, #tpu.memory_space<vmem>>) target(%dma_start3A_294 : memref<10240x16xf32, #tpu.memory_space<vmem_shared>>) offsets(%dma_start3A_291 : memref<125xi32, #tpu.memory_space<vmem>>) semaphore(%arg28 : memref<!tpu.dma_semaphore, #tpu.memory_space<semaphore_mem>>) {add = true}
        %mul3A_295 = arith.constant 8 : i32
        %mul3A_296 = arith.muli %scan3A_124, %mul3A_295 : i32
        %add3A_297 = arith.constant 7 : i32
        %add3A_298 = arith.addi %mul3A_296, %add3A_297 : i32
        %dma_start3A_299 = arith.constant 0 : i32
        %dma_start3A_300 = tpu.memref_slice %arg7[%add3A_298, %dma_start3A_299] : memref<80x125xi32, #tpu.memory_space<vmem>> -> memref<1x125xi32, #tpu.memory_space<vmem>>
        %dma_start3A_301 = tpu.memref_squeeze %dma_start3A_300 : memref<1x125xi32, #tpu.memory_space<vmem>> -> memref<125xi32, #tpu.memory_space<vmem>>
        %dma_start3A_302 = arith.constant 0 : i32
        %dma_start3A_303 = arith.constant 0 : i32
        %dma_start3A_304 = tpu.memref_slice %arg24[%dma_start3A_302, %dma_start3A_303] : memref<10240x16xf32, #tpu.memory_space<vmem_shared>> -> memref<10240x16xf32, #tpu.memory_space<vmem_shared>>
        tpu.enqueue_indirect_dma source(%arg23 : memref<125x16xf32, #tpu.memory_space<vmem>>) target(%dma_start3A_304 : memref<10240x16xf32, #tpu.memory_space<vmem_shared>>) offsets(%dma_start3A_301 : memref<125xi32, #tpu.memory_space<vmem>>) semaphore(%arg28 : memref<!tpu.dma_semaphore, #tpu.memory_space<semaphore_mem>>) {add = true}
      } else {
      }
    }
    %scan3A_67 = arith.constant 10 : i32
    %dma_wait3A = arith.constant 72 : i32
    %dma_wait3A_68 = arith.constant 0 : i32
    %dma_wait3A_69 = tpu.memref_slice %arg7[%dma_wait3A, %dma_wait3A_68] : memref<80x125xi32, #tpu.memory_space<vmem>> -> memref<1x125xi32, #tpu.memory_space<vmem>>
    %dma_wait3A_70 = tpu.memref_squeeze %dma_wait3A_69 : memref<1x125xi32, #tpu.memory_space<vmem>> -> memref<125xi32, #tpu.memory_space<vmem>>
    %dma_wait3A_71 = arith.constant 0 : i32
    %dma_wait3A_72 = arith.constant 0 : i32
    %dma_wait3A_73 = tpu.memref_slice %arg24[%dma_wait3A_71, %dma_wait3A_72] : memref<10240x16xf32, #tpu.memory_space<vmem_shared>> -> memref<10240x16xf32, #tpu.memory_space<vmem_shared>>
    tpu.wait_indirect_dma semaphore(%arg28 : memref<!tpu.dma_semaphore, #tpu.memory_space<semaphore_mem>>) src(%arg16 : memref<125x16xf32, #tpu.memory_space<vmem>>) dst(%dma_wait3A_73 : memref<10240x16xf32, #tpu.memory_space<vmem_shared>>)
    %dma_wait3A_74 = arith.constant 73 : i32
    %dma_wait3A_75 = arith.constant 0 : i32
    %dma_wait3A_76 = tpu.memref_slice %arg7[%dma_wait3A_74, %dma_wait3A_75] : memref<80x125xi32, #tpu.memory_space<vmem>> -> memref<1x125xi32, #tpu.memory_space<vmem>>
    %dma_wait3A_77 = tpu.memref_squeeze %dma_wait3A_76 : memref<1x125xi32, #tpu.memory_space<vmem>> -> memref<125xi32, #tpu.memory_space<vmem>>
    %dma_wait3A_78 = arith.constant 0 : i32
    %dma_wait3A_79 = arith.constant 0 : i32
    %dma_wait3A_80 = tpu.memref_slice %arg24[%dma_wait3A_78, %dma_wait3A_79] : memref<10240x16xf32, #tpu.memory_space<vmem_shared>> -> memref<10240x16xf32, #tpu.memory_space<vmem_shared>>
    tpu.wait_indirect_dma semaphore(%arg28 : memref<!tpu.dma_semaphore, #tpu.memory_space<semaphore_mem>>) src(%arg17 : memref<125x16xf32, #tpu.memory_space<vmem>>) dst(%dma_wait3A_80 : memref<10240x16xf32, #tpu.memory_space<vmem_shared>>)
    %dma_wait3A_81 = arith.constant 74 : i32
    %dma_wait3A_82 = arith.constant 0 : i32
    %dma_wait3A_83 = tpu.memref_slice %arg7[%dma_wait3A_81, %dma_wait3A_82] : memref<80x125xi32, #tpu.memory_space<vmem>> -> memref<1x125xi32, #tpu.memory_space<vmem>>
    %dma_wait3A_84 = tpu.memref_squeeze %dma_wait3A_83 : memref<1x125xi32, #tpu.memory_space<vmem>> -> memref<125xi32, #tpu.memory_space<vmem>>
    %dma_wait3A_85 = arith.constant 0 : i32
    %dma_wait3A_86 = arith.constant 0 : i32
    %dma_wait3A_87 = tpu.memref_slice %arg24[%dma_wait3A_85, %dma_wait3A_86] : memref<10240x16xf32, #tpu.memory_space<vmem_shared>> -> memref<10240x16xf32, #tpu.memory_space<vmem_shared>>
    tpu.wait_indirect_dma semaphore(%arg28 : memref<!tpu.dma_semaphore, #tpu.memory_space<semaphore_mem>>) src(%arg18 : memref<125x16xf32, #tpu.memory_space<vmem>>) dst(%dma_wait3A_87 : memref<10240x16xf32, #tpu.memory_space<vmem_shared>>)
    %dma_wait3A_88 = arith.constant 75 : i32
    %dma_wait3A_89 = arith.constant 0 : i32
    %dma_wait3A_90 = tpu.memref_slice %arg7[%dma_wait3A_88, %dma_wait3A_89] : memref<80x125xi32, #tpu.memory_space<vmem>> -> memref<1x125xi32, #tpu.memory_space<vmem>>
    %dma_wait3A_91 = tpu.memref_squeeze %dma_wait3A_90 : memref<1x125xi32, #tpu.memory_space<vmem>> -> memref<125xi32, #tpu.memory_space<vmem>>
    %dma_wait3A_92 = arith.constant 0 : i32
    %dma_wait3A_93 = arith.constant 0 : i32
    %dma_wait3A_94 = tpu.memref_slice %arg24[%dma_wait3A_92, %dma_wait3A_93] : memref<10240x16xf32, #tpu.memory_space<vmem_shared>> -> memref<10240x16xf32, #tpu.memory_space<vmem_shared>>
    tpu.wait_indirect_dma semaphore(%arg28 : memref<!tpu.dma_semaphore, #tpu.memory_space<semaphore_mem>>) src(%arg19 : memref<125x16xf32, #tpu.memory_space<vmem>>) dst(%dma_wait3A_94 : memref<10240x16xf32, #tpu.memory_space<vmem_shared>>)
    %dma_wait3A_95 = arith.constant 76 : i32
    %dma_wait3A_96 = arith.constant 0 : i32
    %dma_wait3A_97 = tpu.memref_slice %arg7[%dma_wait3A_95, %dma_wait3A_96] : memref<80x125xi32, #tpu.memory_space<vmem>> -> memref<1x125xi32, #tpu.memory_space<vmem>>
    %dma_wait3A_98 = tpu.memref_squeeze %dma_wait3A_97 : memref<1x125xi32, #tpu.memory_space<vmem>> -> memref<125xi32, #tpu.memory_space<vmem>>
    %dma_wait3A_99 = arith.constant 0 : i32
    %dma_wait3A_100 = arith.constant 0 : i32
    %dma_wait3A_101 = tpu.memref_slice %arg24[%dma_wait3A_99, %dma_wait3A_100] : memref<10240x16xf32, #tpu.memory_space<vmem_shared>> -> memref<10240x16xf32, #tpu.memory_space<vmem_shared>>
    tpu.wait_indirect_dma semaphore(%arg28 : memref<!tpu.dma_semaphore, #tpu.memory_space<semaphore_mem>>) src(%arg20 : memref<125x16xf32, #tpu.memory_space<vmem>>) dst(%dma_wait3A_101 : memref<10240x16xf32, #tpu.memory_space<vmem_shared>>)
    %dma_wait3A_102 = arith.constant 77 : i32
    %dma_wait3A_103 = arith.constant 0 : i32
    %dma_wait3A_104 = tpu.memref_slice %arg7[%dma_wait3A_102, %dma_wait3A_103] : memref<80x125xi32, #tpu.memory_space<vmem>> -> memref<1x125xi32, #tpu.memory_space<vmem>>
    %dma_wait3A_105 = tpu.memref_squeeze %dma_wait3A_104 : memref<1x125xi32, #tpu.memory_space<vmem>> -> memref<125xi32, #tpu.memory_space<vmem>>
    %dma_wait3A_106 = arith.constant 0 : i32
    %dma_wait3A_107 = arith.constant 0 : i32
    %dma_wait3A_108 = tpu.memref_slice %arg24[%dma_wait3A_106, %dma_wait3A_107] : memref<10240x16xf32, #tpu.memory_space<vmem_shared>> -> memref<10240x16xf32, #tpu.memory_space<vmem_shared>>
    tpu.wait_indirect_dma semaphore(%arg28 : memref<!tpu.dma_semaphore, #tpu.memory_space<semaphore_mem>>) src(%arg21 : memref<125x16xf32, #tpu.memory_space<vmem>>) dst(%dma_wait3A_108 : memref<10240x16xf32, #tpu.memory_space<vmem_shared>>)
    %dma_wait3A_109 = arith.constant 78 : i32
    %dma_wait3A_110 = arith.constant 0 : i32
    %dma_wait3A_111 = tpu.memref_slice %arg7[%dma_wait3A_109, %dma_wait3A_110] : memref<80x125xi32, #tpu.memory_space<vmem>> -> memref<1x125xi32, #tpu.memory_space<vmem>>
    %dma_wait3A_112 = tpu.memref_squeeze %dma_wait3A_111 : memref<1x125xi32, #tpu.memory_space<vmem>> -> memref<125xi32, #tpu.memory_space<vmem>>
    %dma_wait3A_113 = arith.constant 0 : i32
    %dma_wait3A_114 = arith.constant 0 : i32
    %dma_wait3A_115 = tpu.memref_slice %arg24[%dma_wait3A_113, %dma_wait3A_114] : memref<10240x16xf32, #tpu.memory_space<vmem_shared>> -> memref<10240x16xf32, #tpu.memory_space<vmem_shared>>
    tpu.wait_indirect_dma semaphore(%arg28 : memref<!tpu.dma_semaphore, #tpu.memory_space<semaphore_mem>>) src(%arg22 : memref<125x16xf32, #tpu.memory_space<vmem>>) dst(%dma_wait3A_115 : memref<10240x16xf32, #tpu.memory_space<vmem_shared>>)
    %dma_wait3A_116 = arith.constant 79 : i32
    %dma_wait3A_117 = arith.constant 0 : i32
    %dma_wait3A_118 = tpu.memref_slice %arg7[%dma_wait3A_116, %dma_wait3A_117] : memref<80x125xi32, #tpu.memory_space<vmem>> -> memref<1x125xi32, #tpu.memory_space<vmem>>
    %dma_wait3A_119 = tpu.memref_squeeze %dma_wait3A_118 : memref<1x125xi32, #tpu.memory_space<vmem>> -> memref<125xi32, #tpu.memory_space<vmem>>
    %dma_wait3A_120 = arith.constant 0 : i32
    %dma_wait3A_121 = arith.constant 0 : i32
    %dma_wait3A_122 = tpu.memref_slice %arg24[%dma_wait3A_120, %dma_wait3A_121] : memref<10240x16xf32, #tpu.memory_space<vmem_shared>> -> memref<10240x16xf32, #tpu.memory_space<vmem_shared>>
    tpu.wait_indirect_dma semaphore(%arg28 : memref<!tpu.dma_semaphore, #tpu.memory_space<semaphore_mem>>) src(%arg23 : memref<125x16xf32, #tpu.memory_space<vmem>>) dst(%dma_wait3A_122 : memref<10240x16xf32, #tpu.memory_space<vmem_shared>>)
    %barrier3A_123 = arith.constant 0 : index
    tpu.barrier barrier_id(%barrier3A_123)
    "tpu.region"() ({
      %run_scoped3A_124 = tpu.sem_alloc : memref<!tpu.dma_semaphore, #tpu.memory_space<semaphore_mem>>
      %dma_start3A_125 = arith.constant 0 : i32
      %dma_start3A_126 = tpu.memref_slice %arg5[%arg0, %mul3A_2, %dma_start3A_125] : memref<2x10240x16xf32, #tpu.memory_space<hbm>> -> memref<1x640x16xf32, #tpu.memory_space<hbm>>
      %dma_start3A_127 = tpu.memref_squeeze %dma_start3A_126 : memref<1x640x16xf32, #tpu.memory_space<hbm>> -> memref<640x16xf32, #tpu.memory_space<hbm>>
      %dma_start3A_128 = arith.constant 0 : i32
      %dma_start3A_129 = tpu.memref_slice %arg24[%mul3A_2, %dma_start3A_128] : memref<10240x16xf32, #tpu.memory_space<vmem_shared>> -> memref<640x16xf32, #tpu.memory_space<vmem_shared>>
      tpu.enqueue_dma source(%dma_start3A_129 : memref<640x16xf32, #tpu.memory_space<vmem_shared>>) target(%dma_start3A_127 : memref<640x16xf32, #tpu.memory_space<hbm>>) target_semaphore(%run_scoped3A_124 : memref<!tpu.dma_semaphore, #tpu.memory_space<semaphore_mem>>)
      %dma_wait3A_130 = arith.constant 0 : i32
      %dma_wait3A_131 = tpu.memref_slice %arg5[%arg0, %mul3A_2, %dma_wait3A_130] : memref<2x10240x16xf32, #tpu.memory_space<hbm>> -> memref<1x640x16xf32, #tpu.memory_space<hbm>>
      %dma_wait3A_132 = tpu.memref_squeeze %dma_wait3A_131 : memref<1x640x16xf32, #tpu.memory_space<hbm>> -> memref<640x16xf32, #tpu.memory_space<hbm>>
      %dma_wait3A_133 = arith.constant 0 : i32
      %dma_wait3A_134 = tpu.memref_slice %arg24[%mul3A_2, %dma_wait3A_133] : memref<10240x16xf32, #tpu.memory_space<vmem_shared>> -> memref<640x16xf32, #tpu.memory_space<vmem_shared>>
      tpu.wait_dma2 semaphore(%run_scoped3A_124 : memref<!tpu.dma_semaphore, #tpu.memory_space<semaphore_mem>>) src(%dma_wait3A_134 : memref<640x16xf32, #tpu.memory_space<vmem_shared>>) dst(%dma_wait3A_132 : memref<640x16xf32, #tpu.memory_space<hbm>>)
      tpu.yield
    }) : () -> ()
    return
  }
}

#map = affine_map<(d0, d1) -> (0, 0, 0)>
#map1 = affine_map<(d0, d1) -> (0)>
#map2 = affine_map<(d0, d1) -> (0, 0)>
module attributes {stable_mosaic.version = 14 : i64} {
  func.func @_sc_degree(%arg0: i32, %arg1: i32, %arg2: memref<2x2560x125xi32, #tpu.memory_space<hbm>>, %arg3: memref<10240xf32, #tpu.memory_space<hbm>>, %arg4: memref<125xf32, #tpu.memory_space<hbm>>, %arg5: memref<2x10240xf32, #tpu.memory_space<hbm>>, %arg6: memref<80x125xi32, #tpu.memory_space<vmem>>, %arg7: memref<125xf32, #tpu.memory_space<vmem>>, %arg8: memref<10240xf32, #tpu.memory_space<vmem_shared>>, %arg9: memref<!tpu.dma_semaphore, #tpu.memory_space<semaphore_mem>>, %arg10: memref<!tpu.dma_semaphore, #tpu.memory_space<semaphore_mem>>) attributes {dimension_semantics = [#tpu.dimension_semantics<core_parallel>, #tpu.dimension_semantics<subcore_parallel>], iteration_bounds = array<i64: 2, 16>, scalar_prefetch = 0 : i64, scratch_operands = 5 : i64, tpu.core_type = #tpu.core_type<sc_vector_subcore>, window_params = [{transform_indices = #map}, {transform_indices = #map1}, {transform_indices = #map1}, {transform_indices = #map2}]} {
    %mul3A = arith.constant 640 : i32
    %mul3A_0 = arith.muli %arg1, %mul3A : i32
    "tpu.region"() ({
      %run_scoped3A_58 = tpu.sem_alloc : memref<!tpu.dma_semaphore, #tpu.memory_space<semaphore_mem>>
      %dma_start3A = tpu.memref_slice %arg8[%mul3A_0] : memref<10240xf32, #tpu.memory_space<vmem_shared>> -> memref<640xf32, #tpu.memory_space<vmem_shared>>
      %dma_start3A_59 = tpu.memref_slice %arg3[%mul3A_0] : memref<10240xf32, #tpu.memory_space<hbm>> -> memref<640xf32, #tpu.memory_space<hbm>>
      tpu.enqueue_dma source(%dma_start3A_59 : memref<640xf32, #tpu.memory_space<hbm>>) target(%dma_start3A : memref<640xf32, #tpu.memory_space<vmem_shared>>) target_semaphore(%run_scoped3A_58 : memref<!tpu.dma_semaphore, #tpu.memory_space<semaphore_mem>>)
      %dma_wait3A_60 = tpu.memref_slice %arg8[%mul3A_0] : memref<10240xf32, #tpu.memory_space<vmem_shared>> -> memref<640xf32, #tpu.memory_space<vmem_shared>>
      %dma_wait3A_61 = tpu.memref_slice %arg3[%mul3A_0] : memref<10240xf32, #tpu.memory_space<hbm>> -> memref<640xf32, #tpu.memory_space<hbm>>
      tpu.wait_dma2 semaphore(%run_scoped3A_58 : memref<!tpu.dma_semaphore, #tpu.memory_space<semaphore_mem>>) src(%dma_wait3A_61 : memref<640xf32, #tpu.memory_space<hbm>>) dst(%dma_wait3A_60 : memref<640xf32, #tpu.memory_space<vmem_shared>>)
      tpu.yield
    }) : () -> ()
    "tpu.region"() ({
      %run_scoped3A_58 = tpu.sem_alloc : memref<!tpu.dma_semaphore, #tpu.memory_space<semaphore_mem>>
      tpu.enqueue_dma source(%arg4 : memref<125xf32, #tpu.memory_space<hbm>>) target(%arg7 : memref<125xf32, #tpu.memory_space<vmem>>) target_semaphore(%run_scoped3A_58 : memref<!tpu.dma_semaphore, #tpu.memory_space<semaphore_mem>>)
      tpu.wait_dma2 semaphore(%run_scoped3A_58 : memref<!tpu.dma_semaphore, #tpu.memory_space<semaphore_mem>>) src(%arg4 : memref<125xf32, #tpu.memory_space<hbm>>) dst(%arg7 : memref<125xf32, #tpu.memory_space<vmem>>)
      tpu.yield
    }) : () -> ()
    %mul3A_1 = arith.constant 2 : i32
    %mul3A_2 = arith.muli %arg1, %mul3A_1 : i32
    %add3A = arith.addi %mul3A_2, %arg0 : i32
    %mul3A_3 = arith.constant 80 : i32
    %mul3A_4 = arith.muli %add3A, %mul3A_3 : i32
    %run_scoped3A = arith.constant 1 : i32
    "tpu.region"() ({
      %run_scoped3A_58 = tpu.sem_alloc : memref<!tpu.dma_semaphore, #tpu.memory_space<semaphore_mem>>
      %dma_start3A = arith.constant 0 : i32
      %dma_start3A_59 = tpu.memref_slice %arg2[%run_scoped3A, %mul3A_4, %dma_start3A] : memref<2x2560x125xi32, #tpu.memory_space<hbm>> -> memref<1x80x125xi32, #tpu.memory_space<hbm>>
      %dma_start3A_60 = tpu.memref_squeeze %dma_start3A_59 : memref<1x80x125xi32, #tpu.memory_space<hbm>> -> memref<80x125xi32, #tpu.memory_space<hbm>>
      %dma_start3A_61 = arith.constant 0 : i32
      %dma_start3A_62 = tpu.memref_slice %arg2[%run_scoped3A, %mul3A_4, %dma_start3A_61] : memref<2x2560x125xi32, #tpu.memory_space<hbm>> -> memref<1x80x125xi32, #tpu.memory_space<hbm>>
      %dma_start3A_63 = tpu.memref_squeeze %dma_start3A_62 : memref<1x80x125xi32, #tpu.memory_space<hbm>> -> memref<80x125xi32, #tpu.memory_space<hbm>>
      tpu.enqueue_dma source(%dma_start3A_63 : memref<80x125xi32, #tpu.memory_space<hbm>>) target(%arg6 : memref<80x125xi32, #tpu.memory_space<vmem>>) target_semaphore(%run_scoped3A_58 : memref<!tpu.dma_semaphore, #tpu.memory_space<semaphore_mem>>)
      %dma_wait3A_64 = arith.constant 0 : i32
      %dma_wait3A_65 = tpu.memref_slice %arg2[%run_scoped3A, %mul3A_4, %dma_wait3A_64] : memref<2x2560x125xi32, #tpu.memory_space<hbm>> -> memref<1x80x125xi32, #tpu.memory_space<hbm>>
      %dma_wait3A_66 = tpu.memref_squeeze %dma_wait3A_65 : memref<1x80x125xi32, #tpu.memory_space<hbm>> -> memref<80x125xi32, #tpu.memory_space<hbm>>
      %dma_wait3A_67 = arith.constant 0 : i32
      %dma_wait3A_68 = tpu.memref_slice %arg2[%run_scoped3A, %mul3A_4, %dma_wait3A_67] : memref<2x2560x125xi32, #tpu.memory_space<hbm>> -> memref<1x80x125xi32, #tpu.memory_space<hbm>>
      %dma_wait3A_69 = tpu.memref_squeeze %dma_wait3A_68 : memref<1x80x125xi32, #tpu.memory_space<hbm>> -> memref<80x125xi32, #tpu.memory_space<hbm>>
      tpu.wait_dma2 semaphore(%run_scoped3A_58 : memref<!tpu.dma_semaphore, #tpu.memory_space<semaphore_mem>>) src(%dma_wait3A_69 : memref<80x125xi32, #tpu.memory_space<hbm>>) dst(%arg6 : memref<80x125xi32, #tpu.memory_space<vmem>>)
      tpu.yield
    }) : () -> ()
    %barrier3A = arith.constant 0 : index
    tpu.barrier barrier_id(%barrier3A)
    %scan3A = arith.constant 0 : i32
    %scan3A_5 = arith.constant 0 : i32
    %scan3A_6 = arith.constant 10 : i32
    %scan3A_7 = arith.addi %scan3A_5, %scan3A_6 : i32
    %scan3A_8 = arith.constant 1 : i32
    scf.for %scan3A_58 = %scan3A_5 to %scan3A_7 step %scan3A_8  : i32 {
      %rem3A = arith.constant 2 : i32
      %rem3A_59 = arith.remsi %scan3A_58, %rem3A : i32
      %eq3A = arith.constant 0 : i32
      %eq3A_60 = arith.cmpi eq, %rem3A_59, %eq3A : i32
      %convert_element_type3A = arith.extui %eq3A_60 : i1 to i32
      %cond3A = arith.constant 0 : i32
      %cond3A_61 = arith.cmpi ne, %convert_element_type3A, %cond3A : i32
      scf.if %cond3A_61 {
        %mul3A_69 = arith.constant 8 : i32
        %mul3A_70 = arith.muli %scan3A_58, %mul3A_69 : i32
        %add3A_71 = arith.constant 0 : i32
        %add3A_72 = arith.addi %mul3A_70, %add3A_71 : i32
        %dma_start3A = arith.constant 0 : i32
        %dma_start3A_73 = tpu.memref_slice %arg6[%add3A_72, %dma_start3A] : memref<80x125xi32, #tpu.memory_space<vmem>> -> memref<1x125xi32, #tpu.memory_space<vmem>>
        %dma_start3A_74 = tpu.memref_squeeze %dma_start3A_73 : memref<1x125xi32, #tpu.memory_space<vmem>> -> memref<125xi32, #tpu.memory_space<vmem>>
        %dma_start3A_75 = arith.constant 0 : i32
        %dma_start3A_76 = tpu.memref_slice %arg8[%dma_start3A_75] : memref<10240xf32, #tpu.memory_space<vmem_shared>> -> memref<10240xf32, #tpu.memory_space<vmem_shared>>
        tpu.enqueue_indirect_dma source(%arg7 : memref<125xf32, #tpu.memory_space<vmem>>) target(%dma_start3A_76 : memref<10240xf32, #tpu.memory_space<vmem_shared>>) offsets(%dma_start3A_74 : memref<125xi32, #tpu.memory_space<vmem>>) semaphore(%arg9 : memref<!tpu.dma_semaphore, #tpu.memory_space<semaphore_mem>>) {add = true}
        %mul3A_77 = arith.constant 8 : i32
        %mul3A_78 = arith.muli %scan3A_58, %mul3A_77 : i32
        %add3A_79 = arith.constant 1 : i32
        %add3A_80 = arith.addi %mul3A_78, %add3A_79 : i32
        %dma_start3A_81 = arith.constant 0 : i32
        %dma_start3A_82 = tpu.memref_slice %arg6[%add3A_80, %dma_start3A_81] : memref<80x125xi32, #tpu.memory_space<vmem>> -> memref<1x125xi32, #tpu.memory_space<vmem>>
        %dma_start3A_83 = tpu.memref_squeeze %dma_start3A_82 : memref<1x125xi32, #tpu.memory_space<vmem>> -> memref<125xi32, #tpu.memory_space<vmem>>
        %dma_start3A_84 = arith.constant 0 : i32
        %dma_start3A_85 = tpu.memref_slice %arg8[%dma_start3A_84] : memref<10240xf32, #tpu.memory_space<vmem_shared>> -> memref<10240xf32, #tpu.memory_space<vmem_shared>>
        tpu.enqueue_indirect_dma source(%arg7 : memref<125xf32, #tpu.memory_space<vmem>>) target(%dma_start3A_85 : memref<10240xf32, #tpu.memory_space<vmem_shared>>) offsets(%dma_start3A_83 : memref<125xi32, #tpu.memory_space<vmem>>) semaphore(%arg9 : memref<!tpu.dma_semaphore, #tpu.memory_space<semaphore_mem>>) {add = true}
        %mul3A_86 = arith.constant 8 : i32
        %mul3A_87 = arith.muli %scan3A_58, %mul3A_86 : i32
        %add3A_88 = arith.constant 2 : i32
        %add3A_89 = arith.addi %mul3A_87, %add3A_88 : i32
        %dma_start3A_90 = arith.constant 0 : i32
        %dma_start3A_91 = tpu.memref_slice %arg6[%add3A_89, %dma_start3A_90] : memref<80x125xi32, #tpu.memory_space<vmem>> -> memref<1x125xi32, #tpu.memory_space<vmem>>
        %dma_start3A_92 = tpu.memref_squeeze %dma_start3A_91 : memref<1x125xi32, #tpu.memory_space<vmem>> -> memref<125xi32, #tpu.memory_space<vmem>>
        %dma_start3A_93 = arith.constant 0 : i32
        %dma_start3A_94 = tpu.memref_slice %arg8[%dma_start3A_93] : memref<10240xf32, #tpu.memory_space<vmem_shared>> -> memref<10240xf32, #tpu.memory_space<vmem_shared>>
        tpu.enqueue_indirect_dma source(%arg7 : memref<125xf32, #tpu.memory_space<vmem>>) target(%dma_start3A_94 : memref<10240xf32, #tpu.memory_space<vmem_shared>>) offsets(%dma_start3A_92 : memref<125xi32, #tpu.memory_space<vmem>>) semaphore(%arg9 : memref<!tpu.dma_semaphore, #tpu.memory_space<semaphore_mem>>) {add = true}
        %mul3A_95 = arith.constant 8 : i32
        %mul3A_96 = arith.muli %scan3A_58, %mul3A_95 : i32
        %add3A_97 = arith.constant 3 : i32
        %add3A_98 = arith.addi %mul3A_96, %add3A_97 : i32
        %dma_start3A_99 = arith.constant 0 : i32
        %dma_start3A_100 = tpu.memref_slice %arg6[%add3A_98, %dma_start3A_99] : memref<80x125xi32, #tpu.memory_space<vmem>> -> memref<1x125xi32, #tpu.memory_space<vmem>>
        %dma_start3A_101 = tpu.memref_squeeze %dma_start3A_100 : memref<1x125xi32, #tpu.memory_space<vmem>> -> memref<125xi32, #tpu.memory_space<vmem>>
        %dma_start3A_102 = arith.constant 0 : i32
        %dma_start3A_103 = tpu.memref_slice %arg8[%dma_start3A_102] : memref<10240xf32, #tpu.memory_space<vmem_shared>> -> memref<10240xf32, #tpu.memory_space<vmem_shared>>
        tpu.enqueue_indirect_dma source(%arg7 : memref<125xf32, #tpu.memory_space<vmem>>) target(%dma_start3A_103 : memref<10240xf32, #tpu.memory_space<vmem_shared>>) offsets(%dma_start3A_101 : memref<125xi32, #tpu.memory_space<vmem>>) semaphore(%arg9 : memref<!tpu.dma_semaphore, #tpu.memory_space<semaphore_mem>>) {add = true}
        %mul3A_104 = arith.constant 8 : i32
        %mul3A_105 = arith.muli %scan3A_58, %mul3A_104 : i32
        %add3A_106 = arith.constant 4 : i32
        %add3A_107 = arith.addi %mul3A_105, %add3A_106 : i32
        %dma_start3A_108 = arith.constant 0 : i32
        %dma_start3A_109 = tpu.memref_slice %arg6[%add3A_107, %dma_start3A_108] : memref<80x125xi32, #tpu.memory_space<vmem>> -> memref<1x125xi32, #tpu.memory_space<vmem>>
        %dma_start3A_110 = tpu.memref_squeeze %dma_start3A_109 : memref<1x125xi32, #tpu.memory_space<vmem>> -> memref<125xi32, #tpu.memory_space<vmem>>
        %dma_start3A_111 = arith.constant 0 : i32
        %dma_start3A_112 = tpu.memref_slice %arg8[%dma_start3A_111] : memref<10240xf32, #tpu.memory_space<vmem_shared>> -> memref<10240xf32, #tpu.memory_space<vmem_shared>>
        tpu.enqueue_indirect_dma source(%arg7 : memref<125xf32, #tpu.memory_space<vmem>>) target(%dma_start3A_112 : memref<10240xf32, #tpu.memory_space<vmem_shared>>) offsets(%dma_start3A_110 : memref<125xi32, #tpu.memory_space<vmem>>) semaphore(%arg9 : memref<!tpu.dma_semaphore, #tpu.memory_space<semaphore_mem>>) {add = true}
        %mul3A_113 = arith.constant 8 : i32
        %mul3A_114 = arith.muli %scan3A_58, %mul3A_113 : i32
        %add3A_115 = arith.constant 5 : i32
        %add3A_116 = arith.addi %mul3A_114, %add3A_115 : i32
        %dma_start3A_117 = arith.constant 0 : i32
        %dma_start3A_118 = tpu.memref_slice %arg6[%add3A_116, %dma_start3A_117] : memref<80x125xi32, #tpu.memory_space<vmem>> -> memref<1x125xi32, #tpu.memory_space<vmem>>
        %dma_start3A_119 = tpu.memref_squeeze %dma_start3A_118 : memref<1x125xi32, #tpu.memory_space<vmem>> -> memref<125xi32, #tpu.memory_space<vmem>>
        %dma_start3A_120 = arith.constant 0 : i32
        %dma_start3A_121 = tpu.memref_slice %arg8[%dma_start3A_120] : memref<10240xf32, #tpu.memory_space<vmem_shared>> -> memref<10240xf32, #tpu.memory_space<vmem_shared>>
        tpu.enqueue_indirect_dma source(%arg7 : memref<125xf32, #tpu.memory_space<vmem>>) target(%dma_start3A_121 : memref<10240xf32, #tpu.memory_space<vmem_shared>>) offsets(%dma_start3A_119 : memref<125xi32, #tpu.memory_space<vmem>>) semaphore(%arg9 : memref<!tpu.dma_semaphore, #tpu.memory_space<semaphore_mem>>) {add = true}
        %mul3A_122 = arith.constant 8 : i32
        %mul3A_123 = arith.muli %scan3A_58, %mul3A_122 : i32
        %add3A_124 = arith.constant 6 : i32
        %add3A_125 = arith.addi %mul3A_123, %add3A_124 : i32
        %dma_start3A_126 = arith.constant 0 : i32
        %dma_start3A_127 = tpu.memref_slice %arg6[%add3A_125, %dma_start3A_126] : memref<80x125xi32, #tpu.memory_space<vmem>> -> memref<1x125xi32, #tpu.memory_space<vmem>>
        %dma_start3A_128 = tpu.memref_squeeze %dma_start3A_127 : memref<1x125xi32, #tpu.memory_space<vmem>> -> memref<125xi32, #tpu.memory_space<vmem>>
        %dma_start3A_129 = arith.constant 0 : i32
        %dma_start3A_130 = tpu.memref_slice %arg8[%dma_start3A_129] : memref<10240xf32, #tpu.memory_space<vmem_shared>> -> memref<10240xf32, #tpu.memory_space<vmem_shared>>
        tpu.enqueue_indirect_dma source(%arg7 : memref<125xf32, #tpu.memory_space<vmem>>) target(%dma_start3A_130 : memref<10240xf32, #tpu.memory_space<vmem_shared>>) offsets(%dma_start3A_128 : memref<125xi32, #tpu.memory_space<vmem>>) semaphore(%arg9 : memref<!tpu.dma_semaphore, #tpu.memory_space<semaphore_mem>>) {add = true}
        %mul3A_131 = arith.constant 8 : i32
        %mul3A_132 = arith.muli %scan3A_58, %mul3A_131 : i32
        %add3A_133 = arith.constant 7 : i32
        %add3A_134 = arith.addi %mul3A_132, %add3A_133 : i32
        %dma_start3A_135 = arith.constant 0 : i32
        %dma_start3A_136 = tpu.memref_slice %arg6[%add3A_134, %dma_start3A_135] : memref<80x125xi32, #tpu.memory_space<vmem>> -> memref<1x125xi32, #tpu.memory_space<vmem>>
        %dma_start3A_137 = tpu.memref_squeeze %dma_start3A_136 : memref<1x125xi32, #tpu.memory_space<vmem>> -> memref<125xi32, #tpu.memory_space<vmem>>
        %dma_start3A_138 = arith.constant 0 : i32
        %dma_start3A_139 = tpu.memref_slice %arg8[%dma_start3A_138] : memref<10240xf32, #tpu.memory_space<vmem_shared>> -> memref<10240xf32, #tpu.memory_space<vmem_shared>>
        tpu.enqueue_indirect_dma source(%arg7 : memref<125xf32, #tpu.memory_space<vmem>>) target(%dma_start3A_139 : memref<10240xf32, #tpu.memory_space<vmem_shared>>) offsets(%dma_start3A_137 : memref<125xi32, #tpu.memory_space<vmem>>) semaphore(%arg9 : memref<!tpu.dma_semaphore, #tpu.memory_space<semaphore_mem>>) {add = true}
        %ge3A = arith.constant 1 : i32
        %ge3A_140 = arith.cmpi sge, %scan3A_58, %ge3A : i32
        %convert_element_type3A_141 = arith.extui %ge3A_140 : i1 to i32
        %cond3A_142 = arith.constant 0 : i32
        %cond3A_143 = arith.cmpi ne, %convert_element_type3A_141, %cond3A_142 : i32
        scf.if %cond3A_143 {
          %sub3A = arith.constant 1 : i32
          %sub3A_144 = arith.subi %scan3A_58, %sub3A : i32
          %mul3A_145 = arith.constant 8 : i32
          %mul3A_146 = arith.muli %sub3A_144, %mul3A_145 : i32
          %add3A_147 = arith.constant 0 : i32
          %add3A_148 = arith.addi %mul3A_146, %add3A_147 : i32
          %dma_wait3A_149 = arith.constant 0 : i32
          %dma_wait3A_150 = tpu.memref_slice %arg6[%add3A_148, %dma_wait3A_149] : memref<80x125xi32, #tpu.memory_space<vmem>> -> memref<1x125xi32, #tpu.memory_space<vmem>>
          %dma_wait3A_151 = tpu.memref_squeeze %dma_wait3A_150 : memref<1x125xi32, #tpu.memory_space<vmem>> -> memref<125xi32, #tpu.memory_space<vmem>>
          %dma_wait3A_152 = arith.constant 0 : i32
          %dma_wait3A_153 = tpu.memref_slice %arg8[%dma_wait3A_152] : memref<10240xf32, #tpu.memory_space<vmem_shared>> -> memref<10240xf32, #tpu.memory_space<vmem_shared>>
          tpu.wait_indirect_dma semaphore(%arg10 : memref<!tpu.dma_semaphore, #tpu.memory_space<semaphore_mem>>) src(%arg7 : memref<125xf32, #tpu.memory_space<vmem>>) dst(%dma_wait3A_153 : memref<10240xf32, #tpu.memory_space<vmem_shared>>)
          %sub3A_154 = arith.constant 1 : i32
          %sub3A_155 = arith.subi %scan3A_58, %sub3A_154 : i32
          %mul3A_156 = arith.constant 8 : i32
          %mul3A_157 = arith.muli %sub3A_155, %mul3A_156 : i32
          %add3A_158 = arith.constant 1 : i32
          %add3A_159 = arith.addi %mul3A_157, %add3A_158 : i32
          %dma_wait3A_160 = arith.constant 0 : i32
          %dma_wait3A_161 = tpu.memref_slice %arg6[%add3A_159, %dma_wait3A_160] : memref<80x125xi32, #tpu.memory_space<vmem>> -> memref<1x125xi32, #tpu.memory_space<vmem>>
          %dma_wait3A_162 = tpu.memref_squeeze %dma_wait3A_161 : memref<1x125xi32, #tpu.memory_space<vmem>> -> memref<125xi32, #tpu.memory_space<vmem>>
          %dma_wait3A_163 = arith.constant 0 : i32
          %dma_wait3A_164 = tpu.memref_slice %arg8[%dma_wait3A_163] : memref<10240xf32, #tpu.memory_space<vmem_shared>> -> memref<10240xf32, #tpu.memory_space<vmem_shared>>
          tpu.wait_indirect_dma semaphore(%arg10 : memref<!tpu.dma_semaphore, #tpu.memory_space<semaphore_mem>>) src(%arg7 : memref<125xf32, #tpu.memory_space<vmem>>) dst(%dma_wait3A_164 : memref<10240xf32, #tpu.memory_space<vmem_shared>>)
          %sub3A_165 = arith.constant 1 : i32
          %sub3A_166 = arith.subi %scan3A_58, %sub3A_165 : i32
          %mul3A_167 = arith.constant 8 : i32
          %mul3A_168 = arith.muli %sub3A_166, %mul3A_167 : i32
          %add3A_169 = arith.constant 2 : i32
          %add3A_170 = arith.addi %mul3A_168, %add3A_169 : i32
          %dma_wait3A_171 = arith.constant 0 : i32
          %dma_wait3A_172 = tpu.memref_slice %arg6[%add3A_170, %dma_wait3A_171] : memref<80x125xi32, #tpu.memory_space<vmem>> -> memref<1x125xi32, #tpu.memory_space<vmem>>
          %dma_wait3A_173 = tpu.memref_squeeze %dma_wait3A_172 : memref<1x125xi32, #tpu.memory_space<vmem>> -> memref<125xi32, #tpu.memory_space<vmem>>
          %dma_wait3A_174 = arith.constant 0 : i32
          %dma_wait3A_175 = tpu.memref_slice %arg8[%dma_wait3A_174] : memref<10240xf32, #tpu.memory_space<vmem_shared>> -> memref<10240xf32, #tpu.memory_space<vmem_shared>>
          tpu.wait_indirect_dma semaphore(%arg10 : memref<!tpu.dma_semaphore, #tpu.memory_space<semaphore_mem>>) src(%arg7 : memref<125xf32, #tpu.memory_space<vmem>>) dst(%dma_wait3A_175 : memref<10240xf32, #tpu.memory_space<vmem_shared>>)
          %sub3A_176 = arith.constant 1 : i32
          %sub3A_177 = arith.subi %scan3A_58, %sub3A_176 : i32
          %mul3A_178 = arith.constant 8 : i32
          %mul3A_179 = arith.muli %sub3A_177, %mul3A_178 : i32
          %add3A_180 = arith.constant 3 : i32
          %add3A_181 = arith.addi %mul3A_179, %add3A_180 : i32
          %dma_wait3A_182 = arith.constant 0 : i32
          %dma_wait3A_183 = tpu.memref_slice %arg6[%add3A_181, %dma_wait3A_182] : memref<80x125xi32, #tpu.memory_space<vmem>> -> memref<1x125xi32, #tpu.memory_space<vmem>>
          %dma_wait3A_184 = tpu.memref_squeeze %dma_wait3A_183 : memref<1x125xi32, #tpu.memory_space<vmem>> -> memref<125xi32, #tpu.memory_space<vmem>>
          %dma_wait3A_185 = arith.constant 0 : i32
          %dma_wait3A_186 = tpu.memref_slice %arg8[%dma_wait3A_185] : memref<10240xf32, #tpu.memory_space<vmem_shared>> -> memref<10240xf32, #tpu.memory_space<vmem_shared>>
          tpu.wait_indirect_dma semaphore(%arg10 : memref<!tpu.dma_semaphore, #tpu.memory_space<semaphore_mem>>) src(%arg7 : memref<125xf32, #tpu.memory_space<vmem>>) dst(%dma_wait3A_186 : memref<10240xf32, #tpu.memory_space<vmem_shared>>)
          %sub3A_187 = arith.constant 1 : i32
          %sub3A_188 = arith.subi %scan3A_58, %sub3A_187 : i32
          %mul3A_189 = arith.constant 8 : i32
          %mul3A_190 = arith.muli %sub3A_188, %mul3A_189 : i32
          %add3A_191 = arith.constant 4 : i32
          %add3A_192 = arith.addi %mul3A_190, %add3A_191 : i32
          %dma_wait3A_193 = arith.constant 0 : i32
          %dma_wait3A_194 = tpu.memref_slice %arg6[%add3A_192, %dma_wait3A_193] : memref<80x125xi32, #tpu.memory_space<vmem>> -> memref<1x125xi32, #tpu.memory_space<vmem>>
          %dma_wait3A_195 = tpu.memref_squeeze %dma_wait3A_194 : memref<1x125xi32, #tpu.memory_space<vmem>> -> memref<125xi32, #tpu.memory_space<vmem>>
          %dma_wait3A_196 = arith.constant 0 : i32
          %dma_wait3A_197 = tpu.memref_slice %arg8[%dma_wait3A_196] : memref<10240xf32, #tpu.memory_space<vmem_shared>> -> memref<10240xf32, #tpu.memory_space<vmem_shared>>
          tpu.wait_indirect_dma semaphore(%arg10 : memref<!tpu.dma_semaphore, #tpu.memory_space<semaphore_mem>>) src(%arg7 : memref<125xf32, #tpu.memory_space<vmem>>) dst(%dma_wait3A_197 : memref<10240xf32, #tpu.memory_space<vmem_shared>>)
          %sub3A_198 = arith.constant 1 : i32
          %sub3A_199 = arith.subi %scan3A_58, %sub3A_198 : i32
          %mul3A_200 = arith.constant 8 : i32
          %mul3A_201 = arith.muli %sub3A_199, %mul3A_200 : i32
          %add3A_202 = arith.constant 5 : i32
          %add3A_203 = arith.addi %mul3A_201, %add3A_202 : i32
          %dma_wait3A_204 = arith.constant 0 : i32
          %dma_wait3A_205 = tpu.memref_slice %arg6[%add3A_203, %dma_wait3A_204] : memref<80x125xi32, #tpu.memory_space<vmem>> -> memref<1x125xi32, #tpu.memory_space<vmem>>
          %dma_wait3A_206 = tpu.memref_squeeze %dma_wait3A_205 : memref<1x125xi32, #tpu.memory_space<vmem>> -> memref<125xi32, #tpu.memory_space<vmem>>
          %dma_wait3A_207 = arith.constant 0 : i32
          %dma_wait3A_208 = tpu.memref_slice %arg8[%dma_wait3A_207] : memref<10240xf32, #tpu.memory_space<vmem_shared>> -> memref<10240xf32, #tpu.memory_space<vmem_shared>>
          tpu.wait_indirect_dma semaphore(%arg10 : memref<!tpu.dma_semaphore, #tpu.memory_space<semaphore_mem>>) src(%arg7 : memref<125xf32, #tpu.memory_space<vmem>>) dst(%dma_wait3A_208 : memref<10240xf32, #tpu.memory_space<vmem_shared>>)
          %sub3A_209 = arith.constant 1 : i32
          %sub3A_210 = arith.subi %scan3A_58, %sub3A_209 : i32
          %mul3A_211 = arith.constant 8 : i32
          %mul3A_212 = arith.muli %sub3A_210, %mul3A_211 : i32
          %add3A_213 = arith.constant 6 : i32
          %add3A_214 = arith.addi %mul3A_212, %add3A_213 : i32
          %dma_wait3A_215 = arith.constant 0 : i32
          %dma_wait3A_216 = tpu.memref_slice %arg6[%add3A_214, %dma_wait3A_215] : memref<80x125xi32, #tpu.memory_space<vmem>> -> memref<1x125xi32, #tpu.memory_space<vmem>>
          %dma_wait3A_217 = tpu.memref_squeeze %dma_wait3A_216 : memref<1x125xi32, #tpu.memory_space<vmem>> -> memref<125xi32, #tpu.memory_space<vmem>>
          %dma_wait3A_218 = arith.constant 0 : i32
          %dma_wait3A_219 = tpu.memref_slice %arg8[%dma_wait3A_218] : memref<10240xf32, #tpu.memory_space<vmem_shared>> -> memref<10240xf32, #tpu.memory_space<vmem_shared>>
          tpu.wait_indirect_dma semaphore(%arg10 : memref<!tpu.dma_semaphore, #tpu.memory_space<semaphore_mem>>) src(%arg7 : memref<125xf32, #tpu.memory_space<vmem>>) dst(%dma_wait3A_219 : memref<10240xf32, #tpu.memory_space<vmem_shared>>)
          %sub3A_220 = arith.constant 1 : i32
          %sub3A_221 = arith.subi %scan3A_58, %sub3A_220 : i32
          %mul3A_222 = arith.constant 8 : i32
          %mul3A_223 = arith.muli %sub3A_221, %mul3A_222 : i32
          %add3A_224 = arith.constant 7 : i32
          %add3A_225 = arith.addi %mul3A_223, %add3A_224 : i32
          %dma_wait3A_226 = arith.constant 0 : i32
          %dma_wait3A_227 = tpu.memref_slice %arg6[%add3A_225, %dma_wait3A_226] : memref<80x125xi32, #tpu.memory_space<vmem>> -> memref<1x125xi32, #tpu.memory_space<vmem>>
          %dma_wait3A_228 = tpu.memref_squeeze %dma_wait3A_227 : memref<1x125xi32, #tpu.memory_space<vmem>> -> memref<125xi32, #tpu.memory_space<vmem>>
          %dma_wait3A_229 = arith.constant 0 : i32
          %dma_wait3A_230 = tpu.memref_slice %arg8[%dma_wait3A_229] : memref<10240xf32, #tpu.memory_space<vmem_shared>> -> memref<10240xf32, #tpu.memory_space<vmem_shared>>
          tpu.wait_indirect_dma semaphore(%arg10 : memref<!tpu.dma_semaphore, #tpu.memory_space<semaphore_mem>>) src(%arg7 : memref<125xf32, #tpu.memory_space<vmem>>) dst(%dma_wait3A_230 : memref<10240xf32, #tpu.memory_space<vmem_shared>>)
        } else {
        }
      } else {
      }
      %rem3A_62 = arith.constant 2 : i32
      %rem3A_63 = arith.remsi %scan3A_58, %rem3A_62 : i32
      %eq3A_64 = arith.constant 1 : i32
      %eq3A_65 = arith.cmpi eq, %rem3A_63, %eq3A_64 : i32
      %convert_element_type3A_66 = arith.extui %eq3A_65 : i1 to i32
      %cond3A_67 = arith.constant 0 : i32
      %cond3A_68 = arith.cmpi ne, %convert_element_type3A_66, %cond3A_67 : i32
      scf.if %cond3A_68 {
        %mul3A_69 = arith.constant 8 : i32
        %mul3A_70 = arith.muli %scan3A_58, %mul3A_69 : i32
        %add3A_71 = arith.constant 0 : i32
        %add3A_72 = arith.addi %mul3A_70, %add3A_71 : i32
        %dma_start3A = arith.constant 0 : i32
        %dma_start3A_73 = tpu.memref_slice %arg6[%add3A_72, %dma_start3A] : memref<80x125xi32, #tpu.memory_space<vmem>> -> memref<1x125xi32, #tpu.memory_space<vmem>>
        %dma_start3A_74 = tpu.memref_squeeze %dma_start3A_73 : memref<1x125xi32, #tpu.memory_space<vmem>> -> memref<125xi32, #tpu.memory_space<vmem>>
        %dma_start3A_75 = arith.constant 0 : i32
        %dma_start3A_76 = tpu.memref_slice %arg8[%dma_start3A_75] : memref<10240xf32, #tpu.memory_space<vmem_shared>> -> memref<10240xf32, #tpu.memory_space<vmem_shared>>
        tpu.enqueue_indirect_dma source(%arg7 : memref<125xf32, #tpu.memory_space<vmem>>) target(%dma_start3A_76 : memref<10240xf32, #tpu.memory_space<vmem_shared>>) offsets(%dma_start3A_74 : memref<125xi32, #tpu.memory_space<vmem>>) semaphore(%arg10 : memref<!tpu.dma_semaphore, #tpu.memory_space<semaphore_mem>>) {add = true}
        %mul3A_77 = arith.constant 8 : i32
        %mul3A_78 = arith.muli %scan3A_58, %mul3A_77 : i32
        %add3A_79 = arith.constant 1 : i32
        %add3A_80 = arith.addi %mul3A_78, %add3A_79 : i32
        %dma_start3A_81 = arith.constant 0 : i32
        %dma_start3A_82 = tpu.memref_slice %arg6[%add3A_80, %dma_start3A_81] : memref<80x125xi32, #tpu.memory_space<vmem>> -> memref<1x125xi32, #tpu.memory_space<vmem>>
        %dma_start3A_83 = tpu.memref_squeeze %dma_start3A_82 : memref<1x125xi32, #tpu.memory_space<vmem>> -> memref<125xi32, #tpu.memory_space<vmem>>
        %dma_start3A_84 = arith.constant 0 : i32
        %dma_start3A_85 = tpu.memref_slice %arg8[%dma_start3A_84] : memref<10240xf32, #tpu.memory_space<vmem_shared>> -> memref<10240xf32, #tpu.memory_space<vmem_shared>>
        tpu.enqueue_indirect_dma source(%arg7 : memref<125xf32, #tpu.memory_space<vmem>>) target(%dma_start3A_85 : memref<10240xf32, #tpu.memory_space<vmem_shared>>) offsets(%dma_start3A_83 : memref<125xi32, #tpu.memory_space<vmem>>) semaphore(%arg10 : memref<!tpu.dma_semaphore, #tpu.memory_space<semaphore_mem>>) {add = true}
        %mul3A_86 = arith.constant 8 : i32
        %mul3A_87 = arith.muli %scan3A_58, %mul3A_86 : i32
        %add3A_88 = arith.constant 2 : i32
        %add3A_89 = arith.addi %mul3A_87, %add3A_88 : i32
        %dma_start3A_90 = arith.constant 0 : i32
        %dma_start3A_91 = tpu.memref_slice %arg6[%add3A_89, %dma_start3A_90] : memref<80x125xi32, #tpu.memory_space<vmem>> -> memref<1x125xi32, #tpu.memory_space<vmem>>
        %dma_start3A_92 = tpu.memref_squeeze %dma_start3A_91 : memref<1x125xi32, #tpu.memory_space<vmem>> -> memref<125xi32, #tpu.memory_space<vmem>>
        %dma_start3A_93 = arith.constant 0 : i32
        %dma_start3A_94 = tpu.memref_slice %arg8[%dma_start3A_93] : memref<10240xf32, #tpu.memory_space<vmem_shared>> -> memref<10240xf32, #tpu.memory_space<vmem_shared>>
        tpu.enqueue_indirect_dma source(%arg7 : memref<125xf32, #tpu.memory_space<vmem>>) target(%dma_start3A_94 : memref<10240xf32, #tpu.memory_space<vmem_shared>>) offsets(%dma_start3A_92 : memref<125xi32, #tpu.memory_space<vmem>>) semaphore(%arg10 : memref<!tpu.dma_semaphore, #tpu.memory_space<semaphore_mem>>) {add = true}
        %mul3A_95 = arith.constant 8 : i32
        %mul3A_96 = arith.muli %scan3A_58, %mul3A_95 : i32
        %add3A_97 = arith.constant 3 : i32
        %add3A_98 = arith.addi %mul3A_96, %add3A_97 : i32
        %dma_start3A_99 = arith.constant 0 : i32
        %dma_start3A_100 = tpu.memref_slice %arg6[%add3A_98, %dma_start3A_99] : memref<80x125xi32, #tpu.memory_space<vmem>> -> memref<1x125xi32, #tpu.memory_space<vmem>>
        %dma_start3A_101 = tpu.memref_squeeze %dma_start3A_100 : memref<1x125xi32, #tpu.memory_space<vmem>> -> memref<125xi32, #tpu.memory_space<vmem>>
        %dma_start3A_102 = arith.constant 0 : i32
        %dma_start3A_103 = tpu.memref_slice %arg8[%dma_start3A_102] : memref<10240xf32, #tpu.memory_space<vmem_shared>> -> memref<10240xf32, #tpu.memory_space<vmem_shared>>
        tpu.enqueue_indirect_dma source(%arg7 : memref<125xf32, #tpu.memory_space<vmem>>) target(%dma_start3A_103 : memref<10240xf32, #tpu.memory_space<vmem_shared>>) offsets(%dma_start3A_101 : memref<125xi32, #tpu.memory_space<vmem>>) semaphore(%arg10 : memref<!tpu.dma_semaphore, #tpu.memory_space<semaphore_mem>>) {add = true}
        %mul3A_104 = arith.constant 8 : i32
        %mul3A_105 = arith.muli %scan3A_58, %mul3A_104 : i32
        %add3A_106 = arith.constant 4 : i32
        %add3A_107 = arith.addi %mul3A_105, %add3A_106 : i32
        %dma_start3A_108 = arith.constant 0 : i32
        %dma_start3A_109 = tpu.memref_slice %arg6[%add3A_107, %dma_start3A_108] : memref<80x125xi32, #tpu.memory_space<vmem>> -> memref<1x125xi32, #tpu.memory_space<vmem>>
        %dma_start3A_110 = tpu.memref_squeeze %dma_start3A_109 : memref<1x125xi32, #tpu.memory_space<vmem>> -> memref<125xi32, #tpu.memory_space<vmem>>
        %dma_start3A_111 = arith.constant 0 : i32
        %dma_start3A_112 = tpu.memref_slice %arg8[%dma_start3A_111] : memref<10240xf32, #tpu.memory_space<vmem_shared>> -> memref<10240xf32, #tpu.memory_space<vmem_shared>>
        tpu.enqueue_indirect_dma source(%arg7 : memref<125xf32, #tpu.memory_space<vmem>>) target(%dma_start3A_112 : memref<10240xf32, #tpu.memory_space<vmem_shared>>) offsets(%dma_start3A_110 : memref<125xi32, #tpu.memory_space<vmem>>) semaphore(%arg10 : memref<!tpu.dma_semaphore, #tpu.memory_space<semaphore_mem>>) {add = true}
        %mul3A_113 = arith.constant 8 : i32
        %mul3A_114 = arith.muli %scan3A_58, %mul3A_113 : i32
        %add3A_115 = arith.constant 5 : i32
        %add3A_116 = arith.addi %mul3A_114, %add3A_115 : i32
        %dma_start3A_117 = arith.constant 0 : i32
        %dma_start3A_118 = tpu.memref_slice %arg6[%add3A_116, %dma_start3A_117] : memref<80x125xi32, #tpu.memory_space<vmem>> -> memref<1x125xi32, #tpu.memory_space<vmem>>
        %dma_start3A_119 = tpu.memref_squeeze %dma_start3A_118 : memref<1x125xi32, #tpu.memory_space<vmem>> -> memref<125xi32, #tpu.memory_space<vmem>>
        %dma_start3A_120 = arith.constant 0 : i32
        %dma_start3A_121 = tpu.memref_slice %arg8[%dma_start3A_120] : memref<10240xf32, #tpu.memory_space<vmem_shared>> -> memref<10240xf32, #tpu.memory_space<vmem_shared>>
        tpu.enqueue_indirect_dma source(%arg7 : memref<125xf32, #tpu.memory_space<vmem>>) target(%dma_start3A_121 : memref<10240xf32, #tpu.memory_space<vmem_shared>>) offsets(%dma_start3A_119 : memref<125xi32, #tpu.memory_space<vmem>>) semaphore(%arg10 : memref<!tpu.dma_semaphore, #tpu.memory_space<semaphore_mem>>) {add = true}
        %mul3A_122 = arith.constant 8 : i32
        %mul3A_123 = arith.muli %scan3A_58, %mul3A_122 : i32
        %add3A_124 = arith.constant 6 : i32
        %add3A_125 = arith.addi %mul3A_123, %add3A_124 : i32
        %dma_start3A_126 = arith.constant 0 : i32
        %dma_start3A_127 = tpu.memref_slice %arg6[%add3A_125, %dma_start3A_126] : memref<80x125xi32, #tpu.memory_space<vmem>> -> memref<1x125xi32, #tpu.memory_space<vmem>>
        %dma_start3A_128 = tpu.memref_squeeze %dma_start3A_127 : memref<1x125xi32, #tpu.memory_space<vmem>> -> memref<125xi32, #tpu.memory_space<vmem>>
        %dma_start3A_129 = arith.constant 0 : i32
        %dma_start3A_130 = tpu.memref_slice %arg8[%dma_start3A_129] : memref<10240xf32, #tpu.memory_space<vmem_shared>> -> memref<10240xf32, #tpu.memory_space<vmem_shared>>
        tpu.enqueue_indirect_dma source(%arg7 : memref<125xf32, #tpu.memory_space<vmem>>) target(%dma_start3A_130 : memref<10240xf32, #tpu.memory_space<vmem_shared>>) offsets(%dma_start3A_128 : memref<125xi32, #tpu.memory_space<vmem>>) semaphore(%arg10 : memref<!tpu.dma_semaphore, #tpu.memory_space<semaphore_mem>>) {add = true}
        %mul3A_131 = arith.constant 8 : i32
        %mul3A_132 = arith.muli %scan3A_58, %mul3A_131 : i32
        %add3A_133 = arith.constant 7 : i32
        %add3A_134 = arith.addi %mul3A_132, %add3A_133 : i32
        %dma_start3A_135 = arith.constant 0 : i32
        %dma_start3A_136 = tpu.memref_slice %arg6[%add3A_134, %dma_start3A_135] : memref<80x125xi32, #tpu.memory_space<vmem>> -> memref<1x125xi32, #tpu.memory_space<vmem>>
        %dma_start3A_137 = tpu.memref_squeeze %dma_start3A_136 : memref<1x125xi32, #tpu.memory_space<vmem>> -> memref<125xi32, #tpu.memory_space<vmem>>
        %dma_start3A_138 = arith.constant 0 : i32
        %dma_start3A_139 = tpu.memref_slice %arg8[%dma_start3A_138] : memref<10240xf32, #tpu.memory_space<vmem_shared>> -> memref<10240xf32, #tpu.memory_space<vmem_shared>>
        tpu.enqueue_indirect_dma source(%arg7 : memref<125xf32, #tpu.memory_space<vmem>>) target(%dma_start3A_139 : memref<10240xf32, #tpu.memory_space<vmem_shared>>) offsets(%dma_start3A_137 : memref<125xi32, #tpu.memory_space<vmem>>) semaphore(%arg10 : memref<!tpu.dma_semaphore, #tpu.memory_space<semaphore_mem>>) {add = true}
        %ge3A = arith.constant 1 : i32
        %ge3A_140 = arith.cmpi sge, %scan3A_58, %ge3A : i32
        %convert_element_type3A_141 = arith.extui %ge3A_140 : i1 to i32
        %cond3A_142 = arith.constant 0 : i32
        %cond3A_143 = arith.cmpi ne, %convert_element_type3A_141, %cond3A_142 : i32
        scf.if %cond3A_143 {
          %sub3A = arith.constant 1 : i32
          %sub3A_144 = arith.subi %scan3A_58, %sub3A : i32
          %mul3A_145 = arith.constant 8 : i32
          %mul3A_146 = arith.muli %sub3A_144, %mul3A_145 : i32
          %add3A_147 = arith.constant 0 : i32
          %add3A_148 = arith.addi %mul3A_146, %add3A_147 : i32
          %dma_wait3A_149 = arith.constant 0 : i32
          %dma_wait3A_150 = tpu.memref_slice %arg6[%add3A_148, %dma_wait3A_149] : memref<80x125xi32, #tpu.memory_space<vmem>> -> memref<1x125xi32, #tpu.memory_space<vmem>>
          %dma_wait3A_151 = tpu.memref_squeeze %dma_wait3A_150 : memref<1x125xi32, #tpu.memory_space<vmem>> -> memref<125xi32, #tpu.memory_space<vmem>>
          %dma_wait3A_152 = arith.constant 0 : i32
          %dma_wait3A_153 = tpu.memref_slice %arg8[%dma_wait3A_152] : memref<10240xf32, #tpu.memory_space<vmem_shared>> -> memref<10240xf32, #tpu.memory_space<vmem_shared>>
          tpu.wait_indirect_dma semaphore(%arg9 : memref<!tpu.dma_semaphore, #tpu.memory_space<semaphore_mem>>) src(%arg7 : memref<125xf32, #tpu.memory_space<vmem>>) dst(%dma_wait3A_153 : memref<10240xf32, #tpu.memory_space<vmem_shared>>)
          %sub3A_154 = arith.constant 1 : i32
          %sub3A_155 = arith.subi %scan3A_58, %sub3A_154 : i32
          %mul3A_156 = arith.constant 8 : i32
          %mul3A_157 = arith.muli %sub3A_155, %mul3A_156 : i32
          %add3A_158 = arith.constant 1 : i32
          %add3A_159 = arith.addi %mul3A_157, %add3A_158 : i32
          %dma_wait3A_160 = arith.constant 0 : i32
          %dma_wait3A_161 = tpu.memref_slice %arg6[%add3A_159, %dma_wait3A_160] : memref<80x125xi32, #tpu.memory_space<vmem>> -> memref<1x125xi32, #tpu.memory_space<vmem>>
          %dma_wait3A_162 = tpu.memref_squeeze %dma_wait3A_161 : memref<1x125xi32, #tpu.memory_space<vmem>> -> memref<125xi32, #tpu.memory_space<vmem>>
          %dma_wait3A_163 = arith.constant 0 : i32
          %dma_wait3A_164 = tpu.memref_slice %arg8[%dma_wait3A_163] : memref<10240xf32, #tpu.memory_space<vmem_shared>> -> memref<10240xf32, #tpu.memory_space<vmem_shared>>
          tpu.wait_indirect_dma semaphore(%arg9 : memref<!tpu.dma_semaphore, #tpu.memory_space<semaphore_mem>>) src(%arg7 : memref<125xf32, #tpu.memory_space<vmem>>) dst(%dma_wait3A_164 : memref<10240xf32, #tpu.memory_space<vmem_shared>>)
          %sub3A_165 = arith.constant 1 : i32
          %sub3A_166 = arith.subi %scan3A_58, %sub3A_165 : i32
          %mul3A_167 = arith.constant 8 : i32
          %mul3A_168 = arith.muli %sub3A_166, %mul3A_167 : i32
          %add3A_169 = arith.constant 2 : i32
          %add3A_170 = arith.addi %mul3A_168, %add3A_169 : i32
          %dma_wait3A_171 = arith.constant 0 : i32
          %dma_wait3A_172 = tpu.memref_slice %arg6[%add3A_170, %dma_wait3A_171] : memref<80x125xi32, #tpu.memory_space<vmem>> -> memref<1x125xi32, #tpu.memory_space<vmem>>
          %dma_wait3A_173 = tpu.memref_squeeze %dma_wait3A_172 : memref<1x125xi32, #tpu.memory_space<vmem>> -> memref<125xi32, #tpu.memory_space<vmem>>
          %dma_wait3A_174 = arith.constant 0 : i32
          %dma_wait3A_175 = tpu.memref_slice %arg8[%dma_wait3A_174] : memref<10240xf32, #tpu.memory_space<vmem_shared>> -> memref<10240xf32, #tpu.memory_space<vmem_shared>>
          tpu.wait_indirect_dma semaphore(%arg9 : memref<!tpu.dma_semaphore, #tpu.memory_space<semaphore_mem>>) src(%arg7 : memref<125xf32, #tpu.memory_space<vmem>>) dst(%dma_wait3A_175 : memref<10240xf32, #tpu.memory_space<vmem_shared>>)
          %sub3A_176 = arith.constant 1 : i32
          %sub3A_177 = arith.subi %scan3A_58, %sub3A_176 : i32
          %mul3A_178 = arith.constant 8 : i32
          %mul3A_179 = arith.muli %sub3A_177, %mul3A_178 : i32
          %add3A_180 = arith.constant 3 : i32
          %add3A_181 = arith.addi %mul3A_179, %add3A_180 : i32
          %dma_wait3A_182 = arith.constant 0 : i32
          %dma_wait3A_183 = tpu.memref_slice %arg6[%add3A_181, %dma_wait3A_182] : memref<80x125xi32, #tpu.memory_space<vmem>> -> memref<1x125xi32, #tpu.memory_space<vmem>>
          %dma_wait3A_184 = tpu.memref_squeeze %dma_wait3A_183 : memref<1x125xi32, #tpu.memory_space<vmem>> -> memref<125xi32, #tpu.memory_space<vmem>>
          %dma_wait3A_185 = arith.constant 0 : i32
          %dma_wait3A_186 = tpu.memref_slice %arg8[%dma_wait3A_185] : memref<10240xf32, #tpu.memory_space<vmem_shared>> -> memref<10240xf32, #tpu.memory_space<vmem_shared>>
          tpu.wait_indirect_dma semaphore(%arg9 : memref<!tpu.dma_semaphore, #tpu.memory_space<semaphore_mem>>) src(%arg7 : memref<125xf32, #tpu.memory_space<vmem>>) dst(%dma_wait3A_186 : memref<10240xf32, #tpu.memory_space<vmem_shared>>)
          %sub3A_187 = arith.constant 1 : i32
          %sub3A_188 = arith.subi %scan3A_58, %sub3A_187 : i32
          %mul3A_189 = arith.constant 8 : i32
          %mul3A_190 = arith.muli %sub3A_188, %mul3A_189 : i32
          %add3A_191 = arith.constant 4 : i32
          %add3A_192 = arith.addi %mul3A_190, %add3A_191 : i32
          %dma_wait3A_193 = arith.constant 0 : i32
          %dma_wait3A_194 = tpu.memref_slice %arg6[%add3A_192, %dma_wait3A_193] : memref<80x125xi32, #tpu.memory_space<vmem>> -> memref<1x125xi32, #tpu.memory_space<vmem>>
          %dma_wait3A_195 = tpu.memref_squeeze %dma_wait3A_194 : memref<1x125xi32, #tpu.memory_space<vmem>> -> memref<125xi32, #tpu.memory_space<vmem>>
          %dma_wait3A_196 = arith.constant 0 : i32
          %dma_wait3A_197 = tpu.memref_slice %arg8[%dma_wait3A_196] : memref<10240xf32, #tpu.memory_space<vmem_shared>> -> memref<10240xf32, #tpu.memory_space<vmem_shared>>
          tpu.wait_indirect_dma semaphore(%arg9 : memref<!tpu.dma_semaphore, #tpu.memory_space<semaphore_mem>>) src(%arg7 : memref<125xf32, #tpu.memory_space<vmem>>) dst(%dma_wait3A_197 : memref<10240xf32, #tpu.memory_space<vmem_shared>>)
          %sub3A_198 = arith.constant 1 : i32
          %sub3A_199 = arith.subi %scan3A_58, %sub3A_198 : i32
          %mul3A_200 = arith.constant 8 : i32
          %mul3A_201 = arith.muli %sub3A_199, %mul3A_200 : i32
          %add3A_202 = arith.constant 5 : i32
          %add3A_203 = arith.addi %mul3A_201, %add3A_202 : i32
          %dma_wait3A_204 = arith.constant 0 : i32
          %dma_wait3A_205 = tpu.memref_slice %arg6[%add3A_203, %dma_wait3A_204] : memref<80x125xi32, #tpu.memory_space<vmem>> -> memref<1x125xi32, #tpu.memory_space<vmem>>
          %dma_wait3A_206 = tpu.memref_squeeze %dma_wait3A_205 : memref<1x125xi32, #tpu.memory_space<vmem>> -> memref<125xi32, #tpu.memory_space<vmem>>
          %dma_wait3A_207 = arith.constant 0 : i32
          %dma_wait3A_208 = tpu.memref_slice %arg8[%dma_wait3A_207] : memref<10240xf32, #tpu.memory_space<vmem_shared>> -> memref<10240xf32, #tpu.memory_space<vmem_shared>>
          tpu.wait_indirect_dma semaphore(%arg9 : memref<!tpu.dma_semaphore, #tpu.memory_space<semaphore_mem>>) src(%arg7 : memref<125xf32, #tpu.memory_space<vmem>>) dst(%dma_wait3A_208 : memref<10240xf32, #tpu.memory_space<vmem_shared>>)
          %sub3A_209 = arith.constant 1 : i32
          %sub3A_210 = arith.subi %scan3A_58, %sub3A_209 : i32
          %mul3A_211 = arith.constant 8 : i32
          %mul3A_212 = arith.muli %sub3A_210, %mul3A_211 : i32
          %add3A_213 = arith.constant 6 : i32
          %add3A_214 = arith.addi %mul3A_212, %add3A_213 : i32
          %dma_wait3A_215 = arith.constant 0 : i32
          %dma_wait3A_216 = tpu.memref_slice %arg6[%add3A_214, %dma_wait3A_215] : memref<80x125xi32, #tpu.memory_space<vmem>> -> memref<1x125xi32, #tpu.memory_space<vmem>>
          %dma_wait3A_217 = tpu.memref_squeeze %dma_wait3A_216 : memref<1x125xi32, #tpu.memory_space<vmem>> -> memref<125xi32, #tpu.memory_space<vmem>>
          %dma_wait3A_218 = arith.constant 0 : i32
          %dma_wait3A_219 = tpu.memref_slice %arg8[%dma_wait3A_218] : memref<10240xf32, #tpu.memory_space<vmem_shared>> -> memref<10240xf32, #tpu.memory_space<vmem_shared>>
          tpu.wait_indirect_dma semaphore(%arg9 : memref<!tpu.dma_semaphore, #tpu.memory_space<semaphore_mem>>) src(%arg7 : memref<125xf32, #tpu.memory_space<vmem>>) dst(%dma_wait3A_219 : memref<10240xf32, #tpu.memory_space<vmem_shared>>)
          %sub3A_220 = arith.constant 1 : i32
          %sub3A_221 = arith.subi %scan3A_58, %sub3A_220 : i32
          %mul3A_222 = arith.constant 8 : i32
          %mul3A_223 = arith.muli %sub3A_221, %mul3A_222 : i32
          %add3A_224 = arith.constant 7 : i32
          %add3A_225 = arith.addi %mul3A_223, %add3A_224 : i32
          %dma_wait3A_226 = arith.constant 0 : i32
          %dma_wait3A_227 = tpu.memref_slice %arg6[%add3A_225, %dma_wait3A_226] : memref<80x125xi32, #tpu.memory_space<vmem>> -> memref<1x125xi32, #tpu.memory_space<vmem>>
          %dma_wait3A_228 = tpu.memref_squeeze %dma_wait3A_227 : memref<1x125xi32, #tpu.memory_space<vmem>> -> memref<125xi32, #tpu.memory_space<vmem>>
          %dma_wait3A_229 = arith.constant 0 : i32
          %dma_wait3A_230 = tpu.memref_slice %arg8[%dma_wait3A_229] : memref<10240xf32, #tpu.memory_space<vmem_shared>> -> memref<10240xf32, #tpu.memory_space<vmem_shared>>
          tpu.wait_indirect_dma semaphore(%arg9 : memref<!tpu.dma_semaphore, #tpu.memory_space<semaphore_mem>>) src(%arg7 : memref<125xf32, #tpu.memory_space<vmem>>) dst(%dma_wait3A_230 : memref<10240xf32, #tpu.memory_space<vmem_shared>>)
        } else {
        }
      } else {
      }
    }
    %scan3A_9 = arith.constant 10 : i32
    %dma_wait3A = arith.constant 72 : i32
    %dma_wait3A_10 = arith.constant 0 : i32
    %dma_wait3A_11 = tpu.memref_slice %arg6[%dma_wait3A, %dma_wait3A_10] : memref<80x125xi32, #tpu.memory_space<vmem>> -> memref<1x125xi32, #tpu.memory_space<vmem>>
    %dma_wait3A_12 = tpu.memref_squeeze %dma_wait3A_11 : memref<1x125xi32, #tpu.memory_space<vmem>> -> memref<125xi32, #tpu.memory_space<vmem>>
    %dma_wait3A_13 = arith.constant 0 : i32
    %dma_wait3A_14 = tpu.memref_slice %arg8[%dma_wait3A_13] : memref<10240xf32, #tpu.memory_space<vmem_shared>> -> memref<10240xf32, #tpu.memory_space<vmem_shared>>
    tpu.wait_indirect_dma semaphore(%arg10 : memref<!tpu.dma_semaphore, #tpu.memory_space<semaphore_mem>>) src(%arg7 : memref<125xf32, #tpu.memory_space<vmem>>) dst(%dma_wait3A_14 : memref<10240xf32, #tpu.memory_space<vmem_shared>>)
    %dma_wait3A_15 = arith.constant 73 : i32
    %dma_wait3A_16 = arith.constant 0 : i32
    %dma_wait3A_17 = tpu.memref_slice %arg6[%dma_wait3A_15, %dma_wait3A_16] : memref<80x125xi32, #tpu.memory_space<vmem>> -> memref<1x125xi32, #tpu.memory_space<vmem>>
    %dma_wait3A_18 = tpu.memref_squeeze %dma_wait3A_17 : memref<1x125xi32, #tpu.memory_space<vmem>> -> memref<125xi32, #tpu.memory_space<vmem>>
    %dma_wait3A_19 = arith.constant 0 : i32
    %dma_wait3A_20 = tpu.memref_slice %arg8[%dma_wait3A_19] : memref<10240xf32, #tpu.memory_space<vmem_shared>> -> memref<10240xf32, #tpu.memory_space<vmem_shared>>
    tpu.wait_indirect_dma semaphore(%arg10 : memref<!tpu.dma_semaphore, #tpu.memory_space<semaphore_mem>>) src(%arg7 : memref<125xf32, #tpu.memory_space<vmem>>) dst(%dma_wait3A_20 : memref<10240xf32, #tpu.memory_space<vmem_shared>>)
    %dma_wait3A_21 = arith.constant 74 : i32
    %dma_wait3A_22 = arith.constant 0 : i32
    %dma_wait3A_23 = tpu.memref_slice %arg6[%dma_wait3A_21, %dma_wait3A_22] : memref<80x125xi32, #tpu.memory_space<vmem>> -> memref<1x125xi32, #tpu.memory_space<vmem>>
    %dma_wait3A_24 = tpu.memref_squeeze %dma_wait3A_23 : memref<1x125xi32, #tpu.memory_space<vmem>> -> memref<125xi32, #tpu.memory_space<vmem>>
    %dma_wait3A_25 = arith.constant 0 : i32
    %dma_wait3A_26 = tpu.memref_slice %arg8[%dma_wait3A_25] : memref<10240xf32, #tpu.memory_space<vmem_shared>> -> memref<10240xf32, #tpu.memory_space<vmem_shared>>
    tpu.wait_indirect_dma semaphore(%arg10 : memref<!tpu.dma_semaphore, #tpu.memory_space<semaphore_mem>>) src(%arg7 : memref<125xf32, #tpu.memory_space<vmem>>) dst(%dma_wait3A_26 : memref<10240xf32, #tpu.memory_space<vmem_shared>>)
    %dma_wait3A_27 = arith.constant 75 : i32
    %dma_wait3A_28 = arith.constant 0 : i32
    %dma_wait3A_29 = tpu.memref_slice %arg6[%dma_wait3A_27, %dma_wait3A_28] : memref<80x125xi32, #tpu.memory_space<vmem>> -> memref<1x125xi32, #tpu.memory_space<vmem>>
    %dma_wait3A_30 = tpu.memref_squeeze %dma_wait3A_29 : memref<1x125xi32, #tpu.memory_space<vmem>> -> memref<125xi32, #tpu.memory_space<vmem>>
    %dma_wait3A_31 = arith.constant 0 : i32
    %dma_wait3A_32 = tpu.memref_slice %arg8[%dma_wait3A_31] : memref<10240xf32, #tpu.memory_space<vmem_shared>> -> memref<10240xf32, #tpu.memory_space<vmem_shared>>
    tpu.wait_indirect_dma semaphore(%arg10 : memref<!tpu.dma_semaphore, #tpu.memory_space<semaphore_mem>>) src(%arg7 : memref<125xf32, #tpu.memory_space<vmem>>) dst(%dma_wait3A_32 : memref<10240xf32, #tpu.memory_space<vmem_shared>>)
    %dma_wait3A_33 = arith.constant 76 : i32
    %dma_wait3A_34 = arith.constant 0 : i32
    %dma_wait3A_35 = tpu.memref_slice %arg6[%dma_wait3A_33, %dma_wait3A_34] : memref<80x125xi32, #tpu.memory_space<vmem>> -> memref<1x125xi32, #tpu.memory_space<vmem>>
    %dma_wait3A_36 = tpu.memref_squeeze %dma_wait3A_35 : memref<1x125xi32, #tpu.memory_space<vmem>> -> memref<125xi32, #tpu.memory_space<vmem>>
    %dma_wait3A_37 = arith.constant 0 : i32
    %dma_wait3A_38 = tpu.memref_slice %arg8[%dma_wait3A_37] : memref<10240xf32, #tpu.memory_space<vmem_shared>> -> memref<10240xf32, #tpu.memory_space<vmem_shared>>
    tpu.wait_indirect_dma semaphore(%arg10 : memref<!tpu.dma_semaphore, #tpu.memory_space<semaphore_mem>>) src(%arg7 : memref<125xf32, #tpu.memory_space<vmem>>) dst(%dma_wait3A_38 : memref<10240xf32, #tpu.memory_space<vmem_shared>>)
    %dma_wait3A_39 = arith.constant 77 : i32
    %dma_wait3A_40 = arith.constant 0 : i32
    %dma_wait3A_41 = tpu.memref_slice %arg6[%dma_wait3A_39, %dma_wait3A_40] : memref<80x125xi32, #tpu.memory_space<vmem>> -> memref<1x125xi32, #tpu.memory_space<vmem>>
    %dma_wait3A_42 = tpu.memref_squeeze %dma_wait3A_41 : memref<1x125xi32, #tpu.memory_space<vmem>> -> memref<125xi32, #tpu.memory_space<vmem>>
    %dma_wait3A_43 = arith.constant 0 : i32
    %dma_wait3A_44 = tpu.memref_slice %arg8[%dma_wait3A_43] : memref<10240xf32, #tpu.memory_space<vmem_shared>> -> memref<10240xf32, #tpu.memory_space<vmem_shared>>
    tpu.wait_indirect_dma semaphore(%arg10 : memref<!tpu.dma_semaphore, #tpu.memory_space<semaphore_mem>>) src(%arg7 : memref<125xf32, #tpu.memory_space<vmem>>) dst(%dma_wait3A_44 : memref<10240xf32, #tpu.memory_space<vmem_shared>>)
    %dma_wait3A_45 = arith.constant 78 : i32
    %dma_wait3A_46 = arith.constant 0 : i32
    %dma_wait3A_47 = tpu.memref_slice %arg6[%dma_wait3A_45, %dma_wait3A_46] : memref<80x125xi32, #tpu.memory_space<vmem>> -> memref<1x125xi32, #tpu.memory_space<vmem>>
    %dma_wait3A_48 = tpu.memref_squeeze %dma_wait3A_47 : memref<1x125xi32, #tpu.memory_space<vmem>> -> memref<125xi32, #tpu.memory_space<vmem>>
    %dma_wait3A_49 = arith.constant 0 : i32
    %dma_wait3A_50 = tpu.memref_slice %arg8[%dma_wait3A_49] : memref<10240xf32, #tpu.memory_space<vmem_shared>> -> memref<10240xf32, #tpu.memory_space<vmem_shared>>
    tpu.wait_indirect_dma semaphore(%arg10 : memref<!tpu.dma_semaphore, #tpu.memory_space<semaphore_mem>>) src(%arg7 : memref<125xf32, #tpu.memory_space<vmem>>) dst(%dma_wait3A_50 : memref<10240xf32, #tpu.memory_space<vmem_shared>>)
    %dma_wait3A_51 = arith.constant 79 : i32
    %dma_wait3A_52 = arith.constant 0 : i32
    %dma_wait3A_53 = tpu.memref_slice %arg6[%dma_wait3A_51, %dma_wait3A_52] : memref<80x125xi32, #tpu.memory_space<vmem>> -> memref<1x125xi32, #tpu.memory_space<vmem>>
    %dma_wait3A_54 = tpu.memref_squeeze %dma_wait3A_53 : memref<1x125xi32, #tpu.memory_space<vmem>> -> memref<125xi32, #tpu.memory_space<vmem>>
    %dma_wait3A_55 = arith.constant 0 : i32
    %dma_wait3A_56 = tpu.memref_slice %arg8[%dma_wait3A_55] : memref<10240xf32, #tpu.memory_space<vmem_shared>> -> memref<10240xf32, #tpu.memory_space<vmem_shared>>
    tpu.wait_indirect_dma semaphore(%arg10 : memref<!tpu.dma_semaphore, #tpu.memory_space<semaphore_mem>>) src(%arg7 : memref<125xf32, #tpu.memory_space<vmem>>) dst(%dma_wait3A_56 : memref<10240xf32, #tpu.memory_space<vmem_shared>>)
    %barrier3A_57 = arith.constant 0 : index
    tpu.barrier barrier_id(%barrier3A_57)
    "tpu.region"() ({
      %run_scoped3A_58 = tpu.sem_alloc : memref<!tpu.dma_semaphore, #tpu.memory_space<semaphore_mem>>
      %dma_start3A = tpu.memref_slice %arg5[%arg0, %mul3A_0] : memref<2x10240xf32, #tpu.memory_space<hbm>> -> memref<1x640xf32, #tpu.memory_space<hbm>>
      %dma_start3A_59 = tpu.memref_squeeze %dma_start3A : memref<1x640xf32, #tpu.memory_space<hbm>> -> memref<640xf32, #tpu.memory_space<hbm>>
      %dma_start3A_60 = tpu.memref_slice %arg8[%mul3A_0] : memref<10240xf32, #tpu.memory_space<vmem_shared>> -> memref<640xf32, #tpu.memory_space<vmem_shared>>
      tpu.enqueue_dma source(%dma_start3A_60 : memref<640xf32, #tpu.memory_space<vmem_shared>>) target(%dma_start3A_59 : memref<640xf32, #tpu.memory_space<hbm>>) target_semaphore(%run_scoped3A_58 : memref<!tpu.dma_semaphore, #tpu.memory_space<semaphore_mem>>)
      %dma_wait3A_61 = tpu.memref_slice %arg5[%arg0, %mul3A_0] : memref<2x10240xf32, #tpu.memory_space<hbm>> -> memref<1x640xf32, #tpu.memory_space<hbm>>
      %dma_wait3A_62 = tpu.memref_squeeze %dma_wait3A_61 : memref<1x640xf32, #tpu.memory_space<hbm>> -> memref<640xf32, #tpu.memory_space<hbm>>
      %dma_wait3A_63 = tpu.memref_slice %arg8[%mul3A_0] : memref<10240xf32, #tpu.memory_space<vmem_shared>> -> memref<640xf32, #tpu.memory_space<vmem_shared>>
      tpu.wait_dma2 semaphore(%run_scoped3A_58 : memref<!tpu.dma_semaphore, #tpu.memory_space<semaphore_mem>>) src(%dma_wait3A_63 : memref<640xf32, #tpu.memory_space<vmem_shared>>) dst(%dma_wait3A_62 : memref<640xf32, #tpu.memory_space<hbm>>)
      tpu.yield
    }) : () -> ()
    return
  }
}

#map = affine_map<(d0, d1) -> (0, 0, 0)>
#map1 = affine_map<(d0, d1) -> (0, 0)>
module attributes {stable_mosaic.version = 14 : i64} {
  func.func @_sc_aggregate(%arg0: i32, %arg1: i32, %arg2: memref<2x2560x125xi32, #tpu.memory_space<hbm>>, %arg3: memref<10240x16xf32, #tpu.memory_space<hbm>>, %arg4: memref<10240x16xf32, #tpu.memory_space<hbm>>, %arg5: memref<2x10240x16xf32, #tpu.memory_space<hbm>>, %arg6: memref<80x125xi32, #tpu.memory_space<vmem>>, %arg7: memref<80x125xi32, #tpu.memory_space<vmem>>, %arg8: memref<125x16xf32, #tpu.memory_space<vmem>>, %arg9: memref<125x16xf32, #tpu.memory_space<vmem>>, %arg10: memref<125x16xf32, #tpu.memory_space<vmem>>, %arg11: memref<125x16xf32, #tpu.memory_space<vmem>>, %arg12: memref<125x16xf32, #tpu.memory_space<vmem>>, %arg13: memref<125x16xf32, #tpu.memory_space<vmem>>, %arg14: memref<125x16xf32, #tpu.memory_space<vmem>>, %arg15: memref<125x16xf32, #tpu.memory_space<vmem>>, %arg16: memref<125x16xf32, #tpu.memory_space<vmem>>, %arg17: memref<125x16xf32, #tpu.memory_space<vmem>>, %arg18: memref<125x16xf32, #tpu.memory_space<vmem>>, %arg19: memref<125x16xf32, #tpu.memory_space<vmem>>, %arg20: memref<125x16xf32, #tpu.memory_space<vmem>>, %arg21: memref<125x16xf32, #tpu.memory_space<vmem>>, %arg22: memref<125x16xf32, #tpu.memory_space<vmem>>, %arg23: memref<125x16xf32, #tpu.memory_space<vmem>>, %arg24: memref<10240x16xf32, #tpu.memory_space<vmem_shared>>, %arg25: memref<!tpu.dma_semaphore, #tpu.memory_space<semaphore_mem>>, %arg26: memref<!tpu.dma_semaphore, #tpu.memory_space<semaphore_mem>>, %arg27: memref<!tpu.dma_semaphore, #tpu.memory_space<semaphore_mem>>, %arg28: memref<!tpu.dma_semaphore, #tpu.memory_space<semaphore_mem>>) attributes {dimension_semantics = [#tpu.dimension_semantics<core_parallel>, #tpu.dimension_semantics<subcore_parallel>], iteration_bounds = array<i64: 2, 16>, scalar_prefetch = 0 : i64, scratch_operands = 23 : i64, tpu.core_type = #tpu.core_type<sc_vector_subcore>, window_params = [{transform_indices = #map}, {transform_indices = #map1}, {transform_indices = #map1}, {transform_indices = #map}]} {
    %mul3A = arith.constant 2 : i32
    %mul3A_0 = arith.muli %arg1, %mul3A : i32
    %add3A = arith.addi %mul3A_0, %arg0 : i32
    %mul3A_1 = arith.constant 640 : i32
    %mul3A_2 = arith.muli %arg1, %mul3A_1 : i32
    "tpu.region"() ({
      %run_scoped3A_124 = tpu.sem_alloc : memref<!tpu.dma_semaphore, #tpu.memory_space<semaphore_mem>>
      %dma_start3A_125 = arith.constant 0 : i32
      %dma_start3A_126 = tpu.memref_slice %arg24[%mul3A_2, %dma_start3A_125] : memref<10240x16xf32, #tpu.memory_space<vmem_shared>> -> memref<640x16xf32, #tpu.memory_space<vmem_shared>>
      %dma_start3A_127 = arith.constant 0 : i32
      %dma_start3A_128 = tpu.memref_slice %arg4[%mul3A_2, %dma_start3A_127] : memref<10240x16xf32, #tpu.memory_space<hbm>> -> memref<640x16xf32, #tpu.memory_space<hbm>>
      tpu.enqueue_dma source(%dma_start3A_128 : memref<640x16xf32, #tpu.memory_space<hbm>>) target(%dma_start3A_126 : memref<640x16xf32, #tpu.memory_space<vmem_shared>>) target_semaphore(%run_scoped3A_124 : memref<!tpu.dma_semaphore, #tpu.memory_space<semaphore_mem>>)
      %dma_wait3A_129 = arith.constant 0 : i32
      %dma_wait3A_130 = tpu.memref_slice %arg24[%mul3A_2, %dma_wait3A_129] : memref<10240x16xf32, #tpu.memory_space<vmem_shared>> -> memref<640x16xf32, #tpu.memory_space<vmem_shared>>
      %dma_wait3A_131 = arith.constant 0 : i32
      %dma_wait3A_132 = tpu.memref_slice %arg4[%mul3A_2, %dma_wait3A_131] : memref<10240x16xf32, #tpu.memory_space<hbm>> -> memref<640x16xf32, #tpu.memory_space<hbm>>
      tpu.wait_dma2 semaphore(%run_scoped3A_124 : memref<!tpu.dma_semaphore, #tpu.memory_space<semaphore_mem>>) src(%dma_wait3A_132 : memref<640x16xf32, #tpu.memory_space<hbm>>) dst(%dma_wait3A_130 : memref<640x16xf32, #tpu.memory_space<vmem_shared>>)
      tpu.yield
    }) : () -> ()
    %mul3A_3 = arith.constant 80 : i32
    %mul3A_4 = arith.muli %add3A, %mul3A_3 : i32
    %run_scoped3A = arith.constant 0 : i32
    "tpu.region"() ({
      %run_scoped3A_124 = tpu.sem_alloc : memref<!tpu.dma_semaphore, #tpu.memory_space<semaphore_mem>>
      %dma_start3A_125 = arith.constant 0 : i32
      %dma_start3A_126 = tpu.memref_slice %arg2[%run_scoped3A, %mul3A_4, %dma_start3A_125] : memref<2x2560x125xi32, #tpu.memory_space<hbm>> -> memref<1x80x125xi32, #tpu.memory_space<hbm>>
      %dma_start3A_127 = tpu.memref_squeeze %dma_start3A_126 : memref<1x80x125xi32, #tpu.memory_space<hbm>> -> memref<80x125xi32, #tpu.memory_space<hbm>>
      %dma_start3A_128 = arith.constant 0 : i32
      %dma_start3A_129 = tpu.memref_slice %arg2[%run_scoped3A, %mul3A_4, %dma_start3A_128] : memref<2x2560x125xi32, #tpu.memory_space<hbm>> -> memref<1x80x125xi32, #tpu.memory_space<hbm>>
      %dma_start3A_130 = tpu.memref_squeeze %dma_start3A_129 : memref<1x80x125xi32, #tpu.memory_space<hbm>> -> memref<80x125xi32, #tpu.memory_space<hbm>>
      tpu.enqueue_dma source(%dma_start3A_130 : memref<80x125xi32, #tpu.memory_space<hbm>>) target(%arg6 : memref<80x125xi32, #tpu.memory_space<vmem>>) target_semaphore(%run_scoped3A_124 : memref<!tpu.dma_semaphore, #tpu.memory_space<semaphore_mem>>)
      %dma_wait3A_131 = arith.constant 0 : i32
      %dma_wait3A_132 = tpu.memref_slice %arg2[%run_scoped3A, %mul3A_4, %dma_wait3A_131] : memref<2x2560x125xi32, #tpu.memory_space<hbm>> -> memref<1x80x125xi32, #tpu.memory_space<hbm>>
      %dma_wait3A_133 = tpu.memref_squeeze %dma_wait3A_132 : memref<1x80x125xi32, #tpu.memory_space<hbm>> -> memref<80x125xi32, #tpu.memory_space<hbm>>
      %dma_wait3A_134 = arith.constant 0 : i32
      %dma_wait3A_135 = tpu.memref_slice %arg2[%run_scoped3A, %mul3A_4, %dma_wait3A_134] : memref<2x2560x125xi32, #tpu.memory_space<hbm>> -> memref<1x80x125xi32, #tpu.memory_space<hbm>>
      %dma_wait3A_136 = tpu.memref_squeeze %dma_wait3A_135 : memref<1x80x125xi32, #tpu.memory_space<hbm>> -> memref<80x125xi32, #tpu.memory_space<hbm>>
      tpu.wait_dma2 semaphore(%run_scoped3A_124 : memref<!tpu.dma_semaphore, #tpu.memory_space<semaphore_mem>>) src(%dma_wait3A_136 : memref<80x125xi32, #tpu.memory_space<hbm>>) dst(%arg6 : memref<80x125xi32, #tpu.memory_space<vmem>>)
      tpu.yield
    }) : () -> ()
    %mul3A_5 = arith.constant 80 : i32
    %mul3A_6 = arith.muli %add3A, %mul3A_5 : i32
    %run_scoped3A_7 = arith.constant 1 : i32
    "tpu.region"() ({
      %run_scoped3A_124 = tpu.sem_alloc : memref<!tpu.dma_semaphore, #tpu.memory_space<semaphore_mem>>
      %dma_start3A_125 = arith.constant 0 : i32
      %dma_start3A_126 = tpu.memref_slice %arg2[%run_scoped3A_7, %mul3A_6, %dma_start3A_125] : memref<2x2560x125xi32, #tpu.memory_space<hbm>> -> memref<1x80x125xi32, #tpu.memory_space<hbm>>
      %dma_start3A_127 = tpu.memref_squeeze %dma_start3A_126 : memref<1x80x125xi32, #tpu.memory_space<hbm>> -> memref<80x125xi32, #tpu.memory_space<hbm>>
      %dma_start3A_128 = arith.constant 0 : i32
      %dma_start3A_129 = tpu.memref_slice %arg2[%run_scoped3A_7, %mul3A_6, %dma_start3A_128] : memref<2x2560x125xi32, #tpu.memory_space<hbm>> -> memref<1x80x125xi32, #tpu.memory_space<hbm>>
      %dma_start3A_130 = tpu.memref_squeeze %dma_start3A_129 : memref<1x80x125xi32, #tpu.memory_space<hbm>> -> memref<80x125xi32, #tpu.memory_space<hbm>>
      tpu.enqueue_dma source(%dma_start3A_130 : memref<80x125xi32, #tpu.memory_space<hbm>>) target(%arg7 : memref<80x125xi32, #tpu.memory_space<vmem>>) target_semaphore(%run_scoped3A_124 : memref<!tpu.dma_semaphore, #tpu.memory_space<semaphore_mem>>)
      %dma_wait3A_131 = arith.constant 0 : i32
      %dma_wait3A_132 = tpu.memref_slice %arg2[%run_scoped3A_7, %mul3A_6, %dma_wait3A_131] : memref<2x2560x125xi32, #tpu.memory_space<hbm>> -> memref<1x80x125xi32, #tpu.memory_space<hbm>>
      %dma_wait3A_133 = tpu.memref_squeeze %dma_wait3A_132 : memref<1x80x125xi32, #tpu.memory_space<hbm>> -> memref<80x125xi32, #tpu.memory_space<hbm>>
      %dma_wait3A_134 = arith.constant 0 : i32
      %dma_wait3A_135 = tpu.memref_slice %arg2[%run_scoped3A_7, %mul3A_6, %dma_wait3A_134] : memref<2x2560x125xi32, #tpu.memory_space<hbm>> -> memref<1x80x125xi32, #tpu.memory_space<hbm>>
      %dma_wait3A_136 = tpu.memref_squeeze %dma_wait3A_135 : memref<1x80x125xi32, #tpu.memory_space<hbm>> -> memref<80x125xi32, #tpu.memory_space<hbm>>
      tpu.wait_dma2 semaphore(%run_scoped3A_124 : memref<!tpu.dma_semaphore, #tpu.memory_space<semaphore_mem>>) src(%dma_wait3A_136 : memref<80x125xi32, #tpu.memory_space<hbm>>) dst(%arg7 : memref<80x125xi32, #tpu.memory_space<vmem>>)
      tpu.yield
    }) : () -> ()
    %barrier3A = arith.constant 0 : index
    tpu.barrier barrier_id(%barrier3A)
    %dma_start3A = arith.constant 0 : i32
    %dma_start3A_8 = arith.constant 0 : i32
    %dma_start3A_9 = tpu.memref_slice %arg6[%dma_start3A, %dma_start3A_8] : memref<80x125xi32, #tpu.memory_space<vmem>> -> memref<1x125xi32, #tpu.memory_space<vmem>>
    %dma_start3A_10 = tpu.memref_squeeze %dma_start3A_9 : memref<1x125xi32, #tpu.memory_space<vmem>> -> memref<125xi32, #tpu.memory_space<vmem>>
    %dma_start3A_11 = arith.constant 0 : i32
    %dma_start3A_12 = arith.constant 0 : i32
    %dma_start3A_13 = tpu.memref_slice %arg3[%dma_start3A_11, %dma_start3A_12] : memref<10240x16xf32, #tpu.memory_space<hbm>> -> memref<10240x16xf32, #tpu.memory_space<hbm>>
    tpu.enqueue_indirect_dma source(%dma_start3A_13 : memref<10240x16xf32, #tpu.memory_space<hbm>>) target(%arg8 : memref<125x16xf32, #tpu.memory_space<vmem>>) offsets(%dma_start3A_10 : memref<125xi32, #tpu.memory_space<vmem>>) semaphore(%arg25 : memref<!tpu.dma_semaphore, #tpu.memory_space<semaphore_mem>>)
    %dma_start3A_14 = arith.constant 1 : i32
    %dma_start3A_15 = arith.constant 0 : i32
    %dma_start3A_16 = tpu.memref_slice %arg6[%dma_start3A_14, %dma_start3A_15] : memref<80x125xi32, #tpu.memory_space<vmem>> -> memref<1x125xi32, #tpu.memory_space<vmem>>
    %dma_start3A_17 = tpu.memref_squeeze %dma_start3A_16 : memref<1x125xi32, #tpu.memory_space<vmem>> -> memref<125xi32, #tpu.memory_space<vmem>>
    %dma_start3A_18 = arith.constant 0 : i32
    %dma_start3A_19 = arith.constant 0 : i32
    %dma_start3A_20 = tpu.memref_slice %arg3[%dma_start3A_18, %dma_start3A_19] : memref<10240x16xf32, #tpu.memory_space<hbm>> -> memref<10240x16xf32, #tpu.memory_space<hbm>>
    tpu.enqueue_indirect_dma source(%dma_start3A_20 : memref<10240x16xf32, #tpu.memory_space<hbm>>) target(%arg9 : memref<125x16xf32, #tpu.memory_space<vmem>>) offsets(%dma_start3A_17 : memref<125xi32, #tpu.memory_space<vmem>>) semaphore(%arg25 : memref<!tpu.dma_semaphore, #tpu.memory_space<semaphore_mem>>)
    %dma_start3A_21 = arith.constant 2 : i32
    %dma_start3A_22 = arith.constant 0 : i32
    %dma_start3A_23 = tpu.memref_slice %arg6[%dma_start3A_21, %dma_start3A_22] : memref<80x125xi32, #tpu.memory_space<vmem>> -> memref<1x125xi32, #tpu.memory_space<vmem>>
    %dma_start3A_24 = tpu.memref_squeeze %dma_start3A_23 : memref<1x125xi32, #tpu.memory_space<vmem>> -> memref<125xi32, #tpu.memory_space<vmem>>
    %dma_start3A_25 = arith.constant 0 : i32
    %dma_start3A_26 = arith.constant 0 : i32
    %dma_start3A_27 = tpu.memref_slice %arg3[%dma_start3A_25, %dma_start3A_26] : memref<10240x16xf32, #tpu.memory_space<hbm>> -> memref<10240x16xf32, #tpu.memory_space<hbm>>
    tpu.enqueue_indirect_dma source(%dma_start3A_27 : memref<10240x16xf32, #tpu.memory_space<hbm>>) target(%arg10 : memref<125x16xf32, #tpu.memory_space<vmem>>) offsets(%dma_start3A_24 : memref<125xi32, #tpu.memory_space<vmem>>) semaphore(%arg25 : memref<!tpu.dma_semaphore, #tpu.memory_space<semaphore_mem>>)
    %dma_start3A_28 = arith.constant 3 : i32
    %dma_start3A_29 = arith.constant 0 : i32
    %dma_start3A_30 = tpu.memref_slice %arg6[%dma_start3A_28, %dma_start3A_29] : memref<80x125xi32, #tpu.memory_space<vmem>> -> memref<1x125xi32, #tpu.memory_space<vmem>>
    %dma_start3A_31 = tpu.memref_squeeze %dma_start3A_30 : memref<1x125xi32, #tpu.memory_space<vmem>> -> memref<125xi32, #tpu.memory_space<vmem>>
    %dma_start3A_32 = arith.constant 0 : i32
    %dma_start3A_33 = arith.constant 0 : i32
    %dma_start3A_34 = tpu.memref_slice %arg3[%dma_start3A_32, %dma_start3A_33] : memref<10240x16xf32, #tpu.memory_space<hbm>> -> memref<10240x16xf32, #tpu.memory_space<hbm>>
    tpu.enqueue_indirect_dma source(%dma_start3A_34 : memref<10240x16xf32, #tpu.memory_space<hbm>>) target(%arg11 : memref<125x16xf32, #tpu.memory_space<vmem>>) offsets(%dma_start3A_31 : memref<125xi32, #tpu.memory_space<vmem>>) semaphore(%arg25 : memref<!tpu.dma_semaphore, #tpu.memory_space<semaphore_mem>>)
    %dma_start3A_35 = arith.constant 4 : i32
    %dma_start3A_36 = arith.constant 0 : i32
    %dma_start3A_37 = tpu.memref_slice %arg6[%dma_start3A_35, %dma_start3A_36] : memref<80x125xi32, #tpu.memory_space<vmem>> -> memref<1x125xi32, #tpu.memory_space<vmem>>
    %dma_start3A_38 = tpu.memref_squeeze %dma_start3A_37 : memref<1x125xi32, #tpu.memory_space<vmem>> -> memref<125xi32, #tpu.memory_space<vmem>>
    %dma_start3A_39 = arith.constant 0 : i32
    %dma_start3A_40 = arith.constant 0 : i32
    %dma_start3A_41 = tpu.memref_slice %arg3[%dma_start3A_39, %dma_start3A_40] : memref<10240x16xf32, #tpu.memory_space<hbm>> -> memref<10240x16xf32, #tpu.memory_space<hbm>>
    tpu.enqueue_indirect_dma source(%dma_start3A_41 : memref<10240x16xf32, #tpu.memory_space<hbm>>) target(%arg12 : memref<125x16xf32, #tpu.memory_space<vmem>>) offsets(%dma_start3A_38 : memref<125xi32, #tpu.memory_space<vmem>>) semaphore(%arg25 : memref<!tpu.dma_semaphore, #tpu.memory_space<semaphore_mem>>)
    %dma_start3A_42 = arith.constant 5 : i32
    %dma_start3A_43 = arith.constant 0 : i32
    %dma_start3A_44 = tpu.memref_slice %arg6[%dma_start3A_42, %dma_start3A_43] : memref<80x125xi32, #tpu.memory_space<vmem>> -> memref<1x125xi32, #tpu.memory_space<vmem>>
    %dma_start3A_45 = tpu.memref_squeeze %dma_start3A_44 : memref<1x125xi32, #tpu.memory_space<vmem>> -> memref<125xi32, #tpu.memory_space<vmem>>
    %dma_start3A_46 = arith.constant 0 : i32
    %dma_start3A_47 = arith.constant 0 : i32
    %dma_start3A_48 = tpu.memref_slice %arg3[%dma_start3A_46, %dma_start3A_47] : memref<10240x16xf32, #tpu.memory_space<hbm>> -> memref<10240x16xf32, #tpu.memory_space<hbm>>
    tpu.enqueue_indirect_dma source(%dma_start3A_48 : memref<10240x16xf32, #tpu.memory_space<hbm>>) target(%arg13 : memref<125x16xf32, #tpu.memory_space<vmem>>) offsets(%dma_start3A_45 : memref<125xi32, #tpu.memory_space<vmem>>) semaphore(%arg25 : memref<!tpu.dma_semaphore, #tpu.memory_space<semaphore_mem>>)
    %dma_start3A_49 = arith.constant 6 : i32
    %dma_start3A_50 = arith.constant 0 : i32
    %dma_start3A_51 = tpu.memref_slice %arg6[%dma_start3A_49, %dma_start3A_50] : memref<80x125xi32, #tpu.memory_space<vmem>> -> memref<1x125xi32, #tpu.memory_space<vmem>>
    %dma_start3A_52 = tpu.memref_squeeze %dma_start3A_51 : memref<1x125xi32, #tpu.memory_space<vmem>> -> memref<125xi32, #tpu.memory_space<vmem>>
    %dma_start3A_53 = arith.constant 0 : i32
    %dma_start3A_54 = arith.constant 0 : i32
    %dma_start3A_55 = tpu.memref_slice %arg3[%dma_start3A_53, %dma_start3A_54] : memref<10240x16xf32, #tpu.memory_space<hbm>> -> memref<10240x16xf32, #tpu.memory_space<hbm>>
    tpu.enqueue_indirect_dma source(%dma_start3A_55 : memref<10240x16xf32, #tpu.memory_space<hbm>>) target(%arg14 : memref<125x16xf32, #tpu.memory_space<vmem>>) offsets(%dma_start3A_52 : memref<125xi32, #tpu.memory_space<vmem>>) semaphore(%arg25 : memref<!tpu.dma_semaphore, #tpu.memory_space<semaphore_mem>>)
    %dma_start3A_56 = arith.constant 7 : i32
    %dma_start3A_57 = arith.constant 0 : i32
    %dma_start3A_58 = tpu.memref_slice %arg6[%dma_start3A_56, %dma_start3A_57] : memref<80x125xi32, #tpu.memory_space<vmem>> -> memref<1x125xi32, #tpu.memory_space<vmem>>
    %dma_start3A_59 = tpu.memref_squeeze %dma_start3A_58 : memref<1x125xi32, #tpu.memory_space<vmem>> -> memref<125xi32, #tpu.memory_space<vmem>>
    %dma_start3A_60 = arith.constant 0 : i32
    %dma_start3A_61 = arith.constant 0 : i32
    %dma_start3A_62 = tpu.memref_slice %arg3[%dma_start3A_60, %dma_start3A_61] : memref<10240x16xf32, #tpu.memory_space<hbm>> -> memref<10240x16xf32, #tpu.memory_space<hbm>>
    tpu.enqueue_indirect_dma source(%dma_start3A_62 : memref<10240x16xf32, #tpu.memory_space<hbm>>) target(%arg15 : memref<125x16xf32, #tpu.memory_space<vmem>>) offsets(%dma_start3A_59 : memref<125xi32, #tpu.memory_space<vmem>>) semaphore(%arg25 : memref<!tpu.dma_semaphore, #tpu.memory_space<semaphore_mem>>)
    %scan3A = arith.constant 0 : i32
    %scan3A_63 = arith.constant 0 : i32
    %scan3A_64 = arith.constant 10 : i32
    %scan3A_65 = arith.addi %scan3A_63, %scan3A_64 : i32
    %scan3A_66 = arith.constant 1 : i32
    scf.for %scan3A_124 = %scan3A_63 to %scan3A_65 step %scan3A_66  : i32 {
      %rem3A = arith.constant 2 : i32
      %rem3A_125 = arith.remsi %scan3A_124, %rem3A : i32
      %eq3A = arith.constant 0 : i32
      %eq3A_126 = arith.cmpi eq, %rem3A_125, %eq3A : i32
      %convert_element_type3A = arith.extui %eq3A_126 : i1 to i32
      %cond3A = arith.constant 0 : i32
      %cond3A_127 = arith.cmpi ne, %convert_element_type3A, %cond3A : i32
      scf.if %cond3A_127 {
        %ge3A = arith.constant 1 : i32
        %ge3A_135 = arith.cmpi sge, %scan3A_124, %ge3A : i32
        %convert_element_type3A_136 = arith.extui %ge3A_135 : i1 to i32
        %cond3A_137 = arith.constant 0 : i32
        %cond3A_138 = arith.cmpi ne, %convert_element_type3A_136, %cond3A_137 : i32
        scf.if %cond3A_138 {
          %sub3A = arith.constant 1 : i32
          %sub3A_305 = arith.subi %scan3A_124, %sub3A : i32
          %mul3A_306 = arith.constant 8 : i32
          %mul3A_307 = arith.muli %sub3A_305, %mul3A_306 : i32
          %add3A_308 = arith.constant 0 : i32
          %add3A_309 = arith.addi %mul3A_307, %add3A_308 : i32
          %dma_wait3A_310 = arith.constant 0 : i32
          %dma_wait3A_311 = tpu.memref_slice %arg7[%add3A_309, %dma_wait3A_310] : memref<80x125xi32, #tpu.memory_space<vmem>> -> memref<1x125xi32, #tpu.memory_space<vmem>>
          %dma_wait3A_312 = tpu.memref_squeeze %dma_wait3A_311 : memref<1x125xi32, #tpu.memory_space<vmem>> -> memref<125xi32, #tpu.memory_space<vmem>>
          %dma_wait3A_313 = arith.constant 0 : i32
          %dma_wait3A_314 = arith.constant 0 : i32
          %dma_wait3A_315 = tpu.memref_slice %arg24[%dma_wait3A_313, %dma_wait3A_314] : memref<10240x16xf32, #tpu.memory_space<vmem_shared>> -> memref<10240x16xf32, #tpu.memory_space<vmem_shared>>
          tpu.wait_indirect_dma semaphore(%arg28 : memref<!tpu.dma_semaphore, #tpu.memory_space<semaphore_mem>>) src(%arg16 : memref<125x16xf32, #tpu.memory_space<vmem>>) dst(%dma_wait3A_315 : memref<10240x16xf32, #tpu.memory_space<vmem_shared>>)
          %sub3A_316 = arith.constant 1 : i32
          %sub3A_317 = arith.subi %scan3A_124, %sub3A_316 : i32
          %mul3A_318 = arith.constant 8 : i32
          %mul3A_319 = arith.muli %sub3A_317, %mul3A_318 : i32
          %add3A_320 = arith.constant 1 : i32
          %add3A_321 = arith.addi %mul3A_319, %add3A_320 : i32
          %dma_wait3A_322 = arith.constant 0 : i32
          %dma_wait3A_323 = tpu.memref_slice %arg7[%add3A_321, %dma_wait3A_322] : memref<80x125xi32, #tpu.memory_space<vmem>> -> memref<1x125xi32, #tpu.memory_space<vmem>>
          %dma_wait3A_324 = tpu.memref_squeeze %dma_wait3A_323 : memref<1x125xi32, #tpu.memory_space<vmem>> -> memref<125xi32, #tpu.memory_space<vmem>>
          %dma_wait3A_325 = arith.constant 0 : i32
          %dma_wait3A_326 = arith.constant 0 : i32
          %dma_wait3A_327 = tpu.memref_slice %arg24[%dma_wait3A_325, %dma_wait3A_326] : memref<10240x16xf32, #tpu.memory_space<vmem_shared>> -> memref<10240x16xf32, #tpu.memory_space<vmem_shared>>
          tpu.wait_indirect_dma semaphore(%arg28 : memref<!tpu.dma_semaphore, #tpu.memory_space<semaphore_mem>>) src(%arg17 : memref<125x16xf32, #tpu.memory_space<vmem>>) dst(%dma_wait3A_327 : memref<10240x16xf32, #tpu.memory_space<vmem_shared>>)
          %sub3A_328 = arith.constant 1 : i32
          %sub3A_329 = arith.subi %scan3A_124, %sub3A_328 : i32
          %mul3A_330 = arith.constant 8 : i32
          %mul3A_331 = arith.muli %sub3A_329, %mul3A_330 : i32
          %add3A_332 = arith.constant 2 : i32
          %add3A_333 = arith.addi %mul3A_331, %add3A_332 : i32
          %dma_wait3A_334 = arith.constant 0 : i32
          %dma_wait3A_335 = tpu.memref_slice %arg7[%add3A_333, %dma_wait3A_334] : memref<80x125xi32, #tpu.memory_space<vmem>> -> memref<1x125xi32, #tpu.memory_space<vmem>>
          %dma_wait3A_336 = tpu.memref_squeeze %dma_wait3A_335 : memref<1x125xi32, #tpu.memory_space<vmem>> -> memref<125xi32, #tpu.memory_space<vmem>>
          %dma_wait3A_337 = arith.constant 0 : i32
          %dma_wait3A_338 = arith.constant 0 : i32
          %dma_wait3A_339 = tpu.memref_slice %arg24[%dma_wait3A_337, %dma_wait3A_338] : memref<10240x16xf32, #tpu.memory_space<vmem_shared>> -> memref<10240x16xf32, #tpu.memory_space<vmem_shared>>
          tpu.wait_indirect_dma semaphore(%arg28 : memref<!tpu.dma_semaphore, #tpu.memory_space<semaphore_mem>>) src(%arg18 : memref<125x16xf32, #tpu.memory_space<vmem>>) dst(%dma_wait3A_339 : memref<10240x16xf32, #tpu.memory_space<vmem_shared>>)
          %sub3A_340 = arith.constant 1 : i32
          %sub3A_341 = arith.subi %scan3A_124, %sub3A_340 : i32
          %mul3A_342 = arith.constant 8 : i32
          %mul3A_343 = arith.muli %sub3A_341, %mul3A_342 : i32
          %add3A_344 = arith.constant 3 : i32
          %add3A_345 = arith.addi %mul3A_343, %add3A_344 : i32
          %dma_wait3A_346 = arith.constant 0 : i32
          %dma_wait3A_347 = tpu.memref_slice %arg7[%add3A_345, %dma_wait3A_346] : memref<80x125xi32, #tpu.memory_space<vmem>> -> memref<1x125xi32, #tpu.memory_space<vmem>>
          %dma_wait3A_348 = tpu.memref_squeeze %dma_wait3A_347 : memref<1x125xi32, #tpu.memory_space<vmem>> -> memref<125xi32, #tpu.memory_space<vmem>>
          %dma_wait3A_349 = arith.constant 0 : i32
          %dma_wait3A_350 = arith.constant 0 : i32
          %dma_wait3A_351 = tpu.memref_slice %arg24[%dma_wait3A_349, %dma_wait3A_350] : memref<10240x16xf32, #tpu.memory_space<vmem_shared>> -> memref<10240x16xf32, #tpu.memory_space<vmem_shared>>
          tpu.wait_indirect_dma semaphore(%arg28 : memref<!tpu.dma_semaphore, #tpu.memory_space<semaphore_mem>>) src(%arg19 : memref<125x16xf32, #tpu.memory_space<vmem>>) dst(%dma_wait3A_351 : memref<10240x16xf32, #tpu.memory_space<vmem_shared>>)
          %sub3A_352 = arith.constant 1 : i32
          %sub3A_353 = arith.subi %scan3A_124, %sub3A_352 : i32
          %mul3A_354 = arith.constant 8 : i32
          %mul3A_355 = arith.muli %sub3A_353, %mul3A_354 : i32
          %add3A_356 = arith.constant 4 : i32
          %add3A_357 = arith.addi %mul3A_355, %add3A_356 : i32
          %dma_wait3A_358 = arith.constant 0 : i32
          %dma_wait3A_359 = tpu.memref_slice %arg7[%add3A_357, %dma_wait3A_358] : memref<80x125xi32, #tpu.memory_space<vmem>> -> memref<1x125xi32, #tpu.memory_space<vmem>>
          %dma_wait3A_360 = tpu.memref_squeeze %dma_wait3A_359 : memref<1x125xi32, #tpu.memory_space<vmem>> -> memref<125xi32, #tpu.memory_space<vmem>>
          %dma_wait3A_361 = arith.constant 0 : i32
          %dma_wait3A_362 = arith.constant 0 : i32
          %dma_wait3A_363 = tpu.memref_slice %arg24[%dma_wait3A_361, %dma_wait3A_362] : memref<10240x16xf32, #tpu.memory_space<vmem_shared>> -> memref<10240x16xf32, #tpu.memory_space<vmem_shared>>
          tpu.wait_indirect_dma semaphore(%arg28 : memref<!tpu.dma_semaphore, #tpu.memory_space<semaphore_mem>>) src(%arg20 : memref<125x16xf32, #tpu.memory_space<vmem>>) dst(%dma_wait3A_363 : memref<10240x16xf32, #tpu.memory_space<vmem_shared>>)
          %sub3A_364 = arith.constant 1 : i32
          %sub3A_365 = arith.subi %scan3A_124, %sub3A_364 : i32
          %mul3A_366 = arith.constant 8 : i32
          %mul3A_367 = arith.muli %sub3A_365, %mul3A_366 : i32
          %add3A_368 = arith.constant 5 : i32
          %add3A_369 = arith.addi %mul3A_367, %add3A_368 : i32
          %dma_wait3A_370 = arith.constant 0 : i32
          %dma_wait3A_371 = tpu.memref_slice %arg7[%add3A_369, %dma_wait3A_370] : memref<80x125xi32, #tpu.memory_space<vmem>> -> memref<1x125xi32, #tpu.memory_space<vmem>>
          %dma_wait3A_372 = tpu.memref_squeeze %dma_wait3A_371 : memref<1x125xi32, #tpu.memory_space<vmem>> -> memref<125xi32, #tpu.memory_space<vmem>>
          %dma_wait3A_373 = arith.constant 0 : i32
          %dma_wait3A_374 = arith.constant 0 : i32
          %dma_wait3A_375 = tpu.memref_slice %arg24[%dma_wait3A_373, %dma_wait3A_374] : memref<10240x16xf32, #tpu.memory_space<vmem_shared>> -> memref<10240x16xf32, #tpu.memory_space<vmem_shared>>
          tpu.wait_indirect_dma semaphore(%arg28 : memref<!tpu.dma_semaphore, #tpu.memory_space<semaphore_mem>>) src(%arg21 : memref<125x16xf32, #tpu.memory_space<vmem>>) dst(%dma_wait3A_375 : memref<10240x16xf32, #tpu.memory_space<vmem_shared>>)
          %sub3A_376 = arith.constant 1 : i32
          %sub3A_377 = arith.subi %scan3A_124, %sub3A_376 : i32
          %mul3A_378 = arith.constant 8 : i32
          %mul3A_379 = arith.muli %sub3A_377, %mul3A_378 : i32
          %add3A_380 = arith.constant 6 : i32
          %add3A_381 = arith.addi %mul3A_379, %add3A_380 : i32
          %dma_wait3A_382 = arith.constant 0 : i32
          %dma_wait3A_383 = tpu.memref_slice %arg7[%add3A_381, %dma_wait3A_382] : memref<80x125xi32, #tpu.memory_space<vmem>> -> memref<1x125xi32, #tpu.memory_space<vmem>>
          %dma_wait3A_384 = tpu.memref_squeeze %dma_wait3A_383 : memref<1x125xi32, #tpu.memory_space<vmem>> -> memref<125xi32, #tpu.memory_space<vmem>>
          %dma_wait3A_385 = arith.constant 0 : i32
          %dma_wait3A_386 = arith.constant 0 : i32
          %dma_wait3A_387 = tpu.memref_slice %arg24[%dma_wait3A_385, %dma_wait3A_386] : memref<10240x16xf32, #tpu.memory_space<vmem_shared>> -> memref<10240x16xf32, #tpu.memory_space<vmem_shared>>
          tpu.wait_indirect_dma semaphore(%arg28 : memref<!tpu.dma_semaphore, #tpu.memory_space<semaphore_mem>>) src(%arg22 : memref<125x16xf32, #tpu.memory_space<vmem>>) dst(%dma_wait3A_387 : memref<10240x16xf32, #tpu.memory_space<vmem_shared>>)
          %sub3A_388 = arith.constant 1 : i32
          %sub3A_389 = arith.subi %scan3A_124, %sub3A_388 : i32
          %mul3A_390 = arith.constant 8 : i32
          %mul3A_391 = arith.muli %sub3A_389, %mul3A_390 : i32
          %add3A_392 = arith.constant 7 : i32
          %add3A_393 = arith.addi %mul3A_391, %add3A_392 : i32
          %dma_wait3A_394 = arith.constant 0 : i32
          %dma_wait3A_395 = tpu.memref_slice %arg7[%add3A_393, %dma_wait3A_394] : memref<80x125xi32, #tpu.memory_space<vmem>> -> memref<1x125xi32, #tpu.memory_space<vmem>>
          %dma_wait3A_396 = tpu.memref_squeeze %dma_wait3A_395 : memref<1x125xi32, #tpu.memory_space<vmem>> -> memref<125xi32, #tpu.memory_space<vmem>>
          %dma_wait3A_397 = arith.constant 0 : i32
          %dma_wait3A_398 = arith.constant 0 : i32
          %dma_wait3A_399 = tpu.memref_slice %arg24[%dma_wait3A_397, %dma_wait3A_398] : memref<10240x16xf32, #tpu.memory_space<vmem_shared>> -> memref<10240x16xf32, #tpu.memory_space<vmem_shared>>
          tpu.wait_indirect_dma semaphore(%arg28 : memref<!tpu.dma_semaphore, #tpu.memory_space<semaphore_mem>>) src(%arg23 : memref<125x16xf32, #tpu.memory_space<vmem>>) dst(%dma_wait3A_399 : memref<10240x16xf32, #tpu.memory_space<vmem_shared>>)
        } else {
        }
        %add3A_139 = arith.constant 1 : i32
        %add3A_140 = arith.addi %scan3A_124, %add3A_139 : i32
        %lt3A = arith.constant 10 : i32
        %lt3A_141 = arith.cmpi slt, %add3A_140, %lt3A : i32
        %convert_element_type3A_142 = arith.extui %lt3A_141 : i1 to i32
        %cond3A_143 = arith.constant 0 : i32
        %cond3A_144 = arith.cmpi ne, %convert_element_type3A_142, %cond3A_143 : i32
        scf.if %cond3A_144 {
          %add3A_305 = arith.constant 1 : i32
          %add3A_306 = arith.addi %scan3A_124, %add3A_305 : i32
          %mul3A_307 = arith.constant 8 : i32
          %mul3A_308 = arith.muli %add3A_306, %mul3A_307 : i32
          %add3A_309 = arith.constant 0 : i32
          %add3A_310 = arith.addi %mul3A_308, %add3A_309 : i32
          %dma_start3A_311 = arith.constant 0 : i32
          %dma_start3A_312 = tpu.memref_slice %arg6[%add3A_310, %dma_start3A_311] : memref<80x125xi32, #tpu.memory_space<vmem>> -> memref<1x125xi32, #tpu.memory_space<vmem>>
          %dma_start3A_313 = tpu.memref_squeeze %dma_start3A_312 : memref<1x125xi32, #tpu.memory_space<vmem>> -> memref<125xi32, #tpu.memory_space<vmem>>
          %dma_start3A_314 = arith.constant 0 : i32
          %dma_start3A_315 = arith.constant 0 : i32
          %dma_start3A_316 = tpu.memref_slice %arg3[%dma_start3A_314, %dma_start3A_315] : memref<10240x16xf32, #tpu.memory_space<hbm>> -> memref<10240x16xf32, #tpu.memory_space<hbm>>
          tpu.enqueue_indirect_dma source(%dma_start3A_316 : memref<10240x16xf32, #tpu.memory_space<hbm>>) target(%arg16 : memref<125x16xf32, #tpu.memory_space<vmem>>) offsets(%dma_start3A_313 : memref<125xi32, #tpu.memory_space<vmem>>) semaphore(%arg26 : memref<!tpu.dma_semaphore, #tpu.memory_space<semaphore_mem>>)
          %add3A_317 = arith.constant 1 : i32
          %add3A_318 = arith.addi %scan3A_124, %add3A_317 : i32
          %mul3A_319 = arith.constant 8 : i32
          %mul3A_320 = arith.muli %add3A_318, %mul3A_319 : i32
          %add3A_321 = arith.constant 1 : i32
          %add3A_322 = arith.addi %mul3A_320, %add3A_321 : i32
          %dma_start3A_323 = arith.constant 0 : i32
          %dma_start3A_324 = tpu.memref_slice %arg6[%add3A_322, %dma_start3A_323] : memref<80x125xi32, #tpu.memory_space<vmem>> -> memref<1x125xi32, #tpu.memory_space<vmem>>
          %dma_start3A_325 = tpu.memref_squeeze %dma_start3A_324 : memref<1x125xi32, #tpu.memory_space<vmem>> -> memref<125xi32, #tpu.memory_space<vmem>>
          %dma_start3A_326 = arith.constant 0 : i32
          %dma_start3A_327 = arith.constant 0 : i32
          %dma_start3A_328 = tpu.memref_slice %arg3[%dma_start3A_326, %dma_start3A_327] : memref<10240x16xf32, #tpu.memory_space<hbm>> -> memref<10240x16xf32, #tpu.memory_space<hbm>>
          tpu.enqueue_indirect_dma source(%dma_start3A_328 : memref<10240x16xf32, #tpu.memory_space<hbm>>) target(%arg17 : memref<125x16xf32, #tpu.memory_space<vmem>>) offsets(%dma_start3A_325 : memref<125xi32, #tpu.memory_space<vmem>>) semaphore(%arg26 : memref<!tpu.dma_semaphore, #tpu.memory_space<semaphore_mem>>)
          %add3A_329 = arith.constant 1 : i32
          %add3A_330 = arith.addi %scan3A_124, %add3A_329 : i32
          %mul3A_331 = arith.constant 8 : i32
          %mul3A_332 = arith.muli %add3A_330, %mul3A_331 : i32
          %add3A_333 = arith.constant 2 : i32
          %add3A_334 = arith.addi %mul3A_332, %add3A_333 : i32
          %dma_start3A_335 = arith.constant 0 : i32
          %dma_start3A_336 = tpu.memref_slice %arg6[%add3A_334, %dma_start3A_335] : memref<80x125xi32, #tpu.memory_space<vmem>> -> memref<1x125xi32, #tpu.memory_space<vmem>>
          %dma_start3A_337 = tpu.memref_squeeze %dma_start3A_336 : memref<1x125xi32, #tpu.memory_space<vmem>> -> memref<125xi32, #tpu.memory_space<vmem>>
          %dma_start3A_338 = arith.constant 0 : i32
          %dma_start3A_339 = arith.constant 0 : i32
          %dma_start3A_340 = tpu.memref_slice %arg3[%dma_start3A_338, %dma_start3A_339] : memref<10240x16xf32, #tpu.memory_space<hbm>> -> memref<10240x16xf32, #tpu.memory_space<hbm>>
          tpu.enqueue_indirect_dma source(%dma_start3A_340 : memref<10240x16xf32, #tpu.memory_space<hbm>>) target(%arg18 : memref<125x16xf32, #tpu.memory_space<vmem>>) offsets(%dma_start3A_337 : memref<125xi32, #tpu.memory_space<vmem>>) semaphore(%arg26 : memref<!tpu.dma_semaphore, #tpu.memory_space<semaphore_mem>>)
          %add3A_341 = arith.constant 1 : i32
          %add3A_342 = arith.addi %scan3A_124, %add3A_341 : i32
          %mul3A_343 = arith.constant 8 : i32
          %mul3A_344 = arith.muli %add3A_342, %mul3A_343 : i32
          %add3A_345 = arith.constant 3 : i32
          %add3A_346 = arith.addi %mul3A_344, %add3A_345 : i32
          %dma_start3A_347 = arith.constant 0 : i32
          %dma_start3A_348 = tpu.memref_slice %arg6[%add3A_346, %dma_start3A_347] : memref<80x125xi32, #tpu.memory_space<vmem>> -> memref<1x125xi32, #tpu.memory_space<vmem>>
          %dma_start3A_349 = tpu.memref_squeeze %dma_start3A_348 : memref<1x125xi32, #tpu.memory_space<vmem>> -> memref<125xi32, #tpu.memory_space<vmem>>
          %dma_start3A_350 = arith.constant 0 : i32
          %dma_start3A_351 = arith.constant 0 : i32
          %dma_start3A_352 = tpu.memref_slice %arg3[%dma_start3A_350, %dma_start3A_351] : memref<10240x16xf32, #tpu.memory_space<hbm>> -> memref<10240x16xf32, #tpu.memory_space<hbm>>
          tpu.enqueue_indirect_dma source(%dma_start3A_352 : memref<10240x16xf32, #tpu.memory_space<hbm>>) target(%arg19 : memref<125x16xf32, #tpu.memory_space<vmem>>) offsets(%dma_start3A_349 : memref<125xi32, #tpu.memory_space<vmem>>) semaphore(%arg26 : memref<!tpu.dma_semaphore, #tpu.memory_space<semaphore_mem>>)
          %add3A_353 = arith.constant 1 : i32
          %add3A_354 = arith.addi %scan3A_124, %add3A_353 : i32
          %mul3A_355 = arith.constant 8 : i32
          %mul3A_356 = arith.muli %add3A_354, %mul3A_355 : i32
          %add3A_357 = arith.constant 4 : i32
          %add3A_358 = arith.addi %mul3A_356, %add3A_357 : i32
          %dma_start3A_359 = arith.constant 0 : i32
          %dma_start3A_360 = tpu.memref_slice %arg6[%add3A_358, %dma_start3A_359] : memref<80x125xi32, #tpu.memory_space<vmem>> -> memref<1x125xi32, #tpu.memory_space<vmem>>
          %dma_start3A_361 = tpu.memref_squeeze %dma_start3A_360 : memref<1x125xi32, #tpu.memory_space<vmem>> -> memref<125xi32, #tpu.memory_space<vmem>>
          %dma_start3A_362 = arith.constant 0 : i32
          %dma_start3A_363 = arith.constant 0 : i32
          %dma_start3A_364 = tpu.memref_slice %arg3[%dma_start3A_362, %dma_start3A_363] : memref<10240x16xf32, #tpu.memory_space<hbm>> -> memref<10240x16xf32, #tpu.memory_space<hbm>>
          tpu.enqueue_indirect_dma source(%dma_start3A_364 : memref<10240x16xf32, #tpu.memory_space<hbm>>) target(%arg20 : memref<125x16xf32, #tpu.memory_space<vmem>>) offsets(%dma_start3A_361 : memref<125xi32, #tpu.memory_space<vmem>>) semaphore(%arg26 : memref<!tpu.dma_semaphore, #tpu.memory_space<semaphore_mem>>)
          %add3A_365 = arith.constant 1 : i32
          %add3A_366 = arith.addi %scan3A_124, %add3A_365 : i32
          %mul3A_367 = arith.constant 8 : i32
          %mul3A_368 = arith.muli %add3A_366, %mul3A_367 : i32
          %add3A_369 = arith.constant 5 : i32
          %add3A_370 = arith.addi %mul3A_368, %add3A_369 : i32
          %dma_start3A_371 = arith.constant 0 : i32
          %dma_start3A_372 = tpu.memref_slice %arg6[%add3A_370, %dma_start3A_371] : memref<80x125xi32, #tpu.memory_space<vmem>> -> memref<1x125xi32, #tpu.memory_space<vmem>>
          %dma_start3A_373 = tpu.memref_squeeze %dma_start3A_372 : memref<1x125xi32, #tpu.memory_space<vmem>> -> memref<125xi32, #tpu.memory_space<vmem>>
          %dma_start3A_374 = arith.constant 0 : i32
          %dma_start3A_375 = arith.constant 0 : i32
          %dma_start3A_376 = tpu.memref_slice %arg3[%dma_start3A_374, %dma_start3A_375] : memref<10240x16xf32, #tpu.memory_space<hbm>> -> memref<10240x16xf32, #tpu.memory_space<hbm>>
          tpu.enqueue_indirect_dma source(%dma_start3A_376 : memref<10240x16xf32, #tpu.memory_space<hbm>>) target(%arg21 : memref<125x16xf32, #tpu.memory_space<vmem>>) offsets(%dma_start3A_373 : memref<125xi32, #tpu.memory_space<vmem>>) semaphore(%arg26 : memref<!tpu.dma_semaphore, #tpu.memory_space<semaphore_mem>>)
          %add3A_377 = arith.constant 1 : i32
          %add3A_378 = arith.addi %scan3A_124, %add3A_377 : i32
          %mul3A_379 = arith.constant 8 : i32
          %mul3A_380 = arith.muli %add3A_378, %mul3A_379 : i32
          %add3A_381 = arith.constant 6 : i32
          %add3A_382 = arith.addi %mul3A_380, %add3A_381 : i32
          %dma_start3A_383 = arith.constant 0 : i32
          %dma_start3A_384 = tpu.memref_slice %arg6[%add3A_382, %dma_start3A_383] : memref<80x125xi32, #tpu.memory_space<vmem>> -> memref<1x125xi32, #tpu.memory_space<vmem>>
          %dma_start3A_385 = tpu.memref_squeeze %dma_start3A_384 : memref<1x125xi32, #tpu.memory_space<vmem>> -> memref<125xi32, #tpu.memory_space<vmem>>
          %dma_start3A_386 = arith.constant 0 : i32
          %dma_start3A_387 = arith.constant 0 : i32
          %dma_start3A_388 = tpu.memref_slice %arg3[%dma_start3A_386, %dma_start3A_387] : memref<10240x16xf32, #tpu.memory_space<hbm>> -> memref<10240x16xf32, #tpu.memory_space<hbm>>
          tpu.enqueue_indirect_dma source(%dma_start3A_388 : memref<10240x16xf32, #tpu.memory_space<hbm>>) target(%arg22 : memref<125x16xf32, #tpu.memory_space<vmem>>) offsets(%dma_start3A_385 : memref<125xi32, #tpu.memory_space<vmem>>) semaphore(%arg26 : memref<!tpu.dma_semaphore, #tpu.memory_space<semaphore_mem>>)
          %add3A_389 = arith.constant 1 : i32
          %add3A_390 = arith.addi %scan3A_124, %add3A_389 : i32
          %mul3A_391 = arith.constant 8 : i32
          %mul3A_392 = arith.muli %add3A_390, %mul3A_391 : i32
          %add3A_393 = arith.constant 7 : i32
          %add3A_394 = arith.addi %mul3A_392, %add3A_393 : i32
          %dma_start3A_395 = arith.constant 0 : i32
          %dma_start3A_396 = tpu.memref_slice %arg6[%add3A_394, %dma_start3A_395] : memref<80x125xi32, #tpu.memory_space<vmem>> -> memref<1x125xi32, #tpu.memory_space<vmem>>
          %dma_start3A_397 = tpu.memref_squeeze %dma_start3A_396 : memref<1x125xi32, #tpu.memory_space<vmem>> -> memref<125xi32, #tpu.memory_space<vmem>>
          %dma_start3A_398 = arith.constant 0 : i32
          %dma_start3A_399 = arith.constant 0 : i32
          %dma_start3A_400 = tpu.memref_slice %arg3[%dma_start3A_398, %dma_start3A_399] : memref<10240x16xf32, #tpu.memory_space<hbm>> -> memref<10240x16xf32, #tpu.memory_space<hbm>>
          tpu.enqueue_indirect_dma source(%dma_start3A_400 : memref<10240x16xf32, #tpu.memory_space<hbm>>) target(%arg23 : memref<125x16xf32, #tpu.memory_space<vmem>>) offsets(%dma_start3A_397 : memref<125xi32, #tpu.memory_space<vmem>>) semaphore(%arg26 : memref<!tpu.dma_semaphore, #tpu.memory_space<semaphore_mem>>)
        } else {
        }
        %mul3A_145 = arith.constant 8 : i32
        %mul3A_146 = arith.muli %scan3A_124, %mul3A_145 : i32
        %add3A_147 = arith.constant 0 : i32
        %add3A_148 = arith.addi %mul3A_146, %add3A_147 : i32
        %dma_wait3A_149 = arith.constant 0 : i32
        %dma_wait3A_150 = tpu.memref_slice %arg6[%add3A_148, %dma_wait3A_149] : memref<80x125xi32, #tpu.memory_space<vmem>> -> memref<1x125xi32, #tpu.memory_space<vmem>>
        %dma_wait3A_151 = tpu.memref_squeeze %dma_wait3A_150 : memref<1x125xi32, #tpu.memory_space<vmem>> -> memref<125xi32, #tpu.memory_space<vmem>>
        %dma_wait3A_152 = arith.constant 0 : i32
        %dma_wait3A_153 = arith.constant 0 : i32
        %dma_wait3A_154 = tpu.memref_slice %arg3[%dma_wait3A_152, %dma_wait3A_153] : memref<10240x16xf32, #tpu.memory_space<hbm>> -> memref<10240x16xf32, #tpu.memory_space<hbm>>
        tpu.wait_indirect_dma semaphore(%arg25 : memref<!tpu.dma_semaphore, #tpu.memory_space<semaphore_mem>>) src(%dma_wait3A_154 : memref<10240x16xf32, #tpu.memory_space<hbm>>) dst(%arg8 : memref<125x16xf32, #tpu.memory_space<vmem>>)
        %mul3A_155 = arith.constant 8 : i32
        %mul3A_156 = arith.muli %scan3A_124, %mul3A_155 : i32
        %add3A_157 = arith.constant 1 : i32
        %add3A_158 = arith.addi %mul3A_156, %add3A_157 : i32
        %dma_wait3A_159 = arith.constant 0 : i32
        %dma_wait3A_160 = tpu.memref_slice %arg6[%add3A_158, %dma_wait3A_159] : memref<80x125xi32, #tpu.memory_space<vmem>> -> memref<1x125xi32, #tpu.memory_space<vmem>>
        %dma_wait3A_161 = tpu.memref_squeeze %dma_wait3A_160 : memref<1x125xi32, #tpu.memory_space<vmem>> -> memref<125xi32, #tpu.memory_space<vmem>>
        %dma_wait3A_162 = arith.constant 0 : i32
        %dma_wait3A_163 = arith.constant 0 : i32
        %dma_wait3A_164 = tpu.memref_slice %arg3[%dma_wait3A_162, %dma_wait3A_163] : memref<10240x16xf32, #tpu.memory_space<hbm>> -> memref<10240x16xf32, #tpu.memory_space<hbm>>
        tpu.wait_indirect_dma semaphore(%arg25 : memref<!tpu.dma_semaphore, #tpu.memory_space<semaphore_mem>>) src(%dma_wait3A_164 : memref<10240x16xf32, #tpu.memory_space<hbm>>) dst(%arg9 : memref<125x16xf32, #tpu.memory_space<vmem>>)
        %mul3A_165 = arith.constant 8 : i32
        %mul3A_166 = arith.muli %scan3A_124, %mul3A_165 : i32
        %add3A_167 = arith.constant 2 : i32
        %add3A_168 = arith.addi %mul3A_166, %add3A_167 : i32
        %dma_wait3A_169 = arith.constant 0 : i32
        %dma_wait3A_170 = tpu.memref_slice %arg6[%add3A_168, %dma_wait3A_169] : memref<80x125xi32, #tpu.memory_space<vmem>> -> memref<1x125xi32, #tpu.memory_space<vmem>>
        %dma_wait3A_171 = tpu.memref_squeeze %dma_wait3A_170 : memref<1x125xi32, #tpu.memory_space<vmem>> -> memref<125xi32, #tpu.memory_space<vmem>>
        %dma_wait3A_172 = arith.constant 0 : i32
        %dma_wait3A_173 = arith.constant 0 : i32
        %dma_wait3A_174 = tpu.memref_slice %arg3[%dma_wait3A_172, %dma_wait3A_173] : memref<10240x16xf32, #tpu.memory_space<hbm>> -> memref<10240x16xf32, #tpu.memory_space<hbm>>
        tpu.wait_indirect_dma semaphore(%arg25 : memref<!tpu.dma_semaphore, #tpu.memory_space<semaphore_mem>>) src(%dma_wait3A_174 : memref<10240x16xf32, #tpu.memory_space<hbm>>) dst(%arg10 : memref<125x16xf32, #tpu.memory_space<vmem>>)
        %mul3A_175 = arith.constant 8 : i32
        %mul3A_176 = arith.muli %scan3A_124, %mul3A_175 : i32
        %add3A_177 = arith.constant 3 : i32
        %add3A_178 = arith.addi %mul3A_176, %add3A_177 : i32
        %dma_wait3A_179 = arith.constant 0 : i32
        %dma_wait3A_180 = tpu.memref_slice %arg6[%add3A_178, %dma_wait3A_179] : memref<80x125xi32, #tpu.memory_space<vmem>> -> memref<1x125xi32, #tpu.memory_space<vmem>>
        %dma_wait3A_181 = tpu.memref_squeeze %dma_wait3A_180 : memref<1x125xi32, #tpu.memory_space<vmem>> -> memref<125xi32, #tpu.memory_space<vmem>>
        %dma_wait3A_182 = arith.constant 0 : i32
        %dma_wait3A_183 = arith.constant 0 : i32
        %dma_wait3A_184 = tpu.memref_slice %arg3[%dma_wait3A_182, %dma_wait3A_183] : memref<10240x16xf32, #tpu.memory_space<hbm>> -> memref<10240x16xf32, #tpu.memory_space<hbm>>
        tpu.wait_indirect_dma semaphore(%arg25 : memref<!tpu.dma_semaphore, #tpu.memory_space<semaphore_mem>>) src(%dma_wait3A_184 : memref<10240x16xf32, #tpu.memory_space<hbm>>) dst(%arg11 : memref<125x16xf32, #tpu.memory_space<vmem>>)
        %mul3A_185 = arith.constant 8 : i32
        %mul3A_186 = arith.muli %scan3A_124, %mul3A_185 : i32
        %add3A_187 = arith.constant 4 : i32
        %add3A_188 = arith.addi %mul3A_186, %add3A_187 : i32
        %dma_wait3A_189 = arith.constant 0 : i32
        %dma_wait3A_190 = tpu.memref_slice %arg6[%add3A_188, %dma_wait3A_189] : memref<80x125xi32, #tpu.memory_space<vmem>> -> memref<1x125xi32, #tpu.memory_space<vmem>>
        %dma_wait3A_191 = tpu.memref_squeeze %dma_wait3A_190 : memref<1x125xi32, #tpu.memory_space<vmem>> -> memref<125xi32, #tpu.memory_space<vmem>>
        %dma_wait3A_192 = arith.constant 0 : i32
        %dma_wait3A_193 = arith.constant 0 : i32
        %dma_wait3A_194 = tpu.memref_slice %arg3[%dma_wait3A_192, %dma_wait3A_193] : memref<10240x16xf32, #tpu.memory_space<hbm>> -> memref<10240x16xf32, #tpu.memory_space<hbm>>
        tpu.wait_indirect_dma semaphore(%arg25 : memref<!tpu.dma_semaphore, #tpu.memory_space<semaphore_mem>>) src(%dma_wait3A_194 : memref<10240x16xf32, #tpu.memory_space<hbm>>) dst(%arg12 : memref<125x16xf32, #tpu.memory_space<vmem>>)
        %mul3A_195 = arith.constant 8 : i32
        %mul3A_196 = arith.muli %scan3A_124, %mul3A_195 : i32
        %add3A_197 = arith.constant 5 : i32
        %add3A_198 = arith.addi %mul3A_196, %add3A_197 : i32
        %dma_wait3A_199 = arith.constant 0 : i32
        %dma_wait3A_200 = tpu.memref_slice %arg6[%add3A_198, %dma_wait3A_199] : memref<80x125xi32, #tpu.memory_space<vmem>> -> memref<1x125xi32, #tpu.memory_space<vmem>>
        %dma_wait3A_201 = tpu.memref_squeeze %dma_wait3A_200 : memref<1x125xi32, #tpu.memory_space<vmem>> -> memref<125xi32, #tpu.memory_space<vmem>>
        %dma_wait3A_202 = arith.constant 0 : i32
        %dma_wait3A_203 = arith.constant 0 : i32
        %dma_wait3A_204 = tpu.memref_slice %arg3[%dma_wait3A_202, %dma_wait3A_203] : memref<10240x16xf32, #tpu.memory_space<hbm>> -> memref<10240x16xf32, #tpu.memory_space<hbm>>
        tpu.wait_indirect_dma semaphore(%arg25 : memref<!tpu.dma_semaphore, #tpu.memory_space<semaphore_mem>>) src(%dma_wait3A_204 : memref<10240x16xf32, #tpu.memory_space<hbm>>) dst(%arg13 : memref<125x16xf32, #tpu.memory_space<vmem>>)
        %mul3A_205 = arith.constant 8 : i32
        %mul3A_206 = arith.muli %scan3A_124, %mul3A_205 : i32
        %add3A_207 = arith.constant 6 : i32
        %add3A_208 = arith.addi %mul3A_206, %add3A_207 : i32
        %dma_wait3A_209 = arith.constant 0 : i32
        %dma_wait3A_210 = tpu.memref_slice %arg6[%add3A_208, %dma_wait3A_209] : memref<80x125xi32, #tpu.memory_space<vmem>> -> memref<1x125xi32, #tpu.memory_space<vmem>>
        %dma_wait3A_211 = tpu.memref_squeeze %dma_wait3A_210 : memref<1x125xi32, #tpu.memory_space<vmem>> -> memref<125xi32, #tpu.memory_space<vmem>>
        %dma_wait3A_212 = arith.constant 0 : i32
        %dma_wait3A_213 = arith.constant 0 : i32
        %dma_wait3A_214 = tpu.memref_slice %arg3[%dma_wait3A_212, %dma_wait3A_213] : memref<10240x16xf32, #tpu.memory_space<hbm>> -> memref<10240x16xf32, #tpu.memory_space<hbm>>
        tpu.wait_indirect_dma semaphore(%arg25 : memref<!tpu.dma_semaphore, #tpu.memory_space<semaphore_mem>>) src(%dma_wait3A_214 : memref<10240x16xf32, #tpu.memory_space<hbm>>) dst(%arg14 : memref<125x16xf32, #tpu.memory_space<vmem>>)
        %mul3A_215 = arith.constant 8 : i32
        %mul3A_216 = arith.muli %scan3A_124, %mul3A_215 : i32
        %add3A_217 = arith.constant 7 : i32
        %add3A_218 = arith.addi %mul3A_216, %add3A_217 : i32
        %dma_wait3A_219 = arith.constant 0 : i32
        %dma_wait3A_220 = tpu.memref_slice %arg6[%add3A_218, %dma_wait3A_219] : memref<80x125xi32, #tpu.memory_space<vmem>> -> memref<1x125xi32, #tpu.memory_space<vmem>>
        %dma_wait3A_221 = tpu.memref_squeeze %dma_wait3A_220 : memref<1x125xi32, #tpu.memory_space<vmem>> -> memref<125xi32, #tpu.memory_space<vmem>>
        %dma_wait3A_222 = arith.constant 0 : i32
        %dma_wait3A_223 = arith.constant 0 : i32
        %dma_wait3A_224 = tpu.memref_slice %arg3[%dma_wait3A_222, %dma_wait3A_223] : memref<10240x16xf32, #tpu.memory_space<hbm>> -> memref<10240x16xf32, #tpu.memory_space<hbm>>
        tpu.wait_indirect_dma semaphore(%arg25 : memref<!tpu.dma_semaphore, #tpu.memory_space<semaphore_mem>>) src(%dma_wait3A_224 : memref<10240x16xf32, #tpu.memory_space<hbm>>) dst(%arg15 : memref<125x16xf32, #tpu.memory_space<vmem>>)
        %mul3A_225 = arith.constant 8 : i32
        %mul3A_226 = arith.muli %scan3A_124, %mul3A_225 : i32
        %add3A_227 = arith.constant 0 : i32
        %add3A_228 = arith.addi %mul3A_226, %add3A_227 : i32
        %dma_start3A_229 = arith.constant 0 : i32
        %dma_start3A_230 = tpu.memref_slice %arg7[%add3A_228, %dma_start3A_229] : memref<80x125xi32, #tpu.memory_space<vmem>> -> memref<1x125xi32, #tpu.memory_space<vmem>>
        %dma_start3A_231 = tpu.memref_squeeze %dma_start3A_230 : memref<1x125xi32, #tpu.memory_space<vmem>> -> memref<125xi32, #tpu.memory_space<vmem>>
        %dma_start3A_232 = arith.constant 0 : i32
        %dma_start3A_233 = arith.constant 0 : i32
        %dma_start3A_234 = tpu.memref_slice %arg24[%dma_start3A_232, %dma_start3A_233] : memref<10240x16xf32, #tpu.memory_space<vmem_shared>> -> memref<10240x16xf32, #tpu.memory_space<vmem_shared>>
        tpu.enqueue_indirect_dma source(%arg8 : memref<125x16xf32, #tpu.memory_space<vmem>>) target(%dma_start3A_234 : memref<10240x16xf32, #tpu.memory_space<vmem_shared>>) offsets(%dma_start3A_231 : memref<125xi32, #tpu.memory_space<vmem>>) semaphore(%arg27 : memref<!tpu.dma_semaphore, #tpu.memory_space<semaphore_mem>>) {add = true}
        %mul3A_235 = arith.constant 8 : i32
        %mul3A_236 = arith.muli %scan3A_124, %mul3A_235 : i32
        %add3A_237 = arith.constant 1 : i32
        %add3A_238 = arith.addi %mul3A_236, %add3A_237 : i32
        %dma_start3A_239 = arith.constant 0 : i32
        %dma_start3A_240 = tpu.memref_slice %arg7[%add3A_238, %dma_start3A_239] : memref<80x125xi32, #tpu.memory_space<vmem>> -> memref<1x125xi32, #tpu.memory_space<vmem>>
        %dma_start3A_241 = tpu.memref_squeeze %dma_start3A_240 : memref<1x125xi32, #tpu.memory_space<vmem>> -> memref<125xi32, #tpu.memory_space<vmem>>
        %dma_start3A_242 = arith.constant 0 : i32
        %dma_start3A_243 = arith.constant 0 : i32
        %dma_start3A_244 = tpu.memref_slice %arg24[%dma_start3A_242, %dma_start3A_243] : memref<10240x16xf32, #tpu.memory_space<vmem_shared>> -> memref<10240x16xf32, #tpu.memory_space<vmem_shared>>
        tpu.enqueue_indirect_dma source(%arg9 : memref<125x16xf32, #tpu.memory_space<vmem>>) target(%dma_start3A_244 : memref<10240x16xf32, #tpu.memory_space<vmem_shared>>) offsets(%dma_start3A_241 : memref<125xi32, #tpu.memory_space<vmem>>) semaphore(%arg27 : memref<!tpu.dma_semaphore, #tpu.memory_space<semaphore_mem>>) {add = true}
        %mul3A_245 = arith.constant 8 : i32
        %mul3A_246 = arith.muli %scan3A_124, %mul3A_245 : i32
        %add3A_247 = arith.constant 2 : i32
        %add3A_248 = arith.addi %mul3A_246, %add3A_247 : i32
        %dma_start3A_249 = arith.constant 0 : i32
        %dma_start3A_250 = tpu.memref_slice %arg7[%add3A_248, %dma_start3A_249] : memref<80x125xi32, #tpu.memory_space<vmem>> -> memref<1x125xi32, #tpu.memory_space<vmem>>
        %dma_start3A_251 = tpu.memref_squeeze %dma_start3A_250 : memref<1x125xi32, #tpu.memory_space<vmem>> -> memref<125xi32, #tpu.memory_space<vmem>>
        %dma_start3A_252 = arith.constant 0 : i32
        %dma_start3A_253 = arith.constant 0 : i32
        %dma_start3A_254 = tpu.memref_slice %arg24[%dma_start3A_252, %dma_start3A_253] : memref<10240x16xf32, #tpu.memory_space<vmem_shared>> -> memref<10240x16xf32, #tpu.memory_space<vmem_shared>>
        tpu.enqueue_indirect_dma source(%arg10 : memref<125x16xf32, #tpu.memory_space<vmem>>) target(%dma_start3A_254 : memref<10240x16xf32, #tpu.memory_space<vmem_shared>>) offsets(%dma_start3A_251 : memref<125xi32, #tpu.memory_space<vmem>>) semaphore(%arg27 : memref<!tpu.dma_semaphore, #tpu.memory_space<semaphore_mem>>) {add = true}
        %mul3A_255 = arith.constant 8 : i32
        %mul3A_256 = arith.muli %scan3A_124, %mul3A_255 : i32
        %add3A_257 = arith.constant 3 : i32
        %add3A_258 = arith.addi %mul3A_256, %add3A_257 : i32
        %dma_start3A_259 = arith.constant 0 : i32
        %dma_start3A_260 = tpu.memref_slice %arg7[%add3A_258, %dma_start3A_259] : memref<80x125xi32, #tpu.memory_space<vmem>> -> memref<1x125xi32, #tpu.memory_space<vmem>>
        %dma_start3A_261 = tpu.memref_squeeze %dma_start3A_260 : memref<1x125xi32, #tpu.memory_space<vmem>> -> memref<125xi32, #tpu.memory_space<vmem>>
        %dma_start3A_262 = arith.constant 0 : i32
        %dma_start3A_263 = arith.constant 0 : i32
        %dma_start3A_264 = tpu.memref_slice %arg24[%dma_start3A_262, %dma_start3A_263] : memref<10240x16xf32, #tpu.memory_space<vmem_shared>> -> memref<10240x16xf32, #tpu.memory_space<vmem_shared>>
        tpu.enqueue_indirect_dma source(%arg11 : memref<125x16xf32, #tpu.memory_space<vmem>>) target(%dma_start3A_264 : memref<10240x16xf32, #tpu.memory_space<vmem_shared>>) offsets(%dma_start3A_261 : memref<125xi32, #tpu.memory_space<vmem>>) semaphore(%arg27 : memref<!tpu.dma_semaphore, #tpu.memory_space<semaphore_mem>>) {add = true}
        %mul3A_265 = arith.constant 8 : i32
        %mul3A_266 = arith.muli %scan3A_124, %mul3A_265 : i32
        %add3A_267 = arith.constant 4 : i32
        %add3A_268 = arith.addi %mul3A_266, %add3A_267 : i32
        %dma_start3A_269 = arith.constant 0 : i32
        %dma_start3A_270 = tpu.memref_slice %arg7[%add3A_268, %dma_start3A_269] : memref<80x125xi32, #tpu.memory_space<vmem>> -> memref<1x125xi32, #tpu.memory_space<vmem>>
        %dma_start3A_271 = tpu.memref_squeeze %dma_start3A_270 : memref<1x125xi32, #tpu.memory_space<vmem>> -> memref<125xi32, #tpu.memory_space<vmem>>
        %dma_start3A_272 = arith.constant 0 : i32
        %dma_start3A_273 = arith.constant 0 : i32
        %dma_start3A_274 = tpu.memref_slice %arg24[%dma_start3A_272, %dma_start3A_273] : memref<10240x16xf32, #tpu.memory_space<vmem_shared>> -> memref<10240x16xf32, #tpu.memory_space<vmem_shared>>
        tpu.enqueue_indirect_dma source(%arg12 : memref<125x16xf32, #tpu.memory_space<vmem>>) target(%dma_start3A_274 : memref<10240x16xf32, #tpu.memory_space<vmem_shared>>) offsets(%dma_start3A_271 : memref<125xi32, #tpu.memory_space<vmem>>) semaphore(%arg27 : memref<!tpu.dma_semaphore, #tpu.memory_space<semaphore_mem>>) {add = true}
        %mul3A_275 = arith.constant 8 : i32
        %mul3A_276 = arith.muli %scan3A_124, %mul3A_275 : i32
        %add3A_277 = arith.constant 5 : i32
        %add3A_278 = arith.addi %mul3A_276, %add3A_277 : i32
        %dma_start3A_279 = arith.constant 0 : i32
        %dma_start3A_280 = tpu.memref_slice %arg7[%add3A_278, %dma_start3A_279] : memref<80x125xi32, #tpu.memory_space<vmem>> -> memref<1x125xi32, #tpu.memory_space<vmem>>
        %dma_start3A_281 = tpu.memref_squeeze %dma_start3A_280 : memref<1x125xi32, #tpu.memory_space<vmem>> -> memref<125xi32, #tpu.memory_space<vmem>>
        %dma_start3A_282 = arith.constant 0 : i32
        %dma_start3A_283 = arith.constant 0 : i32
        %dma_start3A_284 = tpu.memref_slice %arg24[%dma_start3A_282, %dma_start3A_283] : memref<10240x16xf32, #tpu.memory_space<vmem_shared>> -> memref<10240x16xf32, #tpu.memory_space<vmem_shared>>
        tpu.enqueue_indirect_dma source(%arg13 : memref<125x16xf32, #tpu.memory_space<vmem>>) target(%dma_start3A_284 : memref<10240x16xf32, #tpu.memory_space<vmem_shared>>) offsets(%dma_start3A_281 : memref<125xi32, #tpu.memory_space<vmem>>) semaphore(%arg27 : memref<!tpu.dma_semaphore, #tpu.memory_space<semaphore_mem>>) {add = true}
        %mul3A_285 = arith.constant 8 : i32
        %mul3A_286 = arith.muli %scan3A_124, %mul3A_285 : i32
        %add3A_287 = arith.constant 6 : i32
        %add3A_288 = arith.addi %mul3A_286, %add3A_287 : i32
        %dma_start3A_289 = arith.constant 0 : i32
        %dma_start3A_290 = tpu.memref_slice %arg7[%add3A_288, %dma_start3A_289] : memref<80x125xi32, #tpu.memory_space<vmem>> -> memref<1x125xi32, #tpu.memory_space<vmem>>
        %dma_start3A_291 = tpu.memref_squeeze %dma_start3A_290 : memref<1x125xi32, #tpu.memory_space<vmem>> -> memref<125xi32, #tpu.memory_space<vmem>>
        %dma_start3A_292 = arith.constant 0 : i32
        %dma_start3A_293 = arith.constant 0 : i32
        %dma_start3A_294 = tpu.memref_slice %arg24[%dma_start3A_292, %dma_start3A_293] : memref<10240x16xf32, #tpu.memory_space<vmem_shared>> -> memref<10240x16xf32, #tpu.memory_space<vmem_shared>>
        tpu.enqueue_indirect_dma source(%arg14 : memref<125x16xf32, #tpu.memory_space<vmem>>) target(%dma_start3A_294 : memref<10240x16xf32, #tpu.memory_space<vmem_shared>>) offsets(%dma_start3A_291 : memref<125xi32, #tpu.memory_space<vmem>>) semaphore(%arg27 : memref<!tpu.dma_semaphore, #tpu.memory_space<semaphore_mem>>) {add = true}
        %mul3A_295 = arith.constant 8 : i32
        %mul3A_296 = arith.muli %scan3A_124, %mul3A_295 : i32
        %add3A_297 = arith.constant 7 : i32
        %add3A_298 = arith.addi %mul3A_296, %add3A_297 : i32
        %dma_start3A_299 = arith.constant 0 : i32
        %dma_start3A_300 = tpu.memref_slice %arg7[%add3A_298, %dma_start3A_299] : memref<80x125xi32, #tpu.memory_space<vmem>> -> memref<1x125xi32, #tpu.memory_space<vmem>>
        %dma_start3A_301 = tpu.memref_squeeze %dma_start3A_300 : memref<1x125xi32, #tpu.memory_space<vmem>> -> memref<125xi32, #tpu.memory_space<vmem>>
        %dma_start3A_302 = arith.constant 0 : i32
        %dma_start3A_303 = arith.constant 0 : i32
        %dma_start3A_304 = tpu.memref_slice %arg24[%dma_start3A_302, %dma_start3A_303] : memref<10240x16xf32, #tpu.memory_space<vmem_shared>> -> memref<10240x16xf32, #tpu.memory_space<vmem_shared>>
        tpu.enqueue_indirect_dma source(%arg15 : memref<125x16xf32, #tpu.memory_space<vmem>>) target(%dma_start3A_304 : memref<10240x16xf32, #tpu.memory_space<vmem_shared>>) offsets(%dma_start3A_301 : memref<125xi32, #tpu.memory_space<vmem>>) semaphore(%arg27 : memref<!tpu.dma_semaphore, #tpu.memory_space<semaphore_mem>>) {add = true}
      } else {
      }
      %rem3A_128 = arith.constant 2 : i32
      %rem3A_129 = arith.remsi %scan3A_124, %rem3A_128 : i32
      %eq3A_130 = arith.constant 1 : i32
      %eq3A_131 = arith.cmpi eq, %rem3A_129, %eq3A_130 : i32
      %convert_element_type3A_132 = arith.extui %eq3A_131 : i1 to i32
      %cond3A_133 = arith.constant 0 : i32
      %cond3A_134 = arith.cmpi ne, %convert_element_type3A_132, %cond3A_133 : i32
      scf.if %cond3A_134 {
        %ge3A = arith.constant 1 : i32
        %ge3A_135 = arith.cmpi sge, %scan3A_124, %ge3A : i32
        %convert_element_type3A_136 = arith.extui %ge3A_135 : i1 to i32
        %cond3A_137 = arith.constant 0 : i32
        %cond3A_138 = arith.cmpi ne, %convert_element_type3A_136, %cond3A_137 : i32
        scf.if %cond3A_138 {
          %sub3A = arith.constant 1 : i32
          %sub3A_305 = arith.subi %scan3A_124, %sub3A : i32
          %mul3A_306 = arith.constant 8 : i32
          %mul3A_307 = arith.muli %sub3A_305, %mul3A_306 : i32
          %add3A_308 = arith.constant 0 : i32
          %add3A_309 = arith.addi %mul3A_307, %add3A_308 : i32
          %dma_wait3A_310 = arith.constant 0 : i32
          %dma_wait3A_311 = tpu.memref_slice %arg7[%add3A_309, %dma_wait3A_310] : memref<80x125xi32, #tpu.memory_space<vmem>> -> memref<1x125xi32, #tpu.memory_space<vmem>>
          %dma_wait3A_312 = tpu.memref_squeeze %dma_wait3A_311 : memref<1x125xi32, #tpu.memory_space<vmem>> -> memref<125xi32, #tpu.memory_space<vmem>>
          %dma_wait3A_313 = arith.constant 0 : i32
          %dma_wait3A_314 = arith.constant 0 : i32
          %dma_wait3A_315 = tpu.memref_slice %arg24[%dma_wait3A_313, %dma_wait3A_314] : memref<10240x16xf32, #tpu.memory_space<vmem_shared>> -> memref<10240x16xf32, #tpu.memory_space<vmem_shared>>
          tpu.wait_indirect_dma semaphore(%arg27 : memref<!tpu.dma_semaphore, #tpu.memory_space<semaphore_mem>>) src(%arg8 : memref<125x16xf32, #tpu.memory_space<vmem>>) dst(%dma_wait3A_315 : memref<10240x16xf32, #tpu.memory_space<vmem_shared>>)
          %sub3A_316 = arith.constant 1 : i32
          %sub3A_317 = arith.subi %scan3A_124, %sub3A_316 : i32
          %mul3A_318 = arith.constant 8 : i32
          %mul3A_319 = arith.muli %sub3A_317, %mul3A_318 : i32
          %add3A_320 = arith.constant 1 : i32
          %add3A_321 = arith.addi %mul3A_319, %add3A_320 : i32
          %dma_wait3A_322 = arith.constant 0 : i32
          %dma_wait3A_323 = tpu.memref_slice %arg7[%add3A_321, %dma_wait3A_322] : memref<80x125xi32, #tpu.memory_space<vmem>> -> memref<1x125xi32, #tpu.memory_space<vmem>>
          %dma_wait3A_324 = tpu.memref_squeeze %dma_wait3A_323 : memref<1x125xi32, #tpu.memory_space<vmem>> -> memref<125xi32, #tpu.memory_space<vmem>>
          %dma_wait3A_325 = arith.constant 0 : i32
          %dma_wait3A_326 = arith.constant 0 : i32
          %dma_wait3A_327 = tpu.memref_slice %arg24[%dma_wait3A_325, %dma_wait3A_326] : memref<10240x16xf32, #tpu.memory_space<vmem_shared>> -> memref<10240x16xf32, #tpu.memory_space<vmem_shared>>
          tpu.wait_indirect_dma semaphore(%arg27 : memref<!tpu.dma_semaphore, #tpu.memory_space<semaphore_mem>>) src(%arg9 : memref<125x16xf32, #tpu.memory_space<vmem>>) dst(%dma_wait3A_327 : memref<10240x16xf32, #tpu.memory_space<vmem_shared>>)
          %sub3A_328 = arith.constant 1 : i32
          %sub3A_329 = arith.subi %scan3A_124, %sub3A_328 : i32
          %mul3A_330 = arith.constant 8 : i32
          %mul3A_331 = arith.muli %sub3A_329, %mul3A_330 : i32
          %add3A_332 = arith.constant 2 : i32
          %add3A_333 = arith.addi %mul3A_331, %add3A_332 : i32
          %dma_wait3A_334 = arith.constant 0 : i32
          %dma_wait3A_335 = tpu.memref_slice %arg7[%add3A_333, %dma_wait3A_334] : memref<80x125xi32, #tpu.memory_space<vmem>> -> memref<1x125xi32, #tpu.memory_space<vmem>>
          %dma_wait3A_336 = tpu.memref_squeeze %dma_wait3A_335 : memref<1x125xi32, #tpu.memory_space<vmem>> -> memref<125xi32, #tpu.memory_space<vmem>>
          %dma_wait3A_337 = arith.constant 0 : i32
          %dma_wait3A_338 = arith.constant 0 : i32
          %dma_wait3A_339 = tpu.memref_slice %arg24[%dma_wait3A_337, %dma_wait3A_338] : memref<10240x16xf32, #tpu.memory_space<vmem_shared>> -> memref<10240x16xf32, #tpu.memory_space<vmem_shared>>
          tpu.wait_indirect_dma semaphore(%arg27 : memref<!tpu.dma_semaphore, #tpu.memory_space<semaphore_mem>>) src(%arg10 : memref<125x16xf32, #tpu.memory_space<vmem>>) dst(%dma_wait3A_339 : memref<10240x16xf32, #tpu.memory_space<vmem_shared>>)
          %sub3A_340 = arith.constant 1 : i32
          %sub3A_341 = arith.subi %scan3A_124, %sub3A_340 : i32
          %mul3A_342 = arith.constant 8 : i32
          %mul3A_343 = arith.muli %sub3A_341, %mul3A_342 : i32
          %add3A_344 = arith.constant 3 : i32
          %add3A_345 = arith.addi %mul3A_343, %add3A_344 : i32
          %dma_wait3A_346 = arith.constant 0 : i32
          %dma_wait3A_347 = tpu.memref_slice %arg7[%add3A_345, %dma_wait3A_346] : memref<80x125xi32, #tpu.memory_space<vmem>> -> memref<1x125xi32, #tpu.memory_space<vmem>>
          %dma_wait3A_348 = tpu.memref_squeeze %dma_wait3A_347 : memref<1x125xi32, #tpu.memory_space<vmem>> -> memref<125xi32, #tpu.memory_space<vmem>>
          %dma_wait3A_349 = arith.constant 0 : i32
          %dma_wait3A_350 = arith.constant 0 : i32
          %dma_wait3A_351 = tpu.memref_slice %arg24[%dma_wait3A_349, %dma_wait3A_350] : memref<10240x16xf32, #tpu.memory_space<vmem_shared>> -> memref<10240x16xf32, #tpu.memory_space<vmem_shared>>
          tpu.wait_indirect_dma semaphore(%arg27 : memref<!tpu.dma_semaphore, #tpu.memory_space<semaphore_mem>>) src(%arg11 : memref<125x16xf32, #tpu.memory_space<vmem>>) dst(%dma_wait3A_351 : memref<10240x16xf32, #tpu.memory_space<vmem_shared>>)
          %sub3A_352 = arith.constant 1 : i32
          %sub3A_353 = arith.subi %scan3A_124, %sub3A_352 : i32
          %mul3A_354 = arith.constant 8 : i32
          %mul3A_355 = arith.muli %sub3A_353, %mul3A_354 : i32
          %add3A_356 = arith.constant 4 : i32
          %add3A_357 = arith.addi %mul3A_355, %add3A_356 : i32
          %dma_wait3A_358 = arith.constant 0 : i32
          %dma_wait3A_359 = tpu.memref_slice %arg7[%add3A_357, %dma_wait3A_358] : memref<80x125xi32, #tpu.memory_space<vmem>> -> memref<1x125xi32, #tpu.memory_space<vmem>>
          %dma_wait3A_360 = tpu.memref_squeeze %dma_wait3A_359 : memref<1x125xi32, #tpu.memory_space<vmem>> -> memref<125xi32, #tpu.memory_space<vmem>>
          %dma_wait3A_361 = arith.constant 0 : i32
          %dma_wait3A_362 = arith.constant 0 : i32
          %dma_wait3A_363 = tpu.memref_slice %arg24[%dma_wait3A_361, %dma_wait3A_362] : memref<10240x16xf32, #tpu.memory_space<vmem_shared>> -> memref<10240x16xf32, #tpu.memory_space<vmem_shared>>
          tpu.wait_indirect_dma semaphore(%arg27 : memref<!tpu.dma_semaphore, #tpu.memory_space<semaphore_mem>>) src(%arg12 : memref<125x16xf32, #tpu.memory_space<vmem>>) dst(%dma_wait3A_363 : memref<10240x16xf32, #tpu.memory_space<vmem_shared>>)
          %sub3A_364 = arith.constant 1 : i32
          %sub3A_365 = arith.subi %scan3A_124, %sub3A_364 : i32
          %mul3A_366 = arith.constant 8 : i32
          %mul3A_367 = arith.muli %sub3A_365, %mul3A_366 : i32
          %add3A_368 = arith.constant 5 : i32
          %add3A_369 = arith.addi %mul3A_367, %add3A_368 : i32
          %dma_wait3A_370 = arith.constant 0 : i32
          %dma_wait3A_371 = tpu.memref_slice %arg7[%add3A_369, %dma_wait3A_370] : memref<80x125xi32, #tpu.memory_space<vmem>> -> memref<1x125xi32, #tpu.memory_space<vmem>>
          %dma_wait3A_372 = tpu.memref_squeeze %dma_wait3A_371 : memref<1x125xi32, #tpu.memory_space<vmem>> -> memref<125xi32, #tpu.memory_space<vmem>>
          %dma_wait3A_373 = arith.constant 0 : i32
          %dma_wait3A_374 = arith.constant 0 : i32
          %dma_wait3A_375 = tpu.memref_slice %arg24[%dma_wait3A_373, %dma_wait3A_374] : memref<10240x16xf32, #tpu.memory_space<vmem_shared>> -> memref<10240x16xf32, #tpu.memory_space<vmem_shared>>
          tpu.wait_indirect_dma semaphore(%arg27 : memref<!tpu.dma_semaphore, #tpu.memory_space<semaphore_mem>>) src(%arg13 : memref<125x16xf32, #tpu.memory_space<vmem>>) dst(%dma_wait3A_375 : memref<10240x16xf32, #tpu.memory_space<vmem_shared>>)
          %sub3A_376 = arith.constant 1 : i32
          %sub3A_377 = arith.subi %scan3A_124, %sub3A_376 : i32
          %mul3A_378 = arith.constant 8 : i32
          %mul3A_379 = arith.muli %sub3A_377, %mul3A_378 : i32
          %add3A_380 = arith.constant 6 : i32
          %add3A_381 = arith.addi %mul3A_379, %add3A_380 : i32
          %dma_wait3A_382 = arith.constant 0 : i32
          %dma_wait3A_383 = tpu.memref_slice %arg7[%add3A_381, %dma_wait3A_382] : memref<80x125xi32, #tpu.memory_space<vmem>> -> memref<1x125xi32, #tpu.memory_space<vmem>>
          %dma_wait3A_384 = tpu.memref_squeeze %dma_wait3A_383 : memref<1x125xi32, #tpu.memory_space<vmem>> -> memref<125xi32, #tpu.memory_space<vmem>>
          %dma_wait3A_385 = arith.constant 0 : i32
          %dma_wait3A_386 = arith.constant 0 : i32
          %dma_wait3A_387 = tpu.memref_slice %arg24[%dma_wait3A_385, %dma_wait3A_386] : memref<10240x16xf32, #tpu.memory_space<vmem_shared>> -> memref<10240x16xf32, #tpu.memory_space<vmem_shared>>
          tpu.wait_indirect_dma semaphore(%arg27 : memref<!tpu.dma_semaphore, #tpu.memory_space<semaphore_mem>>) src(%arg14 : memref<125x16xf32, #tpu.memory_space<vmem>>) dst(%dma_wait3A_387 : memref<10240x16xf32, #tpu.memory_space<vmem_shared>>)
          %sub3A_388 = arith.constant 1 : i32
          %sub3A_389 = arith.subi %scan3A_124, %sub3A_388 : i32
          %mul3A_390 = arith.constant 8 : i32
          %mul3A_391 = arith.muli %sub3A_389, %mul3A_390 : i32
          %add3A_392 = arith.constant 7 : i32
          %add3A_393 = arith.addi %mul3A_391, %add3A_392 : i32
          %dma_wait3A_394 = arith.constant 0 : i32
          %dma_wait3A_395 = tpu.memref_slice %arg7[%add3A_393, %dma_wait3A_394] : memref<80x125xi32, #tpu.memory_space<vmem>> -> memref<1x125xi32, #tpu.memory_space<vmem>>
          %dma_wait3A_396 = tpu.memref_squeeze %dma_wait3A_395 : memref<1x125xi32, #tpu.memory_space<vmem>> -> memref<125xi32, #tpu.memory_space<vmem>>
          %dma_wait3A_397 = arith.constant 0 : i32
          %dma_wait3A_398 = arith.constant 0 : i32
          %dma_wait3A_399 = tpu.memref_slice %arg24[%dma_wait3A_397, %dma_wait3A_398] : memref<10240x16xf32, #tpu.memory_space<vmem_shared>> -> memref<10240x16xf32, #tpu.memory_space<vmem_shared>>
          tpu.wait_indirect_dma semaphore(%arg27 : memref<!tpu.dma_semaphore, #tpu.memory_space<semaphore_mem>>) src(%arg15 : memref<125x16xf32, #tpu.memory_space<vmem>>) dst(%dma_wait3A_399 : memref<10240x16xf32, #tpu.memory_space<vmem_shared>>)
        } else {
        }
        %add3A_139 = arith.constant 1 : i32
        %add3A_140 = arith.addi %scan3A_124, %add3A_139 : i32
        %lt3A = arith.constant 10 : i32
        %lt3A_141 = arith.cmpi slt, %add3A_140, %lt3A : i32
        %convert_element_type3A_142 = arith.extui %lt3A_141 : i1 to i32
        %cond3A_143 = arith.constant 0 : i32
        %cond3A_144 = arith.cmpi ne, %convert_element_type3A_142, %cond3A_143 : i32
        scf.if %cond3A_144 {
          %add3A_305 = arith.constant 1 : i32
          %add3A_306 = arith.addi %scan3A_124, %add3A_305 : i32
          %mul3A_307 = arith.constant 8 : i32
          %mul3A_308 = arith.muli %add3A_306, %mul3A_307 : i32
          %add3A_309 = arith.constant 0 : i32
          %add3A_310 = arith.addi %mul3A_308, %add3A_309 : i32
          %dma_start3A_311 = arith.constant 0 : i32
          %dma_start3A_312 = tpu.memref_slice %arg6[%add3A_310, %dma_start3A_311] : memref<80x125xi32, #tpu.memory_space<vmem>> -> memref<1x125xi32, #tpu.memory_space<vmem>>
          %dma_start3A_313 = tpu.memref_squeeze %dma_start3A_312 : memref<1x125xi32, #tpu.memory_space<vmem>> -> memref<125xi32, #tpu.memory_space<vmem>>
          %dma_start3A_314 = arith.constant 0 : i32
          %dma_start3A_315 = arith.constant 0 : i32
          %dma_start3A_316 = tpu.memref_slice %arg3[%dma_start3A_314, %dma_start3A_315] : memref<10240x16xf32, #tpu.memory_space<hbm>> -> memref<10240x16xf32, #tpu.memory_space<hbm>>
          tpu.enqueue_indirect_dma source(%dma_start3A_316 : memref<10240x16xf32, #tpu.memory_space<hbm>>) target(%arg8 : memref<125x16xf32, #tpu.memory_space<vmem>>) offsets(%dma_start3A_313 : memref<125xi32, #tpu.memory_space<vmem>>) semaphore(%arg25 : memref<!tpu.dma_semaphore, #tpu.memory_space<semaphore_mem>>)
          %add3A_317 = arith.constant 1 : i32
          %add3A_318 = arith.addi %scan3A_124, %add3A_317 : i32
          %mul3A_319 = arith.constant 8 : i32
          %mul3A_320 = arith.muli %add3A_318, %mul3A_319 : i32
          %add3A_321 = arith.constant 1 : i32
          %add3A_322 = arith.addi %mul3A_320, %add3A_321 : i32
          %dma_start3A_323 = arith.constant 0 : i32
          %dma_start3A_324 = tpu.memref_slice %arg6[%add3A_322, %dma_start3A_323] : memref<80x125xi32, #tpu.memory_space<vmem>> -> memref<1x125xi32, #tpu.memory_space<vmem>>
          %dma_start3A_325 = tpu.memref_squeeze %dma_start3A_324 : memref<1x125xi32, #tpu.memory_space<vmem>> -> memref<125xi32, #tpu.memory_space<vmem>>
          %dma_start3A_326 = arith.constant 0 : i32
          %dma_start3A_327 = arith.constant 0 : i32
          %dma_start3A_328 = tpu.memref_slice %arg3[%dma_start3A_326, %dma_start3A_327] : memref<10240x16xf32, #tpu.memory_space<hbm>> -> memref<10240x16xf32, #tpu.memory_space<hbm>>
          tpu.enqueue_indirect_dma source(%dma_start3A_328 : memref<10240x16xf32, #tpu.memory_space<hbm>>) target(%arg9 : memref<125x16xf32, #tpu.memory_space<vmem>>) offsets(%dma_start3A_325 : memref<125xi32, #tpu.memory_space<vmem>>) semaphore(%arg25 : memref<!tpu.dma_semaphore, #tpu.memory_space<semaphore_mem>>)
          %add3A_329 = arith.constant 1 : i32
          %add3A_330 = arith.addi %scan3A_124, %add3A_329 : i32
          %mul3A_331 = arith.constant 8 : i32
          %mul3A_332 = arith.muli %add3A_330, %mul3A_331 : i32
          %add3A_333 = arith.constant 2 : i32
          %add3A_334 = arith.addi %mul3A_332, %add3A_333 : i32
          %dma_start3A_335 = arith.constant 0 : i32
          %dma_start3A_336 = tpu.memref_slice %arg6[%add3A_334, %dma_start3A_335] : memref<80x125xi32, #tpu.memory_space<vmem>> -> memref<1x125xi32, #tpu.memory_space<vmem>>
          %dma_start3A_337 = tpu.memref_squeeze %dma_start3A_336 : memref<1x125xi32, #tpu.memory_space<vmem>> -> memref<125xi32, #tpu.memory_space<vmem>>
          %dma_start3A_338 = arith.constant 0 : i32
          %dma_start3A_339 = arith.constant 0 : i32
          %dma_start3A_340 = tpu.memref_slice %arg3[%dma_start3A_338, %dma_start3A_339] : memref<10240x16xf32, #tpu.memory_space<hbm>> -> memref<10240x16xf32, #tpu.memory_space<hbm>>
          tpu.enqueue_indirect_dma source(%dma_start3A_340 : memref<10240x16xf32, #tpu.memory_space<hbm>>) target(%arg10 : memref<125x16xf32, #tpu.memory_space<vmem>>) offsets(%dma_start3A_337 : memref<125xi32, #tpu.memory_space<vmem>>) semaphore(%arg25 : memref<!tpu.dma_semaphore, #tpu.memory_space<semaphore_mem>>)
          %add3A_341 = arith.constant 1 : i32
          %add3A_342 = arith.addi %scan3A_124, %add3A_341 : i32
          %mul3A_343 = arith.constant 8 : i32
          %mul3A_344 = arith.muli %add3A_342, %mul3A_343 : i32
          %add3A_345 = arith.constant 3 : i32
          %add3A_346 = arith.addi %mul3A_344, %add3A_345 : i32
          %dma_start3A_347 = arith.constant 0 : i32
          %dma_start3A_348 = tpu.memref_slice %arg6[%add3A_346, %dma_start3A_347] : memref<80x125xi32, #tpu.memory_space<vmem>> -> memref<1x125xi32, #tpu.memory_space<vmem>>
          %dma_start3A_349 = tpu.memref_squeeze %dma_start3A_348 : memref<1x125xi32, #tpu.memory_space<vmem>> -> memref<125xi32, #tpu.memory_space<vmem>>
          %dma_start3A_350 = arith.constant 0 : i32
          %dma_start3A_351 = arith.constant 0 : i32
          %dma_start3A_352 = tpu.memref_slice %arg3[%dma_start3A_350, %dma_start3A_351] : memref<10240x16xf32, #tpu.memory_space<hbm>> -> memref<10240x16xf32, #tpu.memory_space<hbm>>
          tpu.enqueue_indirect_dma source(%dma_start3A_352 : memref<10240x16xf32, #tpu.memory_space<hbm>>) target(%arg11 : memref<125x16xf32, #tpu.memory_space<vmem>>) offsets(%dma_start3A_349 : memref<125xi32, #tpu.memory_space<vmem>>) semaphore(%arg25 : memref<!tpu.dma_semaphore, #tpu.memory_space<semaphore_mem>>)
          %add3A_353 = arith.constant 1 : i32
          %add3A_354 = arith.addi %scan3A_124, %add3A_353 : i32
          %mul3A_355 = arith.constant 8 : i32
          %mul3A_356 = arith.muli %add3A_354, %mul3A_355 : i32
          %add3A_357 = arith.constant 4 : i32
          %add3A_358 = arith.addi %mul3A_356, %add3A_357 : i32
          %dma_start3A_359 = arith.constant 0 : i32
          %dma_start3A_360 = tpu.memref_slice %arg6[%add3A_358, %dma_start3A_359] : memref<80x125xi32, #tpu.memory_space<vmem>> -> memref<1x125xi32, #tpu.memory_space<vmem>>
          %dma_start3A_361 = tpu.memref_squeeze %dma_start3A_360 : memref<1x125xi32, #tpu.memory_space<vmem>> -> memref<125xi32, #tpu.memory_space<vmem>>
          %dma_start3A_362 = arith.constant 0 : i32
          %dma_start3A_363 = arith.constant 0 : i32
          %dma_start3A_364 = tpu.memref_slice %arg3[%dma_start3A_362, %dma_start3A_363] : memref<10240x16xf32, #tpu.memory_space<hbm>> -> memref<10240x16xf32, #tpu.memory_space<hbm>>
          tpu.enqueue_indirect_dma source(%dma_start3A_364 : memref<10240x16xf32, #tpu.memory_space<hbm>>) target(%arg12 : memref<125x16xf32, #tpu.memory_space<vmem>>) offsets(%dma_start3A_361 : memref<125xi32, #tpu.memory_space<vmem>>) semaphore(%arg25 : memref<!tpu.dma_semaphore, #tpu.memory_space<semaphore_mem>>)
          %add3A_365 = arith.constant 1 : i32
          %add3A_366 = arith.addi %scan3A_124, %add3A_365 : i32
          %mul3A_367 = arith.constant 8 : i32
          %mul3A_368 = arith.muli %add3A_366, %mul3A_367 : i32
          %add3A_369 = arith.constant 5 : i32
          %add3A_370 = arith.addi %mul3A_368, %add3A_369 : i32
          %dma_start3A_371 = arith.constant 0 : i32
          %dma_start3A_372 = tpu.memref_slice %arg6[%add3A_370, %dma_start3A_371] : memref<80x125xi32, #tpu.memory_space<vmem>> -> memref<1x125xi32, #tpu.memory_space<vmem>>
          %dma_start3A_373 = tpu.memref_squeeze %dma_start3A_372 : memref<1x125xi32, #tpu.memory_space<vmem>> -> memref<125xi32, #tpu.memory_space<vmem>>
          %dma_start3A_374 = arith.constant 0 : i32
          %dma_start3A_375 = arith.constant 0 : i32
          %dma_start3A_376 = tpu.memref_slice %arg3[%dma_start3A_374, %dma_start3A_375] : memref<10240x16xf32, #tpu.memory_space<hbm>> -> memref<10240x16xf32, #tpu.memory_space<hbm>>
          tpu.enqueue_indirect_dma source(%dma_start3A_376 : memref<10240x16xf32, #tpu.memory_space<hbm>>) target(%arg13 : memref<125x16xf32, #tpu.memory_space<vmem>>) offsets(%dma_start3A_373 : memref<125xi32, #tpu.memory_space<vmem>>) semaphore(%arg25 : memref<!tpu.dma_semaphore, #tpu.memory_space<semaphore_mem>>)
          %add3A_377 = arith.constant 1 : i32
          %add3A_378 = arith.addi %scan3A_124, %add3A_377 : i32
          %mul3A_379 = arith.constant 8 : i32
          %mul3A_380 = arith.muli %add3A_378, %mul3A_379 : i32
          %add3A_381 = arith.constant 6 : i32
          %add3A_382 = arith.addi %mul3A_380, %add3A_381 : i32
          %dma_start3A_383 = arith.constant 0 : i32
          %dma_start3A_384 = tpu.memref_slice %arg6[%add3A_382, %dma_start3A_383] : memref<80x125xi32, #tpu.memory_space<vmem>> -> memref<1x125xi32, #tpu.memory_space<vmem>>
          %dma_start3A_385 = tpu.memref_squeeze %dma_start3A_384 : memref<1x125xi32, #tpu.memory_space<vmem>> -> memref<125xi32, #tpu.memory_space<vmem>>
          %dma_start3A_386 = arith.constant 0 : i32
          %dma_start3A_387 = arith.constant 0 : i32
          %dma_start3A_388 = tpu.memref_slice %arg3[%dma_start3A_386, %dma_start3A_387] : memref<10240x16xf32, #tpu.memory_space<hbm>> -> memref<10240x16xf32, #tpu.memory_space<hbm>>
          tpu.enqueue_indirect_dma source(%dma_start3A_388 : memref<10240x16xf32, #tpu.memory_space<hbm>>) target(%arg14 : memref<125x16xf32, #tpu.memory_space<vmem>>) offsets(%dma_start3A_385 : memref<125xi32, #tpu.memory_space<vmem>>) semaphore(%arg25 : memref<!tpu.dma_semaphore, #tpu.memory_space<semaphore_mem>>)
          %add3A_389 = arith.constant 1 : i32
          %add3A_390 = arith.addi %scan3A_124, %add3A_389 : i32
          %mul3A_391 = arith.constant 8 : i32
          %mul3A_392 = arith.muli %add3A_390, %mul3A_391 : i32
          %add3A_393 = arith.constant 7 : i32
          %add3A_394 = arith.addi %mul3A_392, %add3A_393 : i32
          %dma_start3A_395 = arith.constant 0 : i32
          %dma_start3A_396 = tpu.memref_slice %arg6[%add3A_394, %dma_start3A_395] : memref<80x125xi32, #tpu.memory_space<vmem>> -> memref<1x125xi32, #tpu.memory_space<vmem>>
          %dma_start3A_397 = tpu.memref_squeeze %dma_start3A_396 : memref<1x125xi32, #tpu.memory_space<vmem>> -> memref<125xi32, #tpu.memory_space<vmem>>
          %dma_start3A_398 = arith.constant 0 : i32
          %dma_start3A_399 = arith.constant 0 : i32
          %dma_start3A_400 = tpu.memref_slice %arg3[%dma_start3A_398, %dma_start3A_399] : memref<10240x16xf32, #tpu.memory_space<hbm>> -> memref<10240x16xf32, #tpu.memory_space<hbm>>
          tpu.enqueue_indirect_dma source(%dma_start3A_400 : memref<10240x16xf32, #tpu.memory_space<hbm>>) target(%arg15 : memref<125x16xf32, #tpu.memory_space<vmem>>) offsets(%dma_start3A_397 : memref<125xi32, #tpu.memory_space<vmem>>) semaphore(%arg25 : memref<!tpu.dma_semaphore, #tpu.memory_space<semaphore_mem>>)
        } else {
        }
        %mul3A_145 = arith.constant 8 : i32
        %mul3A_146 = arith.muli %scan3A_124, %mul3A_145 : i32
        %add3A_147 = arith.constant 0 : i32
        %add3A_148 = arith.addi %mul3A_146, %add3A_147 : i32
        %dma_wait3A_149 = arith.constant 0 : i32
        %dma_wait3A_150 = tpu.memref_slice %arg6[%add3A_148, %dma_wait3A_149] : memref<80x125xi32, #tpu.memory_space<vmem>> -> memref<1x125xi32, #tpu.memory_space<vmem>>
        %dma_wait3A_151 = tpu.memref_squeeze %dma_wait3A_150 : memref<1x125xi32, #tpu.memory_space<vmem>> -> memref<125xi32, #tpu.memory_space<vmem>>
        %dma_wait3A_152 = arith.constant 0 : i32
        %dma_wait3A_153 = arith.constant 0 : i32
        %dma_wait3A_154 = tpu.memref_slice %arg3[%dma_wait3A_152, %dma_wait3A_153] : memref<10240x16xf32, #tpu.memory_space<hbm>> -> memref<10240x16xf32, #tpu.memory_space<hbm>>
        tpu.wait_indirect_dma semaphore(%arg26 : memref<!tpu.dma_semaphore, #tpu.memory_space<semaphore_mem>>) src(%dma_wait3A_154 : memref<10240x16xf32, #tpu.memory_space<hbm>>) dst(%arg16 : memref<125x16xf32, #tpu.memory_space<vmem>>)
        %mul3A_155 = arith.constant 8 : i32
        %mul3A_156 = arith.muli %scan3A_124, %mul3A_155 : i32
        %add3A_157 = arith.constant 1 : i32
        %add3A_158 = arith.addi %mul3A_156, %add3A_157 : i32
        %dma_wait3A_159 = arith.constant 0 : i32
        %dma_wait3A_160 = tpu.memref_slice %arg6[%add3A_158, %dma_wait3A_159] : memref<80x125xi32, #tpu.memory_space<vmem>> -> memref<1x125xi32, #tpu.memory_space<vmem>>
        %dma_wait3A_161 = tpu.memref_squeeze %dma_wait3A_160 : memref<1x125xi32, #tpu.memory_space<vmem>> -> memref<125xi32, #tpu.memory_space<vmem>>
        %dma_wait3A_162 = arith.constant 0 : i32
        %dma_wait3A_163 = arith.constant 0 : i32
        %dma_wait3A_164 = tpu.memref_slice %arg3[%dma_wait3A_162, %dma_wait3A_163] : memref<10240x16xf32, #tpu.memory_space<hbm>> -> memref<10240x16xf32, #tpu.memory_space<hbm>>
        tpu.wait_indirect_dma semaphore(%arg26 : memref<!tpu.dma_semaphore, #tpu.memory_space<semaphore_mem>>) src(%dma_wait3A_164 : memref<10240x16xf32, #tpu.memory_space<hbm>>) dst(%arg17 : memref<125x16xf32, #tpu.memory_space<vmem>>)
        %mul3A_165 = arith.constant 8 : i32
        %mul3A_166 = arith.muli %scan3A_124, %mul3A_165 : i32
        %add3A_167 = arith.constant 2 : i32
        %add3A_168 = arith.addi %mul3A_166, %add3A_167 : i32
        %dma_wait3A_169 = arith.constant 0 : i32
        %dma_wait3A_170 = tpu.memref_slice %arg6[%add3A_168, %dma_wait3A_169] : memref<80x125xi32, #tpu.memory_space<vmem>> -> memref<1x125xi32, #tpu.memory_space<vmem>>
        %dma_wait3A_171 = tpu.memref_squeeze %dma_wait3A_170 : memref<1x125xi32, #tpu.memory_space<vmem>> -> memref<125xi32, #tpu.memory_space<vmem>>
        %dma_wait3A_172 = arith.constant 0 : i32
        %dma_wait3A_173 = arith.constant 0 : i32
        %dma_wait3A_174 = tpu.memref_slice %arg3[%dma_wait3A_172, %dma_wait3A_173] : memref<10240x16xf32, #tpu.memory_space<hbm>> -> memref<10240x16xf32, #tpu.memory_space<hbm>>
        tpu.wait_indirect_dma semaphore(%arg26 : memref<!tpu.dma_semaphore, #tpu.memory_space<semaphore_mem>>) src(%dma_wait3A_174 : memref<10240x16xf32, #tpu.memory_space<hbm>>) dst(%arg18 : memref<125x16xf32, #tpu.memory_space<vmem>>)
        %mul3A_175 = arith.constant 8 : i32
        %mul3A_176 = arith.muli %scan3A_124, %mul3A_175 : i32
        %add3A_177 = arith.constant 3 : i32
        %add3A_178 = arith.addi %mul3A_176, %add3A_177 : i32
        %dma_wait3A_179 = arith.constant 0 : i32
        %dma_wait3A_180 = tpu.memref_slice %arg6[%add3A_178, %dma_wait3A_179] : memref<80x125xi32, #tpu.memory_space<vmem>> -> memref<1x125xi32, #tpu.memory_space<vmem>>
        %dma_wait3A_181 = tpu.memref_squeeze %dma_wait3A_180 : memref<1x125xi32, #tpu.memory_space<vmem>> -> memref<125xi32, #tpu.memory_space<vmem>>
        %dma_wait3A_182 = arith.constant 0 : i32
        %dma_wait3A_183 = arith.constant 0 : i32
        %dma_wait3A_184 = tpu.memref_slice %arg3[%dma_wait3A_182, %dma_wait3A_183] : memref<10240x16xf32, #tpu.memory_space<hbm>> -> memref<10240x16xf32, #tpu.memory_space<hbm>>
        tpu.wait_indirect_dma semaphore(%arg26 : memref<!tpu.dma_semaphore, #tpu.memory_space<semaphore_mem>>) src(%dma_wait3A_184 : memref<10240x16xf32, #tpu.memory_space<hbm>>) dst(%arg19 : memref<125x16xf32, #tpu.memory_space<vmem>>)
        %mul3A_185 = arith.constant 8 : i32
        %mul3A_186 = arith.muli %scan3A_124, %mul3A_185 : i32
        %add3A_187 = arith.constant 4 : i32
        %add3A_188 = arith.addi %mul3A_186, %add3A_187 : i32
        %dma_wait3A_189 = arith.constant 0 : i32
        %dma_wait3A_190 = tpu.memref_slice %arg6[%add3A_188, %dma_wait3A_189] : memref<80x125xi32, #tpu.memory_space<vmem>> -> memref<1x125xi32, #tpu.memory_space<vmem>>
        %dma_wait3A_191 = tpu.memref_squeeze %dma_wait3A_190 : memref<1x125xi32, #tpu.memory_space<vmem>> -> memref<125xi32, #tpu.memory_space<vmem>>
        %dma_wait3A_192 = arith.constant 0 : i32
        %dma_wait3A_193 = arith.constant 0 : i32
        %dma_wait3A_194 = tpu.memref_slice %arg3[%dma_wait3A_192, %dma_wait3A_193] : memref<10240x16xf32, #tpu.memory_space<hbm>> -> memref<10240x16xf32, #tpu.memory_space<hbm>>
        tpu.wait_indirect_dma semaphore(%arg26 : memref<!tpu.dma_semaphore, #tpu.memory_space<semaphore_mem>>) src(%dma_wait3A_194 : memref<10240x16xf32, #tpu.memory_space<hbm>>) dst(%arg20 : memref<125x16xf32, #tpu.memory_space<vmem>>)
        %mul3A_195 = arith.constant 8 : i32
        %mul3A_196 = arith.muli %scan3A_124, %mul3A_195 : i32
        %add3A_197 = arith.constant 5 : i32
        %add3A_198 = arith.addi %mul3A_196, %add3A_197 : i32
        %dma_wait3A_199 = arith.constant 0 : i32
        %dma_wait3A_200 = tpu.memref_slice %arg6[%add3A_198, %dma_wait3A_199] : memref<80x125xi32, #tpu.memory_space<vmem>> -> memref<1x125xi32, #tpu.memory_space<vmem>>
        %dma_wait3A_201 = tpu.memref_squeeze %dma_wait3A_200 : memref<1x125xi32, #tpu.memory_space<vmem>> -> memref<125xi32, #tpu.memory_space<vmem>>
        %dma_wait3A_202 = arith.constant 0 : i32
        %dma_wait3A_203 = arith.constant 0 : i32
        %dma_wait3A_204 = tpu.memref_slice %arg3[%dma_wait3A_202, %dma_wait3A_203] : memref<10240x16xf32, #tpu.memory_space<hbm>> -> memref<10240x16xf32, #tpu.memory_space<hbm>>
        tpu.wait_indirect_dma semaphore(%arg26 : memref<!tpu.dma_semaphore, #tpu.memory_space<semaphore_mem>>) src(%dma_wait3A_204 : memref<10240x16xf32, #tpu.memory_space<hbm>>) dst(%arg21 : memref<125x16xf32, #tpu.memory_space<vmem>>)
        %mul3A_205 = arith.constant 8 : i32
        %mul3A_206 = arith.muli %scan3A_124, %mul3A_205 : i32
        %add3A_207 = arith.constant 6 : i32
        %add3A_208 = arith.addi %mul3A_206, %add3A_207 : i32
        %dma_wait3A_209 = arith.constant 0 : i32
        %dma_wait3A_210 = tpu.memref_slice %arg6[%add3A_208, %dma_wait3A_209] : memref<80x125xi32, #tpu.memory_space<vmem>> -> memref<1x125xi32, #tpu.memory_space<vmem>>
        %dma_wait3A_211 = tpu.memref_squeeze %dma_wait3A_210 : memref<1x125xi32, #tpu.memory_space<vmem>> -> memref<125xi32, #tpu.memory_space<vmem>>
        %dma_wait3A_212 = arith.constant 0 : i32
        %dma_wait3A_213 = arith.constant 0 : i32
        %dma_wait3A_214 = tpu.memref_slice %arg3[%dma_wait3A_212, %dma_wait3A_213] : memref<10240x16xf32, #tpu.memory_space<hbm>> -> memref<10240x16xf32, #tpu.memory_space<hbm>>
        tpu.wait_indirect_dma semaphore(%arg26 : memref<!tpu.dma_semaphore, #tpu.memory_space<semaphore_mem>>) src(%dma_wait3A_214 : memref<10240x16xf32, #tpu.memory_space<hbm>>) dst(%arg22 : memref<125x16xf32, #tpu.memory_space<vmem>>)
        %mul3A_215 = arith.constant 8 : i32
        %mul3A_216 = arith.muli %scan3A_124, %mul3A_215 : i32
        %add3A_217 = arith.constant 7 : i32
        %add3A_218 = arith.addi %mul3A_216, %add3A_217 : i32
        %dma_wait3A_219 = arith.constant 0 : i32
        %dma_wait3A_220 = tpu.memref_slice %arg6[%add3A_218, %dma_wait3A_219] : memref<80x125xi32, #tpu.memory_space<vmem>> -> memref<1x125xi32, #tpu.memory_space<vmem>>
        %dma_wait3A_221 = tpu.memref_squeeze %dma_wait3A_220 : memref<1x125xi32, #tpu.memory_space<vmem>> -> memref<125xi32, #tpu.memory_space<vmem>>
        %dma_wait3A_222 = arith.constant 0 : i32
        %dma_wait3A_223 = arith.constant 0 : i32
        %dma_wait3A_224 = tpu.memref_slice %arg3[%dma_wait3A_222, %dma_wait3A_223] : memref<10240x16xf32, #tpu.memory_space<hbm>> -> memref<10240x16xf32, #tpu.memory_space<hbm>>
        tpu.wait_indirect_dma semaphore(%arg26 : memref<!tpu.dma_semaphore, #tpu.memory_space<semaphore_mem>>) src(%dma_wait3A_224 : memref<10240x16xf32, #tpu.memory_space<hbm>>) dst(%arg23 : memref<125x16xf32, #tpu.memory_space<vmem>>)
        %mul3A_225 = arith.constant 8 : i32
        %mul3A_226 = arith.muli %scan3A_124, %mul3A_225 : i32
        %add3A_227 = arith.constant 0 : i32
        %add3A_228 = arith.addi %mul3A_226, %add3A_227 : i32
        %dma_start3A_229 = arith.constant 0 : i32
        %dma_start3A_230 = tpu.memref_slice %arg7[%add3A_228, %dma_start3A_229] : memref<80x125xi32, #tpu.memory_space<vmem>> -> memref<1x125xi32, #tpu.memory_space<vmem>>
        %dma_start3A_231 = tpu.memref_squeeze %dma_start3A_230 : memref<1x125xi32, #tpu.memory_space<vmem>> -> memref<125xi32, #tpu.memory_space<vmem>>
        %dma_start3A_232 = arith.constant 0 : i32
        %dma_start3A_233 = arith.constant 0 : i32
        %dma_start3A_234 = tpu.memref_slice %arg24[%dma_start3A_232, %dma_start3A_233] : memref<10240x16xf32, #tpu.memory_space<vmem_shared>> -> memref<10240x16xf32, #tpu.memory_space<vmem_shared>>
        tpu.enqueue_indirect_dma source(%arg16 : memref<125x16xf32, #tpu.memory_space<vmem>>) target(%dma_start3A_234 : memref<10240x16xf32, #tpu.memory_space<vmem_shared>>) offsets(%dma_start3A_231 : memref<125xi32, #tpu.memory_space<vmem>>) semaphore(%arg28 : memref<!tpu.dma_semaphore, #tpu.memory_space<semaphore_mem>>) {add = true}
        %mul3A_235 = arith.constant 8 : i32
        %mul3A_236 = arith.muli %scan3A_124, %mul3A_235 : i32
        %add3A_237 = arith.constant 1 : i32
        %add3A_238 = arith.addi %mul3A_236, %add3A_237 : i32
        %dma_start3A_239 = arith.constant 0 : i32
        %dma_start3A_240 = tpu.memref_slice %arg7[%add3A_238, %dma_start3A_239] : memref<80x125xi32, #tpu.memory_space<vmem>> -> memref<1x125xi32, #tpu.memory_space<vmem>>
        %dma_start3A_241 = tpu.memref_squeeze %dma_start3A_240 : memref<1x125xi32, #tpu.memory_space<vmem>> -> memref<125xi32, #tpu.memory_space<vmem>>
        %dma_start3A_242 = arith.constant 0 : i32
        %dma_start3A_243 = arith.constant 0 : i32
        %dma_start3A_244 = tpu.memref_slice %arg24[%dma_start3A_242, %dma_start3A_243] : memref<10240x16xf32, #tpu.memory_space<vmem_shared>> -> memref<10240x16xf32, #tpu.memory_space<vmem_shared>>
        tpu.enqueue_indirect_dma source(%arg17 : memref<125x16xf32, #tpu.memory_space<vmem>>) target(%dma_start3A_244 : memref<10240x16xf32, #tpu.memory_space<vmem_shared>>) offsets(%dma_start3A_241 : memref<125xi32, #tpu.memory_space<vmem>>) semaphore(%arg28 : memref<!tpu.dma_semaphore, #tpu.memory_space<semaphore_mem>>) {add = true}
        %mul3A_245 = arith.constant 8 : i32
        %mul3A_246 = arith.muli %scan3A_124, %mul3A_245 : i32
        %add3A_247 = arith.constant 2 : i32
        %add3A_248 = arith.addi %mul3A_246, %add3A_247 : i32
        %dma_start3A_249 = arith.constant 0 : i32
        %dma_start3A_250 = tpu.memref_slice %arg7[%add3A_248, %dma_start3A_249] : memref<80x125xi32, #tpu.memory_space<vmem>> -> memref<1x125xi32, #tpu.memory_space<vmem>>
        %dma_start3A_251 = tpu.memref_squeeze %dma_start3A_250 : memref<1x125xi32, #tpu.memory_space<vmem>> -> memref<125xi32, #tpu.memory_space<vmem>>
        %dma_start3A_252 = arith.constant 0 : i32
        %dma_start3A_253 = arith.constant 0 : i32
        %dma_start3A_254 = tpu.memref_slice %arg24[%dma_start3A_252, %dma_start3A_253] : memref<10240x16xf32, #tpu.memory_space<vmem_shared>> -> memref<10240x16xf32, #tpu.memory_space<vmem_shared>>
        tpu.enqueue_indirect_dma source(%arg18 : memref<125x16xf32, #tpu.memory_space<vmem>>) target(%dma_start3A_254 : memref<10240x16xf32, #tpu.memory_space<vmem_shared>>) offsets(%dma_start3A_251 : memref<125xi32, #tpu.memory_space<vmem>>) semaphore(%arg28 : memref<!tpu.dma_semaphore, #tpu.memory_space<semaphore_mem>>) {add = true}
        %mul3A_255 = arith.constant 8 : i32
        %mul3A_256 = arith.muli %scan3A_124, %mul3A_255 : i32
        %add3A_257 = arith.constant 3 : i32
        %add3A_258 = arith.addi %mul3A_256, %add3A_257 : i32
        %dma_start3A_259 = arith.constant 0 : i32
        %dma_start3A_260 = tpu.memref_slice %arg7[%add3A_258, %dma_start3A_259] : memref<80x125xi32, #tpu.memory_space<vmem>> -> memref<1x125xi32, #tpu.memory_space<vmem>>
        %dma_start3A_261 = tpu.memref_squeeze %dma_start3A_260 : memref<1x125xi32, #tpu.memory_space<vmem>> -> memref<125xi32, #tpu.memory_space<vmem>>
        %dma_start3A_262 = arith.constant 0 : i32
        %dma_start3A_263 = arith.constant 0 : i32
        %dma_start3A_264 = tpu.memref_slice %arg24[%dma_start3A_262, %dma_start3A_263] : memref<10240x16xf32, #tpu.memory_space<vmem_shared>> -> memref<10240x16xf32, #tpu.memory_space<vmem_shared>>
        tpu.enqueue_indirect_dma source(%arg19 : memref<125x16xf32, #tpu.memory_space<vmem>>) target(%dma_start3A_264 : memref<10240x16xf32, #tpu.memory_space<vmem_shared>>) offsets(%dma_start3A_261 : memref<125xi32, #tpu.memory_space<vmem>>) semaphore(%arg28 : memref<!tpu.dma_semaphore, #tpu.memory_space<semaphore_mem>>) {add = true}
        %mul3A_265 = arith.constant 8 : i32
        %mul3A_266 = arith.muli %scan3A_124, %mul3A_265 : i32
        %add3A_267 = arith.constant 4 : i32
        %add3A_268 = arith.addi %mul3A_266, %add3A_267 : i32
        %dma_start3A_269 = arith.constant 0 : i32
        %dma_start3A_270 = tpu.memref_slice %arg7[%add3A_268, %dma_start3A_269] : memref<80x125xi32, #tpu.memory_space<vmem>> -> memref<1x125xi32, #tpu.memory_space<vmem>>
        %dma_start3A_271 = tpu.memref_squeeze %dma_start3A_270 : memref<1x125xi32, #tpu.memory_space<vmem>> -> memref<125xi32, #tpu.memory_space<vmem>>
        %dma_start3A_272 = arith.constant 0 : i32
        %dma_start3A_273 = arith.constant 0 : i32
        %dma_start3A_274 = tpu.memref_slice %arg24[%dma_start3A_272, %dma_start3A_273] : memref<10240x16xf32, #tpu.memory_space<vmem_shared>> -> memref<10240x16xf32, #tpu.memory_space<vmem_shared>>
        tpu.enqueue_indirect_dma source(%arg20 : memref<125x16xf32, #tpu.memory_space<vmem>>) target(%dma_start3A_274 : memref<10240x16xf32, #tpu.memory_space<vmem_shared>>) offsets(%dma_start3A_271 : memref<125xi32, #tpu.memory_space<vmem>>) semaphore(%arg28 : memref<!tpu.dma_semaphore, #tpu.memory_space<semaphore_mem>>) {add = true}
        %mul3A_275 = arith.constant 8 : i32
        %mul3A_276 = arith.muli %scan3A_124, %mul3A_275 : i32
        %add3A_277 = arith.constant 5 : i32
        %add3A_278 = arith.addi %mul3A_276, %add3A_277 : i32
        %dma_start3A_279 = arith.constant 0 : i32
        %dma_start3A_280 = tpu.memref_slice %arg7[%add3A_278, %dma_start3A_279] : memref<80x125xi32, #tpu.memory_space<vmem>> -> memref<1x125xi32, #tpu.memory_space<vmem>>
        %dma_start3A_281 = tpu.memref_squeeze %dma_start3A_280 : memref<1x125xi32, #tpu.memory_space<vmem>> -> memref<125xi32, #tpu.memory_space<vmem>>
        %dma_start3A_282 = arith.constant 0 : i32
        %dma_start3A_283 = arith.constant 0 : i32
        %dma_start3A_284 = tpu.memref_slice %arg24[%dma_start3A_282, %dma_start3A_283] : memref<10240x16xf32, #tpu.memory_space<vmem_shared>> -> memref<10240x16xf32, #tpu.memory_space<vmem_shared>>
        tpu.enqueue_indirect_dma source(%arg21 : memref<125x16xf32, #tpu.memory_space<vmem>>) target(%dma_start3A_284 : memref<10240x16xf32, #tpu.memory_space<vmem_shared>>) offsets(%dma_start3A_281 : memref<125xi32, #tpu.memory_space<vmem>>) semaphore(%arg28 : memref<!tpu.dma_semaphore, #tpu.memory_space<semaphore_mem>>) {add = true}
        %mul3A_285 = arith.constant 8 : i32
        %mul3A_286 = arith.muli %scan3A_124, %mul3A_285 : i32
        %add3A_287 = arith.constant 6 : i32
        %add3A_288 = arith.addi %mul3A_286, %add3A_287 : i32
        %dma_start3A_289 = arith.constant 0 : i32
        %dma_start3A_290 = tpu.memref_slice %arg7[%add3A_288, %dma_start3A_289] : memref<80x125xi32, #tpu.memory_space<vmem>> -> memref<1x125xi32, #tpu.memory_space<vmem>>
        %dma_start3A_291 = tpu.memref_squeeze %dma_start3A_290 : memref<1x125xi32, #tpu.memory_space<vmem>> -> memref<125xi32, #tpu.memory_space<vmem>>
        %dma_start3A_292 = arith.constant 0 : i32
        %dma_start3A_293 = arith.constant 0 : i32
        %dma_start3A_294 = tpu.memref_slice %arg24[%dma_start3A_292, %dma_start3A_293] : memref<10240x16xf32, #tpu.memory_space<vmem_shared>> -> memref<10240x16xf32, #tpu.memory_space<vmem_shared>>
        tpu.enqueue_indirect_dma source(%arg22 : memref<125x16xf32, #tpu.memory_space<vmem>>) target(%dma_start3A_294 : memref<10240x16xf32, #tpu.memory_space<vmem_shared>>) offsets(%dma_start3A_291 : memref<125xi32, #tpu.memory_space<vmem>>) semaphore(%arg28 : memref<!tpu.dma_semaphore, #tpu.memory_space<semaphore_mem>>) {add = true}
        %mul3A_295 = arith.constant 8 : i32
        %mul3A_296 = arith.muli %scan3A_124, %mul3A_295 : i32
        %add3A_297 = arith.constant 7 : i32
        %add3A_298 = arith.addi %mul3A_296, %add3A_297 : i32
        %dma_start3A_299 = arith.constant 0 : i32
        %dma_start3A_300 = tpu.memref_slice %arg7[%add3A_298, %dma_start3A_299] : memref<80x125xi32, #tpu.memory_space<vmem>> -> memref<1x125xi32, #tpu.memory_space<vmem>>
        %dma_start3A_301 = tpu.memref_squeeze %dma_start3A_300 : memref<1x125xi32, #tpu.memory_space<vmem>> -> memref<125xi32, #tpu.memory_space<vmem>>
        %dma_start3A_302 = arith.constant 0 : i32
        %dma_start3A_303 = arith.constant 0 : i32
        %dma_start3A_304 = tpu.memref_slice %arg24[%dma_start3A_302, %dma_start3A_303] : memref<10240x16xf32, #tpu.memory_space<vmem_shared>> -> memref<10240x16xf32, #tpu.memory_space<vmem_shared>>
        tpu.enqueue_indirect_dma source(%arg23 : memref<125x16xf32, #tpu.memory_space<vmem>>) target(%dma_start3A_304 : memref<10240x16xf32, #tpu.memory_space<vmem_shared>>) offsets(%dma_start3A_301 : memref<125xi32, #tpu.memory_space<vmem>>) semaphore(%arg28 : memref<!tpu.dma_semaphore, #tpu.memory_space<semaphore_mem>>) {add = true}
      } else {
      }
    }
    %scan3A_67 = arith.constant 10 : i32
    %dma_wait3A = arith.constant 72 : i32
    %dma_wait3A_68 = arith.constant 0 : i32
    %dma_wait3A_69 = tpu.memref_slice %arg7[%dma_wait3A, %dma_wait3A_68] : memref<80x125xi32, #tpu.memory_space<vmem>> -> memref<1x125xi32, #tpu.memory_space<vmem>>
    %dma_wait3A_70 = tpu.memref_squeeze %dma_wait3A_69 : memref<1x125xi32, #tpu.memory_space<vmem>> -> memref<125xi32, #tpu.memory_space<vmem>>
    %dma_wait3A_71 = arith.constant 0 : i32
    %dma_wait3A_72 = arith.constant 0 : i32
    %dma_wait3A_73 = tpu.memref_slice %arg24[%dma_wait3A_71, %dma_wait3A_72] : memref<10240x16xf32, #tpu.memory_space<vmem_shared>> -> memref<10240x16xf32, #tpu.memory_space<vmem_shared>>
    tpu.wait_indirect_dma semaphore(%arg28 : memref<!tpu.dma_semaphore, #tpu.memory_space<semaphore_mem>>) src(%arg16 : memref<125x16xf32, #tpu.memory_space<vmem>>) dst(%dma_wait3A_73 : memref<10240x16xf32, #tpu.memory_space<vmem_shared>>)
    %dma_wait3A_74 = arith.constant 73 : i32
    %dma_wait3A_75 = arith.constant 0 : i32
    %dma_wait3A_76 = tpu.memref_slice %arg7[%dma_wait3A_74, %dma_wait3A_75] : memref<80x125xi32, #tpu.memory_space<vmem>> -> memref<1x125xi32, #tpu.memory_space<vmem>>
    %dma_wait3A_77 = tpu.memref_squeeze %dma_wait3A_76 : memref<1x125xi32, #tpu.memory_space<vmem>> -> memref<125xi32, #tpu.memory_space<vmem>>
    %dma_wait3A_78 = arith.constant 0 : i32
    %dma_wait3A_79 = arith.constant 0 : i32
    %dma_wait3A_80 = tpu.memref_slice %arg24[%dma_wait3A_78, %dma_wait3A_79] : memref<10240x16xf32, #tpu.memory_space<vmem_shared>> -> memref<10240x16xf32, #tpu.memory_space<vmem_shared>>
    tpu.wait_indirect_dma semaphore(%arg28 : memref<!tpu.dma_semaphore, #tpu.memory_space<semaphore_mem>>) src(%arg17 : memref<125x16xf32, #tpu.memory_space<vmem>>) dst(%dma_wait3A_80 : memref<10240x16xf32, #tpu.memory_space<vmem_shared>>)
    %dma_wait3A_81 = arith.constant 74 : i32
    %dma_wait3A_82 = arith.constant 0 : i32
    %dma_wait3A_83 = tpu.memref_slice %arg7[%dma_wait3A_81, %dma_wait3A_82] : memref<80x125xi32, #tpu.memory_space<vmem>> -> memref<1x125xi32, #tpu.memory_space<vmem>>
    %dma_wait3A_84 = tpu.memref_squeeze %dma_wait3A_83 : memref<1x125xi32, #tpu.memory_space<vmem>> -> memref<125xi32, #tpu.memory_space<vmem>>
    %dma_wait3A_85 = arith.constant 0 : i32
    %dma_wait3A_86 = arith.constant 0 : i32
    %dma_wait3A_87 = tpu.memref_slice %arg24[%dma_wait3A_85, %dma_wait3A_86] : memref<10240x16xf32, #tpu.memory_space<vmem_shared>> -> memref<10240x16xf32, #tpu.memory_space<vmem_shared>>
    tpu.wait_indirect_dma semaphore(%arg28 : memref<!tpu.dma_semaphore, #tpu.memory_space<semaphore_mem>>) src(%arg18 : memref<125x16xf32, #tpu.memory_space<vmem>>) dst(%dma_wait3A_87 : memref<10240x16xf32, #tpu.memory_space<vmem_shared>>)
    %dma_wait3A_88 = arith.constant 75 : i32
    %dma_wait3A_89 = arith.constant 0 : i32
    %dma_wait3A_90 = tpu.memref_slice %arg7[%dma_wait3A_88, %dma_wait3A_89] : memref<80x125xi32, #tpu.memory_space<vmem>> -> memref<1x125xi32, #tpu.memory_space<vmem>>
    %dma_wait3A_91 = tpu.memref_squeeze %dma_wait3A_90 : memref<1x125xi32, #tpu.memory_space<vmem>> -> memref<125xi32, #tpu.memory_space<vmem>>
    %dma_wait3A_92 = arith.constant 0 : i32
    %dma_wait3A_93 = arith.constant 0 : i32
    %dma_wait3A_94 = tpu.memref_slice %arg24[%dma_wait3A_92, %dma_wait3A_93] : memref<10240x16xf32, #tpu.memory_space<vmem_shared>> -> memref<10240x16xf32, #tpu.memory_space<vmem_shared>>
    tpu.wait_indirect_dma semaphore(%arg28 : memref<!tpu.dma_semaphore, #tpu.memory_space<semaphore_mem>>) src(%arg19 : memref<125x16xf32, #tpu.memory_space<vmem>>) dst(%dma_wait3A_94 : memref<10240x16xf32, #tpu.memory_space<vmem_shared>>)
    %dma_wait3A_95 = arith.constant 76 : i32
    %dma_wait3A_96 = arith.constant 0 : i32
    %dma_wait3A_97 = tpu.memref_slice %arg7[%dma_wait3A_95, %dma_wait3A_96] : memref<80x125xi32, #tpu.memory_space<vmem>> -> memref<1x125xi32, #tpu.memory_space<vmem>>
    %dma_wait3A_98 = tpu.memref_squeeze %dma_wait3A_97 : memref<1x125xi32, #tpu.memory_space<vmem>> -> memref<125xi32, #tpu.memory_space<vmem>>
    %dma_wait3A_99 = arith.constant 0 : i32
    %dma_wait3A_100 = arith.constant 0 : i32
    %dma_wait3A_101 = tpu.memref_slice %arg24[%dma_wait3A_99, %dma_wait3A_100] : memref<10240x16xf32, #tpu.memory_space<vmem_shared>> -> memref<10240x16xf32, #tpu.memory_space<vmem_shared>>
    tpu.wait_indirect_dma semaphore(%arg28 : memref<!tpu.dma_semaphore, #tpu.memory_space<semaphore_mem>>) src(%arg20 : memref<125x16xf32, #tpu.memory_space<vmem>>) dst(%dma_wait3A_101 : memref<10240x16xf32, #tpu.memory_space<vmem_shared>>)
    %dma_wait3A_102 = arith.constant 77 : i32
    %dma_wait3A_103 = arith.constant 0 : i32
    %dma_wait3A_104 = tpu.memref_slice %arg7[%dma_wait3A_102, %dma_wait3A_103] : memref<80x125xi32, #tpu.memory_space<vmem>> -> memref<1x125xi32, #tpu.memory_space<vmem>>
    %dma_wait3A_105 = tpu.memref_squeeze %dma_wait3A_104 : memref<1x125xi32, #tpu.memory_space<vmem>> -> memref<125xi32, #tpu.memory_space<vmem>>
    %dma_wait3A_106 = arith.constant 0 : i32
    %dma_wait3A_107 = arith.constant 0 : i32
    %dma_wait3A_108 = tpu.memref_slice %arg24[%dma_wait3A_106, %dma_wait3A_107] : memref<10240x16xf32, #tpu.memory_space<vmem_shared>> -> memref<10240x16xf32, #tpu.memory_space<vmem_shared>>
    tpu.wait_indirect_dma semaphore(%arg28 : memref<!tpu.dma_semaphore, #tpu.memory_space<semaphore_mem>>) src(%arg21 : memref<125x16xf32, #tpu.memory_space<vmem>>) dst(%dma_wait3A_108 : memref<10240x16xf32, #tpu.memory_space<vmem_shared>>)
    %dma_wait3A_109 = arith.constant 78 : i32
    %dma_wait3A_110 = arith.constant 0 : i32
    %dma_wait3A_111 = tpu.memref_slice %arg7[%dma_wait3A_109, %dma_wait3A_110] : memref<80x125xi32, #tpu.memory_space<vmem>> -> memref<1x125xi32, #tpu.memory_space<vmem>>
    %dma_wait3A_112 = tpu.memref_squeeze %dma_wait3A_111 : memref<1x125xi32, #tpu.memory_space<vmem>> -> memref<125xi32, #tpu.memory_space<vmem>>
    %dma_wait3A_113 = arith.constant 0 : i32
    %dma_wait3A_114 = arith.constant 0 : i32
    %dma_wait3A_115 = tpu.memref_slice %arg24[%dma_wait3A_113, %dma_wait3A_114] : memref<10240x16xf32, #tpu.memory_space<vmem_shared>> -> memref<10240x16xf32, #tpu.memory_space<vmem_shared>>
    tpu.wait_indirect_dma semaphore(%arg28 : memref<!tpu.dma_semaphore, #tpu.memory_space<semaphore_mem>>) src(%arg22 : memref<125x16xf32, #tpu.memory_space<vmem>>) dst(%dma_wait3A_115 : memref<10240x16xf32, #tpu.memory_space<vmem_shared>>)
    %dma_wait3A_116 = arith.constant 79 : i32
    %dma_wait3A_117 = arith.constant 0 : i32
    %dma_wait3A_118 = tpu.memref_slice %arg7[%dma_wait3A_116, %dma_wait3A_117] : memref<80x125xi32, #tpu.memory_space<vmem>> -> memref<1x125xi32, #tpu.memory_space<vmem>>
    %dma_wait3A_119 = tpu.memref_squeeze %dma_wait3A_118 : memref<1x125xi32, #tpu.memory_space<vmem>> -> memref<125xi32, #tpu.memory_space<vmem>>
    %dma_wait3A_120 = arith.constant 0 : i32
    %dma_wait3A_121 = arith.constant 0 : i32
    %dma_wait3A_122 = tpu.memref_slice %arg24[%dma_wait3A_120, %dma_wait3A_121] : memref<10240x16xf32, #tpu.memory_space<vmem_shared>> -> memref<10240x16xf32, #tpu.memory_space<vmem_shared>>
    tpu.wait_indirect_dma semaphore(%arg28 : memref<!tpu.dma_semaphore, #tpu.memory_space<semaphore_mem>>) src(%arg23 : memref<125x16xf32, #tpu.memory_space<vmem>>) dst(%dma_wait3A_122 : memref<10240x16xf32, #tpu.memory_space<vmem_shared>>)
    %barrier3A_123 = arith.constant 0 : index
    tpu.barrier barrier_id(%barrier3A_123)
    "tpu.region"() ({
      %run_scoped3A_124 = tpu.sem_alloc : memref<!tpu.dma_semaphore, #tpu.memory_space<semaphore_mem>>
      %dma_start3A_125 = arith.constant 0 : i32
      %dma_start3A_126 = tpu.memref_slice %arg5[%arg0, %mul3A_2, %dma_start3A_125] : memref<2x10240x16xf32, #tpu.memory_space<hbm>> -> memref<1x640x16xf32, #tpu.memory_space<hbm>>
      %dma_start3A_127 = tpu.memref_squeeze %dma_start3A_126 : memref<1x640x16xf32, #tpu.memory_space<hbm>> -> memref<640x16xf32, #tpu.memory_space<hbm>>
      %dma_start3A_128 = arith.constant 0 : i32
      %dma_start3A_129 = tpu.memref_slice %arg24[%mul3A_2, %dma_start3A_128] : memref<10240x16xf32, #tpu.memory_space<vmem_shared>> -> memref<640x16xf32, #tpu.memory_space<vmem_shared>>
      tpu.enqueue_dma source(%dma_start3A_129 : memref<640x16xf32, #tpu.memory_space<vmem_shared>>) target(%dma_start3A_127 : memref<640x16xf32, #tpu.memory_space<hbm>>) target_semaphore(%run_scoped3A_124 : memref<!tpu.dma_semaphore, #tpu.memory_space<semaphore_mem>>)
      %dma_wait3A_130 = arith.constant 0 : i32
      %dma_wait3A_131 = tpu.memref_slice %arg5[%arg0, %mul3A_2, %dma_wait3A_130] : memref<2x10240x16xf32, #tpu.memory_space<hbm>> -> memref<1x640x16xf32, #tpu.memory_space<hbm>>
      %dma_wait3A_132 = tpu.memref_squeeze %dma_wait3A_131 : memref<1x640x16xf32, #tpu.memory_space<hbm>> -> memref<640x16xf32, #tpu.memory_space<hbm>>
      %dma_wait3A_133 = arith.constant 0 : i32
      %dma_wait3A_134 = tpu.memref_slice %arg24[%mul3A_2, %dma_wait3A_133] : memref<10240x16xf32, #tpu.memory_space<vmem_shared>> -> memref<640x16xf32, #tpu.memory_space<vmem_shared>>
      tpu.wait_dma2 semaphore(%run_scoped3A_124 : memref<!tpu.dma_semaphore, #tpu.memory_space<semaphore_mem>>) src(%dma_wait3A_134 : memref<640x16xf32, #tpu.memory_space<vmem_shared>>) dst(%dma_wait3A_132 : memref<640x16xf32, #tpu.memory_space<hbm>>)
      tpu.yield
    }) : () -> ()
    return
  }
}

module attributes {stable_mosaic.version = 14 : i64} {
  func.func @_tc_h1_body(%arg0: memref<1280x1024xf32, #tpu.memory_space<vmem>>, %arg1: memref<1024x128xf32, #tpu.memory_space<vmem>>, %arg2: memref<1280x128xf32, #tpu.memory_space<vmem>>) attributes {dimension_semantics = [], scalar_prefetch = 0 : i64, scratch_operands = 0 : i64, tpu.core_type = #tpu.core_type<tc>} {
    %get3A = arith.constant 0 : index
    %get3A_0 = arith.constant 0 : index
    %get3A_1 = vector.load %arg0[%get3A, %get3A_0] : memref<1280x1024xf32, #tpu.memory_space<vmem>>, vector<1280x1024xf32>
    %get3A_2 = arith.constant 0 : index
    %get3A_3 = arith.constant 0 : index
    %get3A_4 = vector.load %arg1[%get3A_2, %get3A_3] : memref<1024x128xf32, #tpu.memory_space<vmem>>, vector<1024x128xf32>
    %dot_general3A = arith.constant dense<0.000000e+00> : vector<1280x128xf32>
    %dot_general3A_5 = tpu.matmul %get3A_1, %get3A_4, %dot_general3A {dimension_numbers = #tpu.dot_dimension_numbers<[1], [0], [0], [1], [0, 0, 1, 1], [], []>, transpose_lhs_hint = false} : vector<1280x1024xf32>, vector<1024x128xf32>, vector<1280x128xf32> -> vector<1280x128xf32>
    %swap3A = arith.constant 0 : index
    %swap3A_6 = arith.constant 0 : index
    %swap3A_7 = vector.load %arg2[%swap3A, %swap3A_6] : memref<1280x128xf32, #tpu.memory_space<vmem>>, vector<1280x128xf32>
    tpu.vector_store %arg2[%swap3A, %swap3A_6], %dot_general3A_5 {strides = array<i32>} : memref<1280x128xf32, #tpu.memory_space<vmem>>, vector<1280x128xf32>,
    return
  }
}

module attributes {stable_mosaic.version = 14 : i64} {
  func.func @_tc_b_body(%arg0: memref<2x1280x128xf32, #tpu.memory_space<vmem>>, %arg1: memref<1280x128xf32, #tpu.memory_space<vmem>>, %arg2: memref<1280x128xf32, #tpu.memory_space<vmem>>, %arg3: memref<1x128xf32, #tpu.memory_space<vmem>>, %arg4: memref<1280x128xf32, #tpu.memory_space<vmem>>) attributes {dimension_semantics = [], scalar_prefetch = 0 : i64, scratch_operands = 0 : i64, tpu.core_type = #tpu.core_type<tc>} {
    %get3A = arith.constant 0 : index
    %get3A_0 = arith.constant 0 : index
    %get3A_1 = vector.load %arg2[%get3A, %get3A_0] : memref<1280x128xf32, #tpu.memory_space<vmem>>, vector<1280x128xf32>
    %get3A_2 = arith.constant 0 : index
    %get3A_3 = arith.constant 0 : index
    %get3A_4 = arith.constant 0 : index
    %get3A_5 = vector.load %arg0[%get3A_2, %get3A_3, %get3A_4] : memref<2x1280x128xf32, #tpu.memory_space<vmem>>, vector<1x1280x128xf32>
    %get3A_6 = vector.shape_cast %get3A_5 : vector<1x1280x128xf32> to vector<1280x128xf32>
    %get3A_7 = arith.constant 1 : index
    %get3A_8 = arith.constant 0 : index
    %get3A_9 = arith.constant 0 : index
    %get3A_10 = vector.load %arg0[%get3A_7, %get3A_8, %get3A_9] : memref<2x1280x128xf32, #tpu.memory_space<vmem>>, vector<1x1280x128xf32>
    %get3A_11 = vector.shape_cast %get3A_10 : vector<1x1280x128xf32> to vector<1280x128xf32>
    %add3A = arith.addf %get3A_6, %get3A_11 : vector<1280x128xf32>
    %get3A_12 = arith.constant 0 : index
    %get3A_13 = arith.constant 0 : index
    %get3A_14 = vector.load %arg1[%get3A_12, %get3A_13] : memref<1280x128xf32, #tpu.memory_space<vmem>>, vector<1280x128xf32>
    %add3A_15 = arith.addf %add3A, %get3A_14 : vector<1280x128xf32>
    %mul3A = arith.mulf %get3A_1, %add3A_15 : vector<1280x128xf32>
    %get3A_16 = arith.constant 0 : index
    %get3A_17 = arith.constant 0 : index
    %get3A_18 = vector.load %arg3[%get3A_16, %get3A_17] : memref<1x128xf32, #tpu.memory_space<vmem>>, vector<1x128xf32>
    %add3A_19 = vector.broadcast %get3A_18 : vector<1x128xf32> to vector<1280x128xf32>
    %add3A_20 = arith.addf %mul3A, %add3A_19 : vector<1280x128xf32>
    %max3A = arith.constant 0.000000e+00 : f32
    %max3A_21 = vector.broadcast %max3A : f32 to vector<1280x128xf32>
    %max3A_22 = arith.maximumf %add3A_20, %max3A_21 : vector<1280x128xf32>
    %mul3A_23 = arith.mulf %get3A_1, %max3A_22 : vector<1280x128xf32>
    %swap3A = arith.constant 0 : index
    %swap3A_24 = arith.constant 0 : index
    %swap3A_25 = vector.load %arg4[%swap3A, %swap3A_24] : memref<1280x128xf32, #tpu.memory_space<vmem>>, vector<1280x128xf32>
    tpu.vector_store %arg4[%swap3A, %swap3A_24], %mul3A_23 {strides = array<i32>} : memref<1280x128xf32, #tpu.memory_space<vmem>>, vector<1280x128xf32>,
    return
  }
}

module attributes {stable_mosaic.version = 14 : i64} {
  func.func @_tc_a_body(%arg0: memref<1280x128xf32, #tpu.memory_space<vmem>>, %arg1: memref<2x80x128xf32, #tpu.memory_space<vmem>>, %arg2: memref<1280x128xf32, #tpu.memory_space<vmem>>, %arg3: memref<1280x128xf32, #tpu.memory_space<vmem>>) attributes {dimension_semantics = [], scalar_prefetch = 0 : i64, scratch_operands = 0 : i64, tpu.core_type = #tpu.core_type<tc>} {
    %get3A = arith.constant 0 : index
    %get3A_0 = arith.constant 0 : index
    %get3A_1 = arith.constant 0 : index
    %get3A_2 = vector.load %arg1[%get3A, %get3A_0, %get3A_1] : memref<2x80x128xf32, #tpu.memory_space<vmem>>, vector<1x80x128xf32>
    %get3A_3 = vector.shape_cast %get3A_2 : vector<1x80x128xf32> to vector<80x128xf32>
    %get3A_4 = arith.constant 1 : index
    %get3A_5 = arith.constant 0 : index
    %get3A_6 = arith.constant 0 : index
    %get3A_7 = vector.load %arg1[%get3A_4, %get3A_5, %get3A_6] : memref<2x80x128xf32, #tpu.memory_space<vmem>>, vector<1x80x128xf32>
    %get3A_8 = vector.shape_cast %get3A_7 : vector<1x80x128xf32> to vector<80x128xf32>
    %add3A = arith.addf %get3A_3, %get3A_8 : vector<80x128xf32>
    %iota3A = tpu.iota {dimensions = array<i32: 0>} : vector<1280x80xi32>
    %shift_right_arithmetic3A = arith.constant 4 : i32
    %shift_right_arithmetic3A_9 = vector.broadcast %shift_right_arithmetic3A : i32 to vector<1280x80xi32>
    %shift_right_arithmetic3A_10 = arith.shrsi %iota3A, %shift_right_arithmetic3A_9 : vector<1280x80xi32>
    %iota3A_11 = tpu.iota {dimensions = array<i32: 1>} : vector<1280x80xi32>
    %eq3A = arith.cmpi eq, %shift_right_arithmetic3A_10, %iota3A_11 : vector<1280x80xi32>
    %convert_element_type3A = arith.extui %eq3A : vector<1280x80xi1> to vector<1280x80xi32>
    %convert_element_type3A_12 = arith.sitofp %convert_element_type3A : vector<1280x80xi32> to vector<1280x80xf32>
    %dot_general3A = arith.constant dense<0.000000e+00> : vector<1280x128xf32>
    %dot_general3A_13 = tpu.matmul %convert_element_type3A_12, %add3A, %dot_general3A {dimension_numbers = #tpu.dot_dimension_numbers<[1], [0], [0], [1], [0, 0, 1, 1], [], []>, transpose_lhs_hint = false} : vector<1280x80xf32>, vector<80x128xf32>, vector<1280x128xf32> -> vector<1280x128xf32>
    %iota3A_14 = tpu.iota {dimensions = array<i32: 0>} : vector<128x128xi32>
    %iota3A_15 = tpu.iota {dimensions = array<i32: 1>} : vector<128x128xi32>
    %shift_right_arithmetic3A_16 = arith.constant 4 : i32
    %shift_right_arithmetic3A_17 = vector.broadcast %shift_right_arithmetic3A_16 : i32 to vector<128x128xi32>
    %shift_right_arithmetic3A_18 = arith.shrsi %iota3A_15, %shift_right_arithmetic3A_17 : vector<128x128xi32>
    %iota3A_19 = tpu.iota {dimensions = array<i32: 0>} : vector<1280x128xi32>
    %rem3A = arith.constant 16 : i32
    %rem3A_20 = vector.broadcast %rem3A : i32 to vector<1280x128xi32>
    %rem3A_21 = arith.remsi %iota3A_19, %rem3A_20 : vector<1280x128xi32>
    %broadcast_in_dim3A = arith.constant 0.000000e+00 : f32
    %broadcast_in_dim3A_22 = vector.broadcast %broadcast_in_dim3A : f32 to vector<1280x128xf32>
    %add3A_23 = arith.constant 0 : i32
    %add3A_24 = vector.broadcast %add3A_23 : i32 to vector<128x128xi32>
    %add3A_25 = arith.addi %add3A_24, %shift_right_arithmetic3A_18 : vector<128x128xi32>
    %eq3A_26 = arith.cmpi eq, %iota3A_14, %add3A_25 : vector<128x128xi32>
    %convert_element_type3A_27 = arith.extui %eq3A_26 : vector<128x128xi1> to vector<128x128xi32>
    %convert_element_type3A_28 = arith.sitofp %convert_element_type3A_27 : vector<128x128xi32> to vector<128x128xf32>
    %dot_general3A_29 = arith.constant dense<0.000000e+00> : vector<1280x128xf32>
    %dot_general3A_30 = tpu.matmul %dot_general3A_13, %convert_element_type3A_28, %dot_general3A_29 {dimension_numbers = #tpu.dot_dimension_numbers<[1], [0], [0], [1], [0, 0, 1, 1], [], []>, transpose_lhs_hint = false} : vector<1280x128xf32>, vector<128x128xf32>, vector<1280x128xf32> -> vector<1280x128xf32>
    %eq3A_31 = arith.constant 0 : i32
    %eq3A_32 = vector.broadcast %eq3A_31 : i32 to vector<1280x128xi32>
    %eq3A_33 = arith.cmpi eq, %rem3A_21, %eq3A_32 : vector<1280x128xi32>
    %select_n3A = arith.select %eq3A_33, %dot_general3A_30, %broadcast_in_dim3A_22 : vector<1280x128xi1>, vector<1280x128xf32>
    %add3A_34 = arith.constant 8 : i32
    %add3A_35 = vector.broadcast %add3A_34 : i32 to vector<128x128xi32>
    %add3A_36 = arith.addi %add3A_35, %shift_right_arithmetic3A_18 : vector<128x128xi32>
    %eq3A_37 = arith.cmpi eq, %iota3A_14, %add3A_36 : vector<128x128xi32>
    %convert_element_type3A_38 = arith.extui %eq3A_37 : vector<128x128xi1> to vector<128x128xi32>
    %convert_element_type3A_39 = arith.sitofp %convert_element_type3A_38 : vector<128x128xi32> to vector<128x128xf32>
    %dot_general3A_40 = arith.constant dense<0.000000e+00> : vector<1280x128xf32>
    %dot_general3A_41 = tpu.matmul %dot_general3A_13, %convert_element_type3A_39, %dot_general3A_40 {dimension_numbers = #tpu.dot_dimension_numbers<[1], [0], [0], [1], [0, 0, 1, 1], [], []>, transpose_lhs_hint = false} : vector<1280x128xf32>, vector<128x128xf32>, vector<1280x128xf32> -> vector<1280x128xf32>
    %eq3A_42 = arith.constant 1 : i32
    %eq3A_43 = vector.broadcast %eq3A_42 : i32 to vector<1280x128xi32>
    %eq3A_44 = arith.cmpi eq, %rem3A_21, %eq3A_43 : vector<1280x128xi32>
    %select_n3A_45 = arith.select %eq3A_44, %dot_general3A_41, %select_n3A : vector<1280x128xi1>, vector<1280x128xf32>
    %add3A_46 = arith.constant 16 : i32
    %add3A_47 = vector.broadcast %add3A_46 : i32 to vector<128x128xi32>
    %add3A_48 = arith.addi %add3A_47, %shift_right_arithmetic3A_18 : vector<128x128xi32>
    %eq3A_49 = arith.cmpi eq, %iota3A_14, %add3A_48 : vector<128x128xi32>
    %convert_element_type3A_50 = arith.extui %eq3A_49 : vector<128x128xi1> to vector<128x128xi32>
    %convert_element_type3A_51 = arith.sitofp %convert_element_type3A_50 : vector<128x128xi32> to vector<128x128xf32>
    %dot_general3A_52 = arith.constant dense<0.000000e+00> : vector<1280x128xf32>
    %dot_general3A_53 = tpu.matmul %dot_general3A_13, %convert_element_type3A_51, %dot_general3A_52 {dimension_numbers = #tpu.dot_dimension_numbers<[1], [0], [0], [1], [0, 0, 1, 1], [], []>, transpose_lhs_hint = false} : vector<1280x128xf32>, vector<128x128xf32>, vector<1280x128xf32> -> vector<1280x128xf32>
    %eq3A_54 = arith.constant 2 : i32
    %eq3A_55 = vector.broadcast %eq3A_54 : i32 to vector<1280x128xi32>
    %eq3A_56 = arith.cmpi eq, %rem3A_21, %eq3A_55 : vector<1280x128xi32>
    %select_n3A_57 = arith.select %eq3A_56, %dot_general3A_53, %select_n3A_45 : vector<1280x128xi1>, vector<1280x128xf32>
    %add3A_58 = arith.constant 24 : i32
    %add3A_59 = vector.broadcast %add3A_58 : i32 to vector<128x128xi32>
    %add3A_60 = arith.addi %add3A_59, %shift_right_arithmetic3A_18 : vector<128x128xi32>
    %eq3A_61 = arith.cmpi eq, %iota3A_14, %add3A_60 : vector<128x128xi32>
    %convert_element_type3A_62 = arith.extui %eq3A_61 : vector<128x128xi1> to vector<128x128xi32>
    %convert_element_type3A_63 = arith.sitofp %convert_element_type3A_62 : vector<128x128xi32> to vector<128x128xf32>
    %dot_general3A_64 = arith.constant dense<0.000000e+00> : vector<1280x128xf32>
    %dot_general3A_65 = tpu.matmul %dot_general3A_13, %convert_element_type3A_63, %dot_general3A_64 {dimension_numbers = #tpu.dot_dimension_numbers<[1], [0], [0], [1], [0, 0, 1, 1], [], []>, transpose_lhs_hint = false} : vector<1280x128xf32>, vector<128x128xf32>, vector<1280x128xf32> -> vector<1280x128xf32>
    %eq3A_66 = arith.constant 3 : i32
    %eq3A_67 = vector.broadcast %eq3A_66 : i32 to vector<1280x128xi32>
    %eq3A_68 = arith.cmpi eq, %rem3A_21, %eq3A_67 : vector<1280x128xi32>
    %select_n3A_69 = arith.select %eq3A_68, %dot_general3A_65, %select_n3A_57 : vector<1280x128xi1>, vector<1280x128xf32>
    %add3A_70 = arith.constant 32 : i32
    %add3A_71 = vector.broadcast %add3A_70 : i32 to vector<128x128xi32>
    %add3A_72 = arith.addi %add3A_71, %shift_right_arithmetic3A_18 : vector<128x128xi32>
    %eq3A_73 = arith.cmpi eq, %iota3A_14, %add3A_72 : vector<128x128xi32>
    %convert_element_type3A_74 = arith.extui %eq3A_73 : vector<128x128xi1> to vector<128x128xi32>
    %convert_element_type3A_75 = arith.sitofp %convert_element_type3A_74 : vector<128x128xi32> to vector<128x128xf32>
    %dot_general3A_76 = arith.constant dense<0.000000e+00> : vector<1280x128xf32>
    %dot_general3A_77 = tpu.matmul %dot_general3A_13, %convert_element_type3A_75, %dot_general3A_76 {dimension_numbers = #tpu.dot_dimension_numbers<[1], [0], [0], [1], [0, 0, 1, 1], [], []>, transpose_lhs_hint = false} : vector<1280x128xf32>, vector<128x128xf32>, vector<1280x128xf32> -> vector<1280x128xf32>
    %eq3A_78 = arith.constant 4 : i32
    %eq3A_79 = vector.broadcast %eq3A_78 : i32 to vector<1280x128xi32>
    %eq3A_80 = arith.cmpi eq, %rem3A_21, %eq3A_79 : vector<1280x128xi32>
    %select_n3A_81 = arith.select %eq3A_80, %dot_general3A_77, %select_n3A_69 : vector<1280x128xi1>, vector<1280x128xf32>
    %add3A_82 = arith.constant 40 : i32
    %add3A_83 = vector.broadcast %add3A_82 : i32 to vector<128x128xi32>
    %add3A_84 = arith.addi %add3A_83, %shift_right_arithmetic3A_18 : vector<128x128xi32>
    %eq3A_85 = arith.cmpi eq, %iota3A_14, %add3A_84 : vector<128x128xi32>
    %convert_element_type3A_86 = arith.extui %eq3A_85 : vector<128x128xi1> to vector<128x128xi32>
    %convert_element_type3A_87 = arith.sitofp %convert_element_type3A_86 : vector<128x128xi32> to vector<128x128xf32>
    %dot_general3A_88 = arith.constant dense<0.000000e+00> : vector<1280x128xf32>
    %dot_general3A_89 = tpu.matmul %dot_general3A_13, %convert_element_type3A_87, %dot_general3A_88 {dimension_numbers = #tpu.dot_dimension_numbers<[1], [0], [0], [1], [0, 0, 1, 1], [], []>, transpose_lhs_hint = false} : vector<1280x128xf32>, vector<128x128xf32>, vector<1280x128xf32> -> vector<1280x128xf32>
    %eq3A_90 = arith.constant 5 : i32
    %eq3A_91 = vector.broadcast %eq3A_90 : i32 to vector<1280x128xi32>
    %eq3A_92 = arith.cmpi eq, %rem3A_21, %eq3A_91 : vector<1280x128xi32>
    %select_n3A_93 = arith.select %eq3A_92, %dot_general3A_89, %select_n3A_81 : vector<1280x128xi1>, vector<1280x128xf32>
    %add3A_94 = arith.constant 48 : i32
    %add3A_95 = vector.broadcast %add3A_94 : i32 to vector<128x128xi32>
    %add3A_96 = arith.addi %add3A_95, %shift_right_arithmetic3A_18 : vector<128x128xi32>
    %eq3A_97 = arith.cmpi eq, %iota3A_14, %add3A_96 : vector<128x128xi32>
    %convert_element_type3A_98 = arith.extui %eq3A_97 : vector<128x128xi1> to vector<128x128xi32>
    %convert_element_type3A_99 = arith.sitofp %convert_element_type3A_98 : vector<128x128xi32> to vector<128x128xf32>
    %dot_general3A_100 = arith.constant dense<0.000000e+00> : vector<1280x128xf32>
    %dot_general3A_101 = tpu.matmul %dot_general3A_13, %convert_element_type3A_99, %dot_general3A_100 {dimension_numbers = #tpu.dot_dimension_numbers<[1], [0], [0], [1], [0, 0, 1, 1], [], []>, transpose_lhs_hint = false} : vector<1280x128xf32>, vector<128x128xf32>, vector<1280x128xf32> -> vector<1280x128xf32>
    %eq3A_102 = arith.constant 6 : i32
    %eq3A_103 = vector.broadcast %eq3A_102 : i32 to vector<1280x128xi32>
    %eq3A_104 = arith.cmpi eq, %rem3A_21, %eq3A_103 : vector<1280x128xi32>
    %select_n3A_105 = arith.select %eq3A_104, %dot_general3A_101, %select_n3A_93 : vector<1280x128xi1>, vector<1280x128xf32>
    %add3A_106 = arith.constant 56 : i32
    %add3A_107 = vector.broadcast %add3A_106 : i32 to vector<128x128xi32>
    %add3A_108 = arith.addi %add3A_107, %shift_right_arithmetic3A_18 : vector<128x128xi32>
    %eq3A_109 = arith.cmpi eq, %iota3A_14, %add3A_108 : vector<128x128xi32>
    %convert_element_type3A_110 = arith.extui %eq3A_109 : vector<128x128xi1> to vector<128x128xi32>
    %convert_element_type3A_111 = arith.sitofp %convert_element_type3A_110 : vector<128x128xi32> to vector<128x128xf32>
    %dot_general3A_112 = arith.constant dense<0.000000e+00> : vector<1280x128xf32>
    %dot_general3A_113 = tpu.matmul %dot_general3A_13, %convert_element_type3A_111, %dot_general3A_112 {dimension_numbers = #tpu.dot_dimension_numbers<[1], [0], [0], [1], [0, 0, 1, 1], [], []>, transpose_lhs_hint = false} : vector<1280x128xf32>, vector<128x128xf32>, vector<1280x128xf32> -> vector<1280x128xf32>
    %eq3A_114 = arith.constant 7 : i32
    %eq3A_115 = vector.broadcast %eq3A_114 : i32 to vector<1280x128xi32>
    %eq3A_116 = arith.cmpi eq, %rem3A_21, %eq3A_115 : vector<1280x128xi32>
    %select_n3A_117 = arith.select %eq3A_116, %dot_general3A_113, %select_n3A_105 : vector<1280x128xi1>, vector<1280x128xf32>
    %add3A_118 = arith.constant 64 : i32
    %add3A_119 = vector.broadcast %add3A_118 : i32 to vector<128x128xi32>
    %add3A_120 = arith.addi %add3A_119, %shift_right_arithmetic3A_18 : vector<128x128xi32>
    %eq3A_121 = arith.cmpi eq, %iota3A_14, %add3A_120 : vector<128x128xi32>
    %convert_element_type3A_122 = arith.extui %eq3A_121 : vector<128x128xi1> to vector<128x128xi32>
    %convert_element_type3A_123 = arith.sitofp %convert_element_type3A_122 : vector<128x128xi32> to vector<128x128xf32>
    %dot_general3A_124 = arith.constant dense<0.000000e+00> : vector<1280x128xf32>
    %dot_general3A_125 = tpu.matmul %dot_general3A_13, %convert_element_type3A_123, %dot_general3A_124 {dimension_numbers = #tpu.dot_dimension_numbers<[1], [0], [0], [1], [0, 0, 1, 1], [], []>, transpose_lhs_hint = false} : vector<1280x128xf32>, vector<128x128xf32>, vector<1280x128xf32> -> vector<1280x128xf32>
    %eq3A_126 = arith.constant 8 : i32
    %eq3A_127 = vector.broadcast %eq3A_126 : i32 to vector<1280x128xi32>
    %eq3A_128 = arith.cmpi eq, %rem3A_21, %eq3A_127 : vector<1280x128xi32>
    %select_n3A_129 = arith.select %eq3A_128, %dot_general3A_125, %select_n3A_117 : vector<1280x128xi1>, vector<1280x128xf32>
    %add3A_130 = arith.constant 72 : i32
    %add3A_131 = vector.broadcast %add3A_130 : i32 to vector<128x128xi32>
    %add3A_132 = arith.addi %add3A_131, %shift_right_arithmetic3A_18 : vector<128x128xi32>
    %eq3A_133 = arith.cmpi eq, %iota3A_14, %add3A_132 : vector<128x128xi32>
    %convert_element_type3A_134 = arith.extui %eq3A_133 : vector<128x128xi1> to vector<128x128xi32>
    %convert_element_type3A_135 = arith.sitofp %convert_element_type3A_134 : vector<128x128xi32> to vector<128x128xf32>
    %dot_general3A_136 = arith.constant dense<0.000000e+00> : vector<1280x128xf32>
    %dot_general3A_137 = tpu.matmul %dot_general3A_13, %convert_element_type3A_135, %dot_general3A_136 {dimension_numbers = #tpu.dot_dimension_numbers<[1], [0], [0], [1], [0, 0, 1, 1], [], []>, transpose_lhs_hint = false} : vector<1280x128xf32>, vector<128x128xf32>, vector<1280x128xf32> -> vector<1280x128xf32>
    %eq3A_138 = arith.constant 9 : i32
    %eq3A_139 = vector.broadcast %eq3A_138 : i32 to vector<1280x128xi32>
    %eq3A_140 = arith.cmpi eq, %rem3A_21, %eq3A_139 : vector<1280x128xi32>
    %select_n3A_141 = arith.select %eq3A_140, %dot_general3A_137, %select_n3A_129 : vector<1280x128xi1>, vector<1280x128xf32>
    %add3A_142 = arith.constant 80 : i32
    %add3A_143 = vector.broadcast %add3A_142 : i32 to vector<128x128xi32>
    %add3A_144 = arith.addi %add3A_143, %shift_right_arithmetic3A_18 : vector<128x128xi32>
    %eq3A_145 = arith.cmpi eq, %iota3A_14, %add3A_144 : vector<128x128xi32>
    %convert_element_type3A_146 = arith.extui %eq3A_145 : vector<128x128xi1> to vector<128x128xi32>
    %convert_element_type3A_147 = arith.sitofp %convert_element_type3A_146 : vector<128x128xi32> to vector<128x128xf32>
    %dot_general3A_148 = arith.constant dense<0.000000e+00> : vector<1280x128xf32>
    %dot_general3A_149 = tpu.matmul %dot_general3A_13, %convert_element_type3A_147, %dot_general3A_148 {dimension_numbers = #tpu.dot_dimension_numbers<[1], [0], [0], [1], [0, 0, 1, 1], [], []>, transpose_lhs_hint = false} : vector<1280x128xf32>, vector<128x128xf32>, vector<1280x128xf32> -> vector<1280x128xf32>
    %eq3A_150 = arith.constant 10 : i32
    %eq3A_151 = vector.broadcast %eq3A_150 : i32 to vector<1280x128xi32>
    %eq3A_152 = arith.cmpi eq, %rem3A_21, %eq3A_151 : vector<1280x128xi32>
    %select_n3A_153 = arith.select %eq3A_152, %dot_general3A_149, %select_n3A_141 : vector<1280x128xi1>, vector<1280x128xf32>
    %add3A_154 = arith.constant 88 : i32
    %add3A_155 = vector.broadcast %add3A_154 : i32 to vector<128x128xi32>
    %add3A_156 = arith.addi %add3A_155, %shift_right_arithmetic3A_18 : vector<128x128xi32>
    %eq3A_157 = arith.cmpi eq, %iota3A_14, %add3A_156 : vector<128x128xi32>
    %convert_element_type3A_158 = arith.extui %eq3A_157 : vector<128x128xi1> to vector<128x128xi32>
    %convert_element_type3A_159 = arith.sitofp %convert_element_type3A_158 : vector<128x128xi32> to vector<128x128xf32>
    %dot_general3A_160 = arith.constant dense<0.000000e+00> : vector<1280x128xf32>
    %dot_general3A_161 = tpu.matmul %dot_general3A_13, %convert_element_type3A_159, %dot_general3A_160 {dimension_numbers = #tpu.dot_dimension_numbers<[1], [0], [0], [1], [0, 0, 1, 1], [], []>, transpose_lhs_hint = false} : vector<1280x128xf32>, vector<128x128xf32>, vector<1280x128xf32> -> vector<1280x128xf32>
    %eq3A_162 = arith.constant 11 : i32
    %eq3A_163 = vector.broadcast %eq3A_162 : i32 to vector<1280x128xi32>
    %eq3A_164 = arith.cmpi eq, %rem3A_21, %eq3A_163 : vector<1280x128xi32>
    %select_n3A_165 = arith.select %eq3A_164, %dot_general3A_161, %select_n3A_153 : vector<1280x128xi1>, vector<1280x128xf32>
    %add3A_166 = arith.constant 96 : i32
    %add3A_167 = vector.broadcast %add3A_166 : i32 to vector<128x128xi32>
    %add3A_168 = arith.addi %add3A_167, %shift_right_arithmetic3A_18 : vector<128x128xi32>
    %eq3A_169 = arith.cmpi eq, %iota3A_14, %add3A_168 : vector<128x128xi32>
    %convert_element_type3A_170 = arith.extui %eq3A_169 : vector<128x128xi1> to vector<128x128xi32>
    %convert_element_type3A_171 = arith.sitofp %convert_element_type3A_170 : vector<128x128xi32> to vector<128x128xf32>
    %dot_general3A_172 = arith.constant dense<0.000000e+00> : vector<1280x128xf32>
    %dot_general3A_173 = tpu.matmul %dot_general3A_13, %convert_element_type3A_171, %dot_general3A_172 {dimension_numbers = #tpu.dot_dimension_numbers<[1], [0], [0], [1], [0, 0, 1, 1], [], []>, transpose_lhs_hint = false} : vector<1280x128xf32>, vector<128x128xf32>, vector<1280x128xf32> -> vector<1280x128xf32>
    %eq3A_174 = arith.constant 12 : i32
    %eq3A_175 = vector.broadcast %eq3A_174 : i32 to vector<1280x128xi32>
    %eq3A_176 = arith.cmpi eq, %rem3A_21, %eq3A_175 : vector<1280x128xi32>
    %select_n3A_177 = arith.select %eq3A_176, %dot_general3A_173, %select_n3A_165 : vector<1280x128xi1>, vector<1280x128xf32>
    %add3A_178 = arith.constant 104 : i32
    %add3A_179 = vector.broadcast %add3A_178 : i32 to vector<128x128xi32>
    %add3A_180 = arith.addi %add3A_179, %shift_right_arithmetic3A_18 : vector<128x128xi32>
    %eq3A_181 = arith.cmpi eq, %iota3A_14, %add3A_180 : vector<128x128xi32>
    %convert_element_type3A_182 = arith.extui %eq3A_181 : vector<128x128xi1> to vector<128x128xi32>
    %convert_element_type3A_183 = arith.sitofp %convert_element_type3A_182 : vector<128x128xi32> to vector<128x128xf32>
    %dot_general3A_184 = arith.constant dense<0.000000e+00> : vector<1280x128xf32>
    %dot_general3A_185 = tpu.matmul %dot_general3A_13, %convert_element_type3A_183, %dot_general3A_184 {dimension_numbers = #tpu.dot_dimension_numbers<[1], [0], [0], [1], [0, 0, 1, 1], [], []>, transpose_lhs_hint = false} : vector<1280x128xf32>, vector<128x128xf32>, vector<1280x128xf32> -> vector<1280x128xf32>
    %eq3A_186 = arith.constant 13 : i32
    %eq3A_187 = vector.broadcast %eq3A_186 : i32 to vector<1280x128xi32>
    %eq3A_188 = arith.cmpi eq, %rem3A_21, %eq3A_187 : vector<1280x128xi32>
    %select_n3A_189 = arith.select %eq3A_188, %dot_general3A_185, %select_n3A_177 : vector<1280x128xi1>, vector<1280x128xf32>
    %add3A_190 = arith.constant 112 : i32
    %add3A_191 = vector.broadcast %add3A_190 : i32 to vector<128x128xi32>
    %add3A_192 = arith.addi %add3A_191, %shift_right_arithmetic3A_18 : vector<128x128xi32>
    %eq3A_193 = arith.cmpi eq, %iota3A_14, %add3A_192 : vector<128x128xi32>
    %convert_element_type3A_194 = arith.extui %eq3A_193 : vector<128x128xi1> to vector<128x128xi32>
    %convert_element_type3A_195 = arith.sitofp %convert_element_type3A_194 : vector<128x128xi32> to vector<128x128xf32>
    %dot_general3A_196 = arith.constant dense<0.000000e+00> : vector<1280x128xf32>
    %dot_general3A_197 = tpu.matmul %dot_general3A_13, %convert_element_type3A_195, %dot_general3A_196 {dimension_numbers = #tpu.dot_dimension_numbers<[1], [0], [0], [1], [0, 0, 1, 1], [], []>, transpose_lhs_hint = false} : vector<1280x128xf32>, vector<128x128xf32>, vector<1280x128xf32> -> vector<1280x128xf32>
    %eq3A_198 = arith.constant 14 : i32
    %eq3A_199 = vector.broadcast %eq3A_198 : i32 to vector<1280x128xi32>
    %eq3A_200 = arith.cmpi eq, %rem3A_21, %eq3A_199 : vector<1280x128xi32>
    %select_n3A_201 = arith.select %eq3A_200, %dot_general3A_197, %select_n3A_189 : vector<1280x128xi1>, vector<1280x128xf32>
    %add3A_202 = arith.constant 120 : i32
    %add3A_203 = vector.broadcast %add3A_202 : i32 to vector<128x128xi32>
    %add3A_204 = arith.addi %add3A_203, %shift_right_arithmetic3A_18 : vector<128x128xi32>
    %eq3A_205 = arith.cmpi eq, %iota3A_14, %add3A_204 : vector<128x128xi32>
    %convert_element_type3A_206 = arith.extui %eq3A_205 : vector<128x128xi1> to vector<128x128xi32>
    %convert_element_type3A_207 = arith.sitofp %convert_element_type3A_206 : vector<128x128xi32> to vector<128x128xf32>
    %dot_general3A_208 = arith.constant dense<0.000000e+00> : vector<1280x128xf32>
    %dot_general3A_209 = tpu.matmul %dot_general3A_13, %convert_element_type3A_207, %dot_general3A_208 {dimension_numbers = #tpu.dot_dimension_numbers<[1], [0], [0], [1], [0, 0, 1, 1], [], []>, transpose_lhs_hint = false} : vector<1280x128xf32>, vector<128x128xf32>, vector<1280x128xf32> -> vector<1280x128xf32>
    %eq3A_210 = arith.constant 15 : i32
    %eq3A_211 = vector.broadcast %eq3A_210 : i32 to vector<1280x128xi32>
    %eq3A_212 = arith.cmpi eq, %rem3A_21, %eq3A_211 : vector<1280x128xi32>
    %select_n3A_213 = arith.select %eq3A_212, %dot_general3A_209, %select_n3A_201 : vector<1280x128xi1>, vector<1280x128xf32>
    %add3A_214 = arith.constant 1.000000e+00 : f32
    %add3A_215 = vector.broadcast %add3A_214 : f32 to vector<1280x128xf32>
    %add3A_216 = arith.addf %add3A_215, %select_n3A_213 : vector<1280x128xf32>
    %rsqrt3A = math.rsqrt %add3A_216 : vector<1280x128xf32>
    %swap3A = arith.constant 0 : index
    %swap3A_217 = arith.constant 0 : index
    %swap3A_218 = vector.load %arg3[%swap3A, %swap3A_217] : memref<1280x128xf32, #tpu.memory_space<vmem>>, vector<1280x128xf32>
    tpu.vector_store %arg3[%swap3A, %swap3A_217], %rsqrt3A {strides = array<i32>} : memref<1280x128xf32, #tpu.memory_space<vmem>>, vector<1280x128xf32>,
    %get3A_219 = arith.constant 0 : index
    %get3A_220 = arith.constant 0 : index
    %get3A_221 = vector.load %arg0[%get3A_219, %get3A_220] : memref<1280x128xf32, #tpu.memory_space<vmem>>, vector<1280x128xf32>
    %mul3A = arith.mulf %rsqrt3A, %get3A_221 : vector<1280x128xf32>
    %swap3A_222 = arith.constant 0 : index
    %swap3A_223 = arith.constant 0 : index
    %swap3A_224 = vector.load %arg2[%swap3A_222, %swap3A_223] : memref<1280x128xf32, #tpu.memory_space<vmem>>, vector<1280x128xf32>
    tpu.vector_store %arg2[%swap3A_222, %swap3A_223], %mul3A {strides = array<i32>} : memref<1280x128xf32, #tpu.memory_space<vmem>>, vector<1280x128xf32>,
    return
  }
}

module attributes {stable_mosaic.version = 14 : i64} {
  func.func @_tc_c_body(%arg0: memref<2x1280x128xf32, #tpu.memory_space<vmem>>, %arg1: memref<1280x128xf32, #tpu.memory_space<vmem>>, %arg2: memref<1280x128xf32, #tpu.memory_space<vmem>>, %arg3: memref<128x1024xf32, #tpu.memory_space<vmem>>, %arg4: memref<1x1024xf32, #tpu.memory_space<vmem>>, %arg5: memref<1280x1024xf32, #tpu.memory_space<vmem>>) attributes {dimension_semantics = [], scalar_prefetch = 0 : i64, scratch_operands = 0 : i64, tpu.core_type = #tpu.core_type<tc>} {
    %get3A = arith.constant 0 : index
    %get3A_0 = arith.constant 0 : index
    %get3A_1 = vector.load %arg2[%get3A, %get3A_0] : memref<1280x128xf32, #tpu.memory_space<vmem>>, vector<1280x128xf32>
    %get3A_2 = arith.constant 0 : index
    %get3A_3 = arith.constant 0 : index
    %get3A_4 = arith.constant 0 : index
    %get3A_5 = vector.load %arg0[%get3A_2, %get3A_3, %get3A_4] : memref<2x1280x128xf32, #tpu.memory_space<vmem>>, vector<1x1280x128xf32>
    %get3A_6 = vector.shape_cast %get3A_5 : vector<1x1280x128xf32> to vector<1280x128xf32>
    %get3A_7 = arith.constant 1 : index
    %get3A_8 = arith.constant 0 : index
    %get3A_9 = arith.constant 0 : index
    %get3A_10 = vector.load %arg0[%get3A_7, %get3A_8, %get3A_9] : memref<2x1280x128xf32, #tpu.memory_space<vmem>>, vector<1x1280x128xf32>
    %get3A_11 = vector.shape_cast %get3A_10 : vector<1x1280x128xf32> to vector<1280x128xf32>
    %add3A = arith.addf %get3A_6, %get3A_11 : vector<1280x128xf32>
    %get3A_12 = arith.constant 0 : index
    %get3A_13 = arith.constant 0 : index
    %get3A_14 = vector.load %arg1[%get3A_12, %get3A_13] : memref<1280x128xf32, #tpu.memory_space<vmem>>, vector<1280x128xf32>
    %add3A_15 = arith.addf %add3A, %get3A_14 : vector<1280x128xf32>
    %mul3A = arith.mulf %get3A_1, %add3A_15 : vector<1280x128xf32>
    %get3A_16 = arith.constant 0 : index
    %get3A_17 = arith.constant 0 : index
    %get3A_18 = vector.load %arg3[%get3A_16, %get3A_17] : memref<128x1024xf32, #tpu.memory_space<vmem>>, vector<128x1024xf32>
    %dot_general3A = arith.constant dense<0.000000e+00> : vector<1280x1024xf32>
    %dot_general3A_19 = tpu.matmul %mul3A, %get3A_18, %dot_general3A {dimension_numbers = #tpu.dot_dimension_numbers<[1], [0], [0], [1], [0, 0, 1, 1], [], []>, transpose_lhs_hint = false} : vector<1280x128xf32>, vector<128x1024xf32>, vector<1280x1024xf32> -> vector<1280x1024xf32>
    %get3A_20 = arith.constant 0 : index
    %get3A_21 = arith.constant 0 : index
    %get3A_22 = vector.load %arg4[%get3A_20, %get3A_21] : memref<1x1024xf32, #tpu.memory_space<vmem>>, vector<1x1024xf32>
    %add3A_23 = vector.broadcast %get3A_22 : vector<1x1024xf32> to vector<1280x1024xf32>
    %add3A_24 = arith.addf %dot_general3A_19, %add3A_23 : vector<1280x1024xf32>
    %swap3A = arith.constant 0 : index
    %swap3A_25 = arith.constant 0 : index
    %swap3A_26 = vector.load %arg5[%swap3A, %swap3A_25] : memref<1280x1024xf32, #tpu.memory_space<vmem>>, vector<1280x1024xf32>
    tpu.vector_store %arg5[%swap3A, %swap3A_25], %add3A_24 {strides = array<i32>} : memref<1280x1024xf32, #tpu.memory_space<vmem>>, vector<1280x1024xf32>,
    return
  }
}

</mosaic_0001>

<sc_bundles>
// kernel: kernel.12.cloned.1.call-start
scs
__scs_entry_jumppad:
0x0: {  	(pc) =	sbr.rel $0x88, $3  }
0x1: {  	(tag) =	ssettag $0x0;
	lr =	simm.s32 $0x1  }
0x2: {  	[smem:$0x3F9B] =	sst lr;
	_ =	strace $0xD0000000  }
0x3: {  	_ = 	snop  }
0x4: {  	_ = 	snop  }
0x5: {  	_ = 	snop  }
0x6: {  	_ = 	snop  }
0x7: {  	_ = 	snop  }
__scs_overlays_trampoline_lowered:
0x8: {  	[smem:$0x3FAA] =	sst s0  }
0x9: {  	[smem:$0x3FAB] =	sst s1  }
0xa: {  	[smem:$0x3FAC] =	sst s2  }
0xb: {  	[smem:$0x3FAD] =	sst s3  }
0xc: {  	[smem:$0x3FAE] =	sst s4  }
0xd: {  	[smem:$0x3FAF] =	sst s5  }
0xe: {  	[smem:$0x3FB0] =	sst s6  }
0xf: {  	[smem:$0x3FB1] =	sst s7  }
0x10: {  	[smem:$0x3FB2] =	sst s8  }
0x11: {  	[smem:$0x3FB3] =	sst s9;
	s0 =	simm.s32 @!p0 $0x0  }
0x12: {  	s1 =	sld [smem:$0x3F99];
	s0 =	simm.s32 @p0 $0x1  }
0x13: {  	[smem:$0x3FB4] =	sst s0;
	s0 =	simm.s32 @!p1 $0x0  }
0x14: {  	s2 =	sld [smem:$0x3F98];
	s0 =	simm.s32 @p1 $0x1  }
0x15: {  	[smem:$0x3FB5] =	sst s0;
	s0 =	simm.s32 @!p2 $0x0  }
0x16: {  	s3 =	sld [smem:$0x3FDB];
	s0 =	simm.s32 @p2 $0x1  }
0x17: {  	s4 =	simm.s32 $0x1BF5;
	[smem:$0x3FB7] =	sst s0  }
0x18: {  	s0 =	sld [smem:$0x3F9A];
	_ =	swait.ge [sflag:s4], $0x0  }
0x19: {  	s7 =	sld [smem:$0x3F9B]  }
0x1a: {  	s8 =	sadd.s32 $0xFFFFE003, lr  }
0x1b: {  	s9 =	sadd.s32 $0xFFFFFEF7, lr;
	s5 =	simm.s32 $0xFFFFFFFF;
	p2 =	slt.u32 s8, $0xFFFFF086  }
0x1c: {  	p1 =	slt.u32 s9, $0xF7A;
	s5 =	simm.s32 @!p2 $0x0  }
0x1d: {  	s5 =	simm.s32 @p1 $0x1;
	p0 =	seq.s32 s7, s2  }
0x1e: {  	s7 =	smul.u32 @!p0 $0xF7A, s2;
	p2 =	seq.s32 @!p0 s5, $0x0  }
0x1f: {  	s9 =	smul.u32 $0xF7A, s1;
	s8 =	simm.s32 @!p0 $0x1BF5;
	p2 =	por !p2, p0  }
0x20: {  	[sflag:s8] =	ssyncset.s32 @!p0 $0xFFFFF086;
	s6 =	sadd.s32 @!p0 s3, s7;
	s7 =	simm.s32 @!p0 $0x108  }
0x21: {  	s3 =	sadd.s32 s3, s9;
	s6 =	sadd.s32 @!p0 $0x88, s6;
	s7 =	simm.s32 @p2 $0x1082  }
0x22: {  	[simem:s7], [sflag:s8] =	dma.local @!p0 [hbm:s6], $0xF7A  }
0x23: {  	s9 =	sor.u32 $0xD0000000, s2;
	s6 =	simm.s32 $0x108;
	_ =	swait.ge @!p0 [sflag:s8], $0x0  }
0x24: {  	s3 =	sadd.s32 $0x88, s3;
	s6 =	simm.s32 @!p1 $0x1082;
	[sflag:s4] =	ssyncset.s32 $0xFFFFF086  }
0x25: {  	[simem:s6], [sflag:s4] =	dma.local [hbm:s3], $0xF7A  }
0x26: {  	[smem:$0x3F9B] =	sst s1;
	(tag) =	ssettag s2;
	_ =	strace s9  }
0x27: {  	s1 =	sld [smem:$0x3FAB]  }
0x28: {  	s2 =	sld [smem:$0x3FAC]  }
0x29: {  	s4 =	sld [smem:$0x3FAE]  }
0x2a: {  	p0 =	seq.s32 s5, $0x0;
	s5 =	sld [smem:$0x3FAF]  }
0x2b: {  	s6 =	sld [smem:$0x3FB0]  }
0x2c: {  	s7 =	sld [smem:$0x3FB1]  }
0x2d: {  	s3 =	simm.s32 $0x108;
	s8 =	sld [smem:$0x3FB2]  }
0x2e: {  	s3 =	simm.s32 @!p0 $0x1082;
	s9 =	sld [smem:$0x3FB3]  }
0x2f: {  	lr =	sadd.s32 s0, s3;
	s0 =	sld [smem:$0x3FAA]  }
0x30: {  	s3 =	sld [smem:$0x3FAD]  }
0x31: {  	[smem:$0x3FB6] =	sst s10  }
0x32: {  	s10 =	sld [smem:$0x3FB4];
	_ =	sdelay $0x3  }
0x33: {  	p0 =	seq.s32 s10, $0x1;
	s10 =	sld [smem:$0x3FB6];
	_ =	sdelay $0x3  }
0x34: {  	[smem:$0x3FB6] =	sst s10  }
0x35: {  	s10 =	sld [smem:$0x3FB5];
	_ =	sdelay $0x3  }
0x36: {  	p1 =	seq.s32 s10, $0x1;
	s10 =	sld [smem:$0x3FB6];
	_ =	sdelay $0x3  }
0x37: {  	[smem:$0x3FB6] =	sst s10  }
0x38: {  	s10 =	sld [smem:$0x3FB7]  }
0x39: {  	_ = 	snop;
	(pc) =	sbr.ind lr, $3  }
0x3a: {  	_ = 	snop  }
0x3b: {  	_ = 	snop  }
0x3c: {  	p2 =	seq.s32 s10, $0x1;
	s10 =	sld [smem:$0x3FB6]  }
0x3d: {  	_ =	shalt  }
0x3e: {  	_ =	shalt  }
0x3f: {  	_ =	shalt  }
0x40: {  	_ =	shalt  }
0x41: {  	_ =	shalt  }
0x42: {  	_ =	shalt  }
0x43: {  	_ =	shalt  }
0x44: {  	_ =	shalt  }
0x45: {  	_ =	shalt  }
0x46: {  	_ =	shalt  }
0x47: {  	_ =	shalt  }
0x48: {  	_ =	shalt  }
0x49: {  	_ =	shalt  }
0x4a: {  	_ =	shalt  }
0x4b: {  	_ =	shalt  }
0x4c: {  	_ =	shalt  }
0x4d: {  	_ =	shalt  }
0x4e: {  	_ =	shalt  }
0x4f: {  	_ =	shalt  }
0x50: {  	_ =	shalt  }
0x51: {  	_ =	shalt  }
0x52: {  	_ =	shalt  }
0x53: {  	_ =	shalt  }
0x54: {  	_ =	shalt  }
0x55: {  	_ =	shalt  }
0x56: {  	_ =	shalt  }
0x57: {  	_ =	shalt  }
0x58: {  	_ =	shalt  }
0x59: {  	_ =	shalt  }
0x5a: {  	_ =	shalt  }
0x5b: {  	_ =	shalt  }
0x5c: {  	_ =	shalt  }
0x5d: {  	_ =	shalt  }
0x5e: {  	_ =	shalt  }
0x5f: {  	_ =	shalt  }
0x60: {  	_ =	shalt  }
0x61: {  	_ =	shalt  }
0x62: {  	_ =	shalt  }
0x63: {  	_ =	shalt  }
0x64: {  	_ =	shalt  }
0x65: {  	_ =	shalt  }
0x66: {  	_ =	shalt  }
0x67: {  	_ =	shalt  }
0x68: {  	_ =	shalt  }
0x69: {  	_ =	shalt  }
0x6a: {  	_ =	shalt  }
0x6b: {  	_ =	shalt  }
0x6c: {  	_ =	shalt  }
0x6d: {  	_ =	shalt  }
0x6e: {  	_ =	shalt  }
0x6f: {  	_ =	shalt  }
0x70: {  	_ =	shalt  }
0x71: {  	_ =	shalt  }
0x72: {  	_ =	shalt  }
0x73: {  	_ =	shalt  }
0x74: {  	_ =	shalt  }
0x75: {  	_ =	shalt  }
0x76: {  	_ =	shalt  }
0x77: {  	_ =	shalt  }
0x78: {  	_ =	shalt  }
0x79: {  	_ =	shalt  }
0x7a: {  	_ =	shalt  }
0x7b: {  	_ =	shalt  }
0x7c: {  	_ =	shalt  }
0x7d: {  	_ =	shalt  }
0x7e: {  	_ =	shalt  }
0x7f: {  	_ =	shalt  }
0x80: {  	_ =	shalt  }
0x81: {  	_ =	shalt  }
0x82: {  	_ =	shalt  }
0x83: {  	_ =	shalt  }
0x84: {  	_ =	shalt  }
0x85: {  	_ =	shalt  }
0x86: {  	_ =	shalt  }
0x87: {  	_ =	shalt  }
.Lfunc_end0:
.L_simem_size_0:
called_computation.1_lowered:
.L_overlay_start_0:
0x88: {  	s2 =	sld [smem:$0x3FD9]  }
0x89: {  	s3 =	sld [smem:$0x3FFE];
	_ =	sdelay $0x1  }
0x8a: {  	s1 =	srdreg.scid  }
0x8b: {  	s0 =	sand.u32 $0x1, s1  }
0x8c: {  	s17 =	sshll.u32 s0, $0xA;
	s2 =	sadd.s32 s3, s2  }
0x8d: {  	s2 =	sadd.s32 s2, s17  }
0x8e: {  	[smem:$0x3FC2] =	sst s2  }
0x8f: {  	_ = 	snop  }
0x90: {  	s2 =	sld [smem:$0x3FD0];
	(tm) =	ssettm $0x1  }
0x91: {  	s18 =	sld [smem:$0x3FFB];
	_ =	sdelay $0x3  }
0x92: {  	_ =	strace s18  }
0x93: {  	s3 =	sld [smem:$0x3FFC];
	_ =	sdelay $0x3  }
0x94: {  	_ =	strace s3  }
0x95: {  	s3 =	sld [smem:$0x3FFD];
	_ =	sdelay $0x3  }
0x96: {  	_ =	strace s3  }
0x97: {  	_ =	strace $0x8FFFFFFF  }
0x98: {  	s19 =	sld [smem:$0x3FDB];
	_ =	sdelay $0x1  }
0x99: {  	s4 =	simm.s32 $_scs_section_size  }
0x9a: {  	s5 =	simm.s32 $_size__tile_overlayer_lowered;
	s6 =	simm.s32 $_tile_overlayer_lowered  }
0x9b: {  	s22 =	simm.s32 $0x1BFF;
	s21 =	sshll.u32 s6, $0x1;
	s3 =	sadd.s32 s4, s19  }
0x9c: {  	s7 =	simm.s32 $0x0;
	s20 =	sshll.u32 s5, $0x1;
	s5 =	sadd.s32 s21, s3  }
0x9d: {  	[timem:s7], [sflag:s22] =	dma.local [hbm:s5], s20  }
0x9e: {  	_ =	swait.ge [sflag:s22], s20  }
0x9f: {  	s4 =	ssub.s32 $0x0, s20;
	[sflag:s22] =	ssyncset.done $0x0  }
0xa0: {  	[sflag:s22] =	ssyncadd.s32 s4;
	_ =	sdelay $0x1  }
0xa1: {  	s23 =	simm.s32 $0x1B8B  }
0xa2: {  	_ =	swait.ge [sflag:s23], $0x1  }
0xa3: {  	[sflag:s23] =	ssyncset.done $0x0  }
0xa4: {  	s25 =	simm.s32 $0x1B8E;
	s24 =	sld [smem:$0x3FFE];
	[sflag:s23] =	ssyncadd.s32 $0xFFFFFFFF  }
0xa5: {  	s26 =	simm.s32 $execute0_lowered;
	[smem:$0x3FD2] =	sst s25  }
0xa6: {  	s5 =	sshll.u32 s26, $0x1;
	_ =	strace $0x80000049;
	[dreg:$0x1] =	wrdreg $0xFFFFFFFF  }
0xa7: {  	s28 =	simm.s32 $_size_execute0_lowered;
	s3 =	sadd.s32 s3, s5;
	[dreg:$0x0] =	wrdreg $0x0  }
0xa8: {  	s5 =	sshll.u32 s28, $0x1;
	[dreg:$0x2] =	wrdreg s3  }
0xa9: {  	[dreg:$0x3] =	wrdreg s5  }
0xaa: {  	[dreg:$0x4] =	wrdreg $0xC0  }
0xab: {  	_ =	task [dreg:s7], $0x5FFFF  }
0xac: {  	[dreg:$0x1] =	wrdreg $0xFFFFFFFF  }
0xad: {  	[dreg:$0x0] =	wrdreg $0x60  }
0xae: {  	[dreg:$0x2] =	wrdreg s2  }
0xaf: {  	[dreg:$0x3] =	wrdreg s24  }
0xb0: {  	[dreg:$0x4] =	wrdreg $0xCD000  }
0xb1: {  	[dreg:$0x5] =	wrdreg $0x9  }
0xb2: {  	_ =	task.clear_ibuf [dreg:s7], $0x6FFFF;
	_ =	strace $0x90000049  }
0xb3: {  	s29 =	simm.s32 $0x9;
	_ =	strace $0x8000004B  }
0xb4: {  	_ =	swait.ge [sflag:s29], $0x1  }
0xb5: {  	[sflag:s29] =	ssyncadd.s32 $0xFFFFFFFF  }
0xb6: {  	_ =	strace $0x9000004B  }
0xb7: {  	_ =	sfence  }
0xb8: {  	s30 =	sld [smem:$0x0];
	_ =	sdelay $0x2  }
0xb9: {  	s31 =	sshll.u32 s1, $0xD;
	s1 =	sshrl.u32 s1, $0x2  }
0xba: {  	s3 =	sand.u32 $0x4000, s31;
	s1 =	sadd.s32 s1, s30  }
0xbb: {  	s0 =	sor.u32 s3, s0;
	s1 =	sshll.u32 s1, $0x11  }
0xbc: {  	s0 =	sor.u32 s1, s0  }
0xbd: {  	s0 =	sadd.s32 $0x8F2B, s0  }
0xbe: {  	[sflag:s0] =	ssyncadd.remote.s32 $0x1  }
0xbf: {  	_ =	sfence.sel $0xFFFF  }
0xc0: {  	[dreg:$0x0] =	wrdreg $0xFFFFFFFF;
	(pc) =	sbr.abs _section_cstart, $3  }
0xc1: {  	[dreg:$0x1] =	wrdreg $0xFFFFFFFF  }
0xc2: {  	_ =	task.clear_ibuf [dreg:s7], $0x2FFFF;
	_ =	strace $0x9FFFFFFF  }
0xc3: {  	(tm) =	ssettm $0x7FFFFFFF  }
tec
execute0_lowered:
.L_overlay_start_1:
0x0: {  	(tag) =	ssettag $0x1  }
0x1: {  	s0 =	rddreg [dreg:$0x0]  }
0x2: {  	s1 =	rddreg [dreg:$0x1]  }
0x3: {  	s2 =	rddreg [dreg:$0x2];
	s3 =	stileid.u32  }
0x4: {  	s4 =	srdreg.scid;
	s7 =	simm.s32 $0x0;
	s12 =	simm.s32 $0x5  }
0x5: {  	s14 =	simm.s32 $0x7D;
	s15 =	simm.s32 $0x5000;
	s17 =	simm.s32 $0x57D0  }
0x6: {  	s19 =	simm.s32 $0x5FA0;
	s28 =	simm.s32 $0x7EE0;
	s30 =	simm.s32 $0x86B0  }
0x7: {  	s31 =	simm.s32 $0x3;
	s13 =	simm.s32 $0x9650;
	s16 =	simm.s32 $0x9E20  }
0x8: {  	s18 =	simm.s32 $0xA5F0;
	s29 =	simm.s32 $0x4;
	s5 =	smul.u32 $0x2800, s3  }
0x9: {  	s6 =	sand.u32 $0x1, s4;
	[smem:$0x7FF] =	sst s7;
	s4 =	sadd.s32 $0x2C00, s1  }
0xa: {  	s8 =	sshll.u32 s3, $0x1;
	s24 =	sshll.u32 s3, $0x6;
	s20 =	smul.u32 $0x28000, s6  }
0xb: {  	_ =	strace $0x8000004A;
	s8 =	sor.u32 s6, s8;
	s6 =	ssub.s32 $0x2, s6  }
0xc: {  	s9 =	sshrl.u32 s5, $0x3;
	s8 =	smul.u32 $0x2800, s8;
	s21 =	sshrl.u32 s6, $0x1  }
0xd: {  	s7 =	sadd.s32 s5, s20;
	s9 =	sadd.s32 s9, s1;
	s10 =	ssub.s32 s6, s21  }
0xe: {  	s5 =	sadd.s32 s5, s2;
	s6 =	sor.u32 $0x1C05, s24;
	s21 =	simm.s32 $0x6770  }
0xf: {  	s20 =	simm.s32 $0xADC0;
	s24 =	simm.s32 $0xBD60;
	s7 =	sshrl.u32 s7, $0x3  }
0x10: {  	s22 =	sshrl.u32 s8, $0x3;
	s23 =	sadd.s32 $0x7C00, s9;
	[dreg:$0x6] =	wrdreg s6  }
0x11: {  	s26 =	smax.u32 s10, $0x1;
	s8 =	simm.s32 $0x0;
	[dreg:$0x4] =	wrdreg s23  }
0x12: {  	s1 =	sadd.s32 s7, s1;
	s0 =	sadd.s32 s0, s22;
	[dreg:$0x9] =	wrdreg s26  }
.Ltmp0:
0x13: {  	s7 =	sshrl.u32 s5, $0x3;
	s23 =	simm.s32 $0x6F40;
	(pc) =	sbr.rel .LBB2_1-.Ltmp0, $4  }
0x14: {  	s22 =	simm.s32 $0xB590;
	s26 =	simm.s32 $0xC530;
	[dreg:$0x5] =	wrdreg s0  }
0x15: {  	s5 =	simm.s32 $0x1;
	s0 =	sadd.s32 $0xA000, s0;
	[dreg:$0xa] =	wrdreg s7  }
0x16: {  	s25 =	sadd.s32 $0xCC00, s1;
	s1 =	simm.s32 $0x8E80;
	[dreg:$0x7] =	wrdreg s0  }
0x17: {  	[dreg:$0x8] =	wrdreg s25;
	s25 =	simm.s32 $0x7710;
	s0 =	simm.s32 $0x2  }
.LBB2_6:
0x18: {  	_ =	swait.ge [sflag:s29], $0x7D0  }
0x19: {  	[sflag:s29] =	ssyncset.done $0x0  }
0x1a: {  	[sflag:s29] =	ssyncadd.s32 $0xFFFFF830  }
0x1b: {  	_ =	swait.ge [sflag:s29], $0x7D0  }
0x1c: {  	[sflag:s29] =	ssyncset.done $0x0  }
0x1d: {  	[sflag:s29] =	ssyncadd.s32 $0xFFFFF830  }
0x1e: {  	_ =	swait.ge [sflag:s29], $0x7D0  }
0x1f: {  	[sflag:s29] =	ssyncset.done $0x0  }
0x20: {  	[sflag:s29] =	ssyncadd.s32 $0xFFFFF830  }
0x21: {  	_ =	swait.ge [sflag:s29], $0x7D0  }
0x22: {  	[sflag:s29] =	ssyncset.done $0x0  }
0x23: {  	[sflag:s29] =	ssyncadd.s32 $0xFFFFF830  }
0x24: {  	_ =	swait.ge [sflag:s29], $0x7D0  }
0x25: {  	[sflag:s29] =	ssyncset.done $0x0  }
0x26: {  	[sflag:s29] =	ssyncadd.s32 $0xFFFFF830  }
0x27: {  	_ =	swait.ge [sflag:s29], $0x7D0  }
0x28: {  	[sflag:s29] =	ssyncset.done $0x0  }
0x29: {  	[sflag:s29] =	ssyncadd.s32 $0xFFFFF830  }
0x2a: {  	_ =	swait.ge [sflag:s29], $0x7D0  }
0x2b: {  	[sflag:s29] =	ssyncset.done $0x0  }
0x2c: {  	[sflag:s29] =	ssyncadd.s32 $0xFFFFF830  }
0x2d: {  	_ =	swait.ge [sflag:s29], $0x7D0  }
0x2e: {  	[sflag:s29] =	ssyncset.done $0x0  }
0x2f: {  	[sflag:s29] =	ssyncadd.s32 $0xFFFFF830  }
0x30: {  	[bflag:$0x0] =	sbarrier.arrive $0xFFFF  }
0x31: {  	s6 =	rddreg [dreg:$0x6]  }
0x32: {  	s3 =	rddreg [dreg:$0x8]  }
0x33: {  	s7 =	rddreg [dreg:$0xa]  }
0x34: {  	[hbm:s3], [sflag:s6] =	dma.local [spmem:s7], $0x500  }
0x35: {  	_ =	swait.ge [sflag:s12], $0x500  }
0x36: {  	s8 =	sadd.s32 $0x1, s8;
	s11 =	rddreg [dreg:$0x9]  }
0x37: {  	p0 =	sne.s32 s8, s11  }
.Ltmp1:
0x38: {  	_ = 	snop;
	(pc) =	sbr.rel @!p0 .LBB2_7-.Ltmp1, $3  }
0x39: {  	_ =	sdelay $0x1  }
0x3a: {  	[sflag:s12] =	ssyncset.done $0x0  }
0x3b: {  	[sflag:s12] =	ssyncadd.s32 $0xFFFFFB00  }
.LBB2_1:
0x3c: {  	s3 =	rddreg [dreg:$0x4]  }
0x3d: {  	[spmem:s7], [sflag:s6] =	dma.local [hbm:s3], $0x500  }
0x3e: {  	_ =	swait.ge [sflag:s12], $0x500  }
0x3f: {  	[sflag:s12] =	ssyncset.done $0x0  }
0x40: {  	s10 =	simm.s32 $0x0;
	s11 =	rddreg [dreg:$0x5];
	[sflag:s12] =	ssyncadd.s32 $0xFFFFFB00  }
0x41: {  	[tilespmem:s10], [sflag:$0x5] =	stream.linear.gather [hbm4b:s11+s10], $0x2800, $0x38;
	[tilespmem:$0xF500] =	vst v63  }
0x42: {  	_ =	swait.ge [sflag:s12], $0x2800  }
0x43: {  	[sflag:s12] =	ssyncset.done $0x0  }
0x44: {  	s9 =	simm.s32 $0x2800;
	s7 =	rddreg [dreg:$0x7];
	[sflag:s12] =	ssyncadd.s32 $0xFFFFD800  }
0x45: {  	[tilespmem:s9], [sflag:$0x5] =	stream.linear.gather [hbm4b:s7+s10], $0x2800, $0x38;
	[tilespmem:$0xF500] =	vst v63  }
0x46: {  	_ =	swait.ge [sflag:s12], $0x2800  }
0x47: {  	[sflag:s12] =	ssyncset.done $0x0  }
0x48: {  	[sflag:s12] =	ssyncadd.s32 $0xFFFFD800  }
0x49: {  	[bflag:$0x0] =	sbarrier.arrive $0xFFFF  }
0x4a: {  	[tilespmem:s15], [sflag:$0x1] =	stream.indirect.gather [hbm4b:s4+s14], $0x10, s10, s14, $0xb8;
	[tilespmem:$0xF500] =	vst v63  }
0x4b: {  	s10 =	simm.s32 $0x80  }
0x4c: {  	[tilespmem:s17], [sflag:$0x1] =	stream.indirect.gather [hbm4b:s4+s14], $0x10, s10, s14, $0xb8;
	[tilespmem:$0xF500] =	vst v63  }
0x4d: {  	s11 =	simm.s32 $0x100  }
0x4e: {  	[tilespmem:s19], [sflag:$0x1] =	stream.indirect.gather [hbm4b:s4+s14], $0x10, s11, s14, $0xb8;
	[tilespmem:$0xF500] =	vst v63  }
0x4f: {  	s6 =	simm.s32 $0x180  }
0x50: {  	[tilespmem:s21], [sflag:$0x1] =	stream.indirect.gather [hbm4b:s4+s14], $0x10, s6, s14, $0xb8;
	[tilespmem:$0xF500] =	vst v63  }
0x51: {  	s7 =	simm.s32 $0x200  }
0x52: {  	[tilespmem:s23], [sflag:$0x1] =	stream.indirect.gather [hbm4b:s4+s14], $0x10, s7, s14, $0xb8;
	[tilespmem:$0xF500] =	vst v63  }
0x53: {  	s9 =	simm.s32 $0x280  }
0x54: {  	[tilespmem:s25], [sflag:$0x1] =	stream.indirect.gather [hbm4b:s4+s14], $0x10, s9, s14, $0xb8;
	[tilespmem:$0xF500] =	vst v63  }
.Ltmp2:
0x55: {  	_ = 	snop;
	(pc) =	sbr.rel .LBB2_2-.Ltmp2, $4  }
0x56: {  	s10 =	simm.s32 $0x300  }
0x57: {  	[tilespmem:s28], [sflag:$0x1] =	stream.indirect.gather [hbm4b:s4+s14], $0x10, s10, s14, $0xb8;
	[tilespmem:$0xF500] =	vst v63  }
0x58: {  	s11 =	simm.s32 $0x380;
	s9 =	simm.s32 $0x0;
	s10 =	simm.s32 $0x0  }
0x59: {  	[tilespmem:s30], [sflag:$0x1] =	stream.indirect.gather [hbm4b:s4+s14], $0x10, s11, s14, $0xb8;
	[tilespmem:$0xF500] =	vst v63  }
.LBB2_4:
0x5a: {  	_ =	swait.ge [sflag:s31], $0x7D0  }
0x5b: {  	[sflag:s31] =	ssyncset.done $0x0  }
0x5c: {  	[sflag:s31] =	ssyncadd.s32 $0xFFFFF830  }
0x5d: {  	_ =	swait.ge [sflag:s31], $0x7D0  }
0x5e: {  	[sflag:s31] =	ssyncset.done $0x0  }
0x5f: {  	[sflag:s31] =	ssyncadd.s32 $0xFFFFF830  }
0x60: {  	_ =	swait.ge [sflag:s31], $0x7D0  }
0x61: {  	[sflag:s31] =	ssyncset.done $0x0  }
0x62: {  	[sflag:s31] =	ssyncadd.s32 $0xFFFFF830  }
0x63: {  	_ =	swait.ge [sflag:s31], $0x7D0  }
0x64: {  	[sflag:s31] =	ssyncset.done $0x0  }
0x65: {  	[sflag:s31] =	ssyncadd.s32 $0xFFFFF830  }
0x66: {  	_ =	swait.ge [sflag:s31], $0x7D0  }
0x67: {  	[sflag:s31] =	ssyncset.done $0x0  }
0x68: {  	[sflag:s31] =	ssyncadd.s32 $0xFFFFF830  }
0x69: {  	_ =	swait.ge [sflag:s31], $0x7D0  }
0x6a: {  	[sflag:s31] =	ssyncset.done $0x0  }
0x6b: {  	[sflag:s31] =	ssyncadd.s32 $0xFFFFF830  }
0x6c: {  	_ =	swait.ge [sflag:s31], $0x7D0  }
0x6d: {  	[sflag:s31] =	ssyncset.done $0x0  }
0x6e: {  	[sflag:s31] =	ssyncadd.s32 $0xFFFFF830  }
0x6f: {  	p0 =	seq.s32 s9, $0x9000;
	_ =	swait.ge [sflag:s31], $0x7D0  }
0x70: {  	s3 =	sshra.s32 @!p0 s9, $0x2;
	s7 =	simm.s32 @!p0 $0x7D;
	[sflag:s31] =	ssyncset.done $0x0  }
0x71: {  	s11 =	simm.s32 @!p0 $0x5000;
	s6 =	sadd.s32 @!p0 $0x400, s3;
	[sflag:s31] =	ssyncadd.s32 $0xFFFFF830  }
0x72: {  	[tilespmem:s11], [sflag:$0x1] =	stream.indirect.gather @!p0 [hbm4b:s4+s7], $0x10, s6, s7, $0xb8;
	[tilespmem:$0xF500] =	vst v63  }
0x73: {  	s6 =	sadd.s32 @!p0 $0x480, s3;
	s11 =	simm.s32 @!p0 $0x57D0  }
0x74: {  	[tilespmem:s11], [sflag:$0x1] =	stream.indirect.gather @!p0 [hbm4b:s4+s7], $0x10, s6, s7, $0xb8;
	[tilespmem:$0xF500] =	vst v63  }
0x75: {  	s6 =	sadd.s32 @!p0 $0x500, s3;
	s11 =	simm.s32 @!p0 $0x5FA0  }
0x76: {  	[tilespmem:s11], [sflag:$0x1] =	stream.indirect.gather @!p0 [hbm4b:s4+s7], $0x10, s6, s7, $0xb8;
	[tilespmem:$0xF500] =	vst v63  }
0x77: {  	s6 =	sadd.s32 @!p0 $0x580, s3;
	s11 =	simm.s32 @!p0 $0x6770  }
0x78: {  	[tilespmem:s11], [sflag:$0x1] =	stream.indirect.gather @!p0 [hbm4b:s4+s7], $0x10, s6, s7, $0xb8;
	[tilespmem:$0xF500] =	vst v63  }
0x79: {  	s6 =	sadd.s32 @!p0 $0x600, s3;
	s11 =	simm.s32 @!p0 $0x6F40  }
0x7a: {  	[tilespmem:s11], [sflag:$0x1] =	stream.indirect.gather @!p0 [hbm4b:s4+s7], $0x10, s6, s7, $0xb8;
	[tilespmem:$0xF500] =	vst v63  }
0x7b: {  	s6 =	sadd.s32 @!p0 $0x680, s3;
	s11 =	simm.s32 @!p0 $0x7710  }
0x7c: {  	[tilespmem:s11], [sflag:$0x1] =	stream.indirect.gather @!p0 [hbm4b:s4+s7], $0x10, s6, s7, $0xb8;
	[tilespmem:$0xF500] =	vst v63  }
0x7d: {  	s6 =	sadd.s32 @!p0 $0x700, s3;
	s11 =	simm.s32 @!p0 $0x7EE0  }
0x7e: {  	[tilespmem:s11], [sflag:$0x1] =	stream.indirect.gather @!p0 [hbm4b:s4+s7], $0x10, s6, s7, $0xb8;
	[tilespmem:$0xF500] =	vst v63  }
0x7f: {  	s3 =	sadd.s32 @!p0 $0x780, s3;
	s6 =	simm.s32 @!p0 $0x86B0  }
0x80: {  	[tilespmem:s6], [sflag:$0x1] =	stream.indirect.gather @!p0 [hbm4b:s4+s7], $0x10, s3, s7, $0xb8;
	[tilespmem:$0xF500] =	vst v63  }
0x81: {  	_ =	swait.ge [sflag:s0], $0x7D0  }
0x82: {  	[sflag:s0] =	ssyncset.done $0x0  }
0x83: {  	[sflag:s0] =	ssyncadd.s32 $0xFFFFF830  }
0x84: {  	_ =	swait.ge [sflag:s0], $0x7D0  }
0x85: {  	[sflag:s0] =	ssyncset.done $0x0  }
0x86: {  	[sflag:s0] =	ssyncadd.s32 $0xFFFFF830  }
0x87: {  	_ =	swait.ge [sflag:s0], $0x7D0  }
0x88: {  	[sflag:s0] =	ssyncset.done $0x0  }
0x89: {  	[sflag:s0] =	ssyncadd.s32 $0xFFFFF830  }
0x8a: {  	_ =	swait.ge [sflag:s0], $0x7D0  }
0x8b: {  	[sflag:s0] =	ssyncset.done $0x0  }
0x8c: {  	[sflag:s0] =	ssyncadd.s32 $0xFFFFF830  }
0x8d: {  	_ =	swait.ge [sflag:s0], $0x7D0  }
0x8e: {  	[sflag:s0] =	ssyncset.done $0x0  }
0x8f: {  	[sflag:s0] =	ssyncadd.s32 $0xFFFFF830  }
0x90: {  	_ =	swait.ge [sflag:s0], $0x7D0  }
0x91: {  	[sflag:s0] =	ssyncset.done $0x0  }
0x92: {  	[sflag:s0] =	ssyncadd.s32 $0xFFFFF830  }
0x93: {  	_ =	swait.ge [sflag:s0], $0x7D0  }
0x94: {  	[sflag:s0] =	ssyncset.done $0x0  }
0x95: {  	s3 =	smov.u32 s9;
	[sflag:s0] =	ssyncadd.s32 $0xFFFFF830  }
0x96: {  	s3 =	simm.s32 @p0 $0x9000;
	_ =	swait.ge [sflag:s0], $0x7D0  }
0x97: {  	s3 =	sshra.s32 s3, $0x2;
	[sflag:s0] =	ssyncset.done $0x0  }
0x98: {  	s11 =	sadd.s32 $0x2800, s3;
	[sflag:s0] =	ssyncadd.s32 $0xFFFFF830  }
0x99: {  	[spmem:s2] =	stream.indirect.scatter.add.f32 [tilespmem:s1], [sflag:$0x4], $0x10, s11, s14, $0xb8;
	[tilespmem:$0xF500] =	vst v63  }
0x9a: {  	s7 =	sadd.s32 $0x2880, s3  }
0x9b: {  	[spmem:s2] =	stream.indirect.scatter.add.f32 [tilespmem:s13], [sflag:$0x4], $0x10, s7, s14, $0xb8;
	[tilespmem:$0xF500] =	vst v63  }
0x9c: {  	s11 =	sadd.s32 $0x2900, s3  }
0x9d: {  	[spmem:s2] =	stream.indirect.scatter.add.f32 [tilespmem:s16], [sflag:$0x4], $0x10, s11, s14, $0xb8;
	[tilespmem:$0xF500] =	vst v63  }
0x9e: {  	s7 =	sadd.s32 $0x2980, s3  }
0x9f: {  	[spmem:s2] =	stream.indirect.scatter.add.f32 [tilespmem:s18], [sflag:$0x4], $0x10, s7, s14, $0xb8;
	[tilespmem:$0xF500] =	vst v63  }
0xa0: {  	s11 =	sadd.s32 $0x2A00, s3  }
0xa1: {  	[spmem:s2] =	stream.indirect.scatter.add.f32 [tilespmem:s20], [sflag:$0x4], $0x10, s11, s14, $0xb8;
	[tilespmem:$0xF500] =	vst v63  }
0xa2: {  	s7 =	sadd.s32 $0x2A80, s3  }
0xa3: {  	[spmem:s2] =	stream.indirect.scatter.add.f32 [tilespmem:s22], [sflag:$0x4], $0x10, s7, s14, $0xb8;
	[tilespmem:$0xF500] =	vst v63  }
0xa4: {  	s11 =	sadd.s32 $0x2B00, s3  }
0xa5: {  	[spmem:s2] =	stream.indirect.scatter.add.f32 [tilespmem:s24], [sflag:$0x4], $0x10, s11, s14, $0xb8;
	[tilespmem:$0xF500] =	vst v63  }
0xa6: {  	s3 =	sadd.s32 $0x2B80, s3  }
0xa7: {  	[spmem:s2] =	stream.indirect.scatter.add.f32 [tilespmem:s26], [sflag:$0x4], $0x10, s3, s14, $0xb8;
	[tilespmem:$0xF500] =	vst v63  }
.LBB2_5:
0xa8: {  	s9 =	sadd.s32 $0x1000, s9  }
0xa9: {  	p0 =	sne.s32 s9, $0xA000  }
.Ltmp3:
0xaa: {  	_ = 	snop;
	(pc) =	sbr.rel @!p0 .LBB2_6-.Ltmp3, $2  }
0xab: {  	_ =	sdelay $0x2  }
0xac: {  	s10 =	sadd.s32 $0x1, s10  }
.LBB2_2:
0xad: {  	s6 =	sand.u32 $0x1, s10  }
0xae: {  	p0 =	seq.s32 s6, $0x1  }
.Ltmp4:
0xaf: {  	_ = 	snop;
	(pc) =	sbr.rel @p0 .LBB2_4-.Ltmp4, $1  }
0xb0: {  	_ =	sdelay $0x3  }
0xb1: {  	p0 =	seq.s32 s9, $0x0  }
0xb2: {  	s6 =	simm.s32 @!p0 $0x4  }
0xb3: {  	_ =	swait.ge @!p0 [sflag:s6], $0x7D0  }
0xb4: {  	[sflag:s6] =	ssyncset.done @!p0 $0x0  }
0xb5: {  	[sflag:s6] =	ssyncadd.s32 @!p0 $0xFFFFF830  }
0xb6: {  	_ =	swait.ge @!p0 [sflag:s6], $0x7D0  }
0xb7: {  	[sflag:s6] =	ssyncset.done @!p0 $0x0  }
0xb8: {  	[sflag:s6] =	ssyncadd.s32 @!p0 $0xFFFFF830  }
0xb9: {  	_ =	swait.ge @!p0 [sflag:s6], $0x7D0  }
0xba: {  	[sflag:s6] =	ssyncset.done @!p0 $0x0  }
0xbb: {  	[sflag:s6] =	ssyncadd.s32 @!p0 $0xFFFFF830  }
0xbc: {  	_ =	swait.ge @!p0 [sflag:s6], $0x7D0  }
0xbd: {  	[sflag:s6] =	ssyncset.done @!p0 $0x0  }
0xbe: {  	[sflag:s6] =	ssyncadd.s32 @!p0 $0xFFFFF830  }
0xbf: {  	_ =	swait.ge @!p0 [sflag:s6], $0x7D0  }
0xc0: {  	[sflag:s6] =	ssyncset.done @!p0 $0x0  }
0xc1: {  	[sflag:s6] =	ssyncadd.s32 @!p0 $0xFFFFF830  }
0xc2: {  	_ =	swait.ge @!p0 [sflag:s6], $0x7D0  }
0xc3: {  	[sflag:s6] =	ssyncset.done @!p0 $0x0  }
0xc4: {  	[sflag:s6] =	ssyncadd.s32 @!p0 $0xFFFFF830  }
0xc5: {  	_ =	swait.ge @!p0 [sflag:s6], $0x7D0  }
0xc6: {  	[sflag:s6] =	ssyncset.done @!p0 $0x0  }
0xc7: {  	[sflag:s6] =	ssyncadd.s32 @!p0 $0xFFFFF830  }
0xc8: {  	_ =	swait.ge @!p0 [sflag:s6], $0x7D0  }
0xc9: {  	s3 =	sshra.s32 s9, $0x2;
	[sflag:s6] =	ssyncset.done @!p0 $0x0  }
0xca: {  	s11 =	sadd.s32 $0x400, s3;
	[sflag:s6] =	ssyncadd.s32 @!p0 $0xFFFFF830  }
0xcb: {  	[tilespmem:s1], [sflag:$0x2] =	stream.indirect.gather [hbm4b:s4+s14], $0x10, s11, s14, $0xb8;
	[tilespmem:$0xF500] =	vst v63  }
0xcc: {  	s7 =	sadd.s32 $0x480, s3  }
0xcd: {  	[tilespmem:s13], [sflag:$0x2] =	stream.indirect.gather [hbm4b:s4+s14], $0x10, s7, s14, $0xb8;
	[tilespmem:$0xF500] =	vst v63  }
0xce: {  	s11 =	sadd.s32 $0x500, s3  }
0xcf: {  	[tilespmem:s16], [sflag:$0x2] =	stream.indirect.gather [hbm4b:s4+s14], $0x10, s11, s14, $0xb8;
	[tilespmem:$0xF500] =	vst v63  }
0xd0: {  	s7 =	sadd.s32 $0x580, s3  }
0xd1: {  	[tilespmem:s18], [sflag:$0x2] =	stream.indirect.gather [hbm4b:s4+s14], $0x10, s7, s14, $0xb8;
	[tilespmem:$0xF500] =	vst v63  }
0xd2: {  	s11 =	sadd.s32 $0x600, s3  }
0xd3: {  	[tilespmem:s20], [sflag:$0x2] =	stream.indirect.gather [hbm4b:s4+s14], $0x10, s11, s14, $0xb8;
	[tilespmem:$0xF500] =	vst v63  }
0xd4: {  	s7 =	sadd.s32 $0x680, s3  }
0xd5: {  	[tilespmem:s22], [sflag:$0x2] =	stream.indirect.gather [hbm4b:s4+s14], $0x10, s7, s14, $0xb8;
	[tilespmem:$0xF500] =	vst v63  }
0xd6: {  	s11 =	sadd.s32 $0x700, s3  }
0xd7: {  	[tilespmem:s24], [sflag:$0x2] =	stream.indirect.gather [hbm4b:s4+s14], $0x10, s11, s14, $0xb8;
	[tilespmem:$0xF500] =	vst v63  }
0xd8: {  	s7 =	sadd.s32 $0x780, s3  }
0xd9: {  	[tilespmem:s26], [sflag:$0x2] =	stream.indirect.gather [hbm4b:s4+s14], $0x10, s7, s14, $0xb8;
	[tilespmem:$0xF500] =	vst v63  }
0xda: {  	_ =	swait.ge [sflag:s5], $0x7D0  }
0xdb: {  	[sflag:s5] =	ssyncset.done $0x0  }
0xdc: {  	[sflag:s5] =	ssyncadd.s32 $0xFFFFF830  }
0xdd: {  	_ =	swait.ge [sflag:s5], $0x7D0  }
0xde: {  	[sflag:s5] =	ssyncset.done $0x0  }
0xdf: {  	[sflag:s5] =	ssyncadd.s32 $0xFFFFF830  }
0xe0: {  	_ =	swait.ge [sflag:s5], $0x7D0  }
0xe1: {  	[sflag:s5] =	ssyncset.done $0x0  }
0xe2: {  	[sflag:s5] =	ssyncadd.s32 $0xFFFFF830  }
0xe3: {  	_ =	swait.ge [sflag:s5], $0x7D0  }
0xe4: {  	[sflag:s5] =	ssyncset.done $0x0  }
0xe5: {  	[sflag:s5] =	ssyncadd.s32 $0xFFFFF830  }
0xe6: {  	_ =	swait.ge [sflag:s5], $0x7D0  }
0xe7: {  	[sflag:s5] =	ssyncset.done $0x0  }
0xe8: {  	[sflag:s5] =	ssyncadd.s32 $0xFFFFF830  }
0xe9: {  	_ =	swait.ge [sflag:s5], $0x7D0  }
0xea: {  	[sflag:s5] =	ssyncset.done $0x0  }
0xeb: {  	[sflag:s5] =	ssyncadd.s32 $0xFFFFF830  }
0xec: {  	_ =	swait.ge [sflag:s5], $0x7D0  }
0xed: {  	[sflag:s5] =	ssyncset.done $0x0  }
0xee: {  	[sflag:s5] =	ssyncadd.s32 $0xFFFFF830  }
0xef: {  	_ =	swait.ge [sflag:s5], $0x7D0  }
0xf0: {  	[sflag:s5] =	ssyncset.done $0x0  }
0xf1: {  	s11 =	sadd.s32 $0x2800, s3;
	[sflag:s5] =	ssyncadd.s32 $0xFFFFF830  }
0xf2: {  	[spmem:s2] =	stream.indirect.scatter.add.f32 [tilespmem:s15], [sflag:$0x3], $0x10, s11, s14, $0xb8;
	[tilespmem:$0xF500] =	vst v63  }
0xf3: {  	s7 =	sadd.s32 $0x2880, s3  }
0xf4: {  	[spmem:s2] =	stream.indirect.scatter.add.f32 [tilespmem:s17], [sflag:$0x3], $0x10, s7, s14, $0xb8;
	[tilespmem:$0xF500] =	vst v63  }
0xf5: {  	s11 =	sadd.s32 $0x2900, s3  }
0xf6: {  	[spmem:s2] =	stream.indirect.scatter.add.f32 [tilespmem:s19], [sflag:$0x3], $0x10, s11, s14, $0xb8;
	[tilespmem:$0xF500] =	vst v63  }
0xf7: {  	s7 =	sadd.s32 $0x2980, s3  }
0xf8: {  	[spmem:s2] =	stream.indirect.scatter.add.f32 [tilespmem:s21], [sflag:$0x3], $0x10, s7, s14, $0xb8;
	[tilespmem:$0xF500] =	vst v63  }
0xf9: {  	s11 =	sadd.s32 $0x2A00, s3  }
0xfa: {  	[spmem:s2] =	stream.indirect.scatter.add.f32 [tilespmem:s23], [sflag:$0x3], $0x10, s11, s14, $0xb8;
	[tilespmem:$0xF500] =	vst v63  }
0xfb: {  	s7 =	sadd.s32 $0x2A80, s3  }
0xfc: {  	[spmem:s2] =	stream.indirect.scatter.add.f32 [tilespmem:s25], [sflag:$0x3], $0x10, s7, s14, $0xb8;
	[tilespmem:$0xF500] =	vst v63  }
.Ltmp5:
0xfd: {  	_ = 	snop;
	(pc) =	sbr.rel .LBB2_5-.Ltmp5, $4  }
0xfe: {  	s11 =	sadd.s32 $0x2B00, s3  }
0xff: {  	[spmem:s2] =	stream.indirect.scatter.add.f32 [tilespmem:s28], [sflag:$0x3], $0x10, s11, s14, $0xb8;
	[tilespmem:$0xF500] =	vst v63  }
0x100: {  	s3 =	sadd.s32 $0x2B80, s3  }
0x101: {  	[spmem:s2] =	stream.indirect.scatter.add.f32 [tilespmem:s30], [sflag:$0x3], $0x10, s3, s14, $0xb8;
	[tilespmem:$0xF500] =	vst v63  }
.LBB2_7:
0x102: {  	_ =	sfence.sel $0x180000  }
0x103: {  	[bflag:$0x0] =	sbarrier.arrive $0xFFFF  }
0x104: {  	_ =	strace $0x9000004A  }
0x105: {  	s0 =	stileid.u32;
	[bflag:$0x2] =	sbarrier.arrive $0xFFFF  }
0x106: {  	p0 =	sne.s32 s0, $0x0;
	s0 =	rddreg [dreg:$0x3]  }
0x107: {  	s0 =	sadd.s32 @!p0 $0x100000, s0  }
0x108: {  	[sflag:s0] =	ssyncadd.tile.s32 @!p0 $0x1;
	_ =	shalt  }
.Lfunc_end2:
_tile_overlayer_lowered:
.L_overlay_start_2:
0x109: {  	(tag) =	ssettag $0x2  }
0x10a: {  	s0 =	rddreg [dreg:$0x0];
	s2 =	stileid.u32  }
0x10b: {  	s1 =	rddreg [dreg:$0x1];
	p0 =	sne.s32 s2, $0x0  }
0x10c: {  	s3 =	rddreg [dreg:$0x2];
	[bflag:$0x3] =	sbarrier.arrive $0xFFFF;
	s2 =	simm.s32 @!p0 $0x1C05  }
0x10d: {  	[timem:s3], [sflag:s2] =	dma.local @!p0 [hbm:s0], s1  }
0x10e: {  	s0 =	simm.s32 @!p0 $0x5  }
0x10f: {  	_ =	swait.ge @!p0 [sflag:s0], s1  }
0x110: {  	s1 =	ssub.s32 @!p0 $0x0, s1;
	[sflag:s0] =	ssyncset.done @!p0 $0x0  }
0x111: {  	[sflag:s0] =	ssyncadd.s32 @!p0 s1  }
0x112: {  	[bflag:$0x3] =	sbarrier.arrive $0xFFFF  }
0x113: {  	_ =	shalt  }

// kernel: kernel.15.cloned.1.call-start
scs
__scs_entry_jumppad:
0x0: {  	(pc) =	sbr.rel $0x88, $3  }
0x1: {  	(tag) =	ssettag $0x0;
	lr =	simm.s32 $0x1  }
0x2: {  	[smem:$0x3F9B] =	sst lr;
	_ =	strace $0xD0000000  }
0x3: {  	_ = 	snop  }
0x4: {  	_ = 	snop  }
0x5: {  	_ = 	snop  }
0x6: {  	_ = 	snop  }
0x7: {  	_ = 	snop  }
__scs_overlays_trampoline_lowered:
0x8: {  	[smem:$0x3FAA] =	sst s0  }
0x9: {  	[smem:$0x3FAB] =	sst s1  }
0xa: {  	[smem:$0x3FAC] =	sst s2  }
0xb: {  	[smem:$0x3FAD] =	sst s3  }
0xc: {  	[smem:$0x3FAE] =	sst s4  }
0xd: {  	[smem:$0x3FAF] =	sst s5  }
0xe: {  	[smem:$0x3FB0] =	sst s6  }
0xf: {  	[smem:$0x3FB1] =	sst s7  }
0x10: {  	[smem:$0x3FB2] =	sst s8  }
0x11: {  	[smem:$0x3FB3] =	sst s9;
	s0 =	simm.s32 @!p0 $0x0  }
0x12: {  	s1 =	sld [smem:$0x3F99];
	s0 =	simm.s32 @p0 $0x1  }
0x13: {  	[smem:$0x3FB4] =	sst s0;
	s0 =	simm.s32 @!p1 $0x0  }
0x14: {  	s2 =	sld [smem:$0x3F98];
	s0 =	simm.s32 @p1 $0x1  }
0x15: {  	[smem:$0x3FB5] =	sst s0;
	s0 =	simm.s32 @!p2 $0x0  }
0x16: {  	s3 =	sld [smem:$0x3FDB];
	s0 =	simm.s32 @p2 $0x1  }
0x17: {  	s4 =	simm.s32 $0x1BF5;
	[smem:$0x3FB7] =	sst s0  }
0x18: {  	s0 =	sld [smem:$0x3F9A];
	_ =	swait.ge [sflag:s4], $0x0  }
0x19: {  	s7 =	sld [smem:$0x3F9B]  }
0x1a: {  	s8 =	sadd.s32 $0xFFFFE003, lr  }
0x1b: {  	s9 =	sadd.s32 $0xFFFFFEF7, lr;
	s5 =	simm.s32 $0xFFFFFFFF;
	p2 =	slt.u32 s8, $0xFFFFF086  }
0x1c: {  	p1 =	slt.u32 s9, $0xF7A;
	s5 =	simm.s32 @!p2 $0x0  }
0x1d: {  	s5 =	simm.s32 @p1 $0x1;
	p0 =	seq.s32 s7, s2  }
0x1e: {  	s7 =	smul.u32 @!p0 $0xF7A, s2;
	p2 =	seq.s32 @!p0 s5, $0x0  }
0x1f: {  	s9 =	smul.u32 $0xF7A, s1;
	s8 =	simm.s32 @!p0 $0x1BF5;
	p2 =	por !p2, p0  }
0x20: {  	[sflag:s8] =	ssyncset.s32 @!p0 $0xFFFFF086;
	s6 =	sadd.s32 @!p0 s3, s7;
	s7 =	simm.s32 @!p0 $0x108  }
0x21: {  	s3 =	sadd.s32 s3, s9;
	s6 =	sadd.s32 @!p0 $0x88, s6;
	s7 =	simm.s32 @p2 $0x1082  }
0x22: {  	[simem:s7], [sflag:s8] =	dma.local @!p0 [hbm:s6], $0xF7A  }
0x23: {  	s9 =	sor.u32 $0xD0000000, s2;
	s6 =	simm.s32 $0x108;
	_ =	swait.ge @!p0 [sflag:s8], $0x0  }
0x24: {  	s3 =	sadd.s32 $0x88, s3;
	s6 =	simm.s32 @!p1 $0x1082;
	[sflag:s4] =	ssyncset.s32 $0xFFFFF086  }
0x25: {  	[simem:s6], [sflag:s4] =	dma.local [hbm:s3], $0xF7A  }
0x26: {  	[smem:$0x3F9B] =	sst s1;
	(tag) =	ssettag s2;
	_ =	strace s9  }
0x27: {  	s1 =	sld [smem:$0x3FAB]  }
0x28: {  	s2 =	sld [smem:$0x3FAC]  }
0x29: {  	s4 =	sld [smem:$0x3FAE]  }
0x2a: {  	p0 =	seq.s32 s5, $0x0;
	s5 =	sld [smem:$0x3FAF]  }
0x2b: {  	s6 =	sld [smem:$0x3FB0]  }
0x2c: {  	s7 =	sld [smem:$0x3FB1]  }
0x2d: {  	s3 =	simm.s32 $0x108;
	s8 =	sld [smem:$0x3FB2]  }
0x2e: {  	s3 =	simm.s32 @!p0 $0x1082;
	s9 =	sld [smem:$0x3FB3]  }
0x2f: {  	lr =	sadd.s32 s0, s3;
	s0 =	sld [smem:$0x3FAA]  }
0x30: {  	s3 =	sld [smem:$0x3FAD]  }
0x31: {  	[smem:$0x3FB6] =	sst s10  }
0x32: {  	s10 =	sld [smem:$0x3FB4];
	_ =	sdelay $0x3  }
0x33: {  	p0 =	seq.s32 s10, $0x1;
	s10 =	sld [smem:$0x3FB6];
	_ =	sdelay $0x3  }
0x34: {  	[smem:$0x3FB6] =	sst s10  }
0x35: {  	s10 =	sld [smem:$0x3FB5];
	_ =	sdelay $0x3  }
0x36: {  	p1 =	seq.s32 s10, $0x1;
	s10 =	sld [smem:$0x3FB6];
	_ =	sdelay $0x3  }
0x37: {  	[smem:$0x3FB6] =	sst s10  }
0x38: {  	s10 =	sld [smem:$0x3FB7]  }
0x39: {  	_ = 	snop;
	(pc) =	sbr.ind lr, $3  }
0x3a: {  	_ = 	snop  }
0x3b: {  	_ = 	snop  }
0x3c: {  	p2 =	seq.s32 s10, $0x1;
	s10 =	sld [smem:$0x3FB6]  }
0x3d: {  	_ =	shalt  }
0x3e: {  	_ =	shalt  }
0x3f: {  	_ =	shalt  }
0x40: {  	_ =	shalt  }
0x41: {  	_ =	shalt  }
0x42: {  	_ =	shalt  }
0x43: {  	_ =	shalt  }
0x44: {  	_ =	shalt  }
0x45: {  	_ =	shalt  }
0x46: {  	_ =	shalt  }
0x47: {  	_ =	shalt  }
0x48: {  	_ =	shalt  }
0x49: {  	_ =	shalt  }
0x4a: {  	_ =	shalt  }
0x4b: {  	_ =	shalt  }
0x4c: {  	_ =	shalt  }
0x4d: {  	_ =	shalt  }
0x4e: {  	_ =	shalt  }
0x4f: {  	_ =	shalt  }
0x50: {  	_ =	shalt  }
0x51: {  	_ =	shalt  }
0x52: {  	_ =	shalt  }
0x53: {  	_ =	shalt  }
0x54: {  	_ =	shalt  }
0x55: {  	_ =	shalt  }
0x56: {  	_ =	shalt  }
0x57: {  	_ =	shalt  }
0x58: {  	_ =	shalt  }
0x59: {  	_ =	shalt  }
0x5a: {  	_ =	shalt  }
0x5b: {  	_ =	shalt  }
0x5c: {  	_ =	shalt  }
0x5d: {  	_ =	shalt  }
0x5e: {  	_ =	shalt  }
0x5f: {  	_ =	shalt  }
0x60: {  	_ =	shalt  }
0x61: {  	_ =	shalt  }
0x62: {  	_ =	shalt  }
0x63: {  	_ =	shalt  }
0x64: {  	_ =	shalt  }
0x65: {  	_ =	shalt  }
0x66: {  	_ =	shalt  }
0x67: {  	_ =	shalt  }
0x68: {  	_ =	shalt  }
0x69: {  	_ =	shalt  }
0x6a: {  	_ =	shalt  }
0x6b: {  	_ =	shalt  }
0x6c: {  	_ =	shalt  }
0x6d: {  	_ =	shalt  }
0x6e: {  	_ =	shalt  }
0x6f: {  	_ =	shalt  }
0x70: {  	_ =	shalt  }
0x71: {  	_ =	shalt  }
0x72: {  	_ =	shalt  }
0x73: {  	_ =	shalt  }
0x74: {  	_ =	shalt  }
0x75: {  	_ =	shalt  }
0x76: {  	_ =	shalt  }
0x77: {  	_ =	shalt  }
0x78: {  	_ =	shalt  }
0x79: {  	_ =	shalt  }
0x7a: {  	_ =	shalt  }
0x7b: {  	_ =	shalt  }
0x7c: {  	_ =	shalt  }
0x7d: {  	_ =	shalt  }
0x7e: {  	_ =	shalt  }
0x7f: {  	_ =	shalt  }
0x80: {  	_ =	shalt  }
0x81: {  	_ =	shalt  }
0x82: {  	_ =	shalt  }
0x83: {  	_ =	shalt  }
0x84: {  	_ =	shalt  }
0x85: {  	_ =	shalt  }
0x86: {  	_ =	shalt  }
0x87: {  	_ =	shalt  }
.Lfunc_end0:
.L_simem_size_0:
called_computation.2_lowered:
.L_overlay_start_0:
0x88: {  	s2 =	sld [smem:$0x3FD9]  }
0x89: {  	s3 =	sld [smem:$0x3FFE];
	_ =	sdelay $0x1  }
0x8a: {  	s1 =	srdreg.scid  }
0x8b: {  	s0 =	sand.u32 $0x1, s1  }
0x8c: {  	s17 =	sshll.u32 s0, $0xA;
	s2 =	sadd.s32 s3, s2  }
0x8d: {  	s2 =	sadd.s32 s2, s17  }
0x8e: {  	[smem:$0x3FC2] =	sst s2  }
0x8f: {  	_ = 	snop  }
0x90: {  	s2 =	sld [smem:$0x3FD0];
	(tm) =	ssettm $0x1  }
0x91: {  	s18 =	sld [smem:$0x3FFB];
	_ =	sdelay $0x3  }
0x92: {  	_ =	strace s18  }
0x93: {  	s3 =	sld [smem:$0x3FFC];
	_ =	sdelay $0x3  }
0x94: {  	_ =	strace s3  }
0x95: {  	s3 =	sld [smem:$0x3FFD];
	_ =	sdelay $0x3  }
0x96: {  	_ =	strace s3  }
0x97: {  	_ =	strace $0x8FFFFFFF  }
0x98: {  	s19 =	sld [smem:$0x3FDB];
	_ =	sdelay $0x1  }
0x99: {  	s4 =	simm.s32 $_scs_section_size  }
0x9a: {  	s5 =	simm.s32 $_size__tile_overlayer_lowered;
	s6 =	simm.s32 $_tile_overlayer_lowered  }
0x9b: {  	s22 =	simm.s32 $0x1BFF;
	s21 =	sshll.u32 s6, $0x1;
	s3 =	sadd.s32 s4, s19  }
0x9c: {  	s7 =	simm.s32 $0x0;
	s20 =	sshll.u32 s5, $0x1;
	s5 =	sadd.s32 s21, s3  }
0x9d: {  	[timem:s7], [sflag:s22] =	dma.local [hbm:s5], s20  }
0x9e: {  	_ =	swait.ge [sflag:s22], s20  }
0x9f: {  	s4 =	ssub.s32 $0x0, s20;
	[sflag:s22] =	ssyncset.done $0x0  }
0xa0: {  	[sflag:s22] =	ssyncadd.s32 s4;
	_ =	sdelay $0x1  }
0xa1: {  	s23 =	simm.s32 $0x1B8B  }
0xa2: {  	_ =	swait.ge [sflag:s23], $0x1  }
0xa3: {  	[sflag:s23] =	ssyncset.done $0x0  }
0xa4: {  	s25 =	simm.s32 $0x1B8E;
	s24 =	sld [smem:$0x3FFE];
	[sflag:s23] =	ssyncadd.s32 $0xFFFFFFFF  }
0xa5: {  	s26 =	simm.s32 $execute0_lowered;
	[smem:$0x3FD2] =	sst s25  }
0xa6: {  	s5 =	sshll.u32 s26, $0x1;
	_ =	strace $0x8000004C;
	[dreg:$0x1] =	wrdreg $0xFFFFFFFF  }
0xa7: {  	s28 =	simm.s32 $_size_execute0_lowered;
	s3 =	sadd.s32 s3, s5;
	[dreg:$0x0] =	wrdreg $0x0  }
0xa8: {  	s5 =	sshll.u32 s28, $0x1;
	[dreg:$0x2] =	wrdreg s3  }
0xa9: {  	[dreg:$0x3] =	wrdreg s5  }
0xaa: {  	[dreg:$0x4] =	wrdreg $0xC0  }
0xab: {  	_ =	task [dreg:s7], $0x5FFFF  }
0xac: {  	[dreg:$0x1] =	wrdreg $0xFFFFFFFF  }
0xad: {  	[dreg:$0x0] =	wrdreg $0x60  }
0xae: {  	[dreg:$0x2] =	wrdreg s2  }
0xaf: {  	[dreg:$0x3] =	wrdreg s24  }
0xb0: {  	[dreg:$0x4] =	wrdreg $0xCD000  }
0xb1: {  	[dreg:$0x5] =	wrdreg $0x9  }
0xb2: {  	_ =	task.clear_ibuf [dreg:s7], $0x6FFFF;
	_ =	strace $0x9000004C  }
0xb3: {  	s29 =	simm.s32 $0x9;
	_ =	strace $0x8000004E  }
0xb4: {  	_ =	swait.ge [sflag:s29], $0x1  }
0xb5: {  	[sflag:s29] =	ssyncadd.s32 $0xFFFFFFFF  }
0xb6: {  	_ =	strace $0x9000004E  }
0xb7: {  	_ =	sfence  }
0xb8: {  	s30 =	sld [smem:$0x0];
	_ =	sdelay $0x2  }
0xb9: {  	s31 =	sshll.u32 s1, $0xD;
	s1 =	sshrl.u32 s1, $0x2  }
0xba: {  	s3 =	sand.u32 $0x4000, s31;
	s1 =	sadd.s32 s1, s30  }
0xbb: {  	s0 =	sor.u32 s3, s0;
	s1 =	sshll.u32 s1, $0x11  }
0xbc: {  	s0 =	sor.u32 s1, s0  }
0xbd: {  	s0 =	sadd.s32 $0x8F2B, s0  }
0xbe: {  	[sflag:s0] =	ssyncadd.remote.s32 $0x1  }
0xbf: {  	_ =	sfence.sel $0xFFFF  }
0xc0: {  	[dreg:$0x0] =	wrdreg $0xFFFFFFFF;
	(pc) =	sbr.abs _section_cstart, $3  }
0xc1: {  	[dreg:$0x1] =	wrdreg $0xFFFFFFFF  }
0xc2: {  	_ =	task.clear_ibuf [dreg:s7], $0x2FFFF;
	_ =	strace $0x9FFFFFFF  }
0xc3: {  	(tm) =	ssettm $0x7FFFFFFF  }
tec
execute0_lowered:
.L_overlay_start_1:
0x0: {  	(tag) =	ssettag $0x1  }
0x1: {  	s0 =	rddreg [dreg:$0x0]  }
0x2: {  	s1 =	rddreg [dreg:$0x1]  }
0x3: {  	s2 =	rddreg [dreg:$0x2];
	s3 =	stileid.u32  }
0x4: {  	s4 =	srdreg.scid;
	s7 =	simm.s32 $0x0;
	s12 =	simm.s32 $0x5  }
0x5: {  	s14 =	simm.s32 $0x7D;
	s15 =	simm.s32 $0x5000;
	s17 =	simm.s32 $0x57D0  }
0x6: {  	s19 =	simm.s32 $0x5FA0;
	s28 =	simm.s32 $0x7EE0;
	s30 =	simm.s32 $0x86B0  }
0x7: {  	s31 =	simm.s32 $0x3;
	s13 =	simm.s32 $0x9650;
	s16 =	simm.s32 $0x9E20  }
0x8: {  	s18 =	simm.s32 $0xA5F0;
	s29 =	simm.s32 $0x4;
	s5 =	smul.u32 $0x2800, s3  }
0x9: {  	s6 =	sand.u32 $0x1, s4;
	[smem:$0x7FF] =	sst s7;
	s4 =	sadd.s32 $0x2C00, s1  }
0xa: {  	s8 =	sshll.u32 s3, $0x1;
	s24 =	sshll.u32 s3, $0x6;
	s20 =	smul.u32 $0x28000, s6  }
0xb: {  	_ =	strace $0x8000004D;
	s8 =	sor.u32 s6, s8;
	s6 =	ssub.s32 $0x2, s6  }
0xc: {  	s9 =	sshrl.u32 s5, $0x3;
	s8 =	smul.u32 $0x2800, s8;
	s21 =	sshrl.u32 s6, $0x1  }
0xd: {  	s7 =	sadd.s32 s5, s20;
	s9 =	sadd.s32 s9, s1;
	s10 =	ssub.s32 s6, s21  }
0xe: {  	s5 =	sadd.s32 s5, s2;
	s6 =	sor.u32 $0x1C05, s24;
	s21 =	simm.s32 $0x6770  }
0xf: {  	s20 =	simm.s32 $0xADC0;
	s24 =	simm.s32 $0xBD60;
	s7 =	sshrl.u32 s7, $0x3  }
0x10: {  	s22 =	sshrl.u32 s8, $0x3;
	s23 =	sadd.s32 $0x7C00, s9;
	[dreg:$0x6] =	wrdreg s6  }
0x11: {  	s26 =	smax.u32 s10, $0x1;
	s8 =	simm.s32 $0x0;
	[dreg:$0x4] =	wrdreg s23  }
0x12: {  	s1 =	sadd.s32 s7, s1;
	s0 =	sadd.s32 s0, s22;
	[dreg:$0x9] =	wrdreg s26  }
.Ltmp0:
0x13: {  	s7 =	sshrl.u32 s5, $0x3;
	s23 =	simm.s32 $0x6F40;
	(pc) =	sbr.rel .LBB2_1-.Ltmp0, $4  }
0x14: {  	s22 =	simm.s32 $0xB590;
	s26 =	simm.s32 $0xC530;
	[dreg:$0x5] =	wrdreg s0  }
0x15: {  	s5 =	simm.s32 $0x1;
	s0 =	sadd.s32 $0xA000, s0;
	[dreg:$0xa] =	wrdreg s7  }
0x16: {  	s25 =	sadd.s32 $0xCC00, s1;
	s1 =	simm.s32 $0x8E80;
	[dreg:$0x7] =	wrdreg s0  }
0x17: {  	[dreg:$0x8] =	wrdreg s25;
	s25 =	simm.s32 $0x7710;
	s0 =	simm.s32 $0x2  }
.LBB2_6:
0x18: {  	_ =	swait.ge [sflag:s29], $0x7D0  }
0x19: {  	[sflag:s29] =	ssyncset.done $0x0  }
0x1a: {  	[sflag:s29] =	ssyncadd.s32 $0xFFFFF830  }
0x1b: {  	_ =	swait.ge [sflag:s29], $0x7D0  }
0x1c: {  	[sflag:s29] =	ssyncset.done $0x0  }
0x1d: {  	[sflag:s29] =	ssyncadd.s32 $0xFFFFF830  }
0x1e: {  	_ =	swait.ge [sflag:s29], $0x7D0  }
0x1f: {  	[sflag:s29] =	ssyncset.done $0x0  }
0x20: {  	[sflag:s29] =	ssyncadd.s32 $0xFFFFF830  }
0x21: {  	_ =	swait.ge [sflag:s29], $0x7D0  }
0x22: {  	[sflag:s29] =	ssyncset.done $0x0  }
0x23: {  	[sflag:s29] =	ssyncadd.s32 $0xFFFFF830  }
0x24: {  	_ =	swait.ge [sflag:s29], $0x7D0  }
0x25: {  	[sflag:s29] =	ssyncset.done $0x0  }
0x26: {  	[sflag:s29] =	ssyncadd.s32 $0xFFFFF830  }
0x27: {  	_ =	swait.ge [sflag:s29], $0x7D0  }
0x28: {  	[sflag:s29] =	ssyncset.done $0x0  }
0x29: {  	[sflag:s29] =	ssyncadd.s32 $0xFFFFF830  }
0x2a: {  	_ =	swait.ge [sflag:s29], $0x7D0  }
0x2b: {  	[sflag:s29] =	ssyncset.done $0x0  }
0x2c: {  	[sflag:s29] =	ssyncadd.s32 $0xFFFFF830  }
0x2d: {  	_ =	swait.ge [sflag:s29], $0x7D0  }
0x2e: {  	[sflag:s29] =	ssyncset.done $0x0  }
0x2f: {  	[sflag:s29] =	ssyncadd.s32 $0xFFFFF830  }
0x30: {  	[bflag:$0x0] =	sbarrier.arrive $0xFFFF  }
0x31: {  	s6 =	rddreg [dreg:$0x6]  }
0x32: {  	s3 =	rddreg [dreg:$0x8]  }
0x33: {  	s7 =	rddreg [dreg:$0xa]  }
0x34: {  	[hbm:s3], [sflag:s6] =	dma.local [spmem:s7], $0x500  }
0x35: {  	_ =	swait.ge [sflag:s12], $0x500  }
0x36: {  	s8 =	sadd.s32 $0x1, s8;
	s11 =	rddreg [dreg:$0x9]  }
0x37: {  	p0 =	sne.s32 s8, s11  }
.Ltmp1:
0x38: {  	_ = 	snop;
	(pc) =	sbr.rel @!p0 .LBB2_7-.Ltmp1, $3  }
0x39: {  	_ =	sdelay $0x1  }
0x3a: {  	[sflag:s12] =	ssyncset.done $0x0  }
0x3b: {  	[sflag:s12] =	ssyncadd.s32 $0xFFFFFB00  }
.LBB2_1:
0x3c: {  	s3 =	rddreg [dreg:$0x4]  }
0x3d: {  	[spmem:s7], [sflag:s6] =	dma.local [hbm:s3], $0x500  }
0x3e: {  	_ =	swait.ge [sflag:s12], $0x500  }
0x3f: {  	[sflag:s12] =	ssyncset.done $0x0  }
0x40: {  	s10 =	simm.s32 $0x0;
	s11 =	rddreg [dreg:$0x5];
	[sflag:s12] =	ssyncadd.s32 $0xFFFFFB00  }
0x41: {  	[tilespmem:s10], [sflag:$0x5] =	stream.linear.gather [hbm4b:s11+s10], $0x2800, $0x38;
	[tilespmem:$0xF500] =	vst v63  }
0x42: {  	_ =	swait.ge [sflag:s12], $0x2800  }
0x43: {  	[sflag:s12] =	ssyncset.done $0x0  }
0x44: {  	s9 =	simm.s32 $0x2800;
	s7 =	rddreg [dreg:$0x7];
	[sflag:s12] =	ssyncadd.s32 $0xFFFFD800  }
0x45: {  	[tilespmem:s9], [sflag:$0x5] =	stream.linear.gather [hbm4b:s7+s10], $0x2800, $0x38;
	[tilespmem:$0xF500] =	vst v63  }
0x46: {  	_ =	swait.ge [sflag:s12], $0x2800  }
0x47: {  	[sflag:s12] =	ssyncset.done $0x0  }
0x48: {  	[sflag:s12] =	ssyncadd.s32 $0xFFFFD800  }
0x49: {  	[bflag:$0x0] =	sbarrier.arrive $0xFFFF  }
0x4a: {  	[tilespmem:s15], [sflag:$0x1] =	stream.indirect.gather [hbm4b:s4+s14], $0x10, s10, s14, $0xb8;
	[tilespmem:$0xF500] =	vst v63  }
0x4b: {  	s10 =	simm.s32 $0x80  }
0x4c: {  	[tilespmem:s17], [sflag:$0x1] =	stream.indirect.gather [hbm4b:s4+s14], $0x10, s10, s14, $0xb8;
	[tilespmem:$0xF500] =	vst v63  }
0x4d: {  	s11 =	simm.s32 $0x100  }
0x4e: {  	[tilespmem:s19], [sflag:$0x1] =	stream.indirect.gather [hbm4b:s4+s14], $0x10, s11, s14, $0xb8;
	[tilespmem:$0xF500] =	vst v63  }
0x4f: {  	s6 =	simm.s32 $0x180  }
0x50: {  	[tilespmem:s21], [sflag:$0x1] =	stream.indirect.gather [hbm4b:s4+s14], $0x10, s6, s14, $0xb8;
	[tilespmem:$0xF500] =	vst v63  }
0x51: {  	s7 =	simm.s32 $0x200  }
0x52: {  	[tilespmem:s23], [sflag:$0x1] =	stream.indirect.gather [hbm4b:s4+s14], $0x10, s7, s14, $0xb8;
	[tilespmem:$0xF500] =	vst v63  }
0x53: {  	s9 =	simm.s32 $0x280  }
0x54: {  	[tilespmem:s25], [sflag:$0x1] =	stream.indirect.gather [hbm4b:s4+s14], $0x10, s9, s14, $0xb8;
	[tilespmem:$0xF500] =	vst v63  }
.Ltmp2:
0x55: {  	_ = 	snop;
	(pc) =	sbr.rel .LBB2_2-.Ltmp2, $4  }
0x56: {  	s10 =	simm.s32 $0x300  }
0x57: {  	[tilespmem:s28], [sflag:$0x1] =	stream.indirect.gather [hbm4b:s4+s14], $0x10, s10, s14, $0xb8;
	[tilespmem:$0xF500] =	vst v63  }
0x58: {  	s11 =	simm.s32 $0x380;
	s9 =	simm.s32 $0x0;
	s10 =	simm.s32 $0x0  }
0x59: {  	[tilespmem:s30], [sflag:$0x1] =	stream.indirect.gather [hbm4b:s4+s14], $0x10, s11, s14, $0xb8;
	[tilespmem:$0xF500] =	vst v63  }
.LBB2_4:
0x5a: {  	_ =	swait.ge [sflag:s31], $0x7D0  }
0x5b: {  	[sflag:s31] =	ssyncset.done $0x0  }
0x5c: {  	[sflag:s31] =	ssyncadd.s32 $0xFFFFF830  }
0x5d: {  	_ =	swait.ge [sflag:s31], $0x7D0  }
0x5e: {  	[sflag:s31] =	ssyncset.done $0x0  }
0x5f: {  	[sflag:s31] =	ssyncadd.s32 $0xFFFFF830  }
0x60: {  	_ =	swait.ge [sflag:s31], $0x7D0  }
0x61: {  	[sflag:s31] =	ssyncset.done $0x0  }
0x62: {  	[sflag:s31] =	ssyncadd.s32 $0xFFFFF830  }
0x63: {  	_ =	swait.ge [sflag:s31], $0x7D0  }
0x64: {  	[sflag:s31] =	ssyncset.done $0x0  }
0x65: {  	[sflag:s31] =	ssyncadd.s32 $0xFFFFF830  }
0x66: {  	_ =	swait.ge [sflag:s31], $0x7D0  }
0x67: {  	[sflag:s31] =	ssyncset.done $0x0  }
0x68: {  	[sflag:s31] =	ssyncadd.s32 $0xFFFFF830  }
0x69: {  	_ =	swait.ge [sflag:s31], $0x7D0  }
0x6a: {  	[sflag:s31] =	ssyncset.done $0x0  }
0x6b: {  	[sflag:s31] =	ssyncadd.s32 $0xFFFFF830  }
0x6c: {  	_ =	swait.ge [sflag:s31], $0x7D0  }
0x6d: {  	[sflag:s31] =	ssyncset.done $0x0  }
0x6e: {  	[sflag:s31] =	ssyncadd.s32 $0xFFFFF830  }
0x6f: {  	p0 =	seq.s32 s9, $0x9000;
	_ =	swait.ge [sflag:s31], $0x7D0  }
0x70: {  	s3 =	sshra.s32 @!p0 s9, $0x2;
	s7 =	simm.s32 @!p0 $0x7D;
	[sflag:s31] =	ssyncset.done $0x0  }
0x71: {  	s11 =	simm.s32 @!p0 $0x5000;
	s6 =	sadd.s32 @!p0 $0x400, s3;
	[sflag:s31] =	ssyncadd.s32 $0xFFFFF830  }
0x72: {  	[tilespmem:s11], [sflag:$0x1] =	stream.indirect.gather @!p0 [hbm4b:s4+s7], $0x10, s6, s7, $0xb8;
	[tilespmem:$0xF500] =	vst v63  }
0x73: {  	s6 =	sadd.s32 @!p0 $0x480, s3;
	s11 =	simm.s32 @!p0 $0x57D0  }
0x74: {  	[tilespmem:s11], [sflag:$0x1] =	stream.indirect.gather @!p0 [hbm4b:s4+s7], $0x10, s6, s7, $0xb8;
	[tilespmem:$0xF500] =	vst v63  }
0x75: {  	s6 =	sadd.s32 @!p0 $0x500, s3;
	s11 =	simm.s32 @!p0 $0x5FA0  }
0x76: {  	[tilespmem:s11], [sflag:$0x1] =	stream.indirect.gather @!p0 [hbm4b:s4+s7], $0x10, s6, s7, $0xb8;
	[tilespmem:$0xF500] =	vst v63  }
0x77: {  	s6 =	sadd.s32 @!p0 $0x580, s3;
	s11 =	simm.s32 @!p0 $0x6770  }
0x78: {  	[tilespmem:s11], [sflag:$0x1] =	stream.indirect.gather @!p0 [hbm4b:s4+s7], $0x10, s6, s7, $0xb8;
	[tilespmem:$0xF500] =	vst v63  }
0x79: {  	s6 =	sadd.s32 @!p0 $0x600, s3;
	s11 =	simm.s32 @!p0 $0x6F40  }
0x7a: {  	[tilespmem:s11], [sflag:$0x1] =	stream.indirect.gather @!p0 [hbm4b:s4+s7], $0x10, s6, s7, $0xb8;
	[tilespmem:$0xF500] =	vst v63  }
0x7b: {  	s6 =	sadd.s32 @!p0 $0x680, s3;
	s11 =	simm.s32 @!p0 $0x7710  }
0x7c: {  	[tilespmem:s11], [sflag:$0x1] =	stream.indirect.gather @!p0 [hbm4b:s4+s7], $0x10, s6, s7, $0xb8;
	[tilespmem:$0xF500] =	vst v63  }
0x7d: {  	s6 =	sadd.s32 @!p0 $0x700, s3;
	s11 =	simm.s32 @!p0 $0x7EE0  }
0x7e: {  	[tilespmem:s11], [sflag:$0x1] =	stream.indirect.gather @!p0 [hbm4b:s4+s7], $0x10, s6, s7, $0xb8;
	[tilespmem:$0xF500] =	vst v63  }
0x7f: {  	s3 =	sadd.s32 @!p0 $0x780, s3;
	s6 =	simm.s32 @!p0 $0x86B0  }
0x80: {  	[tilespmem:s6], [sflag:$0x1] =	stream.indirect.gather @!p0 [hbm4b:s4+s7], $0x10, s3, s7, $0xb8;
	[tilespmem:$0xF500] =	vst v63  }
0x81: {  	_ =	swait.ge [sflag:s0], $0x7D0  }
0x82: {  	[sflag:s0] =	ssyncset.done $0x0  }
0x83: {  	[sflag:s0] =	ssyncadd.s32 $0xFFFFF830  }
0x84: {  	_ =	swait.ge [sflag:s0], $0x7D0  }
0x85: {  	[sflag:s0] =	ssyncset.done $0x0  }
0x86: {  	[sflag:s0] =	ssyncadd.s32 $0xFFFFF830  }
0x87: {  	_ =	swait.ge [sflag:s0], $0x7D0  }
0x88: {  	[sflag:s0] =	ssyncset.done $0x0  }
0x89: {  	[sflag:s0] =	ssyncadd.s32 $0xFFFFF830  }
0x8a: {  	_ =	swait.ge [sflag:s0], $0x7D0  }
0x8b: {  	[sflag:s0] =	ssyncset.done $0x0  }
0x8c: {  	[sflag:s0] =	ssyncadd.s32 $0xFFFFF830  }
0x8d: {  	_ =	swait.ge [sflag:s0], $0x7D0  }
0x8e: {  	[sflag:s0] =	ssyncset.done $0x0  }
0x8f: {  	[sflag:s0] =	ssyncadd.s32 $0xFFFFF830  }
0x90: {  	_ =	swait.ge [sflag:s0], $0x7D0  }
0x91: {  	[sflag:s0] =	ssyncset.done $0x0  }
0x92: {  	[sflag:s0] =	ssyncadd.s32 $0xFFFFF830  }
0x93: {  	_ =	swait.ge [sflag:s0], $0x7D0  }
0x94: {  	[sflag:s0] =	ssyncset.done $0x0  }
0x95: {  	s3 =	smov.u32 s9;
	[sflag:s0] =	ssyncadd.s32 $0xFFFFF830  }
0x96: {  	s3 =	simm.s32 @p0 $0x9000;
	_ =	swait.ge [sflag:s0], $0x7D0  }
0x97: {  	s3 =	sshra.s32 s3, $0x2;
	[sflag:s0] =	ssyncset.done $0x0  }
0x98: {  	s11 =	sadd.s32 $0x2800, s3;
	[sflag:s0] =	ssyncadd.s32 $0xFFFFF830  }
0x99: {  	[spmem:s2] =	stream.indirect.scatter.add.f32 [tilespmem:s1], [sflag:$0x4], $0x10, s11, s14, $0xb8;
	[tilespmem:$0xF500] =	vst v63  }
0x9a: {  	s7 =	sadd.s32 $0x2880, s3  }
0x9b: {  	[spmem:s2] =	stream.indirect.scatter.add.f32 [tilespmem:s13], [sflag:$0x4], $0x10, s7, s14, $0xb8;
	[tilespmem:$0xF500] =	vst v63  }
0x9c: {  	s11 =	sadd.s32 $0x2900, s3  }
0x9d: {  	[spmem:s2] =	stream.indirect.scatter.add.f32 [tilespmem:s16], [sflag:$0x4], $0x10, s11, s14, $0xb8;
	[tilespmem:$0xF500] =	vst v63  }
0x9e: {  	s7 =	sadd.s32 $0x2980, s3  }
0x9f: {  	[spmem:s2] =	stream.indirect.scatter.add.f32 [tilespmem:s18], [sflag:$0x4], $0x10, s7, s14, $0xb8;
	[tilespmem:$0xF500] =	vst v63  }
0xa0: {  	s11 =	sadd.s32 $0x2A00, s3  }
0xa1: {  	[spmem:s2] =	stream.indirect.scatter.add.f32 [tilespmem:s20], [sflag:$0x4], $0x10, s11, s14, $0xb8;
	[tilespmem:$0xF500] =	vst v63  }
0xa2: {  	s7 =	sadd.s32 $0x2A80, s3  }
0xa3: {  	[spmem:s2] =	stream.indirect.scatter.add.f32 [tilespmem:s22], [sflag:$0x4], $0x10, s7, s14, $0xb8;
	[tilespmem:$0xF500] =	vst v63  }
0xa4: {  	s11 =	sadd.s32 $0x2B00, s3  }
0xa5: {  	[spmem:s2] =	stream.indirect.scatter.add.f32 [tilespmem:s24], [sflag:$0x4], $0x10, s11, s14, $0xb8;
	[tilespmem:$0xF500] =	vst v63  }
0xa6: {  	s3 =	sadd.s32 $0x2B80, s3  }
0xa7: {  	[spmem:s2] =	stream.indirect.scatter.add.f32 [tilespmem:s26], [sflag:$0x4], $0x10, s3, s14, $0xb8;
	[tilespmem:$0xF500] =	vst v63  }
.LBB2_5:
0xa8: {  	s9 =	sadd.s32 $0x1000, s9  }
0xa9: {  	p0 =	sne.s32 s9, $0xA000  }
.Ltmp3:
0xaa: {  	_ = 	snop;
	(pc) =	sbr.rel @!p0 .LBB2_6-.Ltmp3, $2  }
0xab: {  	_ =	sdelay $0x2  }
0xac: {  	s10 =	sadd.s32 $0x1, s10  }
.LBB2_2:
0xad: {  	s6 =	sand.u32 $0x1, s10  }
0xae: {  	p0 =	seq.s32 s6, $0x1  }
.Ltmp4:
0xaf: {  	_ = 	snop;
	(pc) =	sbr.rel @p0 .LBB2_4-.Ltmp4, $1  }
0xb0: {  	_ =	sdelay $0x3  }
0xb1: {  	p0 =	seq.s32 s9, $0x0  }
0xb2: {  	s6 =	simm.s32 @!p0 $0x4  }
0xb3: {  	_ =	swait.ge @!p0 [sflag:s6], $0x7D0  }
0xb4: {  	[sflag:s6] =	ssyncset.done @!p0 $0x0  }
0xb5: {  	[sflag:s6] =	ssyncadd.s32 @!p0 $0xFFFFF830  }
0xb6: {  	_ =	swait.ge @!p0 [sflag:s6], $0x7D0  }
0xb7: {  	[sflag:s6] =	ssyncset.done @!p0 $0x0  }
0xb8: {  	[sflag:s6] =	ssyncadd.s32 @!p0 $0xFFFFF830  }
0xb9: {  	_ =	swait.ge @!p0 [sflag:s6], $0x7D0  }
0xba: {  	[sflag:s6] =	ssyncset.done @!p0 $0x0  }
0xbb: {  	[sflag:s6] =	ssyncadd.s32 @!p0 $0xFFFFF830  }
0xbc: {  	_ =	swait.ge @!p0 [sflag:s6], $0x7D0  }
0xbd: {  	[sflag:s6] =	ssyncset.done @!p0 $0x0  }
0xbe: {  	[sflag:s6] =	ssyncadd.s32 @!p0 $0xFFFFF830  }
0xbf: {  	_ =	swait.ge @!p0 [sflag:s6], $0x7D0  }
0xc0: {  	[sflag:s6] =	ssyncset.done @!p0 $0x0  }
0xc1: {  	[sflag:s6] =	ssyncadd.s32 @!p0 $0xFFFFF830  }
0xc2: {  	_ =	swait.ge @!p0 [sflag:s6], $0x7D0  }
0xc3: {  	[sflag:s6] =	ssyncset.done @!p0 $0x0  }
0xc4: {  	[sflag:s6] =	ssyncadd.s32 @!p0 $0xFFFFF830  }
0xc5: {  	_ =	swait.ge @!p0 [sflag:s6], $0x7D0  }
0xc6: {  	[sflag:s6] =	ssyncset.done @!p0 $0x0  }
0xc7: {  	[sflag:s6] =	ssyncadd.s32 @!p0 $0xFFFFF830  }
0xc8: {  	_ =	swait.ge @!p0 [sflag:s6], $0x7D0  }
0xc9: {  	s3 =	sshra.s32 s9, $0x2;
	[sflag:s6] =	ssyncset.done @!p0 $0x0  }
0xca: {  	s11 =	sadd.s32 $0x400, s3;
	[sflag:s6] =	ssyncadd.s32 @!p0 $0xFFFFF830  }
0xcb: {  	[tilespmem:s1], [sflag:$0x2] =	stream.indirect.gather [hbm4b:s4+s14], $0x10, s11, s14, $0xb8;
	[tilespmem:$0xF500] =	vst v63  }
0xcc: {  	s7 =	sadd.s32 $0x480, s3  }
0xcd: {  	[tilespmem:s13], [sflag:$0x2] =	stream.indirect.gather [hbm4b:s4+s14], $0x10, s7, s14, $0xb8;
	[tilespmem:$0xF500] =	vst v63  }
0xce: {  	s11 =	sadd.s32 $0x500, s3  }
0xcf: {  	[tilespmem:s16], [sflag:$0x2] =	stream.indirect.gather [hbm4b:s4+s14], $0x10, s11, s14, $0xb8;
	[tilespmem:$0xF500] =	vst v63  }
0xd0: {  	s7 =	sadd.s32 $0x580, s3  }
0xd1: {  	[tilespmem:s18], [sflag:$0x2] =	stream.indirect.gather [hbm4b:s4+s14], $0x10, s7, s14, $0xb8;
	[tilespmem:$0xF500] =	vst v63  }
0xd2: {  	s11 =	sadd.s32 $0x600, s3  }
0xd3: {  	[tilespmem:s20], [sflag:$0x2] =	stream.indirect.gather [hbm4b:s4+s14], $0x10, s11, s14, $0xb8;
	[tilespmem:$0xF500] =	vst v63  }
0xd4: {  	s7 =	sadd.s32 $0x680, s3  }
0xd5: {  	[tilespmem:s22], [sflag:$0x2] =	stream.indirect.gather [hbm4b:s4+s14], $0x10, s7, s14, $0xb8;
	[tilespmem:$0xF500] =	vst v63  }
0xd6: {  	s11 =	sadd.s32 $0x700, s3  }
0xd7: {  	[tilespmem:s24], [sflag:$0x2] =	stream.indirect.gather [hbm4b:s4+s14], $0x10, s11, s14, $0xb8;
	[tilespmem:$0xF500] =	vst v63  }
0xd8: {  	s7 =	sadd.s32 $0x780, s3  }
0xd9: {  	[tilespmem:s26], [sflag:$0x2] =	stream.indirect.gather [hbm4b:s4+s14], $0x10, s7, s14, $0xb8;
	[tilespmem:$0xF500] =	vst v63  }
0xda: {  	_ =	swait.ge [sflag:s5], $0x7D0  }
0xdb: {  	[sflag:s5] =	ssyncset.done $0x0  }
0xdc: {  	[sflag:s5] =	ssyncadd.s32 $0xFFFFF830  }
0xdd: {  	_ =	swait.ge [sflag:s5], $0x7D0  }
0xde: {  	[sflag:s5] =	ssyncset.done $0x0  }
0xdf: {  	[sflag:s5] =	ssyncadd.s32 $0xFFFFF830  }
0xe0: {  	_ =	swait.ge [sflag:s5], $0x7D0  }
0xe1: {  	[sflag:s5] =	ssyncset.done $0x0  }
0xe2: {  	[sflag:s5] =	ssyncadd.s32 $0xFFFFF830  }
0xe3: {  	_ =	swait.ge [sflag:s5], $0x7D0  }
0xe4: {  	[sflag:s5] =	ssyncset.done $0x0  }
0xe5: {  	[sflag:s5] =	ssyncadd.s32 $0xFFFFF830  }
0xe6: {  	_ =	swait.ge [sflag:s5], $0x7D0  }
0xe7: {  	[sflag:s5] =	ssyncset.done $0x0  }
0xe8: {  	[sflag:s5] =	ssyncadd.s32 $0xFFFFF830  }
0xe9: {  	_ =	swait.ge [sflag:s5], $0x7D0  }
0xea: {  	[sflag:s5] =	ssyncset.done $0x0  }
0xeb: {  	[sflag:s5] =	ssyncadd.s32 $0xFFFFF830  }
0xec: {  	_ =	swait.ge [sflag:s5], $0x7D0  }
0xed: {  	[sflag:s5] =	ssyncset.done $0x0  }
0xee: {  	[sflag:s5] =	ssyncadd.s32 $0xFFFFF830  }
0xef: {  	_ =	swait.ge [sflag:s5], $0x7D0  }
0xf0: {  	[sflag:s5] =	ssyncset.done $0x0  }
0xf1: {  	s11 =	sadd.s32 $0x2800, s3;
	[sflag:s5] =	ssyncadd.s32 $0xFFFFF830  }
0xf2: {  	[spmem:s2] =	stream.indirect.scatter.add.f32 [tilespmem:s15], [sflag:$0x3], $0x10, s11, s14, $0xb8;
	[tilespmem:$0xF500] =	vst v63  }
0xf3: {  	s7 =	sadd.s32 $0x2880, s3  }
0xf4: {  	[spmem:s2] =	stream.indirect.scatter.add.f32 [tilespmem:s17], [sflag:$0x3], $0x10, s7, s14, $0xb8;
	[tilespmem:$0xF500] =	vst v63  }
0xf5: {  	s11 =	sadd.s32 $0x2900, s3  }
0xf6: {  	[spmem:s2] =	stream.indirect.scatter.add.f32 [tilespmem:s19], [sflag:$0x3], $0x10, s11, s14, $0xb8;
	[tilespmem:$0xF500] =	vst v63  }
0xf7: {  	s7 =	sadd.s32 $0x2980, s3  }
0xf8: {  	[spmem:s2] =	stream.indirect.scatter.add.f32 [tilespmem:s21], [sflag:$0x3], $0x10, s7, s14, $0xb8;
	[tilespmem:$0xF500] =	vst v63  }
0xf9: {  	s11 =	sadd.s32 $0x2A00, s3  }
0xfa: {  	[spmem:s2] =	stream.indirect.scatter.add.f32 [tilespmem:s23], [sflag:$0x3], $0x10, s11, s14, $0xb8;
	[tilespmem:$0xF500] =	vst v63  }
0xfb: {  	s7 =	sadd.s32 $0x2A80, s3  }
0xfc: {  	[spmem:s2] =	stream.indirect.scatter.add.f32 [tilespmem:s25], [sflag:$0x3], $0x10, s7, s14, $0xb8;
	[tilespmem:$0xF500] =	vst v63  }
.Ltmp5:
0xfd: {  	_ = 	snop;
	(pc) =	sbr.rel .LBB2_5-.Ltmp5, $4  }
0xfe: {  	s11 =	sadd.s32 $0x2B00, s3  }
0xff: {  	[spmem:s2] =	stream.indirect.scatter.add.f32 [tilespmem:s28], [sflag:$0x3], $0x10, s11, s14, $0xb8;
	[tilespmem:$0xF500] =	vst v63  }
0x100: {  	s3 =	sadd.s32 $0x2B80, s3  }
0x101: {  	[spmem:s2] =	stream.indirect.scatter.add.f32 [tilespmem:s30], [sflag:$0x3], $0x10, s3, s14, $0xb8;
	[tilespmem:$0xF500] =	vst v63  }
.LBB2_7:
0x102: {  	_ =	sfence.sel $0x180000  }
0x103: {  	[bflag:$0x0] =	sbarrier.arrive $0xFFFF  }
0x104: {  	_ =	strace $0x9000004D  }
0x105: {  	s0 =	stileid.u32;
	[bflag:$0x2] =	sbarrier.arrive $0xFFFF  }
0x106: {  	p0 =	sne.s32 s0, $0x0;
	s0 =	rddreg [dreg:$0x3]  }
0x107: {  	s0 =	sadd.s32 @!p0 $0x100000, s0  }
0x108: {  	[sflag:s0] =	ssyncadd.tile.s32 @!p0 $0x1;
	_ =	shalt  }
.Lfunc_end2:
_tile_overlayer_lowered:
.L_overlay_start_2:
0x109: {  	(tag) =	ssettag $0x2  }
0x10a: {  	s0 =	rddreg [dreg:$0x0];
	s2 =	stileid.u32  }
0x10b: {  	s1 =	rddreg [dreg:$0x1];
	p0 =	sne.s32 s2, $0x0  }
0x10c: {  	s3 =	rddreg [dreg:$0x2];
	[bflag:$0x3] =	sbarrier.arrive $0xFFFF;
	s2 =	simm.s32 @!p0 $0x1C05  }
0x10d: {  	[timem:s3], [sflag:s2] =	dma.local @!p0 [hbm:s0], s1  }
0x10e: {  	s0 =	simm.s32 @!p0 $0x5  }
0x10f: {  	_ =	swait.ge @!p0 [sflag:s0], s1  }
0x110: {  	s1 =	ssub.s32 @!p0 $0x0, s1;
	[sflag:s0] =	ssyncset.done @!p0 $0x0  }
0x111: {  	[sflag:s0] =	ssyncadd.s32 @!p0 s1  }
0x112: {  	[bflag:$0x3] =	sbarrier.arrive $0xFFFF  }
0x113: {  	_ =	shalt  }

// kernel: kernel.9.cloned.1.call-start
scs
__scs_entry_jumppad:
0x0: {  	(pc) =	sbr.rel $0x88, $3  }
0x1: {  	(tag) =	ssettag $0x0;
	lr =	simm.s32 $0x1  }
0x2: {  	[smem:$0x3F9B] =	sst lr;
	_ =	strace $0xD0000000  }
0x3: {  	_ = 	snop  }
0x4: {  	_ = 	snop  }
0x5: {  	_ = 	snop  }
0x6: {  	_ = 	snop  }
0x7: {  	_ = 	snop  }
__scs_overlays_trampoline_lowered:
0x8: {  	[smem:$0x3FAA] =	sst s0  }
0x9: {  	[smem:$0x3FAB] =	sst s1  }
0xa: {  	[smem:$0x3FAC] =	sst s2  }
0xb: {  	[smem:$0x3FAD] =	sst s3  }
0xc: {  	[smem:$0x3FAE] =	sst s4  }
0xd: {  	[smem:$0x3FAF] =	sst s5  }
0xe: {  	[smem:$0x3FB0] =	sst s6  }
0xf: {  	[smem:$0x3FB1] =	sst s7  }
0x10: {  	[smem:$0x3FB2] =	sst s8  }
0x11: {  	[smem:$0x3FB3] =	sst s9;
	s0 =	simm.s32 @!p0 $0x0  }
0x12: {  	s1 =	sld [smem:$0x3F99];
	s0 =	simm.s32 @p0 $0x1  }
0x13: {  	[smem:$0x3FB4] =	sst s0;
	s0 =	simm.s32 @!p1 $0x0  }
0x14: {  	s2 =	sld [smem:$0x3F98];
	s0 =	simm.s32 @p1 $0x1  }
0x15: {  	[smem:$0x3FB5] =	sst s0;
	s0 =	simm.s32 @!p2 $0x0  }
0x16: {  	s3 =	sld [smem:$0x3FDB];
	s0 =	simm.s32 @p2 $0x1  }
0x17: {  	s4 =	simm.s32 $0x1BF5;
	[smem:$0x3FB7] =	sst s0  }
0x18: {  	s0 =	sld [smem:$0x3F9A];
	_ =	swait.ge [sflag:s4], $0x0  }
0x19: {  	s7 =	sld [smem:$0x3F9B]  }
0x1a: {  	s8 =	sadd.s32 $0xFFFFE003, lr  }
0x1b: {  	s9 =	sadd.s32 $0xFFFFFEF7, lr;
	s5 =	simm.s32 $0xFFFFFFFF;
	p2 =	slt.u32 s8, $0xFFFFF086  }
0x1c: {  	p1 =	slt.u32 s9, $0xF7A;
	s5 =	simm.s32 @!p2 $0x0  }
0x1d: {  	s5 =	simm.s32 @p1 $0x1;
	p0 =	seq.s32 s7, s2  }
0x1e: {  	s7 =	smul.u32 @!p0 $0xF7A, s2;
	p2 =	seq.s32 @!p0 s5, $0x0  }
0x1f: {  	s9 =	smul.u32 $0xF7A, s1;
	s8 =	simm.s32 @!p0 $0x1BF5;
	p2 =	por !p2, p0  }
0x20: {  	[sflag:s8] =	ssyncset.s32 @!p0 $0xFFFFF086;
	s6 =	sadd.s32 @!p0 s3, s7;
	s7 =	simm.s32 @!p0 $0x108  }
0x21: {  	s3 =	sadd.s32 s3, s9;
	s6 =	sadd.s32 @!p0 $0x88, s6;
	s7 =	simm.s32 @p2 $0x1082  }
0x22: {  	[simem:s7], [sflag:s8] =	dma.local @!p0 [hbm:s6], $0xF7A  }
0x23: {  	s9 =	sor.u32 $0xD0000000, s2;
	s6 =	simm.s32 $0x108;
	_ =	swait.ge @!p0 [sflag:s8], $0x0  }
0x24: {  	s3 =	sadd.s32 $0x88, s3;
	s6 =	simm.s32 @!p1 $0x1082;
	[sflag:s4] =	ssyncset.s32 $0xFFFFF086  }
0x25: {  	[simem:s6], [sflag:s4] =	dma.local [hbm:s3], $0xF7A  }
0x26: {  	[smem:$0x3F9B] =	sst s1;
	(tag) =	ssettag s2;
	_ =	strace s9  }
0x27: {  	s1 =	sld [smem:$0x3FAB]  }
0x28: {  	s2 =	sld [smem:$0x3FAC]  }
0x29: {  	s4 =	sld [smem:$0x3FAE]  }
0x2a: {  	p0 =	seq.s32 s5, $0x0;
	s5 =	sld [smem:$0x3FAF]  }
0x2b: {  	s6 =	sld [smem:$0x3FB0]  }
0x2c: {  	s7 =	sld [smem:$0x3FB1]  }
0x2d: {  	s3 =	simm.s32 $0x108;
	s8 =	sld [smem:$0x3FB2]  }
0x2e: {  	s3 =	simm.s32 @!p0 $0x1082;
	s9 =	sld [smem:$0x3FB3]  }
0x2f: {  	lr =	sadd.s32 s0, s3;
	s0 =	sld [smem:$0x3FAA]  }
0x30: {  	s3 =	sld [smem:$0x3FAD]  }
0x31: {  	[smem:$0x3FB6] =	sst s10  }
0x32: {  	s10 =	sld [smem:$0x3FB4];
	_ =	sdelay $0x3  }
0x33: {  	p0 =	seq.s32 s10, $0x1;
	s10 =	sld [smem:$0x3FB6];
	_ =	sdelay $0x3  }
0x34: {  	[smem:$0x3FB6] =	sst s10  }
0x35: {  	s10 =	sld [smem:$0x3FB5];
	_ =	sdelay $0x3  }
0x36: {  	p1 =	seq.s32 s10, $0x1;
	s10 =	sld [smem:$0x3FB6];
	_ =	sdelay $0x3  }
0x37: {  	[smem:$0x3FB6] =	sst s10  }
0x38: {  	s10 =	sld [smem:$0x3FB7]  }
0x39: {  	_ = 	snop;
	(pc) =	sbr.ind lr, $3  }
0x3a: {  	_ = 	snop  }
0x3b: {  	_ = 	snop  }
0x3c: {  	p2 =	seq.s32 s10, $0x1;
	s10 =	sld [smem:$0x3FB6]  }
0x3d: {  	_ =	shalt  }
0x3e: {  	_ =	shalt  }
0x3f: {  	_ =	shalt  }
0x40: {  	_ =	shalt  }
0x41: {  	_ =	shalt  }
0x42: {  	_ =	shalt  }
0x43: {  	_ =	shalt  }
0x44: {  	_ =	shalt  }
0x45: {  	_ =	shalt  }
0x46: {  	_ =	shalt  }
0x47: {  	_ =	shalt  }
0x48: {  	_ =	shalt  }
0x49: {  	_ =	shalt  }
0x4a: {  	_ =	shalt  }
0x4b: {  	_ =	shalt  }
0x4c: {  	_ =	shalt  }
0x4d: {  	_ =	shalt  }
0x4e: {  	_ =	shalt  }
0x4f: {  	_ =	shalt  }
0x50: {  	_ =	shalt  }
0x51: {  	_ =	shalt  }
0x52: {  	_ =	shalt  }
0x53: {  	_ =	shalt  }
0x54: {  	_ =	shalt  }
0x55: {  	_ =	shalt  }
0x56: {  	_ =	shalt  }
0x57: {  	_ =	shalt  }
0x58: {  	_ =	shalt  }
0x59: {  	_ =	shalt  }
0x5a: {  	_ =	shalt  }
0x5b: {  	_ =	shalt  }
0x5c: {  	_ =	shalt  }
0x5d: {  	_ =	shalt  }
0x5e: {  	_ =	shalt  }
0x5f: {  	_ =	shalt  }
0x60: {  	_ =	shalt  }
0x61: {  	_ =	shalt  }
0x62: {  	_ =	shalt  }
0x63: {  	_ =	shalt  }
0x64: {  	_ =	shalt  }
0x65: {  	_ =	shalt  }
0x66: {  	_ =	shalt  }
0x67: {  	_ =	shalt  }
0x68: {  	_ =	shalt  }
0x69: {  	_ =	shalt  }
0x6a: {  	_ =	shalt  }
0x6b: {  	_ =	shalt  }
0x6c: {  	_ =	shalt  }
0x6d: {  	_ =	shalt  }
0x6e: {  	_ =	shalt  }
0x6f: {  	_ =	shalt  }
0x70: {  	_ =	shalt  }
0x71: {  	_ =	shalt  }
0x72: {  	_ =	shalt  }
0x73: {  	_ =	shalt  }
0x74: {  	_ =	shalt  }
0x75: {  	_ =	shalt  }
0x76: {  	_ =	shalt  }
0x77: {  	_ =	shalt  }
0x78: {  	_ =	shalt  }
0x79: {  	_ =	shalt  }
0x7a: {  	_ =	shalt  }
0x7b: {  	_ =	shalt  }
0x7c: {  	_ =	shalt  }
0x7d: {  	_ =	shalt  }
0x7e: {  	_ =	shalt  }
0x7f: {  	_ =	shalt  }
0x80: {  	_ =	shalt  }
0x81: {  	_ =	shalt  }
0x82: {  	_ =	shalt  }
0x83: {  	_ =	shalt  }
0x84: {  	_ =	shalt  }
0x85: {  	_ =	shalt  }
0x86: {  	_ =	shalt  }
0x87: {  	_ =	shalt  }
.Lfunc_end0:
.L_simem_size_0:
called_computation_lowered:
.L_overlay_start_0:
0x88: {  	s2 =	sld [smem:$0x3FD9]  }
0x89: {  	s3 =	sld [smem:$0x3FFE];
	_ =	sdelay $0x1  }
0x8a: {  	s1 =	srdreg.scid  }
0x8b: {  	s0 =	sand.u32 $0x1, s1  }
0x8c: {  	s17 =	sshll.u32 s0, $0xA;
	s2 =	sadd.s32 s3, s2  }
0x8d: {  	s2 =	sadd.s32 s2, s17  }
0x8e: {  	[smem:$0x3FC2] =	sst s2  }
0x8f: {  	_ = 	snop  }
0x90: {  	s2 =	sld [smem:$0x3FD0];
	(tm) =	ssettm $0x1  }
0x91: {  	s18 =	sld [smem:$0x3FFB];
	_ =	sdelay $0x3  }
0x92: {  	_ =	strace s18  }
0x93: {  	s3 =	sld [smem:$0x3FFC];
	_ =	sdelay $0x3  }
0x94: {  	_ =	strace s3  }
0x95: {  	s3 =	sld [smem:$0x3FFD];
	_ =	sdelay $0x3  }
0x96: {  	_ =	strace s3  }
0x97: {  	_ =	strace $0x8FFFFFFF  }
0x98: {  	s19 =	sld [smem:$0x3FDB];
	_ =	sdelay $0x1  }
0x99: {  	s4 =	simm.s32 $_scs_section_size  }
0x9a: {  	s5 =	simm.s32 $_size__tile_overlayer_lowered;
	s6 =	simm.s32 $_tile_overlayer_lowered  }
0x9b: {  	s22 =	simm.s32 $0x1BFF;
	s21 =	sshll.u32 s6, $0x1;
	s3 =	sadd.s32 s4, s19  }
0x9c: {  	s7 =	simm.s32 $0x0;
	s20 =	sshll.u32 s5, $0x1;
	s5 =	sadd.s32 s21, s3  }
0x9d: {  	[timem:s7], [sflag:s22] =	dma.local [hbm:s5], s20  }
0x9e: {  	_ =	swait.ge [sflag:s22], s20  }
0x9f: {  	s4 =	ssub.s32 $0x0, s20;
	[sflag:s22] =	ssyncset.done $0x0  }
0xa0: {  	[sflag:s22] =	ssyncadd.s32 s4;
	_ =	sdelay $0x1  }
0xa1: {  	s23 =	simm.s32 $0x1B8B  }
0xa2: {  	_ =	swait.ge [sflag:s23], $0x1  }
0xa3: {  	[sflag:s23] =	ssyncset.done $0x0  }
0xa4: {  	s25 =	simm.s32 $0x1B8E;
	s24 =	sld [smem:$0x3FFE];
	[sflag:s23] =	ssyncadd.s32 $0xFFFFFFFF  }
0xa5: {  	s26 =	simm.s32 $execute0_lowered;
	[smem:$0x3FD2] =	sst s25  }
0xa6: {  	s5 =	sshll.u32 s26, $0x1;
	_ =	strace $0x80000046;
	[dreg:$0x1] =	wrdreg $0xFFFFFFFF  }
0xa7: {  	s28 =	simm.s32 $_size_execute0_lowered;
	s3 =	sadd.s32 s3, s5;
	[dreg:$0x0] =	wrdreg $0x0  }
0xa8: {  	s5 =	sshll.u32 s28, $0x1;
	[dreg:$0x2] =	wrdreg s3  }
0xa9: {  	[dreg:$0x3] =	wrdreg s5  }
0xaa: {  	[dreg:$0x4] =	wrdreg $0xC0  }
0xab: {  	_ =	task [dreg:s7], $0x5FFFF  }
0xac: {  	[dreg:$0x1] =	wrdreg $0xFFFFFFFF  }
0xad: {  	[dreg:$0x0] =	wrdreg $0x60  }
0xae: {  	[dreg:$0x2] =	wrdreg s2  }
0xaf: {  	[dreg:$0x3] =	wrdreg s24  }
0xb0: {  	[dreg:$0x4] =	wrdreg $0x28800  }
0xb1: {  	[dreg:$0x5] =	wrdreg $0x9  }
0xb2: {  	_ =	task.clear_ibuf [dreg:s7], $0x6FFFF;
	_ =	strace $0x90000046  }
0xb3: {  	s29 =	simm.s32 $0x9;
	_ =	strace $0x80000048  }
0xb4: {  	_ =	swait.ge [sflag:s29], $0x1  }
0xb5: {  	[sflag:s29] =	ssyncadd.s32 $0xFFFFFFFF  }
0xb6: {  	_ =	strace $0x90000048  }
0xb7: {  	_ =	sfence  }
0xb8: {  	s30 =	sld [smem:$0x0];
	_ =	sdelay $0x2  }
0xb9: {  	s31 =	sshll.u32 s1, $0xD;
	s1 =	sshrl.u32 s1, $0x2  }
0xba: {  	s3 =	sand.u32 $0x4000, s31;
	s1 =	sadd.s32 s1, s30  }
0xbb: {  	s0 =	sor.u32 s3, s0;
	s1 =	sshll.u32 s1, $0x11  }
0xbc: {  	s0 =	sor.u32 s1, s0  }
0xbd: {  	s0 =	sadd.s32 $0x8F2B, s0  }
0xbe: {  	[sflag:s0] =	ssyncadd.remote.s32 $0x1  }
0xbf: {  	_ =	sfence.sel $0xFFFF  }
0xc0: {  	[dreg:$0x0] =	wrdreg $0xFFFFFFFF;
	(pc) =	sbr.abs _section_cstart, $3  }
0xc1: {  	[dreg:$0x1] =	wrdreg $0xFFFFFFFF  }
0xc2: {  	_ =	task.clear_ibuf [dreg:s7], $0x2FFFF;
	_ =	strace $0x9FFFFFFF  }
0xc3: {  	(tm) =	ssettm $0x7FFFFFFF  }
tec
execute0_lowered:
.L_overlay_start_1:
0x0: {  	(tag) =	ssettag $0x1  }
0x1: {  	s6 =	rddreg [dreg:$0x0]  }
0x2: {  	s5 =	rddreg [dreg:$0x1]  }
0x3: {  	s2 =	rddreg [dreg:$0x2]  }
0x4: {  	s0 =	rddreg [dreg:$0x3];
	s1 =	stileid.u32  }
0x5: {  	s4 =	srdreg.scid;
	s3 =	simm.s32 $0x0;
	s13 =	simm.s32 $0x7D  }
0x6: {  	s14 =	simm.s32 $0x80;
	s15 =	simm.s32 $0x100;
	s16 =	simm.s32 $0x180  }
0x7: {  	s17 =	simm.s32 $0x200;
	s18 =	simm.s32 $0x280;
	s19 =	simm.s32 $0x300  }
0x8: {  	s20 =	simm.s32 $0x380;
	s21 =	simm.s32 $0x2;
	s22 =	simm.s32 $0x1  }
0x9: {  	s23 =	simm.s32 $0x0;
	s7 =	smul.u32 $0x280, s1;
	s4 =	sand.u32 $0x1, s4  }
0xa: {  	[smem:$0x7FF] =	sst s3;
	s10 =	sshll.u32 s1, $0x1;
	s31 =	sshll.u32 s1, $0x6  }
0xb: {  	s8 =	smul.u32 $0x2800, s4;
	_ =	strace $0x80000047;
	s10 =	sor.u32 s4, s10  }
0xc: {  	s11 =	ssub.s32 $0x2, s4;
	s4 =	sadd.s32 $0x3200, s5;
	s9 =	sshrl.u32 s7, $0x3  }
0xd: {  	s10 =	smul.u32 $0x2800, s10;
	s29 =	sshrl.u32 s11, $0x1;
	s12 =	sadd.s32 s7, s2  }
0xe: {  	s9 =	sadd.s32 s9, s5;
	s8 =	sadd.s32 s7, s8;
	s11 =	ssub.s32 s11, s29  }
0xf: {  	s8 =	sshrl.u32 s8, $0x3;
	s30 =	sshrl.u32 s10, $0x3;
	s10 =	sshrl.u32 s12, $0x3  }
0x10: {  	s12 =	simm.s32 $0x2800;
	s8 =	sadd.s32 s8, s5;
	s5 =	sadd.s32 $0x2C00, s9  }
0x11: {  	s7 =	sadd.s32 s6, s30;
	s6 =	sor.u32 $0x1C03, s31;
	s9 =	smax.u32 s11, $0x1  }
0x12: {  	s11 =	simm.s32 $0x3;
	s7 =	sadd.s32 $0xA000, s7;
	s8 =	sadd.s32 $0x3400, s8  }
.LBB2_1:
0x13: {  	[spmem:s10], [sflag:s6] =	dma.local [hbm:s5], $0x50  }
0x14: {  	_ =	swait.ge [sflag:s11], $0x50  }
0x15: {  	[sflag:s11] =	ssyncset.done $0x0  }
0x16: {  	[sflag:s11] =	ssyncadd.s32 $0xFFFFFFB0  }
0x17: {  	[tilespmem:s12], [sflag:$0x3] =	stream.linear.gather [hbm4b:s4+s3], $0x80, $0x38;
	[tilespmem:$0x2B00] =	vst v63  }
0x18: {  	_ =	swait.ge [sflag:s11], $0x80  }
0x19: {  	[sflag:s11] =	ssyncset.done $0x0  }
0x1a: {  	[sflag:s11] =	ssyncadd.s32 $0xFFFFFF80  }
0x1b: {  	[tilespmem:s3], [sflag:$0x3] =	stream.linear.gather [hbm4b:s7+s3], $0x2800, $0x38;
	[tilespmem:$0x2B00] =	vst v63  }
0x1c: {  	_ =	swait.ge [sflag:s11], $0x2800  }
0x1d: {  	[sflag:s11] =	ssyncset.done $0x0  }
0x1e: {  	[sflag:s11] =	ssyncadd.s32 $0xFFFFD800  }
0x1f: {  	[bflag:$0x0] =	sbarrier.arrive $0xFFFF  }
0x20: {  	[spmem:s2] =	stream.indirect.scatter.add.f32 [tilespmem:s12], [sflag:$0x1], $0x1, s3, s13, $0xb8;
	[tilespmem:$0x2B00] =	vst v63  }
0x21: {  	_ = 	snop  }
0x22: {  	[spmem:s2] =	stream.indirect.scatter.add.f32 [tilespmem:s12], [sflag:$0x1], $0x1, s14, s13, $0xb8;
	[tilespmem:$0x2B00] =	vst v63  }
0x23: {  	_ = 	snop  }
0x24: {  	[spmem:s2] =	stream.indirect.scatter.add.f32 [tilespmem:s12], [sflag:$0x1], $0x1, s15, s13, $0xb8;
	[tilespmem:$0x2B00] =	vst v63  }
0x25: {  	_ = 	snop  }
0x26: {  	[spmem:s2] =	stream.indirect.scatter.add.f32 [tilespmem:s12], [sflag:$0x1], $0x1, s16, s13, $0xb8;
	[tilespmem:$0x2B00] =	vst v63  }
0x27: {  	_ = 	snop  }
0x28: {  	[spmem:s2] =	stream.indirect.scatter.add.f32 [tilespmem:s12], [sflag:$0x1], $0x1, s17, s13, $0xb8;
	[tilespmem:$0x2B00] =	vst v63  }
0x29: {  	_ = 	snop  }
0x2a: {  	[spmem:s2] =	stream.indirect.scatter.add.f32 [tilespmem:s12], [sflag:$0x1], $0x1, s18, s13, $0xb8;
	[tilespmem:$0x2B00] =	vst v63  }
0x2b: {  	s24 =	sand.u32 $0x1, s22  }
0x2c: {  	[spmem:s2] =	stream.indirect.scatter.add.f32 [tilespmem:s12], [sflag:$0x1], $0x1, s19, s13, $0xb8;
	[tilespmem:$0x2B00] =	vst v63  }
0x2d: {  	p0 =	seq.s32 s24, $0x1;
	s24 =	simm.s32 $0x2  }
0x2e: {  	[spmem:s2] =	stream.indirect.scatter.add.f32 [tilespmem:s12], [sflag:$0x1], $0x1, s20, s13, $0xb8;
	[tilespmem:$0x2B00] =	vst v63  }
0x2f: {  	s25 =	simm.s32 $0x400;
	s24 =	simm.s32 @!p0 $0x1  }
0x30: {  	[spmem:s2] =	stream.indirect.scatter.add.f32 [tilespmem:s12], [sflag:s24], $0x1, s25, s13, $0xb8;
	[tilespmem:$0x2B00] =	vst v63  }
0x31: {  	s28 =	simm.s32 $0x480  }
0x32: {  	[spmem:s2] =	stream.indirect.scatter.add.f32 [tilespmem:s12], [sflag:s24], $0x1, s28, s13, $0xb8;
	[tilespmem:$0x2B00] =	vst v63  }
0x33: {  	s30 =	simm.s32 $0x500  }
0x34: {  	[spmem:s2] =	stream.indirect.scatter.add.f32 [tilespmem:s12], [sflag:s24], $0x1, s30, s13, $0xb8;
	[tilespmem:$0x2B00] =	vst v63  }
0x35: {  	s31 =	simm.s32 $0x580  }
0x36: {  	[spmem:s2] =	stream.indirect.scatter.add.f32 [tilespmem:s12], [sflag:s24], $0x1, s31, s13, $0xb8;
	[tilespmem:$0x2B00] =	vst v63  }
0x37: {  	s26 =	simm.s32 $0x600  }
0x38: {  	[spmem:s2] =	stream.indirect.scatter.add.f32 [tilespmem:s12], [sflag:s24], $0x1, s26, s13, $0xb8;
	[tilespmem:$0x2B00] =	vst v63  }
0x39: {  	s28 =	simm.s32 $0x680  }
0x3a: {  	[spmem:s2] =	stream.indirect.scatter.add.f32 [tilespmem:s12], [sflag:s24], $0x1, s28, s13, $0xb8;
	[tilespmem:$0x2B00] =	vst v63  }
0x3b: {  	s30 =	simm.s32 $0x700;
	s26 =	simm.s32 $0x1  }
0x3c: {  	[spmem:s2] =	stream.indirect.scatter.add.f32 [tilespmem:s12], [sflag:s24], $0x1, s30, s13, $0xb8;
	[tilespmem:$0x2B00] =	vst v63  }
0x3d: {  	s31 =	simm.s32 $0x780;
	s26 =	simm.s32 @!p0 $0x2  }
0x3e: {  	[spmem:s2] =	stream.indirect.scatter.add.f32 [tilespmem:s12], [sflag:s24], $0x1, s31, s13, $0xb8;
	[tilespmem:$0x2B00] =	vst v63  }
0x3f: {  	_ =	swait.ge [sflag:s26], $0x7D  }
0x40: {  	[sflag:s26] =	ssyncset.done $0x0  }
0x41: {  	[sflag:s26] =	ssyncadd.s32 $0xFFFFFF83  }
0x42: {  	_ =	swait.ge [sflag:s26], $0x7D  }
0x43: {  	[sflag:s26] =	ssyncset.done $0x0  }
0x44: {  	[sflag:s26] =	ssyncadd.s32 $0xFFFFFF83  }
0x45: {  	_ =	swait.ge [sflag:s26], $0x7D  }
0x46: {  	[sflag:s26] =	ssyncset.done $0x0  }
0x47: {  	[sflag:s26] =	ssyncadd.s32 $0xFFFFFF83  }
0x48: {  	_ =	swait.ge [sflag:s26], $0x7D  }
0x49: {  	[sflag:s26] =	ssyncset.done $0x0  }
0x4a: {  	[sflag:s26] =	ssyncadd.s32 $0xFFFFFF83  }
0x4b: {  	_ =	swait.ge [sflag:s26], $0x7D  }
0x4c: {  	[sflag:s26] =	ssyncset.done $0x0  }
0x4d: {  	[sflag:s26] =	ssyncadd.s32 $0xFFFFFF83  }
0x4e: {  	_ =	swait.ge [sflag:s26], $0x7D  }
0x4f: {  	[sflag:s26] =	ssyncset.done $0x0  }
0x50: {  	[sflag:s26] =	ssyncadd.s32 $0xFFFFFF83  }
0x51: {  	_ =	swait.ge [sflag:s26], $0x7D  }
0x52: {  	[sflag:s26] =	ssyncset.done $0x0  }
0x53: {  	s24 =	simm.s32 $0x2;
	[sflag:s26] =	ssyncadd.s32 $0xFFFFFF83  }
0x54: {  	s29 =	simm.s32 $0x400;
	s28 =	sand.u32 $0x1, s24;
	_ =	swait.ge [sflag:s26], $0x7D  }
0x55: {  	s25 =	simm.s32 $0x2000;
	p1 =	seq.s32 s28, $0x1;
	[sflag:s26] =	ssyncset.done $0x0  }
.LBB2_2:
0x56: {  	s30 =	sadd.s32 $0x400, s29;
	s31 =	simm.s32 $0x2  }
0x57: {  	[sflag:s26] =	ssyncadd.s32 $0xFFFFFF83;
	s28 =	smov.u32 s25;
	s31 =	simm.s32 @!p1 $0x1  }
0x58: {  	[spmem:s2] =	stream.indirect.scatter.add.f32 [tilespmem:s12], [sflag:s31], $0x1, s30, s13, $0xb8;
	[tilespmem:$0x2B00] =	vst v63  }
0x59: {  	p0 =	sne.s32 s25, $0x8000;
	s25 =	sadd.s32 $0x1000, s25;
	s26 =	sadd.s32 $0x480, s29  }
0x5a: {  	[spmem:s2] =	stream.indirect.scatter.add.f32 [tilespmem:s12], [sflag:s31], $0x1, s26, s13, $0xb8;
	[tilespmem:$0x2B00] =	vst v63  }
0x5b: {  	s26 =	sadd.s32 $0x500, s29  }
0x5c: {  	[spmem:s2] =	stream.indirect.scatter.add.f32 [tilespmem:s12], [sflag:s31], $0x1, s26, s13, $0xb8;
	[tilespmem:$0x2B00] =	vst v63  }
0x5d: {  	s26 =	sadd.s32 $0x580, s29  }
0x5e: {  	[spmem:s2] =	stream.indirect.scatter.add.f32 [tilespmem:s12], [sflag:s31], $0x1, s26, s13, $0xb8;
	[tilespmem:$0x2B00] =	vst v63  }
0x5f: {  	s26 =	sadd.s32 $0x600, s29  }
0x60: {  	[spmem:s2] =	stream.indirect.scatter.add.f32 [tilespmem:s12], [sflag:s31], $0x1, s26, s13, $0xb8;
	[tilespmem:$0x2B00] =	vst v63  }
0x61: {  	s26 =	sadd.s32 $0x680, s29  }
0x62: {  	[spmem:s2] =	stream.indirect.scatter.add.f32 [tilespmem:s12], [sflag:s31], $0x1, s26, s13, $0xb8;
	[tilespmem:$0x2B00] =	vst v63  }
0x63: {  	s26 =	sadd.s32 $0x700, s29  }
0x64: {  	[spmem:s2] =	stream.indirect.scatter.add.f32 [tilespmem:s12], [sflag:s31], $0x1, s26, s13, $0xb8;
	[tilespmem:$0x2B00] =	vst v63  }
0x65: {  	s26 =	simm.s32 $0x1  }
0x66: {  	s29 =	sadd.s32 $0x780, s29;
	s26 =	simm.s32 @!p1 $0x2  }
0x67: {  	[spmem:s2] =	stream.indirect.scatter.add.f32 [tilespmem:s12], [sflag:s31], $0x1, s29, s13, $0xb8;
	[tilespmem:$0x2B00] =	vst v63  }
0x68: {  	_ =	swait.ge [sflag:s26], $0x7D  }
0x69: {  	[sflag:s26] =	ssyncset.done $0x0  }
0x6a: {  	[sflag:s26] =	ssyncadd.s32 $0xFFFFFF83  }
0x6b: {  	_ =	swait.ge [sflag:s26], $0x7D  }
0x6c: {  	[sflag:s26] =	ssyncset.done $0x0  }
0x6d: {  	[sflag:s26] =	ssyncadd.s32 $0xFFFFFF83  }
0x6e: {  	_ =	swait.ge [sflag:s26], $0x7D  }
0x6f: {  	[sflag:s26] =	ssyncset.done $0x0  }
0x70: {  	[sflag:s26] =	ssyncadd.s32 $0xFFFFFF83  }
0x71: {  	_ =	swait.ge [sflag:s26], $0x7D  }
0x72: {  	[sflag:s26] =	ssyncset.done $0x0  }
0x73: {  	[sflag:s26] =	ssyncadd.s32 $0xFFFFFF83  }
0x74: {  	_ =	swait.ge [sflag:s26], $0x7D  }
0x75: {  	[sflag:s26] =	ssyncset.done $0x0  }
0x76: {  	[sflag:s26] =	ssyncadd.s32 $0xFFFFFF83  }
0x77: {  	_ =	swait.ge [sflag:s26], $0x7D  }
0x78: {  	[sflag:s26] =	ssyncset.done $0x0  }
0x79: {  	[sflag:s26] =	ssyncadd.s32 $0xFFFFFF83  }
.Ltmp0:
0x7a: {  	_ =	swait.ge [sflag:s26], $0x7D;
	(pc) =	sbr.rel @p0 .LBB2_2-.Ltmp0, $4  }
0x7b: {  	[sflag:s26] =	ssyncset.done $0x0  }
0x7c: {  	s24 =	sadd.s32 $0x1, s24;
	[sflag:s26] =	ssyncadd.s32 $0xFFFFFF83  }
0x7d: {  	s29 =	sand.u32 $0x1, s24;
	_ =	swait.ge [sflag:s26], $0x7D  }
0x7e: {  	p1 =	seq.s32 s29, $0x1;
	s29 =	sshra.s32 s28, $0x2;
	[sflag:s26] =	ssyncset.done $0x0  }
0x7f: {  	s24 =	simm.s32 $0x2  }
0x80: {  	s25 =	sadd.s32 $0x400, s29;
	[sflag:s26] =	ssyncadd.s32 $0xFFFFFF83;
	s24 =	simm.s32 @!p1 $0x1  }
0x81: {  	[spmem:s2] =	stream.indirect.scatter.add.f32 [tilespmem:s12], [sflag:s24], $0x1, s25, s13, $0xb8;
	[tilespmem:$0x2B00] =	vst v63  }
0x82: {  	s28 =	sadd.s32 $0x480, s29  }
0x83: {  	[spmem:s2] =	stream.indirect.scatter.add.f32 [tilespmem:s12], [sflag:s24], $0x1, s28, s13, $0xb8;
	[tilespmem:$0x2B00] =	vst v63  }
0x84: {  	s30 =	sadd.s32 $0x500, s29  }
0x85: {  	[spmem:s2] =	stream.indirect.scatter.add.f32 [tilespmem:s12], [sflag:s24], $0x1, s30, s13, $0xb8;
	[tilespmem:$0x2B00] =	vst v63  }
0x86: {  	s31 =	sadd.s32 $0x580, s29  }
0x87: {  	[spmem:s2] =	stream.indirect.scatter.add.f32 [tilespmem:s12], [sflag:s24], $0x1, s31, s13, $0xb8;
	[tilespmem:$0x2B00] =	vst v63  }
0x88: {  	s26 =	sadd.s32 $0x600, s29  }
0x89: {  	[spmem:s2] =	stream.indirect.scatter.add.f32 [tilespmem:s12], [sflag:s24], $0x1, s26, s13, $0xb8;
	[tilespmem:$0x2B00] =	vst v63  }
0x8a: {  	s28 =	sadd.s32 $0x680, s29  }
0x8b: {  	[spmem:s2] =	stream.indirect.scatter.add.f32 [tilespmem:s12], [sflag:s24], $0x1, s28, s13, $0xb8;
	[tilespmem:$0x2B00] =	vst v63  }
0x8c: {  	s25 =	simm.s32 $0x1;
	s30 =	sadd.s32 $0x700, s29  }
0x8d: {  	[spmem:s2] =	stream.indirect.scatter.add.f32 [tilespmem:s12], [sflag:s24], $0x1, s30, s13, $0xb8;
	[tilespmem:$0x2B00] =	vst v63  }
0x8e: {  	s25 =	simm.s32 @!p1 $0x2;
	s31 =	sadd.s32 $0x780, s29  }
0x8f: {  	[spmem:s2] =	stream.indirect.scatter.add.f32 [tilespmem:s12], [sflag:s24], $0x1, s31, s13, $0xb8;
	[tilespmem:$0x2B00] =	vst v63  }
0x90: {  	_ =	swait.ge [sflag:s25], $0x7D  }
0x91: {  	[sflag:s25] =	ssyncset.done $0x0  }
0x92: {  	[sflag:s25] =	ssyncadd.s32 $0xFFFFFF83  }
0x93: {  	_ =	swait.ge [sflag:s25], $0x7D  }
0x94: {  	[sflag:s25] =	ssyncset.done $0x0  }
0x95: {  	[sflag:s25] =	ssyncadd.s32 $0xFFFFFF83  }
0x96: {  	_ =	swait.ge [sflag:s25], $0x7D  }
0x97: {  	[sflag:s25] =	ssyncset.done $0x0  }
0x98: {  	[sflag:s25] =	ssyncadd.s32 $0xFFFFFF83  }
0x99: {  	_ =	swait.ge [sflag:s25], $0x7D  }
0x9a: {  	[sflag:s25] =	ssyncset.done $0x0  }
0x9b: {  	[sflag:s25] =	ssyncadd.s32 $0xFFFFFF83  }
0x9c: {  	_ =	swait.ge [sflag:s25], $0x7D  }
0x9d: {  	[sflag:s25] =	ssyncset.done $0x0  }
0x9e: {  	[sflag:s25] =	ssyncadd.s32 $0xFFFFFF83  }
0x9f: {  	_ =	swait.ge [sflag:s25], $0x7D  }
0xa0: {  	[sflag:s25] =	ssyncset.done $0x0  }
0xa1: {  	[sflag:s25] =	ssyncadd.s32 $0xFFFFFF83  }
0xa2: {  	_ =	swait.ge [sflag:s25], $0x7D  }
0xa3: {  	[sflag:s25] =	ssyncset.done $0x0  }
0xa4: {  	[sflag:s25] =	ssyncadd.s32 $0xFFFFFF83  }
0xa5: {  	_ =	swait.ge [sflag:s25], $0x7D  }
0xa6: {  	[sflag:s25] =	ssyncset.done $0x0  }
0xa7: {  	[sflag:s25] =	ssyncadd.s32 $0xFFFFFF83  }
0xa8: {  	_ =	swait.ge [sflag:s21], $0x7D  }
0xa9: {  	[sflag:s21] =	ssyncset.done $0x0  }
0xaa: {  	[sflag:s21] =	ssyncadd.s32 $0xFFFFFF83  }
0xab: {  	_ =	swait.ge [sflag:s21], $0x7D  }
0xac: {  	[sflag:s21] =	ssyncset.done $0x0  }
0xad: {  	[sflag:s21] =	ssyncadd.s32 $0xFFFFFF83  }
0xae: {  	_ =	swait.ge [sflag:s21], $0x7D  }
0xaf: {  	[sflag:s21] =	ssyncset.done $0x0  }
0xb0: {  	[sflag:s21] =	ssyncadd.s32 $0xFFFFFF83  }
0xb1: {  	_ =	swait.ge [sflag:s21], $0x7D  }
0xb2: {  	[sflag:s21] =	ssyncset.done $0x0  }
0xb3: {  	[sflag:s21] =	ssyncadd.s32 $0xFFFFFF83  }
0xb4: {  	_ =	swait.ge [sflag:s21], $0x7D  }
0xb5: {  	[sflag:s21] =	ssyncset.done $0x0  }
0xb6: {  	[sflag:s21] =	ssyncadd.s32 $0xFFFFFF83  }
0xb7: {  	_ =	swait.ge [sflag:s21], $0x7D  }
0xb8: {  	[sflag:s21] =	ssyncset.done $0x0  }
0xb9: {  	[sflag:s21] =	ssyncadd.s32 $0xFFFFFF83  }
0xba: {  	_ =	swait.ge [sflag:s21], $0x7D  }
0xbb: {  	[sflag:s21] =	ssyncset.done $0x0  }
0xbc: {  	[sflag:s21] =	ssyncadd.s32 $0xFFFFFF83  }
0xbd: {  	_ =	swait.ge [sflag:s21], $0x7D  }
0xbe: {  	s23 =	sadd.s32 $0x1, s23;
	[sflag:s21] =	ssyncset.done $0x0  }
0xbf: {  	p0 =	sne.s32 s23, s9;
	[sflag:s21] =	ssyncadd.s32 $0xFFFFFF83  }
.Ltmp1:
0xc0: {  	[bflag:$0x0] =	sbarrier.arrive $0xFFFF;
	(pc) =	sbr.rel @p0 .LBB2_1-.Ltmp1, $4  }
0xc1: {  	[hbm:s8], [sflag:s6] =	dma.local [spmem:s10], $0x50  }
0xc2: {  	_ =	swait.ge [sflag:s11], $0x50  }
0xc3: {  	[sflag:s11] =	ssyncset.done $0x0  }
0xc4: {  	[sflag:s11] =	ssyncadd.s32 $0xFFFFFFB0  }
0xc5: {  	_ =	sfence.sel $0x180000  }
0xc6: {  	[bflag:$0x0] =	sbarrier.arrive $0xFFFF  }
0xc7: {  	p0 =	sne.s32 s1, $0x0;
	_ =	strace $0x90000047  }
0xc8: {  	s0 =	sadd.s32 @!p0 $0x100000, s0;
	[bflag:$0x2] =	sbarrier.arrive $0xFFFF  }
0xc9: {  	[sflag:s0] =	ssyncadd.tile.s32 @!p0 $0x1;
	_ =	shalt  }
.Lfunc_end2:
_tile_overlayer_lowered:
.L_overlay_start_2:
0xca: {  	(tag) =	ssettag $0x2  }
0xcb: {  	s0 =	rddreg [dreg:$0x0];
	s2 =	stileid.u32  }
0xcc: {  	s1 =	rddreg [dreg:$0x1];
	p0 =	sne.s32 s2, $0x0  }
0xcd: {  	s3 =	rddreg [dreg:$0x2];
	[bflag:$0x3] =	sbarrier.arrive $0xFFFF;
	s2 =	simm.s32 @!p0 $0x1C03  }
0xce: {  	[timem:s3], [sflag:s2] =	dma.local @!p0 [hbm:s0], s1  }
0xcf: {  	s0 =	simm.s32 @!p0 $0x3  }
0xd0: {  	_ =	swait.ge @!p0 [sflag:s0], s1  }
0xd1: {  	s1 =	ssub.s32 @!p0 $0x0, s1;
	[sflag:s0] =	ssyncset.done @!p0 $0x0  }
0xd2: {  	[sflag:s0] =	ssyncadd.s32 @!p0 s1  }
0xd3: {  	[bflag:$0x3] =	sbarrier.arrive $0xFFFF  }
0xd4: {  	_ =	shalt  }

</sc_bundles>
